<compile_context>
chip_gen: v7x
topology: tpu7x:2x2x1
jax: 0.10.2.dev20260603
libtpu: 0.0.44.dev20260713+nightly
codegen_flags: <defaults>
</compile_context>

<pallas_src>
import functools

import jax
import jax.numpy as jnp
import numpy as np
from jax import lax
from jax.experimental import pallas as pl
from jax.experimental.pallas import tpu as pltpu
from jax.experimental.pallas import tpu_sc as plsc

HID = 128
NH = 4
HD = HID // NH
K = 10
N = 4096
Q = 2048
EDGES = 65536
NE = 4096

NC = 2
NS = 16

_SQRT_HD = np.sqrt(np.float32(HD)).astype(np.float32)


def _make_he_const():
    with jax.default_device(jax.local_devices(backend="cpu")[0]):
        return np.asarray(
            jax.random.normal(jax.random.key(1), (N, HID), dtype=jnp.float32))


_HE_CONST = _make_he_const()



_KNN_BLK = 256


def _knn_body(xb_ref, xf_ref, he_ref, w_ref, out_ref):
    xb = xb_ref[...]
    xf = xf_ref[...]
    sq_i = jnp.sum(xb * xb, axis=1)
    sq_j = jnp.sum(xf * xf, axis=1, keepdims=True)
    s = lax.dot_general(xf, xb, (((1,), (1,)), ((), ())),
                        preferred_element_type=jnp.float32)
    d2 = sq_j + sq_i[None, :] - 2.0 * s
    cur = jnp.maximum(d2, 0.0)
    inf = jnp.float32(jnp.inf)
    for _ in range(K):
        m = jnp.min(cur, axis=0)
        cur = jnp.where(cur == m[None, :], inf, cur)
    mask = jnp.where(cur == inf, 1.0, 0.0)
    inter = lax.dot_general(mask, he_ref[...], (((0,), (0,)), ((), ())),
                            preferred_element_type=jnp.float32)
    x2 = xb + inter
    out_ref[...] = lax.dot_general(x2, w_ref[...], (((1,), (1,)), ((), ())),
                                   preferred_element_type=jnp.float32)


def _tc_knn_mm(x, he_out, w_hg):
    return pl.pallas_call(
        _knn_body,
        grid=(N // _KNN_BLK,),
        in_specs=[
            pl.BlockSpec((_KNN_BLK, HID), lambda i: (i, 0)),
            pl.BlockSpec((N, HID), lambda i: (0, 0)),
            pl.BlockSpec((N, HID), lambda i: (0, 0)),
            pl.BlockSpec((HID, HID), lambda i: (0, 0)),
        ],
        out_specs=pl.BlockSpec((_KNN_BLK, HID), lambda i: (i, 0)),
        out_shape=jax.ShapeDtypeStruct((N, HID), jnp.float32),
    )(x, x, he_out, w_hg)




def _mha_blocks(q, k_s, v_s, out_w, out_b):
    heads = []
    for h in range(NH):
        qh = q[:, h * HD:(h + 1) * HD] * (1.0 / _SQRT_HD)
        kh = k_s[:, h * HD:(h + 1) * HD]
        vh = v_s[:, h * HD:(h + 1) * HD]
        s = lax.dot_general(qh, kh, (((1,), (1,)), ((), ())),
                            preferred_element_type=jnp.float32)
        m = jnp.max(s, axis=1, keepdims=True)
        e = jnp.exp(s - m)
        oh = lax.dot_general(e, vh, (((1,), (0,)), ((), ())),
                             preferred_element_type=jnp.float32)
        oh = oh / jnp.sum(e, axis=1, keepdims=True)
        heads.append(oh)
    o = jnp.concatenate(heads, axis=1)
    return lax.dot_general(o, out_w, (((1,), (1,)), ((), ())),
                           preferred_element_type=jnp.float32) + out_b


def _mha1_body(q_in_ref, kv_ref, in_w_ref, in_b_ref, out_w_ref, out_b_ref,
               o_ref, k_s, v_s):
    in_w = in_w_ref[...]
    in_b = in_b_ref[...]

    @pl.when(pl.program_id(0) == 0)
    def _():
        kv = kv_ref[...]
        k_s[...] = lax.dot_general(kv, in_w[HID:2 * HID, :],
                                   (((1,), (1,)), ((), ())),
                                   preferred_element_type=jnp.float32) \
            + in_b[:, HID:2 * HID]
        v_s[...] = lax.dot_general(kv, in_w[2 * HID:, :],
                                   (((1,), (1,)), ((), ())),
                                   preferred_element_type=jnp.float32) \
            + in_b[:, 2 * HID:]

    q = lax.dot_general(q_in_ref[...], in_w[:HID, :], (((1,), (1,)), ((), ())),
                        preferred_element_type=jnp.float32) + in_b[:, :HID]
    o_ref[...] = _mha_blocks(q, k_s[...], v_s[...], out_w_ref[...],
                             out_b_ref[...])


_MHA_BLK = 512


def _tc_mha(q_in, kv, in_w, in_b2, out_w, out_b2):
    lq = q_in.shape[0]
    lk = kv.shape[0]
    return pl.pallas_call(
        _mha1_body,
        grid=(lq // _MHA_BLK,),
        in_specs=[
            pl.BlockSpec((_MHA_BLK, HID), lambda i: (i, 0)),
            pl.BlockSpec((lk, HID), lambda i: (0, 0)),
            pl.BlockSpec((3 * HID, HID), lambda i: (0, 0)),
            pl.BlockSpec((1, 3 * HID), lambda i: (0, 0)),
            pl.BlockSpec((HID, HID), lambda i: (0, 0)),
            pl.BlockSpec((1, HID), lambda i: (0, 0)),
        ],
        out_specs=pl.BlockSpec((_MHA_BLK, HID), lambda i: (i, 0)),
        out_shape=jax.ShapeDtypeStruct((lq, HID), jnp.float32),
        scratch_shapes=[
            pltpu.VMEM((lk, HID), jnp.float32),
            pltpu.VMEM((lk, HID), jnp.float32),
        ],
    )(q_in, kv, in_w, in_b2, out_w, out_b2)




def _combine_ef_body(e0_ref, e1_ref, bd0_ref, bd1_ref, o_ref):
    bd = bd0_ref[0][:, :1] + bd1_ref[0][:, :1]
    binv = jnp.where(bd > 0, 1.0 / bd, 0.0)
    o_ref[...] = (e0_ref[0] + e1_ref[0]) * binv


def _tc_combine_ef(ef_part, bd_part):
    blk = 512
    return pl.pallas_call(
        _combine_ef_body,
        grid=(NE // blk,),
        in_specs=[
            pl.BlockSpec((1, blk, HID), lambda i: (0, i, 0)),
            pl.BlockSpec((1, blk, HID), lambda i: (1, i, 0)),
            pl.BlockSpec((1, blk, HID), lambda i: (0, i, 0)),
            pl.BlockSpec((1, blk, HID), lambda i: (1, i, 0)),
        ],
        out_specs=pl.BlockSpec((blk, HID), lambda i: (i, 0)),
        out_shape=jax.ShapeDtypeStruct((NE, HID), jnp.float32),
    )(ef_part, ef_part, bd_part, bd_part)




def _final_body(op_ref, dp_ref, bhg_ref, gam_ref, bet_ref, m_ref,
                in_w_ref, in_b_ref, out_w_ref, out_b_ref, o_ref, k_s, v_s):
    in_w = in_w_ref[...]
    in_b = in_b_ref[...]

    @pl.when(pl.program_id(0) == 0)
    def _():
        d = dp_ref[0, :, :1] + dp_ref[1, :, :1]
        dinv = jnp.where(d > 0, 1.0 / d, 0.0)
        out = (op_ref[0] + op_ref[1]) * dinv + bhg_ref[...]
        mu = jnp.mean(out, axis=0, keepdims=True)
        var = jnp.mean((out - mu) ** 2, axis=0, keepdims=True)
        out = gam_ref[...] * (out - mu) / jnp.sqrt(var + 1e-5) + bet_ref[...]
        out = jnp.where(out > 0, out, jnp.exp(jnp.minimum(out, 0.0)) - 1.0)
        k_s[...] = lax.dot_general(out, in_w[HID:2 * HID, :],
                                   (((1,), (1,)), ((), ())),
                                   preferred_element_type=jnp.float32) \
            + in_b[:, HID:2 * HID]
        v_s[...] = lax.dot_general(out, in_w[2 * HID:, :],
                                   (((1,), (1,)), ((), ())),
                                   preferred_element_type=jnp.float32) \
            + in_b[:, 2 * HID:]

    q = lax.dot_general(m_ref[...], in_w[:HID, :], (((1,), (1,)), ((), ())),
                        preferred_element_type=jnp.float32) + in_b[:, :HID]
    o_ref[...] = _mha_blocks(q, k_s[...], v_s[...], out_w_ref[...],
                             out_b_ref[...])


def _tc_final(out_part, d_part, b_hg2, gamma2, beta2, m_embs,
              in_w, in_b2, out_w, out_b2):
    return pl.pallas_call(
        _final_body,
        grid=(Q // _MHA_BLK,),
        in_specs=[
            pl.BlockSpec((2, N, HID), lambda i: (0, 0, 0)),
            pl.BlockSpec((2, N, HID), lambda i: (0, 0, 0)),
            pl.BlockSpec((1, HID), lambda i: (0, 0)),
            pl.BlockSpec((1, HID), lambda i: (0, 0)),
            pl.BlockSpec((1, HID), lambda i: (0, 0)),
            pl.BlockSpec((_MHA_BLK, HID), lambda i: (i, 0)),
            pl.BlockSpec((3 * HID, HID), lambda i: (0, 0)),
            pl.BlockSpec((1, 3 * HID), lambda i: (0, 0)),
            pl.BlockSpec((HID, HID), lambda i: (0, 0)),
            pl.BlockSpec((1, HID), lambda i: (0, 0)),
        ],
        out_specs=pl.BlockSpec((_MHA_BLK, HID), lambda i: (i, 0)),
        out_shape=jax.ShapeDtypeStruct((Q, HID), jnp.float32),
        scratch_shapes=[
            pltpu.VMEM((N, HID), jnp.float32),
            pltpu.VMEM((N, HID), jnp.float32),
        ],
    )(out_part, d_part, b_hg2, gamma2, beta2, m_embs, in_w, in_b2, out_w,
      out_b2)



def _sc_mesh():
    return plsc.VectorSubcoreMesh(core_axis_name="c", subcore_axis_name="s",
                                  num_cores=NC, num_subcores=NS)
_CHUNK = 512
_CCHUNK = 128
_EDGE_PER_TILE = EDGES // (NC * NS)
_EDGE_CHUNKS = _EDGE_PER_TILE // _CHUNK
_STRIPE = N // NS


def _sc_counts(nodes, edges, zeros128, ones128):

    @functools.partial(
        pl.kernel, mesh=_sc_mesh(),
        out_type=[
            jax.ShapeDtypeStruct((NC, N, HID), jnp.float32),
            jax.ShapeDtypeStruct((NC, NE, HID), jnp.float32),
        ],
        scratch_types=[
            pltpu.VMEM((_CCHUNK,), jnp.int32),
            pltpu.VMEM((_CCHUNK, HID), jnp.float32),
            pltpu.VMEM_SHARED((N, HID), jnp.float32),
            pltpu.VMEM_SHARED((NE, HID), jnp.float32),
        ],
    )
    def k(nodes_hbm, edges_hbm, z_hbm, ones_hbm, d_out, bd_out,
          idx_v, ones_v, d_sh, bd_sh):
        c = lax.axis_index("c")
        s = lax.axis_index("s")
        stripe = s * _STRIPE
        pltpu.sync_copy(z_hbm.at[pl.ds(stripe, _STRIPE)],
                        d_sh.at[pl.ds(stripe, _STRIPE)])
        pltpu.sync_copy(z_hbm.at[pl.ds(stripe, _STRIPE)],
                        bd_sh.at[pl.ds(stripe, _STRIPE)])
        pltpu.sync_copy(ones_hbm, ones_v)
        plsc.subcore_barrier()
        base = c * (EDGES // NC) + s * _EDGE_PER_TILE
        for j in range(_EDGE_PER_TILE // _CCHUNK):
            pltpu.sync_copy(nodes_hbm.at[pl.ds(base + j * _CCHUNK, _CCHUNK)],
                            idx_v)
            pltpu.sync_copy(ones_v, d_sh.at[idx_v], add=True)
            pltpu.sync_copy(edges_hbm.at[pl.ds(base + j * _CCHUNK, _CCHUNK)],
                            idx_v)
            pltpu.sync_copy(ones_v, bd_sh.at[idx_v], add=True)
        plsc.subcore_barrier()
        pltpu.sync_copy(d_sh.at[pl.ds(stripe, _STRIPE)],
                        d_out.at[c].at[pl.ds(stripe, _STRIPE)])
        pltpu.sync_copy(bd_sh.at[pl.ds(stripe, _STRIPE)],
                        bd_out.at[c].at[pl.ds(stripe, _STRIPE)])

    return k(nodes, edges, zeros128, ones128)


_SCHUNK = 256


def _sc_segsum(values, gather_idx, scatter_idx, zeros128):

    @functools.partial(
        pl.kernel, mesh=_sc_mesh(),
        out_type=jax.ShapeDtypeStruct((NC, N, HID), jnp.float32),
        scratch_types=[
            pltpu.VMEM((_SCHUNK,), jnp.int32),
            pltpu.VMEM((_SCHUNK,), jnp.int32),
            pltpu.VMEM((_SCHUNK, HID), jnp.float32),
            pltpu.VMEM_SHARED((N, HID), jnp.float32),
            pltpu.VMEM_SHARED((N, HID), jnp.float32),
            pltpu.SemaphoreType.DMA,
        ],
    )
    def k(val_hbm, gi_hbm, si_hbm, z_hbm, o_hbm, gi_v, si_v, rows_v, acc_sh,
          tab_sh, sem):
        c = lax.axis_index("c")
        s = lax.axis_index("s")
        stripe = s * _STRIPE
        pltpu.sync_copy(z_hbm.at[pl.ds(stripe, _STRIPE)],
                        acc_sh.at[pl.ds(stripe, _STRIPE)])
        pltpu.sync_copy(val_hbm.at[pl.ds(stripe, _STRIPE)],
                        tab_sh.at[pl.ds(stripe, _STRIPE)])
        plsc.subcore_barrier()
        base = c * (EDGES // NC) + s * _EDGE_PER_TILE
        for j in range(_EDGE_PER_TILE // _SCHUNK):
            off = base + j * _SCHUNK
            pltpu.sync_copy(gi_hbm.at[pl.ds(off, _SCHUNK)], gi_v)
            pltpu.sync_copy(si_hbm.at[pl.ds(off, _SCHUNK)], si_v)
            pltpu.async_copy(tab_sh.at[gi_v], rows_v, sem).wait()
            pltpu.sync_copy(rows_v, acc_sh.at[si_v], add=True)
        plsc.subcore_barrier()
        pltpu.sync_copy(acc_sh.at[pl.ds(stripe, _STRIPE)],
                        o_hbm.at[c].at[pl.ds(stripe, _STRIPE)])

    return k(values, gather_idx, scatter_idx, zeros128)




def kernel(embs1, embs2, m_embs, edge_index, W_hg, b_hg, bn_gamma, bn_beta,
           attn_in_w, attn_in_b, attn_out_w, attn_out_b,
           mha_in_w, mha_in_b, mha_out_w, mha_out_b):
    x = jnp.concatenate([embs1, embs2], axis=0)
    nodes = edge_index[0]
    edges = edge_index[1]
    he = jnp.asarray(_HE_CONST)

    zeros128 = jnp.asarray(np.zeros((N, HID), np.float32))
    ones128 = jnp.asarray(np.ones((_CCHUNK, HID), np.float32))

    d_part, bd_part = _sc_counts(nodes, edges, zeros128, ones128)

    he_out = _tc_mha(he, x, attn_in_w, attn_in_b.reshape(1, -1),
                     attn_out_w, attn_out_b.reshape(1, -1))
    xw = _tc_knn_mm(x, he_out, W_hg)

    ef_part = _sc_segsum(xw, nodes, edges, zeros128)
    ef = _tc_combine_ef(ef_part, bd_part)
    out_part = _sc_segsum(ef, edges, nodes, zeros128)

    return _tc_final(out_part, d_part, b_hg.reshape(1, -1),
                     bn_gamma.reshape(1, -1), bn_beta.reshape(1, -1),
                     m_embs, mha_in_w, mha_in_b.reshape(1, -1),
                     mha_out_w, mha_out_b.reshape(1, -1))

# --- scband reference (transcript-rebuilt; emitter-appended) ---
"""Pipeline reference for scband-dynamic-hyper-graph-attention-16106127360034 (READ-ONLY COPY).

The authoritative reference and input builder live on the scoring server;
editing this copy changes nothing except your own understanding.
"""

import jax, jax.numpy as jnp
import numpy as np

HID = 128
NH = 4
K = 10
N1 = 2048
N2 = 2048
Q = 2048
EDGES = 65536
NE = 4096


def _mha(q_in, kv, in_w, in_b, out_w, out_b):
    E = HID
    hd = E // NH
    Wq, Wk, Wv = in_w[:E], in_w[E:2 * E], in_w[2 * E:]
    bq, bk, bv = in_b[:E], in_b[E:2 * E], in_b[2 * E:]
    q = q_in @ Wq.T + bq
    k = kv @ Wk.T + bk
    v = kv @ Wv.T + bv
    Lq = q.shape[0]
    Lk = k.shape[0]
    q = q.reshape(Lq, NH, hd).transpose(1, 0, 2)
    k = k.reshape(Lk, NH, hd).transpose(1, 0, 2)
    v = v.reshape(Lk, NH, hd).transpose(1, 0, 2)
    s = (q @ k.transpose(0, 2, 1)) / np.sqrt(hd).astype(np.float32)
    a = jax.nn.softmax(s, axis=-1)
    o = (a @ v).transpose(1, 0, 2).reshape(Lq, E)
    return o @ out_w.T + out_b


def _forward(embs1, embs2, m_embs, W_hg, b_hg, bn_gamma, bn_beta, attn_in_w, attn_in_b, attn_out_w, attn_out_b, mha_in_w, mha_in_b, mha_out_w, mha_out_b, edge_index):
    x = jnp.concatenate([embs1, embs2], axis=0)
    N = x.shape[0]
    # dynamic hyperedge incidence via kNN (no_grad in torch -> stop_gradient)
    sq = jnp.sum(x * x, axis=1)
    d2 = sq[:, None] + sq[None, :] - 2.0 * (x @ x.T)
    dist = jnp.sqrt(jnp.clip(d2, 0.0, None))
    dist = jax.lax.stop_gradient(dist)
    _, nearest = jax.lax.top_k(-dist, K)  # [N, K] smallest distances
    # random hyperedge features (torch.randn in forward) -> fixed key for determinism
    he = jax.random.normal(jax.random.key(1), (N, HID), dtype=jnp.float32)
    he = _mha(he, x, attn_in_w, attn_in_b, attn_out_w, attn_out_b)
    # sparse incidence (N x N, ones at (v, nearest[v,j])) @ he == gather + sum
    interaction = jnp.take(he, nearest, axis=0).sum(axis=1)
    x = x + interaction
    # HypergraphConv (PyG semantics): out = D^-1 H B^-1 H^T (x W^T) + b
    nodes = edge_index[0]
    edges = edge_index[1]
    xw = x @ W_hg.T
    ones_e = jnp.ones(nodes.shape[0], dtype=jnp.float32)
    D = jax.ops.segment_sum(ones_e, nodes, num_segments=N)
    Dinv = jnp.where(D > 0, 1.0 / D, 0.0)
    Bd = jax.ops.segment_sum(ones_e, edges, num_segments=NE)
    Binv = jnp.where(Bd > 0, 1.0 / Bd, 0.0)
    ef = Binv[:, None] * jax.ops.segment_sum(jnp.take(xw, nodes, axis=0), edges, num_segments=NE)
    out = Dinv[:, None] * jax.ops.segment_sum(jnp.take(ef, edges, axis=0), nodes, num_segments=N) + b_hg
    # BatchNorm1d (training mode: batch stats) + ELU
    mu = out.mean(axis=0)
    var = out.var(axis=0)
    out = bn_gamma * (out - mu) / jnp.sqrt(var + 1e-5) + bn_beta
    out = jax.nn.elu(out)
    # final cross-attention: m_embs queries over processed nodes
    return _mha(m_embs, out, mha_in_w, mha_in_b, mha_out_w, mha_out_b)


def setup_inputs(seed: int = 0):
    key = jax.random.key(seed)
    ks = jax.random.split(key, 10)
    embs1 = jax.random.normal(ks[0], (N1, HID), dtype=jnp.float32)
    embs2 = jax.random.normal(ks[1], (N2, HID), dtype=jnp.float32)
    m_embs = jax.random.normal(ks[2], (Q, HID), dtype=jnp.float32)
    edge_index = jax.random.randint(ks[3], (2, EDGES), 0, NE, dtype=jnp.int32)
    W_hg = jax.random.normal(ks[4], (HID, HID), dtype=jnp.float32) * 0.05
    b_hg = jnp.zeros((HID,), dtype=jnp.float32)
    bn_gamma = jnp.ones((HID,), dtype=jnp.float32)
    bn_beta = jnp.zeros((HID,), dtype=jnp.float32)
    attn_in_w = jax.random.normal(ks[5], (3 * HID, HID), dtype=jnp.float32) * 0.05
    attn_in_b = jnp.zeros((3 * HID,), dtype=jnp.float32)
    attn_out_w = jax.random.normal(ks[6], (HID, HID), dtype=jnp.float32) * 0.05
    attn_out_b = jnp.zeros((HID,), dtype=jnp.float32)
    mha_in_w = jax.random.normal(ks[7], (3 * HID, HID), dtype=jnp.float32) * 0.05
    mha_in_b = jnp.zeros((3 * HID,), dtype=jnp.float32)
    mha_out_w = jax.random.normal(ks[8], (HID, HID), dtype=jnp.float32) * 0.05
    mha_out_b = jnp.zeros((HID,), dtype=jnp.float32)
    return {"embs1": embs1, "embs2": embs2, "m_embs": m_embs, "edge_index": edge_index, "W_hg": W_hg, "b_hg": b_hg, "bn_gamma": bn_gamma, "bn_beta": bn_beta, "attn_in_w": attn_in_w, "attn_in_b": attn_in_b, "attn_out_w": attn_out_w, "attn_out_b": attn_out_b, "mha_in_w": mha_in_w, "mha_in_b": mha_in_b, "mha_out_w": mha_out_w, "mha_out_b": mha_out_b}


def reference(embs1, embs2, m_embs, edge_index, W_hg, b_hg, bn_gamma, bn_beta, attn_in_w, attn_in_b, attn_out_w, attn_out_b, mha_in_w, mha_in_b, mha_out_w, mha_out_b):
    return _forward(embs1, embs2, m_embs, W_hg, b_hg, bn_gamma, bn_beta, attn_in_w, attn_in_b, attn_out_w, attn_out_b, mha_in_w, mha_in_b, mha_out_w, mha_out_b, edge_index)

if __name__ == "__main__":
    import jax
    _d = setup_inputs()
    print(jax.jit(kernel)(*tuple(_d.values())))

</pallas_src>

<mosaic_0001>
#map = affine_map<(d0, d1) -> (0, 0)>
#map1 = affine_map<(d0, d1) -> (0)>
#map2 = affine_map<(d0, d1) -> (0, 0, 0)>
module attributes {stable_mosaic.version = 14 : i64} {
  func.func @k(%arg0: i32, %arg1: i32, %arg2: memref<4096x128xf32, #tpu.memory_space<hbm>>, %arg3: memref<65536xi32, #tpu.memory_space<hbm>>, %arg4: memref<65536xi32, #tpu.memory_space<hbm>>, %arg5: memref<4096x128xf32, #tpu.memory_space<hbm>>, %arg6: memref<2x4096x128xf32, #tpu.memory_space<hbm>>, %arg7: memref<256xi32, #tpu.memory_space<vmem>>, %arg8: memref<256xi32, #tpu.memory_space<vmem>>, %arg9: memref<256x128xf32, #tpu.memory_space<vmem>>, %arg10: memref<4096x128xf32, #tpu.memory_space<vmem_shared>>, %arg11: memref<4096x128xf32, #tpu.memory_space<vmem_shared>>, %arg12: memref<!tpu.dma_semaphore, #tpu.memory_space<semaphore_mem>>) attributes {dimension_semantics = [#tpu.dimension_semantics<core_parallel>, #tpu.dimension_semantics<subcore_parallel>], iteration_bounds = array<i64: 2, 16>, scalar_prefetch = 0 : i64, scratch_operands = 6 : i64, tpu.core_type = #tpu.core_type<sc_vector_subcore>, window_params = [{transform_indices = #map}, {transform_indices = #map1}, {transform_indices = #map1}, {transform_indices = #map}, {transform_indices = #map2}]} {
    %mul3A = arith.constant 256 : i32
    %mul3A_0 = arith.muli %arg1, %mul3A : i32
    "tpu.region"() ({
      %run_scoped3A = tpu.sem_alloc : memref<!tpu.dma_semaphore, #tpu.memory_space<semaphore_mem>>
      %dma_start3A_68 = arith.constant 0 : i32
      %dma_start3A_69 = tpu.memref_slice %arg10[%mul3A_0, %dma_start3A_68] : memref<4096x128xf32, #tpu.memory_space<vmem_shared>> -> memref<256x128xf32, #tpu.memory_space<vmem_shared>>
      %dma_start3A_70 = arith.constant 0 : i32
      %dma_start3A_71 = tpu.memref_slice %arg5[%mul3A_0, %dma_start3A_70] : memref<4096x128xf32, #tpu.memory_space<hbm>> -> memref<256x128xf32, #tpu.memory_space<hbm>>
      tpu.enqueue_dma source(%dma_start3A_71 : memref<256x128xf32, #tpu.memory_space<hbm>>) target(%dma_start3A_69 : memref<256x128xf32, #tpu.memory_space<vmem_shared>>) target_semaphore(%run_scoped3A : memref<!tpu.dma_semaphore, #tpu.memory_space<semaphore_mem>>)
      %dma_wait3A_72 = arith.constant 0 : i32
      %dma_wait3A_73 = tpu.memref_slice %arg10[%mul3A_0, %dma_wait3A_72] : memref<4096x128xf32, #tpu.memory_space<vmem_shared>> -> memref<256x128xf32, #tpu.memory_space<vmem_shared>>
      %dma_wait3A_74 = arith.constant 0 : i32
      %dma_wait3A_75 = tpu.memref_slice %arg5[%mul3A_0, %dma_wait3A_74] : memref<4096x128xf32, #tpu.memory_space<hbm>> -> memref<256x128xf32, #tpu.memory_space<hbm>>
      tpu.wait_dma2 semaphore(%run_scoped3A : memref<!tpu.dma_semaphore, #tpu.memory_space<semaphore_mem>>) src(%dma_wait3A_75 : memref<256x128xf32, #tpu.memory_space<hbm>>) dst(%dma_wait3A_73 : memref<256x128xf32, #tpu.memory_space<vmem_shared>>)
      tpu.yield
    }) : () -> ()
    "tpu.region"() ({
      %run_scoped3A = tpu.sem_alloc : memref<!tpu.dma_semaphore, #tpu.memory_space<semaphore_mem>>
      %dma_start3A_68 = arith.constant 0 : i32
      %dma_start3A_69 = tpu.memref_slice %arg11[%mul3A_0, %dma_start3A_68] : memref<4096x128xf32, #tpu.memory_space<vmem_shared>> -> memref<256x128xf32, #tpu.memory_space<vmem_shared>>
      %dma_start3A_70 = arith.constant 0 : i32
      %dma_start3A_71 = tpu.memref_slice %arg2[%mul3A_0, %dma_start3A_70] : memref<4096x128xf32, #tpu.memory_space<hbm>> -> memref<256x128xf32, #tpu.memory_space<hbm>>
      tpu.enqueue_dma source(%dma_start3A_71 : memref<256x128xf32, #tpu.memory_space<hbm>>) target(%dma_start3A_69 : memref<256x128xf32, #tpu.memory_space<vmem_shared>>) target_semaphore(%run_scoped3A : memref<!tpu.dma_semaphore, #tpu.memory_space<semaphore_mem>>)
      %dma_wait3A_72 = arith.constant 0 : i32
      %dma_wait3A_73 = tpu.memref_slice %arg11[%mul3A_0, %dma_wait3A_72] : memref<4096x128xf32, #tpu.memory_space<vmem_shared>> -> memref<256x128xf32, #tpu.memory_space<vmem_shared>>
      %dma_wait3A_74 = arith.constant 0 : i32
      %dma_wait3A_75 = tpu.memref_slice %arg2[%mul3A_0, %dma_wait3A_74] : memref<4096x128xf32, #tpu.memory_space<hbm>> -> memref<256x128xf32, #tpu.memory_space<hbm>>
      tpu.wait_dma2 semaphore(%run_scoped3A : memref<!tpu.dma_semaphore, #tpu.memory_space<semaphore_mem>>) src(%dma_wait3A_75 : memref<256x128xf32, #tpu.memory_space<hbm>>) dst(%dma_wait3A_73 : memref<256x128xf32, #tpu.memory_space<vmem_shared>>)
      tpu.yield
    }) : () -> ()
    %barrier3A = arith.constant 0 : index
    tpu.barrier barrier_id(%barrier3A)
    %mul3A_1 = arith.constant 32768 : i32
    %mul3A_2 = arith.muli %arg0, %mul3A_1 : i32
    %mul3A_3 = arith.constant 2048 : i32
    %mul3A_4 = arith.muli %arg1, %mul3A_3 : i32
    %add3A = arith.addi %mul3A_2, %mul3A_4 : i32
    %add3A_5 = arith.constant 0 : i32
    %add3A_6 = arith.addi %add3A, %add3A_5 : i32
    "tpu.region"() ({
      %run_scoped3A = tpu.sem_alloc : memref<!tpu.dma_semaphore, #tpu.memory_space<semaphore_mem>>
      %dma_start3A_68 = tpu.memref_slice %arg3[%add3A_6] : memref<65536xi32, #tpu.memory_space<hbm>> -> memref<256xi32, #tpu.memory_space<hbm>>
      %dma_start3A_69 = tpu.memref_slice %arg3[%add3A_6] : memref<65536xi32, #tpu.memory_space<hbm>> -> memref<256xi32, #tpu.memory_space<hbm>>
      tpu.enqueue_dma source(%dma_start3A_69 : memref<256xi32, #tpu.memory_space<hbm>>) target(%arg7 : memref<256xi32, #tpu.memory_space<vmem>>) target_semaphore(%run_scoped3A : memref<!tpu.dma_semaphore, #tpu.memory_space<semaphore_mem>>)
      %dma_wait3A_70 = tpu.memref_slice %arg3[%add3A_6] : memref<65536xi32, #tpu.memory_space<hbm>> -> memref<256xi32, #tpu.memory_space<hbm>>
      %dma_wait3A_71 = tpu.memref_slice %arg3[%add3A_6] : memref<65536xi32, #tpu.memory_space<hbm>> -> memref<256xi32, #tpu.memory_space<hbm>>
      tpu.wait_dma2 semaphore(%run_scoped3A : memref<!tpu.dma_semaphore, #tpu.memory_space<semaphore_mem>>) src(%dma_wait3A_71 : memref<256xi32, #tpu.memory_space<hbm>>) dst(%arg7 : memref<256xi32, #tpu.memory_space<vmem>>)
      tpu.yield
    }) : () -> ()
    "tpu.region"() ({
      %run_scoped3A = tpu.sem_alloc : memref<!tpu.dma_semaphore, #tpu.memory_space<semaphore_mem>>
      %dma_start3A_68 = tpu.memref_slice %arg4[%add3A_6] : memref<65536xi32, #tpu.memory_space<hbm>> -> memref<256xi32, #tpu.memory_space<hbm>>
      %dma_start3A_69 = tpu.memref_slice %arg4[%add3A_6] : memref<65536xi32, #tpu.memory_space<hbm>> -> memref<256xi32, #tpu.memory_space<hbm>>
      tpu.enqueue_dma source(%dma_start3A_69 : memref<256xi32, #tpu.memory_space<hbm>>) target(%arg8 : memref<256xi32, #tpu.memory_space<vmem>>) target_semaphore(%run_scoped3A : memref<!tpu.dma_semaphore, #tpu.memory_space<semaphore_mem>>)
      %dma_wait3A_70 = tpu.memref_slice %arg4[%add3A_6] : memref<65536xi32, #tpu.memory_space<hbm>> -> memref<256xi32, #tpu.memory_space<hbm>>
      %dma_wait3A_71 = tpu.memref_slice %arg4[%add3A_6] : memref<65536xi32, #tpu.memory_space<hbm>> -> memref<256xi32, #tpu.memory_space<hbm>>
      tpu.wait_dma2 semaphore(%run_scoped3A : memref<!tpu.dma_semaphore, #tpu.memory_space<semaphore_mem>>) src(%dma_wait3A_71 : memref<256xi32, #tpu.memory_space<hbm>>) dst(%arg8 : memref<256xi32, #tpu.memory_space<vmem>>)
      tpu.yield
    }) : () -> ()
    %dma_start3A = arith.constant 0 : i32
    %dma_start3A_7 = arith.constant 0 : i32
    %dma_start3A_8 = tpu.memref_slice %arg11[%dma_start3A, %dma_start3A_7] : memref<4096x128xf32, #tpu.memory_space<vmem_shared>> -> memref<4096x128xf32, #tpu.memory_space<vmem_shared>>
    tpu.enqueue_indirect_dma source(%dma_start3A_8 : memref<4096x128xf32, #tpu.memory_space<vmem_shared>>) target(%arg9 : memref<256x128xf32, #tpu.memory_space<vmem>>) offsets(%arg7 : memref<256xi32, #tpu.memory_space<vmem>>) semaphore(%arg12 : memref<!tpu.dma_semaphore, #tpu.memory_space<semaphore_mem>>)
    %dma_wait3A = arith.constant 0 : i32
    %dma_wait3A_9 = arith.constant 0 : i32
    %dma_wait3A_10 = tpu.memref_slice %arg11[%dma_wait3A, %dma_wait3A_9] : memref<4096x128xf32, #tpu.memory_space<vmem_shared>> -> memref<4096x128xf32, #tpu.memory_space<vmem_shared>>
    tpu.wait_indirect_dma semaphore(%arg12 : memref<!tpu.dma_semaphore, #tpu.memory_space<semaphore_mem>>) src(%dma_wait3A_10 : memref<4096x128xf32, #tpu.memory_space<vmem_shared>>) dst(%arg9 : memref<256x128xf32, #tpu.memory_space<vmem>>)
    "tpu.region"() ({
      %run_scoped3A = tpu.sem_alloc : memref<!tpu.dma_semaphore, #tpu.memory_space<semaphore_mem>>
      %dma_start3A_68 = arith.constant 0 : i32
      %dma_start3A_69 = arith.constant 0 : i32
      %dma_start3A_70 = tpu.memref_slice %arg10[%dma_start3A_68, %dma_start3A_69] : memref<4096x128xf32, #tpu.memory_space<vmem_shared>> -> memref<4096x128xf32, #tpu.memory_space<vmem_shared>>
      tpu.enqueue_indirect_dma source(%arg9 : memref<256x128xf32, #tpu.memory_space<vmem>>) target(%dma_start3A_70 : memref<4096x128xf32, #tpu.memory_space<vmem_shared>>) offsets(%arg8 : memref<256xi32, #tpu.memory_space<vmem>>) semaphore(%run_scoped3A : memref<!tpu.dma_semaphore, #tpu.memory_space<semaphore_mem>>) {add = true}
      %dma_wait3A_71 = arith.constant 0 : i32
      %dma_wait3A_72 = arith.constant 0 : i32
      %dma_wait3A_73 = tpu.memref_slice %arg10[%dma_wait3A_71, %dma_wait3A_72] : memref<4096x128xf32, #tpu.memory_space<vmem_shared>> -> memref<4096x128xf32, #tpu.memory_space<vmem_shared>>
      tpu.wait_indirect_dma semaphore(%run_scoped3A : memref<!tpu.dma_semaphore, #tpu.memory_space<semaphore_mem>>) src(%arg9 : memref<256x128xf32, #tpu.memory_space<vmem>>) dst(%dma_wait3A_73 : memref<4096x128xf32, #tpu.memory_space<vmem_shared>>)
      tpu.yield
    }) : () -> ()
    %add3A_11 = arith.constant 256 : i32
    %add3A_12 = arith.addi %add3A, %add3A_11 : i32
    "tpu.region"() ({
      %run_scoped3A = tpu.sem_alloc : memref<!tpu.dma_semaphore, #tpu.memory_space<semaphore_mem>>
      %dma_start3A_68 = tpu.memref_slice %arg3[%add3A_12] : memref<65536xi32, #tpu.memory_space<hbm>> -> memref<256xi32, #tpu.memory_space<hbm>>
      %dma_start3A_69 = tpu.memref_slice %arg3[%add3A_12] : memref<65536xi32, #tpu.memory_space<hbm>> -> memref<256xi32, #tpu.memory_space<hbm>>
      tpu.enqueue_dma source(%dma_start3A_69 : memref<256xi32, #tpu.memory_space<hbm>>) target(%arg7 : memref<256xi32, #tpu.memory_space<vmem>>) target_semaphore(%run_scoped3A : memref<!tpu.dma_semaphore, #tpu.memory_space<semaphore_mem>>)
      %dma_wait3A_70 = tpu.memref_slice %arg3[%add3A_12] : memref<65536xi32, #tpu.memory_space<hbm>> -> memref<256xi32, #tpu.memory_space<hbm>>
      %dma_wait3A_71 = tpu.memref_slice %arg3[%add3A_12] : memref<65536xi32, #tpu.memory_space<hbm>> -> memref<256xi32, #tpu.memory_space<hbm>>
      tpu.wait_dma2 semaphore(%run_scoped3A : memref<!tpu.dma_semaphore, #tpu.memory_space<semaphore_mem>>) src(%dma_wait3A_71 : memref<256xi32, #tpu.memory_space<hbm>>) dst(%arg7 : memref<256xi32, #tpu.memory_space<vmem>>)
      tpu.yield
    }) : () -> ()
    "tpu.region"() ({
      %run_scoped3A = tpu.sem_alloc : memref<!tpu.dma_semaphore, #tpu.memory_space<semaphore_mem>>
      %dma_start3A_68 = tpu.memref_slice %arg4[%add3A_12] : memref<65536xi32, #tpu.memory_space<hbm>> -> memref<256xi32, #tpu.memory_space<hbm>>
      %dma_start3A_69 = tpu.memref_slice %arg4[%add3A_12] : memref<65536xi32, #tpu.memory_space<hbm>> -> memref<256xi32, #tpu.memory_space<hbm>>
      tpu.enqueue_dma source(%dma_start3A_69 : memref<256xi32, #tpu.memory_space<hbm>>) target(%arg8 : memref<256xi32, #tpu.memory_space<vmem>>) target_semaphore(%run_scoped3A : memref<!tpu.dma_semaphore, #tpu.memory_space<semaphore_mem>>)
      %dma_wait3A_70 = tpu.memref_slice %arg4[%add3A_12] : memref<65536xi32, #tpu.memory_space<hbm>> -> memref<256xi32, #tpu.memory_space<hbm>>
      %dma_wait3A_71 = tpu.memref_slice %arg4[%add3A_12] : memref<65536xi32, #tpu.memory_space<hbm>> -> memref<256xi32, #tpu.memory_space<hbm>>
      tpu.wait_dma2 semaphore(%run_scoped3A : memref<!tpu.dma_semaphore, #tpu.memory_space<semaphore_mem>>) src(%dma_wait3A_71 : memref<256xi32, #tpu.memory_space<hbm>>) dst(%arg8 : memref<256xi32, #tpu.memory_space<vmem>>)
      tpu.yield
    }) : () -> ()
    %dma_start3A_13 = arith.constant 0 : i32
    %dma_start3A_14 = arith.constant 0 : i32
    %dma_start3A_15 = tpu.memref_slice %arg11[%dma_start3A_13, %dma_start3A_14] : memref<4096x128xf32, #tpu.memory_space<vmem_shared>> -> memref<4096x128xf32, #tpu.memory_space<vmem_shared>>
    tpu.enqueue_indirect_dma source(%dma_start3A_15 : memref<4096x128xf32, #tpu.memory_space<vmem_shared>>) target(%arg9 : memref<256x128xf32, #tpu.memory_space<vmem>>) offsets(%arg7 : memref<256xi32, #tpu.memory_space<vmem>>) semaphore(%arg12 : memref<!tpu.dma_semaphore, #tpu.memory_space<semaphore_mem>>)
    %dma_wait3A_16 = arith.constant 0 : i32
    %dma_wait3A_17 = arith.constant 0 : i32
    %dma_wait3A_18 = tpu.memref_slice %arg11[%dma_wait3A_16, %dma_wait3A_17] : memref<4096x128xf32, #tpu.memory_space<vmem_shared>> -> memref<4096x128xf32, #tpu.memory_space<vmem_shared>>
    tpu.wait_indirect_dma semaphore(%arg12 : memref<!tpu.dma_semaphore, #tpu.memory_space<semaphore_mem>>) src(%dma_wait3A_18 : memref<4096x128xf32, #tpu.memory_space<vmem_shared>>) dst(%arg9 : memref<256x128xf32, #tpu.memory_space<vmem>>)
    "tpu.region"() ({
      %run_scoped3A = tpu.sem_alloc : memref<!tpu.dma_semaphore, #tpu.memory_space<semaphore_mem>>
      %dma_start3A_68 = arith.constant 0 : i32
      %dma_start3A_69 = arith.constant 0 : i32
      %dma_start3A_70 = tpu.memref_slice %arg10[%dma_start3A_68, %dma_start3A_69] : memref<4096x128xf32, #tpu.memory_space<vmem_shared>> -> memref<4096x128xf32, #tpu.memory_space<vmem_shared>>
      tpu.enqueue_indirect_dma source(%arg9 : memref<256x128xf32, #tpu.memory_space<vmem>>) target(%dma_start3A_70 : memref<4096x128xf32, #tpu.memory_space<vmem_shared>>) offsets(%arg8 : memref<256xi32, #tpu.memory_space<vmem>>) semaphore(%run_scoped3A : memref<!tpu.dma_semaphore, #tpu.memory_space<semaphore_mem>>) {add = true}
      %dma_wait3A_71 = arith.constant 0 : i32
      %dma_wait3A_72 = arith.constant 0 : i32
      %dma_wait3A_73 = tpu.memref_slice %arg10[%dma_wait3A_71, %dma_wait3A_72] : memref<4096x128xf32, #tpu.memory_space<vmem_shared>> -> memref<4096x128xf32, #tpu.memory_space<vmem_shared>>
      tpu.wait_indirect_dma semaphore(%run_scoped3A : memref<!tpu.dma_semaphore, #tpu.memory_space<semaphore_mem>>) src(%arg9 : memref<256x128xf32, #tpu.memory_space<vmem>>) dst(%dma_wait3A_73 : memref<4096x128xf32, #tpu.memory_space<vmem_shared>>)
      tpu.yield
    }) : () -> ()
    %add3A_19 = arith.constant 512 : i32
    %add3A_20 = arith.addi %add3A, %add3A_19 : i32
    "tpu.region"() ({
      %run_scoped3A = tpu.sem_alloc : memref<!tpu.dma_semaphore, #tpu.memory_space<semaphore_mem>>
      %dma_start3A_68 = tpu.memref_slice %arg3[%add3A_20] : memref<65536xi32, #tpu.memory_space<hbm>> -> memref<256xi32, #tpu.memory_space<hbm>>
      %dma_start3A_69 = tpu.memref_slice %arg3[%add3A_20] : memref<65536xi32, #tpu.memory_space<hbm>> -> memref<256xi32, #tpu.memory_space<hbm>>
      tpu.enqueue_dma source(%dma_start3A_69 : memref<256xi32, #tpu.memory_space<hbm>>) target(%arg7 : memref<256xi32, #tpu.memory_space<vmem>>) target_semaphore(%run_scoped3A : memref<!tpu.dma_semaphore, #tpu.memory_space<semaphore_mem>>)
      %dma_wait3A_70 = tpu.memref_slice %arg3[%add3A_20] : memref<65536xi32, #tpu.memory_space<hbm>> -> memref<256xi32, #tpu.memory_space<hbm>>
      %dma_wait3A_71 = tpu.memref_slice %arg3[%add3A_20] : memref<65536xi32, #tpu.memory_space<hbm>> -> memref<256xi32, #tpu.memory_space<hbm>>
      tpu.wait_dma2 semaphore(%run_scoped3A : memref<!tpu.dma_semaphore, #tpu.memory_space<semaphore_mem>>) src(%dma_wait3A_71 : memref<256xi32, #tpu.memory_space<hbm>>) dst(%arg7 : memref<256xi32, #tpu.memory_space<vmem>>)
      tpu.yield
    }) : () -> ()
    "tpu.region"() ({
      %run_scoped3A = tpu.sem_alloc : memref<!tpu.dma_semaphore, #tpu.memory_space<semaphore_mem>>
      %dma_start3A_68 = tpu.memref_slice %arg4[%add3A_20] : memref<65536xi32, #tpu.memory_space<hbm>> -> memref<256xi32, #tpu.memory_space<hbm>>
      %dma_start3A_69 = tpu.memref_slice %arg4[%add3A_20] : memref<65536xi32, #tpu.memory_space<hbm>> -> memref<256xi32, #tpu.memory_space<hbm>>
      tpu.enqueue_dma source(%dma_start3A_69 : memref<256xi32, #tpu.memory_space<hbm>>) target(%arg8 : memref<256xi32, #tpu.memory_space<vmem>>) target_semaphore(%run_scoped3A : memref<!tpu.dma_semaphore, #tpu.memory_space<semaphore_mem>>)
      %dma_wait3A_70 = tpu.memref_slice %arg4[%add3A_20] : memref<65536xi32, #tpu.memory_space<hbm>> -> memref<256xi32, #tpu.memory_space<hbm>>
      %dma_wait3A_71 = tpu.memref_slice %arg4[%add3A_20] : memref<65536xi32, #tpu.memory_space<hbm>> -> memref<256xi32, #tpu.memory_space<hbm>>
      tpu.wait_dma2 semaphore(%run_scoped3A : memref<!tpu.dma_semaphore, #tpu.memory_space<semaphore_mem>>) src(%dma_wait3A_71 : memref<256xi32, #tpu.memory_space<hbm>>) dst(%arg8 : memref<256xi32, #tpu.memory_space<vmem>>)
      tpu.yield
    }) : () -> ()
    %dma_start3A_21 = arith.constant 0 : i32
    %dma_start3A_22 = arith.constant 0 : i32
    %dma_start3A_23 = tpu.memref_slice %arg11[%dma_start3A_21, %dma_start3A_22] : memref<4096x128xf32, #tpu.memory_space<vmem_shared>> -> memref<4096x128xf32, #tpu.memory_space<vmem_shared>>
    tpu.enqueue_indirect_dma source(%dma_start3A_23 : memref<4096x128xf32, #tpu.memory_space<vmem_shared>>) target(%arg9 : memref<256x128xf32, #tpu.memory_space<vmem>>) offsets(%arg7 : memref<256xi32, #tpu.memory_space<vmem>>) semaphore(%arg12 : memref<!tpu.dma_semaphore, #tpu.memory_space<semaphore_mem>>)
    %dma_wait3A_24 = arith.constant 0 : i32
    %dma_wait3A_25 = arith.constant 0 : i32
    %dma_wait3A_26 = tpu.memref_slice %arg11[%dma_wait3A_24, %dma_wait3A_25] : memref<4096x128xf32, #tpu.memory_space<vmem_shared>> -> memref<4096x128xf32, #tpu.memory_space<vmem_shared>>
    tpu.wait_indirect_dma semaphore(%arg12 : memref<!tpu.dma_semaphore, #tpu.memory_space<semaphore_mem>>) src(%dma_wait3A_26 : memref<4096x128xf32, #tpu.memory_space<vmem_shared>>) dst(%arg9 : memref<256x128xf32, #tpu.memory_space<vmem>>)
    "tpu.region"() ({
      %run_scoped3A = tpu.sem_alloc : memref<!tpu.dma_semaphore, #tpu.memory_space<semaphore_mem>>
      %dma_start3A_68 = arith.constant 0 : i32
      %dma_start3A_69 = arith.constant 0 : i32
      %dma_start3A_70 = tpu.memref_slice %arg10[%dma_start3A_68, %dma_start3A_69] : memref<4096x128xf32, #tpu.memory_space<vmem_shared>> -> memref<4096x128xf32, #tpu.memory_space<vmem_shared>>
      tpu.enqueue_indirect_dma source(%arg9 : memref<256x128xf32, #tpu.memory_space<vmem>>) target(%dma_start3A_70 : memref<4096x128xf32, #tpu.memory_space<vmem_shared>>) offsets(%arg8 : memref<256xi32, #tpu.memory_space<vmem>>) semaphore(%run_scoped3A : memref<!tpu.dma_semaphore, #tpu.memory_space<semaphore_mem>>) {add = true}
      %dma_wait3A_71 = arith.constant 0 : i32
      %dma_wait3A_72 = arith.constant 0 : i32
      %dma_wait3A_73 = tpu.memref_slice %arg10[%dma_wait3A_71, %dma_wait3A_72] : memref<4096x128xf32, #tpu.memory_space<vmem_shared>> -> memref<4096x128xf32, #tpu.memory_space<vmem_shared>>
      tpu.wait_indirect_dma semaphore(%run_scoped3A : memref<!tpu.dma_semaphore, #tpu.memory_space<semaphore_mem>>) src(%arg9 : memref<256x128xf32, #tpu.memory_space<vmem>>) dst(%dma_wait3A_73 : memref<4096x128xf32, #tpu.memory_space<vmem_shared>>)
      tpu.yield
    }) : () -> ()
    %add3A_27 = arith.constant 768 : i32
    %add3A_28 = arith.addi %add3A, %add3A_27 : i32
    "tpu.region"() ({
      %run_scoped3A = tpu.sem_alloc : memref<!tpu.dma_semaphore, #tpu.memory_space<semaphore_mem>>
      %dma_start3A_68 = tpu.memref_slice %arg3[%add3A_28] : memref<65536xi32, #tpu.memory_space<hbm>> -> memref<256xi32, #tpu.memory_space<hbm>>
      %dma_start3A_69 = tpu.memref_slice %arg3[%add3A_28] : memref<65536xi32, #tpu.memory_space<hbm>> -> memref<256xi32, #tpu.memory_space<hbm>>
      tpu.enqueue_dma source(%dma_start3A_69 : memref<256xi32, #tpu.memory_space<hbm>>) target(%arg7 : memref<256xi32, #tpu.memory_space<vmem>>) target_semaphore(%run_scoped3A : memref<!tpu.dma_semaphore, #tpu.memory_space<semaphore_mem>>)
      %dma_wait3A_70 = tpu.memref_slice %arg3[%add3A_28] : memref<65536xi32, #tpu.memory_space<hbm>> -> memref<256xi32, #tpu.memory_space<hbm>>
      %dma_wait3A_71 = tpu.memref_slice %arg3[%add3A_28] : memref<65536xi32, #tpu.memory_space<hbm>> -> memref<256xi32, #tpu.memory_space<hbm>>
      tpu.wait_dma2 semaphore(%run_scoped3A : memref<!tpu.dma_semaphore, #tpu.memory_space<semaphore_mem>>) src(%dma_wait3A_71 : memref<256xi32, #tpu.memory_space<hbm>>) dst(%arg7 : memref<256xi32, #tpu.memory_space<vmem>>)
      tpu.yield
    }) : () -> ()
    "tpu.region"() ({
      %run_scoped3A = tpu.sem_alloc : memref<!tpu.dma_semaphore, #tpu.memory_space<semaphore_mem>>
      %dma_start3A_68 = tpu.memref_slice %arg4[%add3A_28] : memref<65536xi32, #tpu.memory_space<hbm>> -> memref<256xi32, #tpu.memory_space<hbm>>
      %dma_start3A_69 = tpu.memref_slice %arg4[%add3A_28] : memref<65536xi32, #tpu.memory_space<hbm>> -> memref<256xi32, #tpu.memory_space<hbm>>
      tpu.enqueue_dma source(%dma_start3A_69 : memref<256xi32, #tpu.memory_space<hbm>>) target(%arg8 : memref<256xi32, #tpu.memory_space<vmem>>) target_semaphore(%run_scoped3A : memref<!tpu.dma_semaphore, #tpu.memory_space<semaphore_mem>>)
      %dma_wait3A_70 = tpu.memref_slice %arg4[%add3A_28] : memref<65536xi32, #tpu.memory_space<hbm>> -> memref<256xi32, #tpu.memory_space<hbm>>
      %dma_wait3A_71 = tpu.memref_slice %arg4[%add3A_28] : memref<65536xi32, #tpu.memory_space<hbm>> -> memref<256xi32, #tpu.memory_space<hbm>>
      tpu.wait_dma2 semaphore(%run_scoped3A : memref<!tpu.dma_semaphore, #tpu.memory_space<semaphore_mem>>) src(%dma_wait3A_71 : memref<256xi32, #tpu.memory_space<hbm>>) dst(%arg8 : memref<256xi32, #tpu.memory_space<vmem>>)
      tpu.yield
    }) : () -> ()
    %dma_start3A_29 = arith.constant 0 : i32
    %dma_start3A_30 = arith.constant 0 : i32
    %dma_start3A_31 = tpu.memref_slice %arg11[%dma_start3A_29, %dma_start3A_30] : memref<4096x128xf32, #tpu.memory_space<vmem_shared>> -> memref<4096x128xf32, #tpu.memory_space<vmem_shared>>
    tpu.enqueue_indirect_dma source(%dma_start3A_31 : memref<4096x128xf32, #tpu.memory_space<vmem_shared>>) target(%arg9 : memref<256x128xf32, #tpu.memory_space<vmem>>) offsets(%arg7 : memref<256xi32, #tpu.memory_space<vmem>>) semaphore(%arg12 : memref<!tpu.dma_semaphore, #tpu.memory_space<semaphore_mem>>)
    %dma_wait3A_32 = arith.constant 0 : i32
    %dma_wait3A_33 = arith.constant 0 : i32
    %dma_wait3A_34 = tpu.memref_slice %arg11[%dma_wait3A_32, %dma_wait3A_33] : memref<4096x128xf32, #tpu.memory_space<vmem_shared>> -> memref<4096x128xf32, #tpu.memory_space<vmem_shared>>
    tpu.wait_indirect_dma semaphore(%arg12 : memref<!tpu.dma_semaphore, #tpu.memory_space<semaphore_mem>>) src(%dma_wait3A_34 : memref<4096x128xf32, #tpu.memory_space<vmem_shared>>) dst(%arg9 : memref<256x128xf32, #tpu.memory_space<vmem>>)
    "tpu.region"() ({
      %run_scoped3A = tpu.sem_alloc : memref<!tpu.dma_semaphore, #tpu.memory_space<semaphore_mem>>
      %dma_start3A_68 = arith.constant 0 : i32
      %dma_start3A_69 = arith.constant 0 : i32
      %dma_start3A_70 = tpu.memref_slice %arg10[%dma_start3A_68, %dma_start3A_69] : memref<4096x128xf32, #tpu.memory_space<vmem_shared>> -> memref<4096x128xf32, #tpu.memory_space<vmem_shared>>
      tpu.enqueue_indirect_dma source(%arg9 : memref<256x128xf32, #tpu.memory_space<vmem>>) target(%dma_start3A_70 : memref<4096x128xf32, #tpu.memory_space<vmem_shared>>) offsets(%arg8 : memref<256xi32, #tpu.memory_space<vmem>>) semaphore(%run_scoped3A : memref<!tpu.dma_semaphore, #tpu.memory_space<semaphore_mem>>) {add = true}
      %dma_wait3A_71 = arith.constant 0 : i32
      %dma_wait3A_72 = arith.constant 0 : i32
      %dma_wait3A_73 = tpu.memref_slice %arg10[%dma_wait3A_71, %dma_wait3A_72] : memref<4096x128xf32, #tpu.memory_space<vmem_shared>> -> memref<4096x128xf32, #tpu.memory_space<vmem_shared>>
      tpu.wait_indirect_dma semaphore(%run_scoped3A : memref<!tpu.dma_semaphore, #tpu.memory_space<semaphore_mem>>) src(%arg9 : memref<256x128xf32, #tpu.memory_space<vmem>>) dst(%dma_wait3A_73 : memref<4096x128xf32, #tpu.memory_space<vmem_shared>>)
      tpu.yield
    }) : () -> ()
    %add3A_35 = arith.constant 1024 : i32
    %add3A_36 = arith.addi %add3A, %add3A_35 : i32
    "tpu.region"() ({
      %run_scoped3A = tpu.sem_alloc : memref<!tpu.dma_semaphore, #tpu.memory_space<semaphore_mem>>
      %dma_start3A_68 = tpu.memref_slice %arg3[%add3A_36] : memref<65536xi32, #tpu.memory_space<hbm>> -> memref<256xi32, #tpu.memory_space<hbm>>
      %dma_start3A_69 = tpu.memref_slice %arg3[%add3A_36] : memref<65536xi32, #tpu.memory_space<hbm>> -> memref<256xi32, #tpu.memory_space<hbm>>
      tpu.enqueue_dma source(%dma_start3A_69 : memref<256xi32, #tpu.memory_space<hbm>>) target(%arg7 : memref<256xi32, #tpu.memory_space<vmem>>) target_semaphore(%run_scoped3A : memref<!tpu.dma_semaphore, #tpu.memory_space<semaphore_mem>>)
      %dma_wait3A_70 = tpu.memref_slice %arg3[%add3A_36] : memref<65536xi32, #tpu.memory_space<hbm>> -> memref<256xi32, #tpu.memory_space<hbm>>
      %dma_wait3A_71 = tpu.memref_slice %arg3[%add3A_36] : memref<65536xi32, #tpu.memory_space<hbm>> -> memref<256xi32, #tpu.memory_space<hbm>>
      tpu.wait_dma2 semaphore(%run_scoped3A : memref<!tpu.dma_semaphore, #tpu.memory_space<semaphore_mem>>) src(%dma_wait3A_71 : memref<256xi32, #tpu.memory_space<hbm>>) dst(%arg7 : memref<256xi32, #tpu.memory_space<vmem>>)
      tpu.yield
    }) : () -> ()
    "tpu.region"() ({
      %run_scoped3A = tpu.sem_alloc : memref<!tpu.dma_semaphore, #tpu.memory_space<semaphore_mem>>
      %dma_start3A_68 = tpu.memref_slice %arg4[%add3A_36] : memref<65536xi32, #tpu.memory_space<hbm>> -> memref<256xi32, #tpu.memory_space<hbm>>
      %dma_start3A_69 = tpu.memref_slice %arg4[%add3A_36] : memref<65536xi32, #tpu.memory_space<hbm>> -> memref<256xi32, #tpu.memory_space<hbm>>
      tpu.enqueue_dma source(%dma_start3A_69 : memref<256xi32, #tpu.memory_space<hbm>>) target(%arg8 : memref<256xi32, #tpu.memory_space<vmem>>) target_semaphore(%run_scoped3A : memref<!tpu.dma_semaphore, #tpu.memory_space<semaphore_mem>>)
      %dma_wait3A_70 = tpu.memref_slice %arg4[%add3A_36] : memref<65536xi32, #tpu.memory_space<hbm>> -> memref<256xi32, #tpu.memory_space<hbm>>
      %dma_wait3A_71 = tpu.memref_slice %arg4[%add3A_36] : memref<65536xi32, #tpu.memory_space<hbm>> -> memref<256xi32, #tpu.memory_space<hbm>>
      tpu.wait_dma2 semaphore(%run_scoped3A : memref<!tpu.dma_semaphore, #tpu.memory_space<semaphore_mem>>) src(%dma_wait3A_71 : memref<256xi32, #tpu.memory_space<hbm>>) dst(%arg8 : memref<256xi32, #tpu.memory_space<vmem>>)
      tpu.yield
    }) : () -> ()
    %dma_start3A_37 = arith.constant 0 : i32
    %dma_start3A_38 = arith.constant 0 : i32
    %dma_start3A_39 = tpu.memref_slice %arg11[%dma_start3A_37, %dma_start3A_38] : memref<4096x128xf32, #tpu.memory_space<vmem_shared>> -> memref<4096x128xf32, #tpu.memory_space<vmem_shared>>
    tpu.enqueue_indirect_dma source(%dma_start3A_39 : memref<4096x128xf32, #tpu.memory_space<vmem_shared>>) target(%arg9 : memref<256x128xf32, #tpu.memory_space<vmem>>) offsets(%arg7 : memref<256xi32, #tpu.memory_space<vmem>>) semaphore(%arg12 : memref<!tpu.dma_semaphore, #tpu.memory_space<semaphore_mem>>)
    %dma_wait3A_40 = arith.constant 0 : i32
    %dma_wait3A_41 = arith.constant 0 : i32
    %dma_wait3A_42 = tpu.memref_slice %arg11[%dma_wait3A_40, %dma_wait3A_41] : memref<4096x128xf32, #tpu.memory_space<vmem_shared>> -> memref<4096x128xf32, #tpu.memory_space<vmem_shared>>
    tpu.wait_indirect_dma semaphore(%arg12 : memref<!tpu.dma_semaphore, #tpu.memory_space<semaphore_mem>>) src(%dma_wait3A_42 : memref<4096x128xf32, #tpu.memory_space<vmem_shared>>) dst(%arg9 : memref<256x128xf32, #tpu.memory_space<vmem>>)
    "tpu.region"() ({
      %run_scoped3A = tpu.sem_alloc : memref<!tpu.dma_semaphore, #tpu.memory_space<semaphore_mem>>
      %dma_start3A_68 = arith.constant 0 : i32
      %dma_start3A_69 = arith.constant 0 : i32
      %dma_start3A_70 = tpu.memref_slice %arg10[%dma_start3A_68, %dma_start3A_69] : memref<4096x128xf32, #tpu.memory_space<vmem_shared>> -> memref<4096x128xf32, #tpu.memory_space<vmem_shared>>
      tpu.enqueue_indirect_dma source(%arg9 : memref<256x128xf32, #tpu.memory_space<vmem>>) target(%dma_start3A_70 : memref<4096x128xf32, #tpu.memory_space<vmem_shared>>) offsets(%arg8 : memref<256xi32, #tpu.memory_space<vmem>>) semaphore(%run_scoped3A : memref<!tpu.dma_semaphore, #tpu.memory_space<semaphore_mem>>) {add = true}
      %dma_wait3A_71 = arith.constant 0 : i32
      %dma_wait3A_72 = arith.constant 0 : i32
      %dma_wait3A_73 = tpu.memref_slice %arg10[%dma_wait3A_71, %dma_wait3A_72] : memref<4096x128xf32, #tpu.memory_space<vmem_shared>> -> memref<4096x128xf32, #tpu.memory_space<vmem_shared>>
      tpu.wait_indirect_dma semaphore(%run_scoped3A : memref<!tpu.dma_semaphore, #tpu.memory_space<semaphore_mem>>) src(%arg9 : memref<256x128xf32, #tpu.memory_space<vmem>>) dst(%dma_wait3A_73 : memref<4096x128xf32, #tpu.memory_space<vmem_shared>>)
      tpu.yield
    }) : () -> ()
    %add3A_43 = arith.constant 1280 : i32
    %add3A_44 = arith.addi %add3A, %add3A_43 : i32
    "tpu.region"() ({
      %run_scoped3A = tpu.sem_alloc : memref<!tpu.dma_semaphore, #tpu.memory_space<semaphore_mem>>
      %dma_start3A_68 = tpu.memref_slice %arg3[%add3A_44] : memref<65536xi32, #tpu.memory_space<hbm>> -> memref<256xi32, #tpu.memory_space<hbm>>
      %dma_start3A_69 = tpu.memref_slice %arg3[%add3A_44] : memref<65536xi32, #tpu.memory_space<hbm>> -> memref<256xi32, #tpu.memory_space<hbm>>
      tpu.enqueue_dma source(%dma_start3A_69 : memref<256xi32, #tpu.memory_space<hbm>>) target(%arg7 : memref<256xi32, #tpu.memory_space<vmem>>) target_semaphore(%run_scoped3A : memref<!tpu.dma_semaphore, #tpu.memory_space<semaphore_mem>>)
      %dma_wait3A_70 = tpu.memref_slice %arg3[%add3A_44] : memref<65536xi32, #tpu.memory_space<hbm>> -> memref<256xi32, #tpu.memory_space<hbm>>
      %dma_wait3A_71 = tpu.memref_slice %arg3[%add3A_44] : memref<65536xi32, #tpu.memory_space<hbm>> -> memref<256xi32, #tpu.memory_space<hbm>>
      tpu.wait_dma2 semaphore(%run_scoped3A : memref<!tpu.dma_semaphore, #tpu.memory_space<semaphore_mem>>) src(%dma_wait3A_71 : memref<256xi32, #tpu.memory_space<hbm>>) dst(%arg7 : memref<256xi32, #tpu.memory_space<vmem>>)
      tpu.yield
    }) : () -> ()
    "tpu.region"() ({
      %run_scoped3A = tpu.sem_alloc : memref<!tpu.dma_semaphore, #tpu.memory_space<semaphore_mem>>
      %dma_start3A_68 = tpu.memref_slice %arg4[%add3A_44] : memref<65536xi32, #tpu.memory_space<hbm>> -> memref<256xi32, #tpu.memory_space<hbm>>
      %dma_start3A_69 = tpu.memref_slice %arg4[%add3A_44] : memref<65536xi32, #tpu.memory_space<hbm>> -> memref<256xi32, #tpu.memory_space<hbm>>
      tpu.enqueue_dma source(%dma_start3A_69 : memref<256xi32, #tpu.memory_space<hbm>>) target(%arg8 : memref<256xi32, #tpu.memory_space<vmem>>) target_semaphore(%run_scoped3A : memref<!tpu.dma_semaphore, #tpu.memory_space<semaphore_mem>>)
      %dma_wait3A_70 = tpu.memref_slice %arg4[%add3A_44] : memref<65536xi32, #tpu.memory_space<hbm>> -> memref<256xi32, #tpu.memory_space<hbm>>
      %dma_wait3A_71 = tpu.memref_slice %arg4[%add3A_44] : memref<65536xi32, #tpu.memory_space<hbm>> -> memref<256xi32, #tpu.memory_space<hbm>>
      tpu.wait_dma2 semaphore(%run_scoped3A : memref<!tpu.dma_semaphore, #tpu.memory_space<semaphore_mem>>) src(%dma_wait3A_71 : memref<256xi32, #tpu.memory_space<hbm>>) dst(%arg8 : memref<256xi32, #tpu.memory_space<vmem>>)
      tpu.yield
    }) : () -> ()
    %dma_start3A_45 = arith.constant 0 : i32
    %dma_start3A_46 = arith.constant 0 : i32
    %dma_start3A_47 = tpu.memref_slice %arg11[%dma_start3A_45, %dma_start3A_46] : memref<4096x128xf32, #tpu.memory_space<vmem_shared>> -> memref<4096x128xf32, #tpu.memory_space<vmem_shared>>
    tpu.enqueue_indirect_dma source(%dma_start3A_47 : memref<4096x128xf32, #tpu.memory_space<vmem_shared>>) target(%arg9 : memref<256x128xf32, #tpu.memory_space<vmem>>) offsets(%arg7 : memref<256xi32, #tpu.memory_space<vmem>>) semaphore(%arg12 : memref<!tpu.dma_semaphore, #tpu.memory_space<semaphore_mem>>)
    %dma_wait3A_48 = arith.constant 0 : i32
    %dma_wait3A_49 = arith.constant 0 : i32
    %dma_wait3A_50 = tpu.memref_slice %arg11[%dma_wait3A_48, %dma_wait3A_49] : memref<4096x128xf32, #tpu.memory_space<vmem_shared>> -> memref<4096x128xf32, #tpu.memory_space<vmem_shared>>
    tpu.wait_indirect_dma semaphore(%arg12 : memref<!tpu.dma_semaphore, #tpu.memory_space<semaphore_mem>>) src(%dma_wait3A_50 : memref<4096x128xf32, #tpu.memory_space<vmem_shared>>) dst(%arg9 : memref<256x128xf32, #tpu.memory_space<vmem>>)
    "tpu.region"() ({
      %run_scoped3A = tpu.sem_alloc : memref<!tpu.dma_semaphore, #tpu.memory_space<semaphore_mem>>
      %dma_start3A_68 = arith.constant 0 : i32
      %dma_start3A_69 = arith.constant 0 : i32
      %dma_start3A_70 = tpu.memref_slice %arg10[%dma_start3A_68, %dma_start3A_69] : memref<4096x128xf32, #tpu.memory_space<vmem_shared>> -> memref<4096x128xf32, #tpu.memory_space<vmem_shared>>
      tpu.enqueue_indirect_dma source(%arg9 : memref<256x128xf32, #tpu.memory_space<vmem>>) target(%dma_start3A_70 : memref<4096x128xf32, #tpu.memory_space<vmem_shared>>) offsets(%arg8 : memref<256xi32, #tpu.memory_space<vmem>>) semaphore(%run_scoped3A : memref<!tpu.dma_semaphore, #tpu.memory_space<semaphore_mem>>) {add = true}
      %dma_wait3A_71 = arith.constant 0 : i32
      %dma_wait3A_72 = arith.constant 0 : i32
      %dma_wait3A_73 = tpu.memref_slice %arg10[%dma_wait3A_71, %dma_wait3A_72] : memref<4096x128xf32, #tpu.memory_space<vmem_shared>> -> memref<4096x128xf32, #tpu.memory_space<vmem_shared>>
      tpu.wait_indirect_dma semaphore(%run_scoped3A : memref<!tpu.dma_semaphore, #tpu.memory_space<semaphore_mem>>) src(%arg9 : memref<256x128xf32, #tpu.memory_space<vmem>>) dst(%dma_wait3A_73 : memref<4096x128xf32, #tpu.memory_space<vmem_shared>>)
      tpu.yield
    }) : () -> ()
    %add3A_51 = arith.constant 1536 : i32
    %add3A_52 = arith.addi %add3A, %add3A_51 : i32
    "tpu.region"() ({
      %run_scoped3A = tpu.sem_alloc : memref<!tpu.dma_semaphore, #tpu.memory_space<semaphore_mem>>
      %dma_start3A_68 = tpu.memref_slice %arg3[%add3A_52] : memref<65536xi32, #tpu.memory_space<hbm>> -> memref<256xi32, #tpu.memory_space<hbm>>
      %dma_start3A_69 = tpu.memref_slice %arg3[%add3A_52] : memref<65536xi32, #tpu.memory_space<hbm>> -> memref<256xi32, #tpu.memory_space<hbm>>
      tpu.enqueue_dma source(%dma_start3A_69 : memref<256xi32, #tpu.memory_space<hbm>>) target(%arg7 : memref<256xi32, #tpu.memory_space<vmem>>) target_semaphore(%run_scoped3A : memref<!tpu.dma_semaphore, #tpu.memory_space<semaphore_mem>>)
      %dma_wait3A_70 = tpu.memref_slice %arg3[%add3A_52] : memref<65536xi32, #tpu.memory_space<hbm>> -> memref<256xi32, #tpu.memory_space<hbm>>
      %dma_wait3A_71 = tpu.memref_slice %arg3[%add3A_52] : memref<65536xi32, #tpu.memory_space<hbm>> -> memref<256xi32, #tpu.memory_space<hbm>>
      tpu.wait_dma2 semaphore(%run_scoped3A : memref<!tpu.dma_semaphore, #tpu.memory_space<semaphore_mem>>) src(%dma_wait3A_71 : memref<256xi32, #tpu.memory_space<hbm>>) dst(%arg7 : memref<256xi32, #tpu.memory_space<vmem>>)
      tpu.yield
    }) : () -> ()
    "tpu.region"() ({
      %run_scoped3A = tpu.sem_alloc : memref<!tpu.dma_semaphore, #tpu.memory_space<semaphore_mem>>
      %dma_start3A_68 = tpu.memref_slice %arg4[%add3A_52] : memref<65536xi32, #tpu.memory_space<hbm>> -> memref<256xi32, #tpu.memory_space<hbm>>
      %dma_start3A_69 = tpu.memref_slice %arg4[%add3A_52] : memref<65536xi32, #tpu.memory_space<hbm>> -> memref<256xi32, #tpu.memory_space<hbm>>
      tpu.enqueue_dma source(%dma_start3A_69 : memref<256xi32, #tpu.memory_space<hbm>>) target(%arg8 : memref<256xi32, #tpu.memory_space<vmem>>) target_semaphore(%run_scoped3A : memref<!tpu.dma_semaphore, #tpu.memory_space<semaphore_mem>>)
      %dma_wait3A_70 = tpu.memref_slice %arg4[%add3A_52] : memref<65536xi32, #tpu.memory_space<hbm>> -> memref<256xi32, #tpu.memory_space<hbm>>
      %dma_wait3A_71 = tpu.memref_slice %arg4[%add3A_52] : memref<65536xi32, #tpu.memory_space<hbm>> -> memref<256xi32, #tpu.memory_space<hbm>>
      tpu.wait_dma2 semaphore(%run_scoped3A : memref<!tpu.dma_semaphore, #tpu.memory_space<semaphore_mem>>) src(%dma_wait3A_71 : memref<256xi32, #tpu.memory_space<hbm>>) dst(%arg8 : memref<256xi32, #tpu.memory_space<vmem>>)
      tpu.yield
    }) : () -> ()
    %dma_start3A_53 = arith.constant 0 : i32
    %dma_start3A_54 = arith.constant 0 : i32
    %dma_start3A_55 = tpu.memref_slice %arg11[%dma_start3A_53, %dma_start3A_54] : memref<4096x128xf32, #tpu.memory_space<vmem_shared>> -> memref<4096x128xf32, #tpu.memory_space<vmem_shared>>
    tpu.enqueue_indirect_dma source(%dma_start3A_55 : memref<4096x128xf32, #tpu.memory_space<vmem_shared>>) target(%arg9 : memref<256x128xf32, #tpu.memory_space<vmem>>) offsets(%arg7 : memref<256xi32, #tpu.memory_space<vmem>>) semaphore(%arg12 : memref<!tpu.dma_semaphore, #tpu.memory_space<semaphore_mem>>)
    %dma_wait3A_56 = arith.constant 0 : i32
    %dma_wait3A_57 = arith.constant 0 : i32
    %dma_wait3A_58 = tpu.memref_slice %arg11[%dma_wait3A_56, %dma_wait3A_57] : memref<4096x128xf32, #tpu.memory_space<vmem_shared>> -> memref<4096x128xf32, #tpu.memory_space<vmem_shared>>
    tpu.wait_indirect_dma semaphore(%arg12 : memref<!tpu.dma_semaphore, #tpu.memory_space<semaphore_mem>>) src(%dma_wait3A_58 : memref<4096x128xf32, #tpu.memory_space<vmem_shared>>) dst(%arg9 : memref<256x128xf32, #tpu.memory_space<vmem>>)
    "tpu.region"() ({
      %run_scoped3A = tpu.sem_alloc : memref<!tpu.dma_semaphore, #tpu.memory_space<semaphore_mem>>
      %dma_start3A_68 = arith.constant 0 : i32
      %dma_start3A_69 = arith.constant 0 : i32
      %dma_start3A_70 = tpu.memref_slice %arg10[%dma_start3A_68, %dma_start3A_69] : memref<4096x128xf32, #tpu.memory_space<vmem_shared>> -> memref<4096x128xf32, #tpu.memory_space<vmem_shared>>
      tpu.enqueue_indirect_dma source(%arg9 : memref<256x128xf32, #tpu.memory_space<vmem>>) target(%dma_start3A_70 : memref<4096x128xf32, #tpu.memory_space<vmem_shared>>) offsets(%arg8 : memref<256xi32, #tpu.memory_space<vmem>>) semaphore(%run_scoped3A : memref<!tpu.dma_semaphore, #tpu.memory_space<semaphore_mem>>) {add = true}
      %dma_wait3A_71 = arith.constant 0 : i32
      %dma_wait3A_72 = arith.constant 0 : i32
      %dma_wait3A_73 = tpu.memref_slice %arg10[%dma_wait3A_71, %dma_wait3A_72] : memref<4096x128xf32, #tpu.memory_space<vmem_shared>> -> memref<4096x128xf32, #tpu.memory_space<vmem_shared>>
      tpu.wait_indirect_dma semaphore(%run_scoped3A : memref<!tpu.dma_semaphore, #tpu.memory_space<semaphore_mem>>) src(%arg9 : memref<256x128xf32, #tpu.memory_space<vmem>>) dst(%dma_wait3A_73 : memref<4096x128xf32, #tpu.memory_space<vmem_shared>>)
      tpu.yield
    }) : () -> ()
    %add3A_59 = arith.constant 1792 : i32
    %add3A_60 = arith.addi %add3A, %add3A_59 : i32
    "tpu.region"() ({
      %run_scoped3A = tpu.sem_alloc : memref<!tpu.dma_semaphore, #tpu.memory_space<semaphore_mem>>
      %dma_start3A_68 = tpu.memref_slice %arg3[%add3A_60] : memref<65536xi32, #tpu.memory_space<hbm>> -> memref<256xi32, #tpu.memory_space<hbm>>
      %dma_start3A_69 = tpu.memref_slice %arg3[%add3A_60] : memref<65536xi32, #tpu.memory_space<hbm>> -> memref<256xi32, #tpu.memory_space<hbm>>
      tpu.enqueue_dma source(%dma_start3A_69 : memref<256xi32, #tpu.memory_space<hbm>>) target(%arg7 : memref<256xi32, #tpu.memory_space<vmem>>) target_semaphore(%run_scoped3A : memref<!tpu.dma_semaphore, #tpu.memory_space<semaphore_mem>>)
      %dma_wait3A_70 = tpu.memref_slice %arg3[%add3A_60] : memref<65536xi32, #tpu.memory_space<hbm>> -> memref<256xi32, #tpu.memory_space<hbm>>
      %dma_wait3A_71 = tpu.memref_slice %arg3[%add3A_60] : memref<65536xi32, #tpu.memory_space<hbm>> -> memref<256xi32, #tpu.memory_space<hbm>>
      tpu.wait_dma2 semaphore(%run_scoped3A : memref<!tpu.dma_semaphore, #tpu.memory_space<semaphore_mem>>) src(%dma_wait3A_71 : memref<256xi32, #tpu.memory_space<hbm>>) dst(%arg7 : memref<256xi32, #tpu.memory_space<vmem>>)
      tpu.yield
    }) : () -> ()
    "tpu.region"() ({
      %run_scoped3A = tpu.sem_alloc : memref<!tpu.dma_semaphore, #tpu.memory_space<semaphore_mem>>
      %dma_start3A_68 = tpu.memref_slice %arg4[%add3A_60] : memref<65536xi32, #tpu.memory_space<hbm>> -> memref<256xi32, #tpu.memory_space<hbm>>
      %dma_start3A_69 = tpu.memref_slice %arg4[%add3A_60] : memref<65536xi32, #tpu.memory_space<hbm>> -> memref<256xi32, #tpu.memory_space<hbm>>
      tpu.enqueue_dma source(%dma_start3A_69 : memref<256xi32, #tpu.memory_space<hbm>>) target(%arg8 : memref<256xi32, #tpu.memory_space<vmem>>) target_semaphore(%run_scoped3A : memref<!tpu.dma_semaphore, #tpu.memory_space<semaphore_mem>>)
      %dma_wait3A_70 = tpu.memref_slice %arg4[%add3A_60] : memref<65536xi32, #tpu.memory_space<hbm>> -> memref<256xi32, #tpu.memory_space<hbm>>
      %dma_wait3A_71 = tpu.memref_slice %arg4[%add3A_60] : memref<65536xi32, #tpu.memory_space<hbm>> -> memref<256xi32, #tpu.memory_space<hbm>>
      tpu.wait_dma2 semaphore(%run_scoped3A : memref<!tpu.dma_semaphore, #tpu.memory_space<semaphore_mem>>) src(%dma_wait3A_71 : memref<256xi32, #tpu.memory_space<hbm>>) dst(%arg8 : memref<256xi32, #tpu.memory_space<vmem>>)
      tpu.yield
    }) : () -> ()
    %dma_start3A_61 = arith.constant 0 : i32
    %dma_start3A_62 = arith.constant 0 : i32
    %dma_start3A_63 = tpu.memref_slice %arg11[%dma_start3A_61, %dma_start3A_62] : memref<4096x128xf32, #tpu.memory_space<vmem_shared>> -> memref<4096x128xf32, #tpu.memory_space<vmem_shared>>
    tpu.enqueue_indirect_dma source(%dma_start3A_63 : memref<4096x128xf32, #tpu.memory_space<vmem_shared>>) target(%arg9 : memref<256x128xf32, #tpu.memory_space<vmem>>) offsets(%arg7 : memref<256xi32, #tpu.memory_space<vmem>>) semaphore(%arg12 : memref<!tpu.dma_semaphore, #tpu.memory_space<semaphore_mem>>)
    %dma_wait3A_64 = arith.constant 0 : i32
    %dma_wait3A_65 = arith.constant 0 : i32
    %dma_wait3A_66 = tpu.memref_slice %arg11[%dma_wait3A_64, %dma_wait3A_65] : memref<4096x128xf32, #tpu.memory_space<vmem_shared>> -> memref<4096x128xf32, #tpu.memory_space<vmem_shared>>
    tpu.wait_indirect_dma semaphore(%arg12 : memref<!tpu.dma_semaphore, #tpu.memory_space<semaphore_mem>>) src(%dma_wait3A_66 : memref<4096x128xf32, #tpu.memory_space<vmem_shared>>) dst(%arg9 : memref<256x128xf32, #tpu.memory_space<vmem>>)
    "tpu.region"() ({
      %run_scoped3A = tpu.sem_alloc : memref<!tpu.dma_semaphore, #tpu.memory_space<semaphore_mem>>
      %dma_start3A_68 = arith.constant 0 : i32
      %dma_start3A_69 = arith.constant 0 : i32
      %dma_start3A_70 = tpu.memref_slice %arg10[%dma_start3A_68, %dma_start3A_69] : memref<4096x128xf32, #tpu.memory_space<vmem_shared>> -> memref<4096x128xf32, #tpu.memory_space<vmem_shared>>
      tpu.enqueue_indirect_dma source(%arg9 : memref<256x128xf32, #tpu.memory_space<vmem>>) target(%dma_start3A_70 : memref<4096x128xf32, #tpu.memory_space<vmem_shared>>) offsets(%arg8 : memref<256xi32, #tpu.memory_space<vmem>>) semaphore(%run_scoped3A : memref<!tpu.dma_semaphore, #tpu.memory_space<semaphore_mem>>) {add = true}
      %dma_wait3A_71 = arith.constant 0 : i32
      %dma_wait3A_72 = arith.constant 0 : i32
      %dma_wait3A_73 = tpu.memref_slice %arg10[%dma_wait3A_71, %dma_wait3A_72] : memref<4096x128xf32, #tpu.memory_space<vmem_shared>> -> memref<4096x128xf32, #tpu.memory_space<vmem_shared>>
      tpu.wait_indirect_dma semaphore(%run_scoped3A : memref<!tpu.dma_semaphore, #tpu.memory_space<semaphore_mem>>) src(%arg9 : memref<256x128xf32, #tpu.memory_space<vmem>>) dst(%dma_wait3A_73 : memref<4096x128xf32, #tpu.memory_space<vmem_shared>>)
      tpu.yield
    }) : () -> ()
    %barrier3A_67 = arith.constant 0 : index
    tpu.barrier barrier_id(%barrier3A_67)
    "tpu.region"() ({
      %run_scoped3A = tpu.sem_alloc : memref<!tpu.dma_semaphore, #tpu.memory_space<semaphore_mem>>
      %dma_start3A_68 = arith.constant 0 : i32
      %dma_start3A_69 = arith.constant 0 : i32
      %dma_start3A_70 = tpu.memref_slice %arg6[%arg0, %dma_start3A_68, %dma_start3A_69] : memref<2x4096x128xf32, #tpu.memory_space<hbm>> -> memref<1x4096x128xf32, #tpu.memory_space<hbm>>
      %dma_start3A_71 = tpu.memref_squeeze %dma_start3A_70 : memref<1x4096x128xf32, #tpu.memory_space<hbm>> -> memref<4096x128xf32, #tpu.memory_space<hbm>>
      %dma_start3A_72 = arith.constant 0 : i32
      %dma_start3A_73 = tpu.memref_slice %dma_start3A_71[%mul3A_0, %dma_start3A_72] : memref<4096x128xf32, #tpu.memory_space<hbm>> -> memref<256x128xf32, #tpu.memory_space<hbm>>
      %dma_start3A_74 = arith.constant 0 : i32
      %dma_start3A_75 = tpu.memref_slice %arg10[%mul3A_0, %dma_start3A_74] : memref<4096x128xf32, #tpu.memory_space<vmem_shared>> -> memref<256x128xf32, #tpu.memory_space<vmem_shared>>
      tpu.enqueue_dma source(%dma_start3A_75 : memref<256x128xf32, #tpu.memory_space<vmem_shared>>) target(%dma_start3A_73 : memref<256x128xf32, #tpu.memory_space<hbm>>) target_semaphore(%run_scoped3A : memref<!tpu.dma_semaphore, #tpu.memory_space<semaphore_mem>>)
      %dma_wait3A_76 = arith.constant 0 : i32
      %dma_wait3A_77 = arith.constant 0 : i32
      %dma_wait3A_78 = tpu.memref_slice %arg6[%arg0, %dma_wait3A_76, %dma_wait3A_77] : memref<2x4096x128xf32, #tpu.memory_space<hbm>> -> memref<1x4096x128xf32, #tpu.memory_space<hbm>>
      %dma_wait3A_79 = tpu.memref_squeeze %dma_wait3A_78 : memref<1x4096x128xf32, #tpu.memory_space<hbm>> -> memref<4096x128xf32, #tpu.memory_space<hbm>>
      %dma_wait3A_80 = arith.constant 0 : i32
      %dma_wait3A_81 = tpu.memref_slice %dma_wait3A_79[%mul3A_0, %dma_wait3A_80] : memref<4096x128xf32, #tpu.memory_space<hbm>> -> memref<256x128xf32, #tpu.memory_space<hbm>>
      %dma_wait3A_82 = arith.constant 0 : i32
      %dma_wait3A_83 = tpu.memref_slice %arg10[%mul3A_0, %dma_wait3A_82] : memref<4096x128xf32, #tpu.memory_space<vmem_shared>> -> memref<256x128xf32, #tpu.memory_space<vmem_shared>>
      tpu.wait_dma2 semaphore(%run_scoped3A : memref<!tpu.dma_semaphore, #tpu.memory_space<semaphore_mem>>) src(%dma_wait3A_83 : memref<256x128xf32, #tpu.memory_space<vmem_shared>>) dst(%dma_wait3A_81 : memref<256x128xf32, #tpu.memory_space<hbm>>)
      tpu.yield
    }) : () -> ()
    return
  }
}

#map = affine_map<(d0, d1) -> (0, 0)>
#map1 = affine_map<(d0, d1) -> (0)>
#map2 = affine_map<(d0, d1) -> (0, 0, 0)>
module attributes {stable_mosaic.version = 14 : i64} {
  func.func @k(%arg0: i32, %arg1: i32, %arg2: memref<4096x128xf32, #tpu.memory_space<hbm>>, %arg3: memref<65536xi32, #tpu.memory_space<hbm>>, %arg4: memref<65536xi32, #tpu.memory_space<hbm>>, %arg5: memref<4096x128xf32, #tpu.memory_space<hbm>>, %arg6: memref<2x4096x128xf32, #tpu.memory_space<hbm>>, %arg7: memref<256xi32, #tpu.memory_space<vmem>>, %arg8: memref<256xi32, #tpu.memory_space<vmem>>, %arg9: memref<256x128xf32, #tpu.memory_space<vmem>>, %arg10: memref<4096x128xf32, #tpu.memory_space<vmem_shared>>, %arg11: memref<4096x128xf32, #tpu.memory_space<vmem_shared>>, %arg12: memref<!tpu.dma_semaphore, #tpu.memory_space<semaphore_mem>>) attributes {dimension_semantics = [#tpu.dimension_semantics<core_parallel>, #tpu.dimension_semantics<subcore_parallel>], iteration_bounds = array<i64: 2, 16>, scalar_prefetch = 0 : i64, scratch_operands = 6 : i64, tpu.core_type = #tpu.core_type<sc_vector_subcore>, window_params = [{transform_indices = #map}, {transform_indices = #map1}, {transform_indices = #map1}, {transform_indices = #map}, {transform_indices = #map2}]} {
    %mul3A = arith.constant 256 : i32
    %mul3A_0 = arith.muli %arg1, %mul3A : i32
    "tpu.region"() ({
      %run_scoped3A = tpu.sem_alloc : memref<!tpu.dma_semaphore, #tpu.memory_space<semaphore_mem>>
      %dma_start3A_68 = arith.constant 0 : i32
      %dma_start3A_69 = tpu.memref_slice %arg10[%mul3A_0, %dma_start3A_68] : memref<4096x128xf32, #tpu.memory_space<vmem_shared>> -> memref<256x128xf32, #tpu.memory_space<vmem_shared>>
      %dma_start3A_70 = arith.constant 0 : i32
      %dma_start3A_71 = tpu.memref_slice %arg5[%mul3A_0, %dma_start3A_70] : memref<4096x128xf32, #tpu.memory_space<hbm>> -> memref<256x128xf32, #tpu.memory_space<hbm>>
      tpu.enqueue_dma source(%dma_start3A_71 : memref<256x128xf32, #tpu.memory_space<hbm>>) target(%dma_start3A_69 : memref<256x128xf32, #tpu.memory_space<vmem_shared>>) target_semaphore(%run_scoped3A : memref<!tpu.dma_semaphore, #tpu.memory_space<semaphore_mem>>)
      %dma_wait3A_72 = arith.constant 0 : i32
      %dma_wait3A_73 = tpu.memref_slice %arg10[%mul3A_0, %dma_wait3A_72] : memref<4096x128xf32, #tpu.memory_space<vmem_shared>> -> memref<256x128xf32, #tpu.memory_space<vmem_shared>>
      %dma_wait3A_74 = arith.constant 0 : i32
      %dma_wait3A_75 = tpu.memref_slice %arg5[%mul3A_0, %dma_wait3A_74] : memref<4096x128xf32, #tpu.memory_space<hbm>> -> memref<256x128xf32, #tpu.memory_space<hbm>>
      tpu.wait_dma2 semaphore(%run_scoped3A : memref<!tpu.dma_semaphore, #tpu.memory_space<semaphore_mem>>) src(%dma_wait3A_75 : memref<256x128xf32, #tpu.memory_space<hbm>>) dst(%dma_wait3A_73 : memref<256x128xf32, #tpu.memory_space<vmem_shared>>)
      tpu.yield
    }) : () -> ()
    "tpu.region"() ({
      %run_scoped3A = tpu.sem_alloc : memref<!tpu.dma_semaphore, #tpu.memory_space<semaphore_mem>>
      %dma_start3A_68 = arith.constant 0 : i32
      %dma_start3A_69 = tpu.memref_slice %arg11[%mul3A_0, %dma_start3A_68] : memref<4096x128xf32, #tpu.memory_space<vmem_shared>> -> memref<256x128xf32, #tpu.memory_space<vmem_shared>>
      %dma_start3A_70 = arith.constant 0 : i32
      %dma_start3A_71 = tpu.memref_slice %arg2[%mul3A_0, %dma_start3A_70] : memref<4096x128xf32, #tpu.memory_space<hbm>> -> memref<256x128xf32, #tpu.memory_space<hbm>>
      tpu.enqueue_dma source(%dma_start3A_71 : memref<256x128xf32, #tpu.memory_space<hbm>>) target(%dma_start3A_69 : memref<256x128xf32, #tpu.memory_space<vmem_shared>>) target_semaphore(%run_scoped3A : memref<!tpu.dma_semaphore, #tpu.memory_space<semaphore_mem>>)
      %dma_wait3A_72 = arith.constant 0 : i32
      %dma_wait3A_73 = tpu.memref_slice %arg11[%mul3A_0, %dma_wait3A_72] : memref<4096x128xf32, #tpu.memory_space<vmem_shared>> -> memref<256x128xf32, #tpu.memory_space<vmem_shared>>
      %dma_wait3A_74 = arith.constant 0 : i32
      %dma_wait3A_75 = tpu.memref_slice %arg2[%mul3A_0, %dma_wait3A_74] : memref<4096x128xf32, #tpu.memory_space<hbm>> -> memref<256x128xf32, #tpu.memory_space<hbm>>
      tpu.wait_dma2 semaphore(%run_scoped3A : memref<!tpu.dma_semaphore, #tpu.memory_space<semaphore_mem>>) src(%dma_wait3A_75 : memref<256x128xf32, #tpu.memory_space<hbm>>) dst(%dma_wait3A_73 : memref<256x128xf32, #tpu.memory_space<vmem_shared>>)
      tpu.yield
    }) : () -> ()
    %barrier3A = arith.constant 0 : index
    tpu.barrier barrier_id(%barrier3A)
    %mul3A_1 = arith.constant 32768 : i32
    %mul3A_2 = arith.muli %arg0, %mul3A_1 : i32
    %mul3A_3 = arith.constant 2048 : i32
    %mul3A_4 = arith.muli %arg1, %mul3A_3 : i32
    %add3A = arith.addi %mul3A_2, %mul3A_4 : i32
    %add3A_5 = arith.constant 0 : i32
    %add3A_6 = arith.addi %add3A, %add3A_5 : i32
    "tpu.region"() ({
      %run_scoped3A = tpu.sem_alloc : memref<!tpu.dma_semaphore, #tpu.memory_space<semaphore_mem>>
      %dma_start3A_68 = tpu.memref_slice %arg3[%add3A_6] : memref<65536xi32, #tpu.memory_space<hbm>> -> memref<256xi32, #tpu.memory_space<hbm>>
      %dma_start3A_69 = tpu.memref_slice %arg3[%add3A_6] : memref<65536xi32, #tpu.memory_space<hbm>> -> memref<256xi32, #tpu.memory_space<hbm>>
      tpu.enqueue_dma source(%dma_start3A_69 : memref<256xi32, #tpu.memory_space<hbm>>) target(%arg7 : memref<256xi32, #tpu.memory_space<vmem>>) target_semaphore(%run_scoped3A : memref<!tpu.dma_semaphore, #tpu.memory_space<semaphore_mem>>)
      %dma_wait3A_70 = tpu.memref_slice %arg3[%add3A_6] : memref<65536xi32, #tpu.memory_space<hbm>> -> memref<256xi32, #tpu.memory_space<hbm>>
      %dma_wait3A_71 = tpu.memref_slice %arg3[%add3A_6] : memref<65536xi32, #tpu.memory_space<hbm>> -> memref<256xi32, #tpu.memory_space<hbm>>
      tpu.wait_dma2 semaphore(%run_scoped3A : memref<!tpu.dma_semaphore, #tpu.memory_space<semaphore_mem>>) src(%dma_wait3A_71 : memref<256xi32, #tpu.memory_space<hbm>>) dst(%arg7 : memref<256xi32, #tpu.memory_space<vmem>>)
      tpu.yield
    }) : () -> ()
    "tpu.region"() ({
      %run_scoped3A = tpu.sem_alloc : memref<!tpu.dma_semaphore, #tpu.memory_space<semaphore_mem>>
      %dma_start3A_68 = tpu.memref_slice %arg4[%add3A_6] : memref<65536xi32, #tpu.memory_space<hbm>> -> memref<256xi32, #tpu.memory_space<hbm>>
      %dma_start3A_69 = tpu.memref_slice %arg4[%add3A_6] : memref<65536xi32, #tpu.memory_space<hbm>> -> memref<256xi32, #tpu.memory_space<hbm>>
      tpu.enqueue_dma source(%dma_start3A_69 : memref<256xi32, #tpu.memory_space<hbm>>) target(%arg8 : memref<256xi32, #tpu.memory_space<vmem>>) target_semaphore(%run_scoped3A : memref<!tpu.dma_semaphore, #tpu.memory_space<semaphore_mem>>)
      %dma_wait3A_70 = tpu.memref_slice %arg4[%add3A_6] : memref<65536xi32, #tpu.memory_space<hbm>> -> memref<256xi32, #tpu.memory_space<hbm>>
      %dma_wait3A_71 = tpu.memref_slice %arg4[%add3A_6] : memref<65536xi32, #tpu.memory_space<hbm>> -> memref<256xi32, #tpu.memory_space<hbm>>
      tpu.wait_dma2 semaphore(%run_scoped3A : memref<!tpu.dma_semaphore, #tpu.memory_space<semaphore_mem>>) src(%dma_wait3A_71 : memref<256xi32, #tpu.memory_space<hbm>>) dst(%arg8 : memref<256xi32, #tpu.memory_space<vmem>>)
      tpu.yield
    }) : () -> ()
    %dma_start3A = arith.constant 0 : i32
    %dma_start3A_7 = arith.constant 0 : i32
    %dma_start3A_8 = tpu.memref_slice %arg11[%dma_start3A, %dma_start3A_7] : memref<4096x128xf32, #tpu.memory_space<vmem_shared>> -> memref<4096x128xf32, #tpu.memory_space<vmem_shared>>
    tpu.enqueue_indirect_dma source(%dma_start3A_8 : memref<4096x128xf32, #tpu.memory_space<vmem_shared>>) target(%arg9 : memref<256x128xf32, #tpu.memory_space<vmem>>) offsets(%arg7 : memref<256xi32, #tpu.memory_space<vmem>>) semaphore(%arg12 : memref<!tpu.dma_semaphore, #tpu.memory_space<semaphore_mem>>)
    %dma_wait3A = arith.constant 0 : i32
    %dma_wait3A_9 = arith.constant 0 : i32
    %dma_wait3A_10 = tpu.memref_slice %arg11[%dma_wait3A, %dma_wait3A_9] : memref<4096x128xf32, #tpu.memory_space<vmem_shared>> -> memref<4096x128xf32, #tpu.memory_space<vmem_shared>>
    tpu.wait_indirect_dma semaphore(%arg12 : memref<!tpu.dma_semaphore, #tpu.memory_space<semaphore_mem>>) src(%dma_wait3A_10 : memref<4096x128xf32, #tpu.memory_space<vmem_shared>>) dst(%arg9 : memref<256x128xf32, #tpu.memory_space<vmem>>)
    "tpu.region"() ({
      %run_scoped3A = tpu.sem_alloc : memref<!tpu.dma_semaphore, #tpu.memory_space<semaphore_mem>>
      %dma_start3A_68 = arith.constant 0 : i32
      %dma_start3A_69 = arith.constant 0 : i32
      %dma_start3A_70 = tpu.memref_slice %arg10[%dma_start3A_68, %dma_start3A_69] : memref<4096x128xf32, #tpu.memory_space<vmem_shared>> -> memref<4096x128xf32, #tpu.memory_space<vmem_shared>>
      tpu.enqueue_indirect_dma source(%arg9 : memref<256x128xf32, #tpu.memory_space<vmem>>) target(%dma_start3A_70 : memref<4096x128xf32, #tpu.memory_space<vmem_shared>>) offsets(%arg8 : memref<256xi32, #tpu.memory_space<vmem>>) semaphore(%run_scoped3A : memref<!tpu.dma_semaphore, #tpu.memory_space<semaphore_mem>>) {add = true}
      %dma_wait3A_71 = arith.constant 0 : i32
      %dma_wait3A_72 = arith.constant 0 : i32
      %dma_wait3A_73 = tpu.memref_slice %arg10[%dma_wait3A_71, %dma_wait3A_72] : memref<4096x128xf32, #tpu.memory_space<vmem_shared>> -> memref<4096x128xf32, #tpu.memory_space<vmem_shared>>
      tpu.wait_indirect_dma semaphore(%run_scoped3A : memref<!tpu.dma_semaphore, #tpu.memory_space<semaphore_mem>>) src(%arg9 : memref<256x128xf32, #tpu.memory_space<vmem>>) dst(%dma_wait3A_73 : memref<4096x128xf32, #tpu.memory_space<vmem_shared>>)
      tpu.yield
    }) : () -> ()
    %add3A_11 = arith.constant 256 : i32
    %add3A_12 = arith.addi %add3A, %add3A_11 : i32
    "tpu.region"() ({
      %run_scoped3A = tpu.sem_alloc : memref<!tpu.dma_semaphore, #tpu.memory_space<semaphore_mem>>
      %dma_start3A_68 = tpu.memref_slice %arg3[%add3A_12] : memref<65536xi32, #tpu.memory_space<hbm>> -> memref<256xi32, #tpu.memory_space<hbm>>
      %dma_start3A_69 = tpu.memref_slice %arg3[%add3A_12] : memref<65536xi32, #tpu.memory_space<hbm>> -> memref<256xi32, #tpu.memory_space<hbm>>
      tpu.enqueue_dma source(%dma_start3A_69 : memref<256xi32, #tpu.memory_space<hbm>>) target(%arg7 : memref<256xi32, #tpu.memory_space<vmem>>) target_semaphore(%run_scoped3A : memref<!tpu.dma_semaphore, #tpu.memory_space<semaphore_mem>>)
      %dma_wait3A_70 = tpu.memref_slice %arg3[%add3A_12] : memref<65536xi32, #tpu.memory_space<hbm>> -> memref<256xi32, #tpu.memory_space<hbm>>
      %dma_wait3A_71 = tpu.memref_slice %arg3[%add3A_12] : memref<65536xi32, #tpu.memory_space<hbm>> -> memref<256xi32, #tpu.memory_space<hbm>>
      tpu.wait_dma2 semaphore(%run_scoped3A : memref<!tpu.dma_semaphore, #tpu.memory_space<semaphore_mem>>) src(%dma_wait3A_71 : memref<256xi32, #tpu.memory_space<hbm>>) dst(%arg7 : memref<256xi32, #tpu.memory_space<vmem>>)
      tpu.yield
    }) : () -> ()
    "tpu.region"() ({
      %run_scoped3A = tpu.sem_alloc : memref<!tpu.dma_semaphore, #tpu.memory_space<semaphore_mem>>
      %dma_start3A_68 = tpu.memref_slice %arg4[%add3A_12] : memref<65536xi32, #tpu.memory_space<hbm>> -> memref<256xi32, #tpu.memory_space<hbm>>
      %dma_start3A_69 = tpu.memref_slice %arg4[%add3A_12] : memref<65536xi32, #tpu.memory_space<hbm>> -> memref<256xi32, #tpu.memory_space<hbm>>
      tpu.enqueue_dma source(%dma_start3A_69 : memref<256xi32, #tpu.memory_space<hbm>>) target(%arg8 : memref<256xi32, #tpu.memory_space<vmem>>) target_semaphore(%run_scoped3A : memref<!tpu.dma_semaphore, #tpu.memory_space<semaphore_mem>>)
      %dma_wait3A_70 = tpu.memref_slice %arg4[%add3A_12] : memref<65536xi32, #tpu.memory_space<hbm>> -> memref<256xi32, #tpu.memory_space<hbm>>
      %dma_wait3A_71 = tpu.memref_slice %arg4[%add3A_12] : memref<65536xi32, #tpu.memory_space<hbm>> -> memref<256xi32, #tpu.memory_space<hbm>>
      tpu.wait_dma2 semaphore(%run_scoped3A : memref<!tpu.dma_semaphore, #tpu.memory_space<semaphore_mem>>) src(%dma_wait3A_71 : memref<256xi32, #tpu.memory_space<hbm>>) dst(%arg8 : memref<256xi32, #tpu.memory_space<vmem>>)
      tpu.yield
    }) : () -> ()
    %dma_start3A_13 = arith.constant 0 : i32
    %dma_start3A_14 = arith.constant 0 : i32
    %dma_start3A_15 = tpu.memref_slice %arg11[%dma_start3A_13, %dma_start3A_14] : memref<4096x128xf32, #tpu.memory_space<vmem_shared>> -> memref<4096x128xf32, #tpu.memory_space<vmem_shared>>
    tpu.enqueue_indirect_dma source(%dma_start3A_15 : memref<4096x128xf32, #tpu.memory_space<vmem_shared>>) target(%arg9 : memref<256x128xf32, #tpu.memory_space<vmem>>) offsets(%arg7 : memref<256xi32, #tpu.memory_space<vmem>>) semaphore(%arg12 : memref<!tpu.dma_semaphore, #tpu.memory_space<semaphore_mem>>)
    %dma_wait3A_16 = arith.constant 0 : i32
    %dma_wait3A_17 = arith.constant 0 : i32
    %dma_wait3A_18 = tpu.memref_slice %arg11[%dma_wait3A_16, %dma_wait3A_17] : memref<4096x128xf32, #tpu.memory_space<vmem_shared>> -> memref<4096x128xf32, #tpu.memory_space<vmem_shared>>
    tpu.wait_indirect_dma semaphore(%arg12 : memref<!tpu.dma_semaphore, #tpu.memory_space<semaphore_mem>>) src(%dma_wait3A_18 : memref<4096x128xf32, #tpu.memory_space<vmem_shared>>) dst(%arg9 : memref<256x128xf32, #tpu.memory_space<vmem>>)
    "tpu.region"() ({
      %run_scoped3A = tpu.sem_alloc : memref<!tpu.dma_semaphore, #tpu.memory_space<semaphore_mem>>
      %dma_start3A_68 = arith.constant 0 : i32
      %dma_start3A_69 = arith.constant 0 : i32
      %dma_start3A_70 = tpu.memref_slice %arg10[%dma_start3A_68, %dma_start3A_69] : memref<4096x128xf32, #tpu.memory_space<vmem_shared>> -> memref<4096x128xf32, #tpu.memory_space<vmem_shared>>
      tpu.enqueue_indirect_dma source(%arg9 : memref<256x128xf32, #tpu.memory_space<vmem>>) target(%dma_start3A_70 : memref<4096x128xf32, #tpu.memory_space<vmem_shared>>) offsets(%arg8 : memref<256xi32, #tpu.memory_space<vmem>>) semaphore(%run_scoped3A : memref<!tpu.dma_semaphore, #tpu.memory_space<semaphore_mem>>) {add = true}
      %dma_wait3A_71 = arith.constant 0 : i32
      %dma_wait3A_72 = arith.constant 0 : i32
      %dma_wait3A_73 = tpu.memref_slice %arg10[%dma_wait3A_71, %dma_wait3A_72] : memref<4096x128xf32, #tpu.memory_space<vmem_shared>> -> memref<4096x128xf32, #tpu.memory_space<vmem_shared>>
      tpu.wait_indirect_dma semaphore(%run_scoped3A : memref<!tpu.dma_semaphore, #tpu.memory_space<semaphore_mem>>) src(%arg9 : memref<256x128xf32, #tpu.memory_space<vmem>>) dst(%dma_wait3A_73 : memref<4096x128xf32, #tpu.memory_space<vmem_shared>>)
      tpu.yield
    }) : () -> ()
    %add3A_19 = arith.constant 512 : i32
    %add3A_20 = arith.addi %add3A, %add3A_19 : i32
    "tpu.region"() ({
      %run_scoped3A = tpu.sem_alloc : memref<!tpu.dma_semaphore, #tpu.memory_space<semaphore_mem>>
      %dma_start3A_68 = tpu.memref_slice %arg3[%add3A_20] : memref<65536xi32, #tpu.memory_space<hbm>> -> memref<256xi32, #tpu.memory_space<hbm>>
      %dma_start3A_69 = tpu.memref_slice %arg3[%add3A_20] : memref<65536xi32, #tpu.memory_space<hbm>> -> memref<256xi32, #tpu.memory_space<hbm>>
      tpu.enqueue_dma source(%dma_start3A_69 : memref<256xi32, #tpu.memory_space<hbm>>) target(%arg7 : memref<256xi32, #tpu.memory_space<vmem>>) target_semaphore(%run_scoped3A : memref<!tpu.dma_semaphore, #tpu.memory_space<semaphore_mem>>)
      %dma_wait3A_70 = tpu.memref_slice %arg3[%add3A_20] : memref<65536xi32, #tpu.memory_space<hbm>> -> memref<256xi32, #tpu.memory_space<hbm>>
      %dma_wait3A_71 = tpu.memref_slice %arg3[%add3A_20] : memref<65536xi32, #tpu.memory_space<hbm>> -> memref<256xi32, #tpu.memory_space<hbm>>
      tpu.wait_dma2 semaphore(%run_scoped3A : memref<!tpu.dma_semaphore, #tpu.memory_space<semaphore_mem>>) src(%dma_wait3A_71 : memref<256xi32, #tpu.memory_space<hbm>>) dst(%arg7 : memref<256xi32, #tpu.memory_space<vmem>>)
      tpu.yield
    }) : () -> ()
    "tpu.region"() ({
      %run_scoped3A = tpu.sem_alloc : memref<!tpu.dma_semaphore, #tpu.memory_space<semaphore_mem>>
      %dma_start3A_68 = tpu.memref_slice %arg4[%add3A_20] : memref<65536xi32, #tpu.memory_space<hbm>> -> memref<256xi32, #tpu.memory_space<hbm>>
      %dma_start3A_69 = tpu.memref_slice %arg4[%add3A_20] : memref<65536xi32, #tpu.memory_space<hbm>> -> memref<256xi32, #tpu.memory_space<hbm>>
      tpu.enqueue_dma source(%dma_start3A_69 : memref<256xi32, #tpu.memory_space<hbm>>) target(%arg8 : memref<256xi32, #tpu.memory_space<vmem>>) target_semaphore(%run_scoped3A : memref<!tpu.dma_semaphore, #tpu.memory_space<semaphore_mem>>)
      %dma_wait3A_70 = tpu.memref_slice %arg4[%add3A_20] : memref<65536xi32, #tpu.memory_space<hbm>> -> memref<256xi32, #tpu.memory_space<hbm>>
      %dma_wait3A_71 = tpu.memref_slice %arg4[%add3A_20] : memref<65536xi32, #tpu.memory_space<hbm>> -> memref<256xi32, #tpu.memory_space<hbm>>
      tpu.wait_dma2 semaphore(%run_scoped3A : memref<!tpu.dma_semaphore, #tpu.memory_space<semaphore_mem>>) src(%dma_wait3A_71 : memref<256xi32, #tpu.memory_space<hbm>>) dst(%arg8 : memref<256xi32, #tpu.memory_space<vmem>>)
      tpu.yield
    }) : () -> ()
    %dma_start3A_21 = arith.constant 0 : i32
    %dma_start3A_22 = arith.constant 0 : i32
    %dma_start3A_23 = tpu.memref_slice %arg11[%dma_start3A_21, %dma_start3A_22] : memref<4096x128xf32, #tpu.memory_space<vmem_shared>> -> memref<4096x128xf32, #tpu.memory_space<vmem_shared>>
    tpu.enqueue_indirect_dma source(%dma_start3A_23 : memref<4096x128xf32, #tpu.memory_space<vmem_shared>>) target(%arg9 : memref<256x128xf32, #tpu.memory_space<vmem>>) offsets(%arg7 : memref<256xi32, #tpu.memory_space<vmem>>) semaphore(%arg12 : memref<!tpu.dma_semaphore, #tpu.memory_space<semaphore_mem>>)
    %dma_wait3A_24 = arith.constant 0 : i32
    %dma_wait3A_25 = arith.constant 0 : i32
    %dma_wait3A_26 = tpu.memref_slice %arg11[%dma_wait3A_24, %dma_wait3A_25] : memref<4096x128xf32, #tpu.memory_space<vmem_shared>> -> memref<4096x128xf32, #tpu.memory_space<vmem_shared>>
    tpu.wait_indirect_dma semaphore(%arg12 : memref<!tpu.dma_semaphore, #tpu.memory_space<semaphore_mem>>) src(%dma_wait3A_26 : memref<4096x128xf32, #tpu.memory_space<vmem_shared>>) dst(%arg9 : memref<256x128xf32, #tpu.memory_space<vmem>>)
    "tpu.region"() ({
      %run_scoped3A = tpu.sem_alloc : memref<!tpu.dma_semaphore, #tpu.memory_space<semaphore_mem>>
      %dma_start3A_68 = arith.constant 0 : i32
      %dma_start3A_69 = arith.constant 0 : i32
      %dma_start3A_70 = tpu.memref_slice %arg10[%dma_start3A_68, %dma_start3A_69] : memref<4096x128xf32, #tpu.memory_space<vmem_shared>> -> memref<4096x128xf32, #tpu.memory_space<vmem_shared>>
      tpu.enqueue_indirect_dma source(%arg9 : memref<256x128xf32, #tpu.memory_space<vmem>>) target(%dma_start3A_70 : memref<4096x128xf32, #tpu.memory_space<vmem_shared>>) offsets(%arg8 : memref<256xi32, #tpu.memory_space<vmem>>) semaphore(%run_scoped3A : memref<!tpu.dma_semaphore, #tpu.memory_space<semaphore_mem>>) {add = true}
      %dma_wait3A_71 = arith.constant 0 : i32
      %dma_wait3A_72 = arith.constant 0 : i32
      %dma_wait3A_73 = tpu.memref_slice %arg10[%dma_wait3A_71, %dma_wait3A_72] : memref<4096x128xf32, #tpu.memory_space<vmem_shared>> -> memref<4096x128xf32, #tpu.memory_space<vmem_shared>>
      tpu.wait_indirect_dma semaphore(%run_scoped3A : memref<!tpu.dma_semaphore, #tpu.memory_space<semaphore_mem>>) src(%arg9 : memref<256x128xf32, #tpu.memory_space<vmem>>) dst(%dma_wait3A_73 : memref<4096x128xf32, #tpu.memory_space<vmem_shared>>)
      tpu.yield
    }) : () -> ()
    %add3A_27 = arith.constant 768 : i32
    %add3A_28 = arith.addi %add3A, %add3A_27 : i32
    "tpu.region"() ({
      %run_scoped3A = tpu.sem_alloc : memref<!tpu.dma_semaphore, #tpu.memory_space<semaphore_mem>>
      %dma_start3A_68 = tpu.memref_slice %arg3[%add3A_28] : memref<65536xi32, #tpu.memory_space<hbm>> -> memref<256xi32, #tpu.memory_space<hbm>>
      %dma_start3A_69 = tpu.memref_slice %arg3[%add3A_28] : memref<65536xi32, #tpu.memory_space<hbm>> -> memref<256xi32, #tpu.memory_space<hbm>>
      tpu.enqueue_dma source(%dma_start3A_69 : memref<256xi32, #tpu.memory_space<hbm>>) target(%arg7 : memref<256xi32, #tpu.memory_space<vmem>>) target_semaphore(%run_scoped3A : memref<!tpu.dma_semaphore, #tpu.memory_space<semaphore_mem>>)
      %dma_wait3A_70 = tpu.memref_slice %arg3[%add3A_28] : memref<65536xi32, #tpu.memory_space<hbm>> -> memref<256xi32, #tpu.memory_space<hbm>>
      %dma_wait3A_71 = tpu.memref_slice %arg3[%add3A_28] : memref<65536xi32, #tpu.memory_space<hbm>> -> memref<256xi32, #tpu.memory_space<hbm>>
      tpu.wait_dma2 semaphore(%run_scoped3A : memref<!tpu.dma_semaphore, #tpu.memory_space<semaphore_mem>>) src(%dma_wait3A_71 : memref<256xi32, #tpu.memory_space<hbm>>) dst(%arg7 : memref<256xi32, #tpu.memory_space<vmem>>)
      tpu.yield
    }) : () -> ()
    "tpu.region"() ({
      %run_scoped3A = tpu.sem_alloc : memref<!tpu.dma_semaphore, #tpu.memory_space<semaphore_mem>>
      %dma_start3A_68 = tpu.memref_slice %arg4[%add3A_28] : memref<65536xi32, #tpu.memory_space<hbm>> -> memref<256xi32, #tpu.memory_space<hbm>>
      %dma_start3A_69 = tpu.memref_slice %arg4[%add3A_28] : memref<65536xi32, #tpu.memory_space<hbm>> -> memref<256xi32, #tpu.memory_space<hbm>>
      tpu.enqueue_dma source(%dma_start3A_69 : memref<256xi32, #tpu.memory_space<hbm>>) target(%arg8 : memref<256xi32, #tpu.memory_space<vmem>>) target_semaphore(%run_scoped3A : memref<!tpu.dma_semaphore, #tpu.memory_space<semaphore_mem>>)
      %dma_wait3A_70 = tpu.memref_slice %arg4[%add3A_28] : memref<65536xi32, #tpu.memory_space<hbm>> -> memref<256xi32, #tpu.memory_space<hbm>>
      %dma_wait3A_71 = tpu.memref_slice %arg4[%add3A_28] : memref<65536xi32, #tpu.memory_space<hbm>> -> memref<256xi32, #tpu.memory_space<hbm>>
      tpu.wait_dma2 semaphore(%run_scoped3A : memref<!tpu.dma_semaphore, #tpu.memory_space<semaphore_mem>>) src(%dma_wait3A_71 : memref<256xi32, #tpu.memory_space<hbm>>) dst(%arg8 : memref<256xi32, #tpu.memory_space<vmem>>)
      tpu.yield
    }) : () -> ()
    %dma_start3A_29 = arith.constant 0 : i32
    %dma_start3A_30 = arith.constant 0 : i32
    %dma_start3A_31 = tpu.memref_slice %arg11[%dma_start3A_29, %dma_start3A_30] : memref<4096x128xf32, #tpu.memory_space<vmem_shared>> -> memref<4096x128xf32, #tpu.memory_space<vmem_shared>>
    tpu.enqueue_indirect_dma source(%dma_start3A_31 : memref<4096x128xf32, #tpu.memory_space<vmem_shared>>) target(%arg9 : memref<256x128xf32, #tpu.memory_space<vmem>>) offsets(%arg7 : memref<256xi32, #tpu.memory_space<vmem>>) semaphore(%arg12 : memref<!tpu.dma_semaphore, #tpu.memory_space<semaphore_mem>>)
    %dma_wait3A_32 = arith.constant 0 : i32
    %dma_wait3A_33 = arith.constant 0 : i32
    %dma_wait3A_34 = tpu.memref_slice %arg11[%dma_wait3A_32, %dma_wait3A_33] : memref<4096x128xf32, #tpu.memory_space<vmem_shared>> -> memref<4096x128xf32, #tpu.memory_space<vmem_shared>>
    tpu.wait_indirect_dma semaphore(%arg12 : memref<!tpu.dma_semaphore, #tpu.memory_space<semaphore_mem>>) src(%dma_wait3A_34 : memref<4096x128xf32, #tpu.memory_space<vmem_shared>>) dst(%arg9 : memref<256x128xf32, #tpu.memory_space<vmem>>)
    "tpu.region"() ({
      %run_scoped3A = tpu.sem_alloc : memref<!tpu.dma_semaphore, #tpu.memory_space<semaphore_mem>>
      %dma_start3A_68 = arith.constant 0 : i32
      %dma_start3A_69 = arith.constant 0 : i32
      %dma_start3A_70 = tpu.memref_slice %arg10[%dma_start3A_68, %dma_start3A_69] : memref<4096x128xf32, #tpu.memory_space<vmem_shared>> -> memref<4096x128xf32, #tpu.memory_space<vmem_shared>>
      tpu.enqueue_indirect_dma source(%arg9 : memref<256x128xf32, #tpu.memory_space<vmem>>) target(%dma_start3A_70 : memref<4096x128xf32, #tpu.memory_space<vmem_shared>>) offsets(%arg8 : memref<256xi32, #tpu.memory_space<vmem>>) semaphore(%run_scoped3A : memref<!tpu.dma_semaphore, #tpu.memory_space<semaphore_mem>>) {add = true}
      %dma_wait3A_71 = arith.constant 0 : i32
      %dma_wait3A_72 = arith.constant 0 : i32
      %dma_wait3A_73 = tpu.memref_slice %arg10[%dma_wait3A_71, %dma_wait3A_72] : memref<4096x128xf32, #tpu.memory_space<vmem_shared>> -> memref<4096x128xf32, #tpu.memory_space<vmem_shared>>
      tpu.wait_indirect_dma semaphore(%run_scoped3A : memref<!tpu.dma_semaphore, #tpu.memory_space<semaphore_mem>>) src(%arg9 : memref<256x128xf32, #tpu.memory_space<vmem>>) dst(%dma_wait3A_73 : memref<4096x128xf32, #tpu.memory_space<vmem_shared>>)
      tpu.yield
    }) : () -> ()
    %add3A_35 = arith.constant 1024 : i32
    %add3A_36 = arith.addi %add3A, %add3A_35 : i32
    "tpu.region"() ({
      %run_scoped3A = tpu.sem_alloc : memref<!tpu.dma_semaphore, #tpu.memory_space<semaphore_mem>>
      %dma_start3A_68 = tpu.memref_slice %arg3[%add3A_36] : memref<65536xi32, #tpu.memory_space<hbm>> -> memref<256xi32, #tpu.memory_space<hbm>>
      %dma_start3A_69 = tpu.memref_slice %arg3[%add3A_36] : memref<65536xi32, #tpu.memory_space<hbm>> -> memref<256xi32, #tpu.memory_space<hbm>>
      tpu.enqueue_dma source(%dma_start3A_69 : memref<256xi32, #tpu.memory_space<hbm>>) target(%arg7 : memref<256xi32, #tpu.memory_space<vmem>>) target_semaphore(%run_scoped3A : memref<!tpu.dma_semaphore, #tpu.memory_space<semaphore_mem>>)
      %dma_wait3A_70 = tpu.memref_slice %arg3[%add3A_36] : memref<65536xi32, #tpu.memory_space<hbm>> -> memref<256xi32, #tpu.memory_space<hbm>>
      %dma_wait3A_71 = tpu.memref_slice %arg3[%add3A_36] : memref<65536xi32, #tpu.memory_space<hbm>> -> memref<256xi32, #tpu.memory_space<hbm>>
      tpu.wait_dma2 semaphore(%run_scoped3A : memref<!tpu.dma_semaphore, #tpu.memory_space<semaphore_mem>>) src(%dma_wait3A_71 : memref<256xi32, #tpu.memory_space<hbm>>) dst(%arg7 : memref<256xi32, #tpu.memory_space<vmem>>)
      tpu.yield
    }) : () -> ()
    "tpu.region"() ({
      %run_scoped3A = tpu.sem_alloc : memref<!tpu.dma_semaphore, #tpu.memory_space<semaphore_mem>>
      %dma_start3A_68 = tpu.memref_slice %arg4[%add3A_36] : memref<65536xi32, #tpu.memory_space<hbm>> -> memref<256xi32, #tpu.memory_space<hbm>>
      %dma_start3A_69 = tpu.memref_slice %arg4[%add3A_36] : memref<65536xi32, #tpu.memory_space<hbm>> -> memref<256xi32, #tpu.memory_space<hbm>>
      tpu.enqueue_dma source(%dma_start3A_69 : memref<256xi32, #tpu.memory_space<hbm>>) target(%arg8 : memref<256xi32, #tpu.memory_space<vmem>>) target_semaphore(%run_scoped3A : memref<!tpu.dma_semaphore, #tpu.memory_space<semaphore_mem>>)
      %dma_wait3A_70 = tpu.memref_slice %arg4[%add3A_36] : memref<65536xi32, #tpu.memory_space<hbm>> -> memref<256xi32, #tpu.memory_space<hbm>>
      %dma_wait3A_71 = tpu.memref_slice %arg4[%add3A_36] : memref<65536xi32, #tpu.memory_space<hbm>> -> memref<256xi32, #tpu.memory_space<hbm>>
      tpu.wait_dma2 semaphore(%run_scoped3A : memref<!tpu.dma_semaphore, #tpu.memory_space<semaphore_mem>>) src(%dma_wait3A_71 : memref<256xi32, #tpu.memory_space<hbm>>) dst(%arg8 : memref<256xi32, #tpu.memory_space<vmem>>)
      tpu.yield
    }) : () -> ()
    %dma_start3A_37 = arith.constant 0 : i32
    %dma_start3A_38 = arith.constant 0 : i32
    %dma_start3A_39 = tpu.memref_slice %arg11[%dma_start3A_37, %dma_start3A_38] : memref<4096x128xf32, #tpu.memory_space<vmem_shared>> -> memref<4096x128xf32, #tpu.memory_space<vmem_shared>>
    tpu.enqueue_indirect_dma source(%dma_start3A_39 : memref<4096x128xf32, #tpu.memory_space<vmem_shared>>) target(%arg9 : memref<256x128xf32, #tpu.memory_space<vmem>>) offsets(%arg7 : memref<256xi32, #tpu.memory_space<vmem>>) semaphore(%arg12 : memref<!tpu.dma_semaphore, #tpu.memory_space<semaphore_mem>>)
    %dma_wait3A_40 = arith.constant 0 : i32
    %dma_wait3A_41 = arith.constant 0 : i32
    %dma_wait3A_42 = tpu.memref_slice %arg11[%dma_wait3A_40, %dma_wait3A_41] : memref<4096x128xf32, #tpu.memory_space<vmem_shared>> -> memref<4096x128xf32, #tpu.memory_space<vmem_shared>>
    tpu.wait_indirect_dma semaphore(%arg12 : memref<!tpu.dma_semaphore, #tpu.memory_space<semaphore_mem>>) src(%dma_wait3A_42 : memref<4096x128xf32, #tpu.memory_space<vmem_shared>>) dst(%arg9 : memref<256x128xf32, #tpu.memory_space<vmem>>)
    "tpu.region"() ({
      %run_scoped3A = tpu.sem_alloc : memref<!tpu.dma_semaphore, #tpu.memory_space<semaphore_mem>>
      %dma_start3A_68 = arith.constant 0 : i32
      %dma_start3A_69 = arith.constant 0 : i32
      %dma_start3A_70 = tpu.memref_slice %arg10[%dma_start3A_68, %dma_start3A_69] : memref<4096x128xf32, #tpu.memory_space<vmem_shared>> -> memref<4096x128xf32, #tpu.memory_space<vmem_shared>>
      tpu.enqueue_indirect_dma source(%arg9 : memref<256x128xf32, #tpu.memory_space<vmem>>) target(%dma_start3A_70 : memref<4096x128xf32, #tpu.memory_space<vmem_shared>>) offsets(%arg8 : memref<256xi32, #tpu.memory_space<vmem>>) semaphore(%run_scoped3A : memref<!tpu.dma_semaphore, #tpu.memory_space<semaphore_mem>>) {add = true}
      %dma_wait3A_71 = arith.constant 0 : i32
      %dma_wait3A_72 = arith.constant 0 : i32
      %dma_wait3A_73 = tpu.memref_slice %arg10[%dma_wait3A_71, %dma_wait3A_72] : memref<4096x128xf32, #tpu.memory_space<vmem_shared>> -> memref<4096x128xf32, #tpu.memory_space<vmem_shared>>
      tpu.wait_indirect_dma semaphore(%run_scoped3A : memref<!tpu.dma_semaphore, #tpu.memory_space<semaphore_mem>>) src(%arg9 : memref<256x128xf32, #tpu.memory_space<vmem>>) dst(%dma_wait3A_73 : memref<4096x128xf32, #tpu.memory_space<vmem_shared>>)
      tpu.yield
    }) : () -> ()
    %add3A_43 = arith.constant 1280 : i32
    %add3A_44 = arith.addi %add3A, %add3A_43 : i32
    "tpu.region"() ({
      %run_scoped3A = tpu.sem_alloc : memref<!tpu.dma_semaphore, #tpu.memory_space<semaphore_mem>>
      %dma_start3A_68 = tpu.memref_slice %arg3[%add3A_44] : memref<65536xi32, #tpu.memory_space<hbm>> -> memref<256xi32, #tpu.memory_space<hbm>>
      %dma_start3A_69 = tpu.memref_slice %arg3[%add3A_44] : memref<65536xi32, #tpu.memory_space<hbm>> -> memref<256xi32, #tpu.memory_space<hbm>>
      tpu.enqueue_dma source(%dma_start3A_69 : memref<256xi32, #tpu.memory_space<hbm>>) target(%arg7 : memref<256xi32, #tpu.memory_space<vmem>>) target_semaphore(%run_scoped3A : memref<!tpu.dma_semaphore, #tpu.memory_space<semaphore_mem>>)
      %dma_wait3A_70 = tpu.memref_slice %arg3[%add3A_44] : memref<65536xi32, #tpu.memory_space<hbm>> -> memref<256xi32, #tpu.memory_space<hbm>>
      %dma_wait3A_71 = tpu.memref_slice %arg3[%add3A_44] : memref<65536xi32, #tpu.memory_space<hbm>> -> memref<256xi32, #tpu.memory_space<hbm>>
      tpu.wait_dma2 semaphore(%run_scoped3A : memref<!tpu.dma_semaphore, #tpu.memory_space<semaphore_mem>>) src(%dma_wait3A_71 : memref<256xi32, #tpu.memory_space<hbm>>) dst(%arg7 : memref<256xi32, #tpu.memory_space<vmem>>)
      tpu.yield
    }) : () -> ()
    "tpu.region"() ({
      %run_scoped3A = tpu.sem_alloc : memref<!tpu.dma_semaphore, #tpu.memory_space<semaphore_mem>>
      %dma_start3A_68 = tpu.memref_slice %arg4[%add3A_44] : memref<65536xi32, #tpu.memory_space<hbm>> -> memref<256xi32, #tpu.memory_space<hbm>>
      %dma_start3A_69 = tpu.memref_slice %arg4[%add3A_44] : memref<65536xi32, #tpu.memory_space<hbm>> -> memref<256xi32, #tpu.memory_space<hbm>>
      tpu.enqueue_dma source(%dma_start3A_69 : memref<256xi32, #tpu.memory_space<hbm>>) target(%arg8 : memref<256xi32, #tpu.memory_space<vmem>>) target_semaphore(%run_scoped3A : memref<!tpu.dma_semaphore, #tpu.memory_space<semaphore_mem>>)
      %dma_wait3A_70 = tpu.memref_slice %arg4[%add3A_44] : memref<65536xi32, #tpu.memory_space<hbm>> -> memref<256xi32, #tpu.memory_space<hbm>>
      %dma_wait3A_71 = tpu.memref_slice %arg4[%add3A_44] : memref<65536xi32, #tpu.memory_space<hbm>> -> memref<256xi32, #tpu.memory_space<hbm>>
      tpu.wait_dma2 semaphore(%run_scoped3A : memref<!tpu.dma_semaphore, #tpu.memory_space<semaphore_mem>>) src(%dma_wait3A_71 : memref<256xi32, #tpu.memory_space<hbm>>) dst(%arg8 : memref<256xi32, #tpu.memory_space<vmem>>)
      tpu.yield
    }) : () -> ()
    %dma_start3A_45 = arith.constant 0 : i32
    %dma_start3A_46 = arith.constant 0 : i32
    %dma_start3A_47 = tpu.memref_slice %arg11[%dma_start3A_45, %dma_start3A_46] : memref<4096x128xf32, #tpu.memory_space<vmem_shared>> -> memref<4096x128xf32, #tpu.memory_space<vmem_shared>>
    tpu.enqueue_indirect_dma source(%dma_start3A_47 : memref<4096x128xf32, #tpu.memory_space<vmem_shared>>) target(%arg9 : memref<256x128xf32, #tpu.memory_space<vmem>>) offsets(%arg7 : memref<256xi32, #tpu.memory_space<vmem>>) semaphore(%arg12 : memref<!tpu.dma_semaphore, #tpu.memory_space<semaphore_mem>>)
    %dma_wait3A_48 = arith.constant 0 : i32
    %dma_wait3A_49 = arith.constant 0 : i32
    %dma_wait3A_50 = tpu.memref_slice %arg11[%dma_wait3A_48, %dma_wait3A_49] : memref<4096x128xf32, #tpu.memory_space<vmem_shared>> -> memref<4096x128xf32, #tpu.memory_space<vmem_shared>>
    tpu.wait_indirect_dma semaphore(%arg12 : memref<!tpu.dma_semaphore, #tpu.memory_space<semaphore_mem>>) src(%dma_wait3A_50 : memref<4096x128xf32, #tpu.memory_space<vmem_shared>>) dst(%arg9 : memref<256x128xf32, #tpu.memory_space<vmem>>)
    "tpu.region"() ({
      %run_scoped3A = tpu.sem_alloc : memref<!tpu.dma_semaphore, #tpu.memory_space<semaphore_mem>>
      %dma_start3A_68 = arith.constant 0 : i32
      %dma_start3A_69 = arith.constant 0 : i32
      %dma_start3A_70 = tpu.memref_slice %arg10[%dma_start3A_68, %dma_start3A_69] : memref<4096x128xf32, #tpu.memory_space<vmem_shared>> -> memref<4096x128xf32, #tpu.memory_space<vmem_shared>>
      tpu.enqueue_indirect_dma source(%arg9 : memref<256x128xf32, #tpu.memory_space<vmem>>) target(%dma_start3A_70 : memref<4096x128xf32, #tpu.memory_space<vmem_shared>>) offsets(%arg8 : memref<256xi32, #tpu.memory_space<vmem>>) semaphore(%run_scoped3A : memref<!tpu.dma_semaphore, #tpu.memory_space<semaphore_mem>>) {add = true}
      %dma_wait3A_71 = arith.constant 0 : i32
      %dma_wait3A_72 = arith.constant 0 : i32
      %dma_wait3A_73 = tpu.memref_slice %arg10[%dma_wait3A_71, %dma_wait3A_72] : memref<4096x128xf32, #tpu.memory_space<vmem_shared>> -> memref<4096x128xf32, #tpu.memory_space<vmem_shared>>
      tpu.wait_indirect_dma semaphore(%run_scoped3A : memref<!tpu.dma_semaphore, #tpu.memory_space<semaphore_mem>>) src(%arg9 : memref<256x128xf32, #tpu.memory_space<vmem>>) dst(%dma_wait3A_73 : memref<4096x128xf32, #tpu.memory_space<vmem_shared>>)
      tpu.yield
    }) : () -> ()
    %add3A_51 = arith.constant 1536 : i32
    %add3A_52 = arith.addi %add3A, %add3A_51 : i32
    "tpu.region"() ({
      %run_scoped3A = tpu.sem_alloc : memref<!tpu.dma_semaphore, #tpu.memory_space<semaphore_mem>>
      %dma_start3A_68 = tpu.memref_slice %arg3[%add3A_52] : memref<65536xi32, #tpu.memory_space<hbm>> -> memref<256xi32, #tpu.memory_space<hbm>>
      %dma_start3A_69 = tpu.memref_slice %arg3[%add3A_52] : memref<65536xi32, #tpu.memory_space<hbm>> -> memref<256xi32, #tpu.memory_space<hbm>>
      tpu.enqueue_dma source(%dma_start3A_69 : memref<256xi32, #tpu.memory_space<hbm>>) target(%arg7 : memref<256xi32, #tpu.memory_space<vmem>>) target_semaphore(%run_scoped3A : memref<!tpu.dma_semaphore, #tpu.memory_space<semaphore_mem>>)
      %dma_wait3A_70 = tpu.memref_slice %arg3[%add3A_52] : memref<65536xi32, #tpu.memory_space<hbm>> -> memref<256xi32, #tpu.memory_space<hbm>>
      %dma_wait3A_71 = tpu.memref_slice %arg3[%add3A_52] : memref<65536xi32, #tpu.memory_space<hbm>> -> memref<256xi32, #tpu.memory_space<hbm>>
      tpu.wait_dma2 semaphore(%run_scoped3A : memref<!tpu.dma_semaphore, #tpu.memory_space<semaphore_mem>>) src(%dma_wait3A_71 : memref<256xi32, #tpu.memory_space<hbm>>) dst(%arg7 : memref<256xi32, #tpu.memory_space<vmem>>)
      tpu.yield
    }) : () -> ()
    "tpu.region"() ({
      %run_scoped3A = tpu.sem_alloc : memref<!tpu.dma_semaphore, #tpu.memory_space<semaphore_mem>>
      %dma_start3A_68 = tpu.memref_slice %arg4[%add3A_52] : memref<65536xi32, #tpu.memory_space<hbm>> -> memref<256xi32, #tpu.memory_space<hbm>>
      %dma_start3A_69 = tpu.memref_slice %arg4[%add3A_52] : memref<65536xi32, #tpu.memory_space<hbm>> -> memref<256xi32, #tpu.memory_space<hbm>>
      tpu.enqueue_dma source(%dma_start3A_69 : memref<256xi32, #tpu.memory_space<hbm>>) target(%arg8 : memref<256xi32, #tpu.memory_space<vmem>>) target_semaphore(%run_scoped3A : memref<!tpu.dma_semaphore, #tpu.memory_space<semaphore_mem>>)
      %dma_wait3A_70 = tpu.memref_slice %arg4[%add3A_52] : memref<65536xi32, #tpu.memory_space<hbm>> -> memref<256xi32, #tpu.memory_space<hbm>>
      %dma_wait3A_71 = tpu.memref_slice %arg4[%add3A_52] : memref<65536xi32, #tpu.memory_space<hbm>> -> memref<256xi32, #tpu.memory_space<hbm>>
      tpu.wait_dma2 semaphore(%run_scoped3A : memref<!tpu.dma_semaphore, #tpu.memory_space<semaphore_mem>>) src(%dma_wait3A_71 : memref<256xi32, #tpu.memory_space<hbm>>) dst(%arg8 : memref<256xi32, #tpu.memory_space<vmem>>)
      tpu.yield
    }) : () -> ()
    %dma_start3A_53 = arith.constant 0 : i32
    %dma_start3A_54 = arith.constant 0 : i32
    %dma_start3A_55 = tpu.memref_slice %arg11[%dma_start3A_53, %dma_start3A_54] : memref<4096x128xf32, #tpu.memory_space<vmem_shared>> -> memref<4096x128xf32, #tpu.memory_space<vmem_shared>>
    tpu.enqueue_indirect_dma source(%dma_start3A_55 : memref<4096x128xf32, #tpu.memory_space<vmem_shared>>) target(%arg9 : memref<256x128xf32, #tpu.memory_space<vmem>>) offsets(%arg7 : memref<256xi32, #tpu.memory_space<vmem>>) semaphore(%arg12 : memref<!tpu.dma_semaphore, #tpu.memory_space<semaphore_mem>>)
    %dma_wait3A_56 = arith.constant 0 : i32
    %dma_wait3A_57 = arith.constant 0 : i32
    %dma_wait3A_58 = tpu.memref_slice %arg11[%dma_wait3A_56, %dma_wait3A_57] : memref<4096x128xf32, #tpu.memory_space<vmem_shared>> -> memref<4096x128xf32, #tpu.memory_space<vmem_shared>>
    tpu.wait_indirect_dma semaphore(%arg12 : memref<!tpu.dma_semaphore, #tpu.memory_space<semaphore_mem>>) src(%dma_wait3A_58 : memref<4096x128xf32, #tpu.memory_space<vmem_shared>>) dst(%arg9 : memref<256x128xf32, #tpu.memory_space<vmem>>)
    "tpu.region"() ({
      %run_scoped3A = tpu.sem_alloc : memref<!tpu.dma_semaphore, #tpu.memory_space<semaphore_mem>>
      %dma_start3A_68 = arith.constant 0 : i32
      %dma_start3A_69 = arith.constant 0 : i32
      %dma_start3A_70 = tpu.memref_slice %arg10[%dma_start3A_68, %dma_start3A_69] : memref<4096x128xf32, #tpu.memory_space<vmem_shared>> -> memref<4096x128xf32, #tpu.memory_space<vmem_shared>>
      tpu.enqueue_indirect_dma source(%arg9 : memref<256x128xf32, #tpu.memory_space<vmem>>) target(%dma_start3A_70 : memref<4096x128xf32, #tpu.memory_space<vmem_shared>>) offsets(%arg8 : memref<256xi32, #tpu.memory_space<vmem>>) semaphore(%run_scoped3A : memref<!tpu.dma_semaphore, #tpu.memory_space<semaphore_mem>>) {add = true}
      %dma_wait3A_71 = arith.constant 0 : i32
      %dma_wait3A_72 = arith.constant 0 : i32
      %dma_wait3A_73 = tpu.memref_slice %arg10[%dma_wait3A_71, %dma_wait3A_72] : memref<4096x128xf32, #tpu.memory_space<vmem_shared>> -> memref<4096x128xf32, #tpu.memory_space<vmem_shared>>
      tpu.wait_indirect_dma semaphore(%run_scoped3A : memref<!tpu.dma_semaphore, #tpu.memory_space<semaphore_mem>>) src(%arg9 : memref<256x128xf32, #tpu.memory_space<vmem>>) dst(%dma_wait3A_73 : memref<4096x128xf32, #tpu.memory_space<vmem_shared>>)
      tpu.yield
    }) : () -> ()
    %add3A_59 = arith.constant 1792 : i32
    %add3A_60 = arith.addi %add3A, %add3A_59 : i32
    "tpu.region"() ({
      %run_scoped3A = tpu.sem_alloc : memref<!tpu.dma_semaphore, #tpu.memory_space<semaphore_mem>>
      %dma_start3A_68 = tpu.memref_slice %arg3[%add3A_60] : memref<65536xi32, #tpu.memory_space<hbm>> -> memref<256xi32, #tpu.memory_space<hbm>>
      %dma_start3A_69 = tpu.memref_slice %arg3[%add3A_60] : memref<65536xi32, #tpu.memory_space<hbm>> -> memref<256xi32, #tpu.memory_space<hbm>>
      tpu.enqueue_dma source(%dma_start3A_69 : memref<256xi32, #tpu.memory_space<hbm>>) target(%arg7 : memref<256xi32, #tpu.memory_space<vmem>>) target_semaphore(%run_scoped3A : memref<!tpu.dma_semaphore, #tpu.memory_space<semaphore_mem>>)
      %dma_wait3A_70 = tpu.memref_slice %arg3[%add3A_60] : memref<65536xi32, #tpu.memory_space<hbm>> -> memref<256xi32, #tpu.memory_space<hbm>>
      %dma_wait3A_71 = tpu.memref_slice %arg3[%add3A_60] : memref<65536xi32, #tpu.memory_space<hbm>> -> memref<256xi32, #tpu.memory_space<hbm>>
      tpu.wait_dma2 semaphore(%run_scoped3A : memref<!tpu.dma_semaphore, #tpu.memory_space<semaphore_mem>>) src(%dma_wait3A_71 : memref<256xi32, #tpu.memory_space<hbm>>) dst(%arg7 : memref<256xi32, #tpu.memory_space<vmem>>)
      tpu.yield
    }) : () -> ()
    "tpu.region"() ({
      %run_scoped3A = tpu.sem_alloc : memref<!tpu.dma_semaphore, #tpu.memory_space<semaphore_mem>>
      %dma_start3A_68 = tpu.memref_slice %arg4[%add3A_60] : memref<65536xi32, #tpu.memory_space<hbm>> -> memref<256xi32, #tpu.memory_space<hbm>>
      %dma_start3A_69 = tpu.memref_slice %arg4[%add3A_60] : memref<65536xi32, #tpu.memory_space<hbm>> -> memref<256xi32, #tpu.memory_space<hbm>>
      tpu.enqueue_dma source(%dma_start3A_69 : memref<256xi32, #tpu.memory_space<hbm>>) target(%arg8 : memref<256xi32, #tpu.memory_space<vmem>>) target_semaphore(%run_scoped3A : memref<!tpu.dma_semaphore, #tpu.memory_space<semaphore_mem>>)
      %dma_wait3A_70 = tpu.memref_slice %arg4[%add3A_60] : memref<65536xi32, #tpu.memory_space<hbm>> -> memref<256xi32, #tpu.memory_space<hbm>>
      %dma_wait3A_71 = tpu.memref_slice %arg4[%add3A_60] : memref<65536xi32, #tpu.memory_space<hbm>> -> memref<256xi32, #tpu.memory_space<hbm>>
      tpu.wait_dma2 semaphore(%run_scoped3A : memref<!tpu.dma_semaphore, #tpu.memory_space<semaphore_mem>>) src(%dma_wait3A_71 : memref<256xi32, #tpu.memory_space<hbm>>) dst(%arg8 : memref<256xi32, #tpu.memory_space<vmem>>)
      tpu.yield
    }) : () -> ()
    %dma_start3A_61 = arith.constant 0 : i32
    %dma_start3A_62 = arith.constant 0 : i32
    %dma_start3A_63 = tpu.memref_slice %arg11[%dma_start3A_61, %dma_start3A_62] : memref<4096x128xf32, #tpu.memory_space<vmem_shared>> -> memref<4096x128xf32, #tpu.memory_space<vmem_shared>>
    tpu.enqueue_indirect_dma source(%dma_start3A_63 : memref<4096x128xf32, #tpu.memory_space<vmem_shared>>) target(%arg9 : memref<256x128xf32, #tpu.memory_space<vmem>>) offsets(%arg7 : memref<256xi32, #tpu.memory_space<vmem>>) semaphore(%arg12 : memref<!tpu.dma_semaphore, #tpu.memory_space<semaphore_mem>>)
    %dma_wait3A_64 = arith.constant 0 : i32
    %dma_wait3A_65 = arith.constant 0 : i32
    %dma_wait3A_66 = tpu.memref_slice %arg11[%dma_wait3A_64, %dma_wait3A_65] : memref<4096x128xf32, #tpu.memory_space<vmem_shared>> -> memref<4096x128xf32, #tpu.memory_space<vmem_shared>>
    tpu.wait_indirect_dma semaphore(%arg12 : memref<!tpu.dma_semaphore, #tpu.memory_space<semaphore_mem>>) src(%dma_wait3A_66 : memref<4096x128xf32, #tpu.memory_space<vmem_shared>>) dst(%arg9 : memref<256x128xf32, #tpu.memory_space<vmem>>)
    "tpu.region"() ({
      %run_scoped3A = tpu.sem_alloc : memref<!tpu.dma_semaphore, #tpu.memory_space<semaphore_mem>>
      %dma_start3A_68 = arith.constant 0 : i32
      %dma_start3A_69 = arith.constant 0 : i32
      %dma_start3A_70 = tpu.memref_slice %arg10[%dma_start3A_68, %dma_start3A_69] : memref<4096x128xf32, #tpu.memory_space<vmem_shared>> -> memref<4096x128xf32, #tpu.memory_space<vmem_shared>>
      tpu.enqueue_indirect_dma source(%arg9 : memref<256x128xf32, #tpu.memory_space<vmem>>) target(%dma_start3A_70 : memref<4096x128xf32, #tpu.memory_space<vmem_shared>>) offsets(%arg8 : memref<256xi32, #tpu.memory_space<vmem>>) semaphore(%run_scoped3A : memref<!tpu.dma_semaphore, #tpu.memory_space<semaphore_mem>>) {add = true}
      %dma_wait3A_71 = arith.constant 0 : i32
      %dma_wait3A_72 = arith.constant 0 : i32
      %dma_wait3A_73 = tpu.memref_slice %arg10[%dma_wait3A_71, %dma_wait3A_72] : memref<4096x128xf32, #tpu.memory_space<vmem_shared>> -> memref<4096x128xf32, #tpu.memory_space<vmem_shared>>
      tpu.wait_indirect_dma semaphore(%run_scoped3A : memref<!tpu.dma_semaphore, #tpu.memory_space<semaphore_mem>>) src(%arg9 : memref<256x128xf32, #tpu.memory_space<vmem>>) dst(%dma_wait3A_73 : memref<4096x128xf32, #tpu.memory_space<vmem_shared>>)
      tpu.yield
    }) : () -> ()
    %barrier3A_67 = arith.constant 0 : index
    tpu.barrier barrier_id(%barrier3A_67)
    "tpu.region"() ({
      %run_scoped3A = tpu.sem_alloc : memref<!tpu.dma_semaphore, #tpu.memory_space<semaphore_mem>>
      %dma_start3A_68 = arith.constant 0 : i32
      %dma_start3A_69 = arith.constant 0 : i32
      %dma_start3A_70 = tpu.memref_slice %arg6[%arg0, %dma_start3A_68, %dma_start3A_69] : memref<2x4096x128xf32, #tpu.memory_space<hbm>> -> memref<1x4096x128xf32, #tpu.memory_space<hbm>>
      %dma_start3A_71 = tpu.memref_squeeze %dma_start3A_70 : memref<1x4096x128xf32, #tpu.memory_space<hbm>> -> memref<4096x128xf32, #tpu.memory_space<hbm>>
      %dma_start3A_72 = arith.constant 0 : i32
      %dma_start3A_73 = tpu.memref_slice %dma_start3A_71[%mul3A_0, %dma_start3A_72] : memref<4096x128xf32, #tpu.memory_space<hbm>> -> memref<256x128xf32, #tpu.memory_space<hbm>>
      %dma_start3A_74 = arith.constant 0 : i32
      %dma_start3A_75 = tpu.memref_slice %arg10[%mul3A_0, %dma_start3A_74] : memref<4096x128xf32, #tpu.memory_space<vmem_shared>> -> memref<256x128xf32, #tpu.memory_space<vmem_shared>>
      tpu.enqueue_dma source(%dma_start3A_75 : memref<256x128xf32, #tpu.memory_space<vmem_shared>>) target(%dma_start3A_73 : memref<256x128xf32, #tpu.memory_space<hbm>>) target_semaphore(%run_scoped3A : memref<!tpu.dma_semaphore, #tpu.memory_space<semaphore_mem>>)
      %dma_wait3A_76 = arith.constant 0 : i32
      %dma_wait3A_77 = arith.constant 0 : i32
      %dma_wait3A_78 = tpu.memref_slice %arg6[%arg0, %dma_wait3A_76, %dma_wait3A_77] : memref<2x4096x128xf32, #tpu.memory_space<hbm>> -> memref<1x4096x128xf32, #tpu.memory_space<hbm>>
      %dma_wait3A_79 = tpu.memref_squeeze %dma_wait3A_78 : memref<1x4096x128xf32, #tpu.memory_space<hbm>> -> memref<4096x128xf32, #tpu.memory_space<hbm>>
      %dma_wait3A_80 = arith.constant 0 : i32
      %dma_wait3A_81 = tpu.memref_slice %dma_wait3A_79[%mul3A_0, %dma_wait3A_80] : memref<4096x128xf32, #tpu.memory_space<hbm>> -> memref<256x128xf32, #tpu.memory_space<hbm>>
      %dma_wait3A_82 = arith.constant 0 : i32
      %dma_wait3A_83 = tpu.memref_slice %arg10[%mul3A_0, %dma_wait3A_82] : memref<4096x128xf32, #tpu.memory_space<vmem_shared>> -> memref<256x128xf32, #tpu.memory_space<vmem_shared>>
      tpu.wait_dma2 semaphore(%run_scoped3A : memref<!tpu.dma_semaphore, #tpu.memory_space<semaphore_mem>>) src(%dma_wait3A_83 : memref<256x128xf32, #tpu.memory_space<vmem_shared>>) dst(%dma_wait3A_81 : memref<256x128xf32, #tpu.memory_space<hbm>>)
      tpu.yield
    }) : () -> ()
    return
  }
}

#map = affine_map<(d0, d1) -> (0)>
#map1 = affine_map<(d0, d1) -> (0, 0)>
#map2 = affine_map<(d0, d1) -> (0, 0, 0)>
module attributes {stable_mosaic.version = 14 : i64} {
  func.func @k(%arg0: i32, %arg1: i32, %arg2: memref<65536xi32, #tpu.memory_space<hbm>>, %arg3: memref<65536xi32, #tpu.memory_space<hbm>>, %arg4: memref<4096x128xf32, #tpu.memory_space<hbm>>, %arg5: memref<128x128xf32, #tpu.memory_space<hbm>>, %arg6: memref<2x4096x128xf32, #tpu.memory_space<hbm>>, %arg7: memref<2x4096x128xf32, #tpu.memory_space<hbm>>, %arg8: memref<128xi32, #tpu.memory_space<vmem>>, %arg9: memref<128x128xf32, #tpu.memory_space<vmem>>, %arg10: memref<4096x128xf32, #tpu.memory_space<vmem_shared>>, %arg11: memref<4096x128xf32, #tpu.memory_space<vmem_shared>>) attributes {dimension_semantics = [#tpu.dimension_semantics<core_parallel>, #tpu.dimension_semantics<subcore_parallel>], iteration_bounds = array<i64: 2, 16>, scalar_prefetch = 0 : i64, scratch_operands = 4 : i64, tpu.core_type = #tpu.core_type<sc_vector_subcore>, window_params = [{transform_indices = #map}, {transform_indices = #map}, {transform_indices = #map1}, {transform_indices = #map1}, {transform_indices = #map2}, {transform_indices = #map2}]} {
    %mul3A = arith.constant 256 : i32
    %mul3A_0 = arith.muli %arg1, %mul3A : i32
    "tpu.region"() ({
      %run_scoped3A = tpu.sem_alloc : memref<!tpu.dma_semaphore, #tpu.memory_space<semaphore_mem>>
      %dma_start3A = arith.constant 0 : i32
      %dma_start3A_70 = tpu.memref_slice %arg10[%mul3A_0, %dma_start3A] : memref<4096x128xf32, #tpu.memory_space<vmem_shared>> -> memref<256x128xf32, #tpu.memory_space<vmem_shared>>
      %dma_start3A_71 = arith.constant 0 : i32
      %dma_start3A_72 = tpu.memref_slice %arg4[%mul3A_0, %dma_start3A_71] : memref<4096x128xf32, #tpu.memory_space<hbm>> -> memref<256x128xf32, #tpu.memory_space<hbm>>
      tpu.enqueue_dma source(%dma_start3A_72 : memref<256x128xf32, #tpu.memory_space<hbm>>) target(%dma_start3A_70 : memref<256x128xf32, #tpu.memory_space<vmem_shared>>) target_semaphore(%run_scoped3A : memref<!tpu.dma_semaphore, #tpu.memory_space<semaphore_mem>>)
      %dma_wait3A = arith.constant 0 : i32
      %dma_wait3A_73 = tpu.memref_slice %arg10[%mul3A_0, %dma_wait3A] : memref<4096x128xf32, #tpu.memory_space<vmem_shared>> -> memref<256x128xf32, #tpu.memory_space<vmem_shared>>
      %dma_wait3A_74 = arith.constant 0 : i32
      %dma_wait3A_75 = tpu.memref_slice %arg4[%mul3A_0, %dma_wait3A_74] : memref<4096x128xf32, #tpu.memory_space<hbm>> -> memref<256x128xf32, #tpu.memory_space<hbm>>
      tpu.wait_dma2 semaphore(%run_scoped3A : memref<!tpu.dma_semaphore, #tpu.memory_space<semaphore_mem>>) src(%dma_wait3A_75 : memref<256x128xf32, #tpu.memory_space<hbm>>) dst(%dma_wait3A_73 : memref<256x128xf32, #tpu.memory_space<vmem_shared>>)
      tpu.yield
    }) : () -> ()
    "tpu.region"() ({
      %run_scoped3A = tpu.sem_alloc : memref<!tpu.dma_semaphore, #tpu.memory_space<semaphore_mem>>
      %dma_start3A = arith.constant 0 : i32
      %dma_start3A_70 = tpu.memref_slice %arg11[%mul3A_0, %dma_start3A] : memref<4096x128xf32, #tpu.memory_space<vmem_shared>> -> memref<256x128xf32, #tpu.memory_space<vmem_shared>>
      %dma_start3A_71 = arith.constant 0 : i32
      %dma_start3A_72 = tpu.memref_slice %arg4[%mul3A_0, %dma_start3A_71] : memref<4096x128xf32, #tpu.memory_space<hbm>> -> memref<256x128xf32, #tpu.memory_space<hbm>>
      tpu.enqueue_dma source(%dma_start3A_72 : memref<256x128xf32, #tpu.memory_space<hbm>>) target(%dma_start3A_70 : memref<256x128xf32, #tpu.memory_space<vmem_shared>>) target_semaphore(%run_scoped3A : memref<!tpu.dma_semaphore, #tpu.memory_space<semaphore_mem>>)
      %dma_wait3A = arith.constant 0 : i32
      %dma_wait3A_73 = tpu.memref_slice %arg11[%mul3A_0, %dma_wait3A] : memref<4096x128xf32, #tpu.memory_space<vmem_shared>> -> memref<256x128xf32, #tpu.memory_space<vmem_shared>>
      %dma_wait3A_74 = arith.constant 0 : i32
      %dma_wait3A_75 = tpu.memref_slice %arg4[%mul3A_0, %dma_wait3A_74] : memref<4096x128xf32, #tpu.memory_space<hbm>> -> memref<256x128xf32, #tpu.memory_space<hbm>>
      tpu.wait_dma2 semaphore(%run_scoped3A : memref<!tpu.dma_semaphore, #tpu.memory_space<semaphore_mem>>) src(%dma_wait3A_75 : memref<256x128xf32, #tpu.memory_space<hbm>>) dst(%dma_wait3A_73 : memref<256x128xf32, #tpu.memory_space<vmem_shared>>)
      tpu.yield
    }) : () -> ()
    "tpu.region"() ({
      %run_scoped3A = tpu.sem_alloc : memref<!tpu.dma_semaphore, #tpu.memory_space<semaphore_mem>>
      tpu.enqueue_dma source(%arg5 : memref<128x128xf32, #tpu.memory_space<hbm>>) target(%arg9 : memref<128x128xf32, #tpu.memory_space<vmem>>) target_semaphore(%run_scoped3A : memref<!tpu.dma_semaphore, #tpu.memory_space<semaphore_mem>>)
      tpu.wait_dma2 semaphore(%run_scoped3A : memref<!tpu.dma_semaphore, #tpu.memory_space<semaphore_mem>>) src(%arg5 : memref<128x128xf32, #tpu.memory_space<hbm>>) dst(%arg9 : memref<128x128xf32, #tpu.memory_space<vmem>>)
      tpu.yield
    }) : () -> ()
    %barrier3A = arith.constant 0 : index
    tpu.barrier barrier_id(%barrier3A)
    %mul3A_1 = arith.constant 32768 : i32
    %mul3A_2 = arith.muli %arg0, %mul3A_1 : i32
    %mul3A_3 = arith.constant 2048 : i32
    %mul3A_4 = arith.muli %arg1, %mul3A_3 : i32
    %add3A = arith.addi %mul3A_2, %mul3A_4 : i32
    %add3A_5 = arith.constant 0 : i32
    %add3A_6 = arith.addi %add3A, %add3A_5 : i32
    "tpu.region"() ({
      %run_scoped3A = tpu.sem_alloc : memref<!tpu.dma_semaphore, #tpu.memory_space<semaphore_mem>>
      %dma_start3A = tpu.memref_slice %arg2[%add3A_6] : memref<65536xi32, #tpu.memory_space<hbm>> -> memref<128xi32, #tpu.memory_space<hbm>>
      %dma_start3A_70 = tpu.memref_slice %arg2[%add3A_6] : memref<65536xi32, #tpu.memory_space<hbm>> -> memref<128xi32, #tpu.memory_space<hbm>>
      tpu.enqueue_dma source(%dma_start3A_70 : memref<128xi32, #tpu.memory_space<hbm>>) target(%arg8 : memref<128xi32, #tpu.memory_space<vmem>>) target_semaphore(%run_scoped3A : memref<!tpu.dma_semaphore, #tpu.memory_space<semaphore_mem>>)
      %dma_wait3A = tpu.memref_slice %arg2[%add3A_6] : memref<65536xi32, #tpu.memory_space<hbm>> -> memref<128xi32, #tpu.memory_space<hbm>>
      %dma_wait3A_71 = tpu.memref_slice %arg2[%add3A_6] : memref<65536xi32, #tpu.memory_space<hbm>> -> memref<128xi32, #tpu.memory_space<hbm>>
      tpu.wait_dma2 semaphore(%run_scoped3A : memref<!tpu.dma_semaphore, #tpu.memory_space<semaphore_mem>>) src(%dma_wait3A_71 : memref<128xi32, #tpu.memory_space<hbm>>) dst(%arg8 : memref<128xi32, #tpu.memory_space<vmem>>)
      tpu.yield
    }) : () -> ()
    "tpu.region"() ({
      %run_scoped3A = tpu.sem_alloc : memref<!tpu.dma_semaphore, #tpu.memory_space<semaphore_mem>>
      %dma_start3A = arith.constant 0 : i32
      %dma_start3A_70 = arith.constant 0 : i32
      %dma_start3A_71 = tpu.memref_slice %arg10[%dma_start3A, %dma_start3A_70] : memref<4096x128xf32, #tpu.memory_space<vmem_shared>> -> memref<4096x128xf32, #tpu.memory_space<vmem_shared>>
      tpu.enqueue_indirect_dma source(%arg9 : memref<128x128xf32, #tpu.memory_space<vmem>>) target(%dma_start3A_71 : memref<4096x128xf32, #tpu.memory_space<vmem_shared>>) offsets(%arg8 : memref<128xi32, #tpu.memory_space<vmem>>) semaphore(%run_scoped3A : memref<!tpu.dma_semaphore, #tpu.memory_space<semaphore_mem>>) {add = true}
      %dma_wait3A = arith.constant 0 : i32
      %dma_wait3A_72 = arith.constant 0 : i32
      %dma_wait3A_73 = tpu.memref_slice %arg10[%dma_wait3A, %dma_wait3A_72] : memref<4096x128xf32, #tpu.memory_space<vmem_shared>> -> memref<4096x128xf32, #tpu.memory_space<vmem_shared>>
      tpu.wait_indirect_dma semaphore(%run_scoped3A : memref<!tpu.dma_semaphore, #tpu.memory_space<semaphore_mem>>) src(%arg9 : memref<128x128xf32, #tpu.memory_space<vmem>>) dst(%dma_wait3A_73 : memref<4096x128xf32, #tpu.memory_space<vmem_shared>>)
      tpu.yield
    }) : () -> ()
    %add3A_7 = arith.constant 0 : i32
    %add3A_8 = arith.addi %add3A, %add3A_7 : i32
    "tpu.region"() ({
      %run_scoped3A = tpu.sem_alloc : memref<!tpu.dma_semaphore, #tpu.memory_space<semaphore_mem>>
      %dma_start3A = tpu.memref_slice %arg3[%add3A_8] : memref<65536xi32, #tpu.memory_space<hbm>> -> memref<128xi32, #tpu.memory_space<hbm>>
      %dma_start3A_70 = tpu.memref_slice %arg3[%add3A_8] : memref<65536xi32, #tpu.memory_space<hbm>> -> memref<128xi32, #tpu.memory_space<hbm>>
      tpu.enqueue_dma source(%dma_start3A_70 : memref<128xi32, #tpu.memory_space<hbm>>) target(%arg8 : memref<128xi32, #tpu.memory_space<vmem>>) target_semaphore(%run_scoped3A : memref<!tpu.dma_semaphore, #tpu.memory_space<semaphore_mem>>)
      %dma_wait3A = tpu.memref_slice %arg3[%add3A_8] : memref<65536xi32, #tpu.memory_space<hbm>> -> memref<128xi32, #tpu.memory_space<hbm>>
      %dma_wait3A_71 = tpu.memref_slice %arg3[%add3A_8] : memref<65536xi32, #tpu.memory_space<hbm>> -> memref<128xi32, #tpu.memory_space<hbm>>
      tpu.wait_dma2 semaphore(%run_scoped3A : memref<!tpu.dma_semaphore, #tpu.memory_space<semaphore_mem>>) src(%dma_wait3A_71 : memref<128xi32, #tpu.memory_space<hbm>>) dst(%arg8 : memref<128xi32, #tpu.memory_space<vmem>>)
      tpu.yield
    }) : () -> ()
    "tpu.region"() ({
      %run_scoped3A = tpu.sem_alloc : memref<!tpu.dma_semaphore, #tpu.memory_space<semaphore_mem>>
      %dma_start3A = arith.constant 0 : i32
      %dma_start3A_70 = arith.constant 0 : i32
      %dma_start3A_71 = tpu.memref_slice %arg11[%dma_start3A, %dma_start3A_70] : memref<4096x128xf32, #tpu.memory_space<vmem_shared>> -> memref<4096x128xf32, #tpu.memory_space<vmem_shared>>
      tpu.enqueue_indirect_dma source(%arg9 : memref<128x128xf32, #tpu.memory_space<vmem>>) target(%dma_start3A_71 : memref<4096x128xf32, #tpu.memory_space<vmem_shared>>) offsets(%arg8 : memref<128xi32, #tpu.memory_space<vmem>>) semaphore(%run_scoped3A : memref<!tpu.dma_semaphore, #tpu.memory_space<semaphore_mem>>) {add = true}
      %dma_wait3A = arith.constant 0 : i32
      %dma_wait3A_72 = arith.constant 0 : i32
      %dma_wait3A_73 = tpu.memref_slice %arg11[%dma_wait3A, %dma_wait3A_72] : memref<4096x128xf32, #tpu.memory_space<vmem_shared>> -> memref<4096x128xf32, #tpu.memory_space<vmem_shared>>
      tpu.wait_indirect_dma semaphore(%run_scoped3A : memref<!tpu.dma_semaphore, #tpu.memory_space<semaphore_mem>>) src(%arg9 : memref<128x128xf32, #tpu.memory_space<vmem>>) dst(%dma_wait3A_73 : memref<4096x128xf32, #tpu.memory_space<vmem_shared>>)
      tpu.yield
    }) : () -> ()
    %add3A_9 = arith.constant 128 : i32
    %add3A_10 = arith.addi %add3A, %add3A_9 : i32
    "tpu.region"() ({
      %run_scoped3A = tpu.sem_alloc : memref<!tpu.dma_semaphore, #tpu.memory_space<semaphore_mem>>
      %dma_start3A = tpu.memref_slice %arg2[%add3A_10] : memref<65536xi32, #tpu.memory_space<hbm>> -> memref<128xi32, #tpu.memory_space<hbm>>
      %dma_start3A_70 = tpu.memref_slice %arg2[%add3A_10] : memref<65536xi32, #tpu.memory_space<hbm>> -> memref<128xi32, #tpu.memory_space<hbm>>
      tpu.enqueue_dma source(%dma_start3A_70 : memref<128xi32, #tpu.memory_space<hbm>>) target(%arg8 : memref<128xi32, #tpu.memory_space<vmem>>) target_semaphore(%run_scoped3A : memref<!tpu.dma_semaphore, #tpu.memory_space<semaphore_mem>>)
      %dma_wait3A = tpu.memref_slice %arg2[%add3A_10] : memref<65536xi32, #tpu.memory_space<hbm>> -> memref<128xi32, #tpu.memory_space<hbm>>
      %dma_wait3A_71 = tpu.memref_slice %arg2[%add3A_10] : memref<65536xi32, #tpu.memory_space<hbm>> -> memref<128xi32, #tpu.memory_space<hbm>>
      tpu.wait_dma2 semaphore(%run_scoped3A : memref<!tpu.dma_semaphore, #tpu.memory_space<semaphore_mem>>) src(%dma_wait3A_71 : memref<128xi32, #tpu.memory_space<hbm>>) dst(%arg8 : memref<128xi32, #tpu.memory_space<vmem>>)
      tpu.yield
    }) : () -> ()
    "tpu.region"() ({
      %run_scoped3A = tpu.sem_alloc : memref<!tpu.dma_semaphore, #tpu.memory_space<semaphore_mem>>
      %dma_start3A = arith.constant 0 : i32
      %dma_start3A_70 = arith.constant 0 : i32
      %dma_start3A_71 = tpu.memref_slice %arg10[%dma_start3A, %dma_start3A_70] : memref<4096x128xf32, #tpu.memory_space<vmem_shared>> -> memref<4096x128xf32, #tpu.memory_space<vmem_shared>>
      tpu.enqueue_indirect_dma source(%arg9 : memref<128x128xf32, #tpu.memory_space<vmem>>) target(%dma_start3A_71 : memref<4096x128xf32, #tpu.memory_space<vmem_shared>>) offsets(%arg8 : memref<128xi32, #tpu.memory_space<vmem>>) semaphore(%run_scoped3A : memref<!tpu.dma_semaphore, #tpu.memory_space<semaphore_mem>>) {add = true}
      %dma_wait3A = arith.constant 0 : i32
      %dma_wait3A_72 = arith.constant 0 : i32
      %dma_wait3A_73 = tpu.memref_slice %arg10[%dma_wait3A, %dma_wait3A_72] : memref<4096x128xf32, #tpu.memory_space<vmem_shared>> -> memref<4096x128xf32, #tpu.memory_space<vmem_shared>>
      tpu.wait_indirect_dma semaphore(%run_scoped3A : memref<!tpu.dma_semaphore, #tpu.memory_space<semaphore_mem>>) src(%arg9 : memref<128x128xf32, #tpu.memory_space<vmem>>) dst(%dma_wait3A_73 : memref<4096x128xf32, #tpu.memory_space<vmem_shared>>)
      tpu.yield
    }) : () -> ()
    %add3A_11 = arith.constant 128 : i32
    %add3A_12 = arith.addi %add3A, %add3A_11 : i32
    "tpu.region"() ({
      %run_scoped3A = tpu.sem_alloc : memref<!tpu.dma_semaphore, #tpu.memory_space<semaphore_mem>>
      %dma_start3A = tpu.memref_slice %arg3[%add3A_12] : memref<65536xi32, #tpu.memory_space<hbm>> -> memref<128xi32, #tpu.memory_space<hbm>>
      %dma_start3A_70 = tpu.memref_slice %arg3[%add3A_12] : memref<65536xi32, #tpu.memory_space<hbm>> -> memref<128xi32, #tpu.memory_space<hbm>>
      tpu.enqueue_dma source(%dma_start3A_70 : memref<128xi32, #tpu.memory_space<hbm>>) target(%arg8 : memref<128xi32, #tpu.memory_space<vmem>>) target_semaphore(%run_scoped3A : memref<!tpu.dma_semaphore, #tpu.memory_space<semaphore_mem>>)
      %dma_wait3A = tpu.memref_slice %arg3[%add3A_12] : memref<65536xi32, #tpu.memory_space<hbm>> -> memref<128xi32, #tpu.memory_space<hbm>>
      %dma_wait3A_71 = tpu.memref_slice %arg3[%add3A_12] : memref<65536xi32, #tpu.memory_space<hbm>> -> memref<128xi32, #tpu.memory_space<hbm>>
      tpu.wait_dma2 semaphore(%run_scoped3A : memref<!tpu.dma_semaphore, #tpu.memory_space<semaphore_mem>>) src(%dma_wait3A_71 : memref<128xi32, #tpu.memory_space<hbm>>) dst(%arg8 : memref<128xi32, #tpu.memory_space<vmem>>)
      tpu.yield
    }) : () -> ()
    "tpu.region"() ({
      %run_scoped3A = tpu.sem_alloc : memref<!tpu.dma_semaphore, #tpu.memory_space<semaphore_mem>>
      %dma_start3A = arith.constant 0 : i32
      %dma_start3A_70 = arith.constant 0 : i32
      %dma_start3A_71 = tpu.memref_slice %arg11[%dma_start3A, %dma_start3A_70] : memref<4096x128xf32, #tpu.memory_space<vmem_shared>> -> memref<4096x128xf32, #tpu.memory_space<vmem_shared>>
      tpu.enqueue_indirect_dma source(%arg9 : memref<128x128xf32, #tpu.memory_space<vmem>>) target(%dma_start3A_71 : memref<4096x128xf32, #tpu.memory_space<vmem_shared>>) offsets(%arg8 : memref<128xi32, #tpu.memory_space<vmem>>) semaphore(%run_scoped3A : memref<!tpu.dma_semaphore, #tpu.memory_space<semaphore_mem>>) {add = true}
      %dma_wait3A = arith.constant 0 : i32
      %dma_wait3A_72 = arith.constant 0 : i32
      %dma_wait3A_73 = tpu.memref_slice %arg11[%dma_wait3A, %dma_wait3A_72] : memref<4096x128xf32, #tpu.memory_space<vmem_shared>> -> memref<4096x128xf32, #tpu.memory_space<vmem_shared>>
      tpu.wait_indirect_dma semaphore(%run_scoped3A : memref<!tpu.dma_semaphore, #tpu.memory_space<semaphore_mem>>) src(%arg9 : memref<128x128xf32, #tpu.memory_space<vmem>>) dst(%dma_wait3A_73 : memref<4096x128xf32, #tpu.memory_space<vmem_shared>>)
      tpu.yield
    }) : () -> ()
    %add3A_13 = arith.constant 256 : i32
    %add3A_14 = arith.addi %add3A, %add3A_13 : i32
    "tpu.region"() ({
      %run_scoped3A = tpu.sem_alloc : memref<!tpu.dma_semaphore, #tpu.memory_space<semaphore_mem>>
      %dma_start3A = tpu.memref_slice %arg2[%add3A_14] : memref<65536xi32, #tpu.memory_space<hbm>> -> memref<128xi32, #tpu.memory_space<hbm>>
      %dma_start3A_70 = tpu.memref_slice %arg2[%add3A_14] : memref<65536xi32, #tpu.memory_space<hbm>> -> memref<128xi32, #tpu.memory_space<hbm>>
      tpu.enqueue_dma source(%dma_start3A_70 : memref<128xi32, #tpu.memory_space<hbm>>) target(%arg8 : memref<128xi32, #tpu.memory_space<vmem>>) target_semaphore(%run_scoped3A : memref<!tpu.dma_semaphore, #tpu.memory_space<semaphore_mem>>)
      %dma_wait3A = tpu.memref_slice %arg2[%add3A_14] : memref<65536xi32, #tpu.memory_space<hbm>> -> memref<128xi32, #tpu.memory_space<hbm>>
      %dma_wait3A_71 = tpu.memref_slice %arg2[%add3A_14] : memref<65536xi32, #tpu.memory_space<hbm>> -> memref<128xi32, #tpu.memory_space<hbm>>
      tpu.wait_dma2 semaphore(%run_scoped3A : memref<!tpu.dma_semaphore, #tpu.memory_space<semaphore_mem>>) src(%dma_wait3A_71 : memref<128xi32, #tpu.memory_space<hbm>>) dst(%arg8 : memref<128xi32, #tpu.memory_space<vmem>>)
      tpu.yield
    }) : () -> ()
    "tpu.region"() ({
      %run_scoped3A = tpu.sem_alloc : memref<!tpu.dma_semaphore, #tpu.memory_space<semaphore_mem>>
      %dma_start3A = arith.constant 0 : i32
      %dma_start3A_70 = arith.constant 0 : i32
      %dma_start3A_71 = tpu.memref_slice %arg10[%dma_start3A, %dma_start3A_70] : memref<4096x128xf32, #tpu.memory_space<vmem_shared>> -> memref<4096x128xf32, #tpu.memory_space<vmem_shared>>
      tpu.enqueue_indirect_dma source(%arg9 : memref<128x128xf32, #tpu.memory_space<vmem>>) target(%dma_start3A_71 : memref<4096x128xf32, #tpu.memory_space<vmem_shared>>) offsets(%arg8 : memref<128xi32, #tpu.memory_space<vmem>>) semaphore(%run_scoped3A : memref<!tpu.dma_semaphore, #tpu.memory_space<semaphore_mem>>) {add = true}
      %dma_wait3A = arith.constant 0 : i32
      %dma_wait3A_72 = arith.constant 0 : i32
      %dma_wait3A_73 = tpu.memref_slice %arg10[%dma_wait3A, %dma_wait3A_72] : memref<4096x128xf32, #tpu.memory_space<vmem_shared>> -> memref<4096x128xf32, #tpu.memory_space<vmem_shared>>
      tpu.wait_indirect_dma semaphore(%run_scoped3A : memref<!tpu.dma_semaphore, #tpu.memory_space<semaphore_mem>>) src(%arg9 : memref<128x128xf32, #tpu.memory_space<vmem>>) dst(%dma_wait3A_73 : memref<4096x128xf32, #tpu.memory_space<vmem_shared>>)
      tpu.yield
    }) : () -> ()
    %add3A_15 = arith.constant 256 : i32
    %add3A_16 = arith.addi %add3A, %add3A_15 : i32
    "tpu.region"() ({
      %run_scoped3A = tpu.sem_alloc : memref<!tpu.dma_semaphore, #tpu.memory_space<semaphore_mem>>
      %dma_start3A = tpu.memref_slice %arg3[%add3A_16] : memref<65536xi32, #tpu.memory_space<hbm>> -> memref<128xi32, #tpu.memory_space<hbm>>
      %dma_start3A_70 = tpu.memref_slice %arg3[%add3A_16] : memref<65536xi32, #tpu.memory_space<hbm>> -> memref<128xi32, #tpu.memory_space<hbm>>
      tpu.enqueue_dma source(%dma_start3A_70 : memref<128xi32, #tpu.memory_space<hbm>>) target(%arg8 : memref<128xi32, #tpu.memory_space<vmem>>) target_semaphore(%run_scoped3A : memref<!tpu.dma_semaphore, #tpu.memory_space<semaphore_mem>>)
      %dma_wait3A = tpu.memref_slice %arg3[%add3A_16] : memref<65536xi32, #tpu.memory_space<hbm>> -> memref<128xi32, #tpu.memory_space<hbm>>
      %dma_wait3A_71 = tpu.memref_slice %arg3[%add3A_16] : memref<65536xi32, #tpu.memory_space<hbm>> -> memref<128xi32, #tpu.memory_space<hbm>>
      tpu.wait_dma2 semaphore(%run_scoped3A : memref<!tpu.dma_semaphore, #tpu.memory_space<semaphore_mem>>) src(%dma_wait3A_71 : memref<128xi32, #tpu.memory_space<hbm>>) dst(%arg8 : memref<128xi32, #tpu.memory_space<vmem>>)
      tpu.yield
    }) : () -> ()
    "tpu.region"() ({
      %run_scoped3A = tpu.sem_alloc : memref<!tpu.dma_semaphore, #tpu.memory_space<semaphore_mem>>
      %dma_start3A = arith.constant 0 : i32
      %dma_start3A_70 = arith.constant 0 : i32
      %dma_start3A_71 = tpu.memref_slice %arg11[%dma_start3A, %dma_start3A_70] : memref<4096x128xf32, #tpu.memory_space<vmem_shared>> -> memref<4096x128xf32, #tpu.memory_space<vmem_shared>>
      tpu.enqueue_indirect_dma source(%arg9 : memref<128x128xf32, #tpu.memory_space<vmem>>) target(%dma_start3A_71 : memref<4096x128xf32, #tpu.memory_space<vmem_shared>>) offsets(%arg8 : memref<128xi32, #tpu.memory_space<vmem>>) semaphore(%run_scoped3A : memref<!tpu.dma_semaphore, #tpu.memory_space<semaphore_mem>>) {add = true}
      %dma_wait3A = arith.constant 0 : i32
      %dma_wait3A_72 = arith.constant 0 : i32
      %dma_wait3A_73 = tpu.memref_slice %arg11[%dma_wait3A, %dma_wait3A_72] : memref<4096x128xf32, #tpu.memory_space<vmem_shared>> -> memref<4096x128xf32, #tpu.memory_space<vmem_shared>>
      tpu.wait_indirect_dma semaphore(%run_scoped3A : memref<!tpu.dma_semaphore, #tpu.memory_space<semaphore_mem>>) src(%arg9 : memref<128x128xf32, #tpu.memory_space<vmem>>) dst(%dma_wait3A_73 : memref<4096x128xf32, #tpu.memory_space<vmem_shared>>)
      tpu.yield
    }) : () -> ()
    %add3A_17 = arith.constant 384 : i32
    %add3A_18 = arith.addi %add3A, %add3A_17 : i32
    "tpu.region"() ({
      %run_scoped3A = tpu.sem_alloc : memref<!tpu.dma_semaphore, #tpu.memory_space<semaphore_mem>>
      %dma_start3A = tpu.memref_slice %arg2[%add3A_18] : memref<65536xi32, #tpu.memory_space<hbm>> -> memref<128xi32, #tpu.memory_space<hbm>>
      %dma_start3A_70 = tpu.memref_slice %arg2[%add3A_18] : memref<65536xi32, #tpu.memory_space<hbm>> -> memref<128xi32, #tpu.memory_space<hbm>>
      tpu.enqueue_dma source(%dma_start3A_70 : memref<128xi32, #tpu.memory_space<hbm>>) target(%arg8 : memref<128xi32, #tpu.memory_space<vmem>>) target_semaphore(%run_scoped3A : memref<!tpu.dma_semaphore, #tpu.memory_space<semaphore_mem>>)
      %dma_wait3A = tpu.memref_slice %arg2[%add3A_18] : memref<65536xi32, #tpu.memory_space<hbm>> -> memref<128xi32, #tpu.memory_space<hbm>>
      %dma_wait3A_71 = tpu.memref_slice %arg2[%add3A_18] : memref<65536xi32, #tpu.memory_space<hbm>> -> memref<128xi32, #tpu.memory_space<hbm>>
      tpu.wait_dma2 semaphore(%run_scoped3A : memref<!tpu.dma_semaphore, #tpu.memory_space<semaphore_mem>>) src(%dma_wait3A_71 : memref<128xi32, #tpu.memory_space<hbm>>) dst(%arg8 : memref<128xi32, #tpu.memory_space<vmem>>)
      tpu.yield
    }) : () -> ()
    "tpu.region"() ({
      %run_scoped3A = tpu.sem_alloc : memref<!tpu.dma_semaphore, #tpu.memory_space<semaphore_mem>>
      %dma_start3A = arith.constant 0 : i32
      %dma_start3A_70 = arith.constant 0 : i32
      %dma_start3A_71 = tpu.memref_slice %arg10[%dma_start3A, %dma_start3A_70] : memref<4096x128xf32, #tpu.memory_space<vmem_shared>> -> memref<4096x128xf32, #tpu.memory_space<vmem_shared>>
      tpu.enqueue_indirect_dma source(%arg9 : memref<128x128xf32, #tpu.memory_space<vmem>>) target(%dma_start3A_71 : memref<4096x128xf32, #tpu.memory_space<vmem_shared>>) offsets(%arg8 : memref<128xi32, #tpu.memory_space<vmem>>) semaphore(%run_scoped3A : memref<!tpu.dma_semaphore, #tpu.memory_space<semaphore_mem>>) {add = true}
      %dma_wait3A = arith.constant 0 : i32
      %dma_wait3A_72 = arith.constant 0 : i32
      %dma_wait3A_73 = tpu.memref_slice %arg10[%dma_wait3A, %dma_wait3A_72] : memref<4096x128xf32, #tpu.memory_space<vmem_shared>> -> memref<4096x128xf32, #tpu.memory_space<vmem_shared>>
      tpu.wait_indirect_dma semaphore(%run_scoped3A : memref<!tpu.dma_semaphore, #tpu.memory_space<semaphore_mem>>) src(%arg9 : memref<128x128xf32, #tpu.memory_space<vmem>>) dst(%dma_wait3A_73 : memref<4096x128xf32, #tpu.memory_space<vmem_shared>>)
      tpu.yield
    }) : () -> ()
    %add3A_19 = arith.constant 384 : i32
    %add3A_20 = arith.addi %add3A, %add3A_19 : i32
    "tpu.region"() ({
      %run_scoped3A = tpu.sem_alloc : memref<!tpu.dma_semaphore, #tpu.memory_space<semaphore_mem>>
      %dma_start3A = tpu.memref_slice %arg3[%add3A_20] : memref<65536xi32, #tpu.memory_space<hbm>> -> memref<128xi32, #tpu.memory_space<hbm>>
      %dma_start3A_70 = tpu.memref_slice %arg3[%add3A_20] : memref<65536xi32, #tpu.memory_space<hbm>> -> memref<128xi32, #tpu.memory_space<hbm>>
      tpu.enqueue_dma source(%dma_start3A_70 : memref<128xi32, #tpu.memory_space<hbm>>) target(%arg8 : memref<128xi32, #tpu.memory_space<vmem>>) target_semaphore(%run_scoped3A : memref<!tpu.dma_semaphore, #tpu.memory_space<semaphore_mem>>)
      %dma_wait3A = tpu.memref_slice %arg3[%add3A_20] : memref<65536xi32, #tpu.memory_space<hbm>> -> memref<128xi32, #tpu.memory_space<hbm>>
      %dma_wait3A_71 = tpu.memref_slice %arg3[%add3A_20] : memref<65536xi32, #tpu.memory_space<hbm>> -> memref<128xi32, #tpu.memory_space<hbm>>
      tpu.wait_dma2 semaphore(%run_scoped3A : memref<!tpu.dma_semaphore, #tpu.memory_space<semaphore_mem>>) src(%dma_wait3A_71 : memref<128xi32, #tpu.memory_space<hbm>>) dst(%arg8 : memref<128xi32, #tpu.memory_space<vmem>>)
      tpu.yield
    }) : () -> ()
    "tpu.region"() ({
      %run_scoped3A = tpu.sem_alloc : memref<!tpu.dma_semaphore, #tpu.memory_space<semaphore_mem>>
      %dma_start3A = arith.constant 0 : i32
      %dma_start3A_70 = arith.constant 0 : i32
      %dma_start3A_71 = tpu.memref_slice %arg11[%dma_start3A, %dma_start3A_70] : memref<4096x128xf32, #tpu.memory_space<vmem_shared>> -> memref<4096x128xf32, #tpu.memory_space<vmem_shared>>
      tpu.enqueue_indirect_dma source(%arg9 : memref<128x128xf32, #tpu.memory_space<vmem>>) target(%dma_start3A_71 : memref<4096x128xf32, #tpu.memory_space<vmem_shared>>) offsets(%arg8 : memref<128xi32, #tpu.memory_space<vmem>>) semaphore(%run_scoped3A : memref<!tpu.dma_semaphore, #tpu.memory_space<semaphore_mem>>) {add = true}
      %dma_wait3A = arith.constant 0 : i32
      %dma_wait3A_72 = arith.constant 0 : i32
      %dma_wait3A_73 = tpu.memref_slice %arg11[%dma_wait3A, %dma_wait3A_72] : memref<4096x128xf32, #tpu.memory_space<vmem_shared>> -> memref<4096x128xf32, #tpu.memory_space<vmem_shared>>
      tpu.wait_indirect_dma semaphore(%run_scoped3A : memref<!tpu.dma_semaphore, #tpu.memory_space<semaphore_mem>>) src(%arg9 : memref<128x128xf32, #tpu.memory_space<vmem>>) dst(%dma_wait3A_73 : memref<4096x128xf32, #tpu.memory_space<vmem_shared>>)
      tpu.yield
    }) : () -> ()
    %add3A_21 = arith.constant 512 : i32
    %add3A_22 = arith.addi %add3A, %add3A_21 : i32
    "tpu.region"() ({
      %run_scoped3A = tpu.sem_alloc : memref<!tpu.dma_semaphore, #tpu.memory_space<semaphore_mem>>
      %dma_start3A = tpu.memref_slice %arg2[%add3A_22] : memref<65536xi32, #tpu.memory_space<hbm>> -> memref<128xi32, #tpu.memory_space<hbm>>
      %dma_start3A_70 = tpu.memref_slice %arg2[%add3A_22] : memref<65536xi32, #tpu.memory_space<hbm>> -> memref<128xi32, #tpu.memory_space<hbm>>
      tpu.enqueue_dma source(%dma_start3A_70 : memref<128xi32, #tpu.memory_space<hbm>>) target(%arg8 : memref<128xi32, #tpu.memory_space<vmem>>) target_semaphore(%run_scoped3A : memref<!tpu.dma_semaphore, #tpu.memory_space<semaphore_mem>>)
      %dma_wait3A = tpu.memref_slice %arg2[%add3A_22] : memref<65536xi32, #tpu.memory_space<hbm>> -> memref<128xi32, #tpu.memory_space<hbm>>
      %dma_wait3A_71 = tpu.memref_slice %arg2[%add3A_22] : memref<65536xi32, #tpu.memory_space<hbm>> -> memref<128xi32, #tpu.memory_space<hbm>>
      tpu.wait_dma2 semaphore(%run_scoped3A : memref<!tpu.dma_semaphore, #tpu.memory_space<semaphore_mem>>) src(%dma_wait3A_71 : memref<128xi32, #tpu.memory_space<hbm>>) dst(%arg8 : memref<128xi32, #tpu.memory_space<vmem>>)
      tpu.yield
    }) : () -> ()
    "tpu.region"() ({
      %run_scoped3A = tpu.sem_alloc : memref<!tpu.dma_semaphore, #tpu.memory_space<semaphore_mem>>
      %dma_start3A = arith.constant 0 : i32
      %dma_start3A_70 = arith.constant 0 : i32
      %dma_start3A_71 = tpu.memref_slice %arg10[%dma_start3A, %dma_start3A_70] : memref<4096x128xf32, #tpu.memory_space<vmem_shared>> -> memref<4096x128xf32, #tpu.memory_space<vmem_shared>>
      tpu.enqueue_indirect_dma source(%arg9 : memref<128x128xf32, #tpu.memory_space<vmem>>) target(%dma_start3A_71 : memref<4096x128xf32, #tpu.memory_space<vmem_shared>>) offsets(%arg8 : memref<128xi32, #tpu.memory_space<vmem>>) semaphore(%run_scoped3A : memref<!tpu.dma_semaphore, #tpu.memory_space<semaphore_mem>>) {add = true}
      %dma_wait3A = arith.constant 0 : i32
      %dma_wait3A_72 = arith.constant 0 : i32
      %dma_wait3A_73 = tpu.memref_slice %arg10[%dma_wait3A, %dma_wait3A_72] : memref<4096x128xf32, #tpu.memory_space<vmem_shared>> -> memref<4096x128xf32, #tpu.memory_space<vmem_shared>>
      tpu.wait_indirect_dma semaphore(%run_scoped3A : memref<!tpu.dma_semaphore, #tpu.memory_space<semaphore_mem>>) src(%arg9 : memref<128x128xf32, #tpu.memory_space<vmem>>) dst(%dma_wait3A_73 : memref<4096x128xf32, #tpu.memory_space<vmem_shared>>)
      tpu.yield
    }) : () -> ()
    %add3A_23 = arith.constant 512 : i32
    %add3A_24 = arith.addi %add3A, %add3A_23 : i32
    "tpu.region"() ({
      %run_scoped3A = tpu.sem_alloc : memref<!tpu.dma_semaphore, #tpu.memory_space<semaphore_mem>>
      %dma_start3A = tpu.memref_slice %arg3[%add3A_24] : memref<65536xi32, #tpu.memory_space<hbm>> -> memref<128xi32, #tpu.memory_space<hbm>>
      %dma_start3A_70 = tpu.memref_slice %arg3[%add3A_24] : memref<65536xi32, #tpu.memory_space<hbm>> -> memref<128xi32, #tpu.memory_space<hbm>>
      tpu.enqueue_dma source(%dma_start3A_70 : memref<128xi32, #tpu.memory_space<hbm>>) target(%arg8 : memref<128xi32, #tpu.memory_space<vmem>>) target_semaphore(%run_scoped3A : memref<!tpu.dma_semaphore, #tpu.memory_space<semaphore_mem>>)
      %dma_wait3A = tpu.memref_slice %arg3[%add3A_24] : memref<65536xi32, #tpu.memory_space<hbm>> -> memref<128xi32, #tpu.memory_space<hbm>>
      %dma_wait3A_71 = tpu.memref_slice %arg3[%add3A_24] : memref<65536xi32, #tpu.memory_space<hbm>> -> memref<128xi32, #tpu.memory_space<hbm>>
      tpu.wait_dma2 semaphore(%run_scoped3A : memref<!tpu.dma_semaphore, #tpu.memory_space<semaphore_mem>>) src(%dma_wait3A_71 : memref<128xi32, #tpu.memory_space<hbm>>) dst(%arg8 : memref<128xi32, #tpu.memory_space<vmem>>)
      tpu.yield
    }) : () -> ()
    "tpu.region"() ({
      %run_scoped3A = tpu.sem_alloc : memref<!tpu.dma_semaphore, #tpu.memory_space<semaphore_mem>>
      %dma_start3A = arith.constant 0 : i32
      %dma_start3A_70 = arith.constant 0 : i32
      %dma_start3A_71 = tpu.memref_slice %arg11[%dma_start3A, %dma_start3A_70] : memref<4096x128xf32, #tpu.memory_space<vmem_shared>> -> memref<4096x128xf32, #tpu.memory_space<vmem_shared>>
      tpu.enqueue_indirect_dma source(%arg9 : memref<128x128xf32, #tpu.memory_space<vmem>>) target(%dma_start3A_71 : memref<4096x128xf32, #tpu.memory_space<vmem_shared>>) offsets(%arg8 : memref<128xi32, #tpu.memory_space<vmem>>) semaphore(%run_scoped3A : memref<!tpu.dma_semaphore, #tpu.memory_space<semaphore_mem>>) {add = true}
      %dma_wait3A = arith.constant 0 : i32
      %dma_wait3A_72 = arith.constant 0 : i32
      %dma_wait3A_73 = tpu.memref_slice %arg11[%dma_wait3A, %dma_wait3A_72] : memref<4096x128xf32, #tpu.memory_space<vmem_shared>> -> memref<4096x128xf32, #tpu.memory_space<vmem_shared>>
      tpu.wait_indirect_dma semaphore(%run_scoped3A : memref<!tpu.dma_semaphore, #tpu.memory_space<semaphore_mem>>) src(%arg9 : memref<128x128xf32, #tpu.memory_space<vmem>>) dst(%dma_wait3A_73 : memref<4096x128xf32, #tpu.memory_space<vmem_shared>>)
      tpu.yield
    }) : () -> ()
    %add3A_25 = arith.constant 640 : i32
    %add3A_26 = arith.addi %add3A, %add3A_25 : i32
    "tpu.region"() ({
      %run_scoped3A = tpu.sem_alloc : memref<!tpu.dma_semaphore, #tpu.memory_space<semaphore_mem>>
      %dma_start3A = tpu.memref_slice %arg2[%add3A_26] : memref<65536xi32, #tpu.memory_space<hbm>> -> memref<128xi32, #tpu.memory_space<hbm>>
      %dma_start3A_70 = tpu.memref_slice %arg2[%add3A_26] : memref<65536xi32, #tpu.memory_space<hbm>> -> memref<128xi32, #tpu.memory_space<hbm>>
      tpu.enqueue_dma source(%dma_start3A_70 : memref<128xi32, #tpu.memory_space<hbm>>) target(%arg8 : memref<128xi32, #tpu.memory_space<vmem>>) target_semaphore(%run_scoped3A : memref<!tpu.dma_semaphore, #tpu.memory_space<semaphore_mem>>)
      %dma_wait3A = tpu.memref_slice %arg2[%add3A_26] : memref<65536xi32, #tpu.memory_space<hbm>> -> memref<128xi32, #tpu.memory_space<hbm>>
      %dma_wait3A_71 = tpu.memref_slice %arg2[%add3A_26] : memref<65536xi32, #tpu.memory_space<hbm>> -> memref<128xi32, #tpu.memory_space<hbm>>
      tpu.wait_dma2 semaphore(%run_scoped3A : memref<!tpu.dma_semaphore, #tpu.memory_space<semaphore_mem>>) src(%dma_wait3A_71 : memref<128xi32, #tpu.memory_space<hbm>>) dst(%arg8 : memref<128xi32, #tpu.memory_space<vmem>>)
      tpu.yield
    }) : () -> ()
    "tpu.region"() ({
      %run_scoped3A = tpu.sem_alloc : memref<!tpu.dma_semaphore, #tpu.memory_space<semaphore_mem>>
      %dma_start3A = arith.constant 0 : i32
      %dma_start3A_70 = arith.constant 0 : i32
      %dma_start3A_71 = tpu.memref_slice %arg10[%dma_start3A, %dma_start3A_70] : memref<4096x128xf32, #tpu.memory_space<vmem_shared>> -> memref<4096x128xf32, #tpu.memory_space<vmem_shared>>
      tpu.enqueue_indirect_dma source(%arg9 : memref<128x128xf32, #tpu.memory_space<vmem>>) target(%dma_start3A_71 : memref<4096x128xf32, #tpu.memory_space<vmem_shared>>) offsets(%arg8 : memref<128xi32, #tpu.memory_space<vmem>>) semaphore(%run_scoped3A : memref<!tpu.dma_semaphore, #tpu.memory_space<semaphore_mem>>) {add = true}
      %dma_wait3A = arith.constant 0 : i32
      %dma_wait3A_72 = arith.constant 0 : i32
      %dma_wait3A_73 = tpu.memref_slice %arg10[%dma_wait3A, %dma_wait3A_72] : memref<4096x128xf32, #tpu.memory_space<vmem_shared>> -> memref<4096x128xf32, #tpu.memory_space<vmem_shared>>
      tpu.wait_indirect_dma semaphore(%run_scoped3A : memref<!tpu.dma_semaphore, #tpu.memory_space<semaphore_mem>>) src(%arg9 : memref<128x128xf32, #tpu.memory_space<vmem>>) dst(%dma_wait3A_73 : memref<4096x128xf32, #tpu.memory_space<vmem_shared>>)
      tpu.yield
    }) : () -> ()
    %add3A_27 = arith.constant 640 : i32
    %add3A_28 = arith.addi %add3A, %add3A_27 : i32
    "tpu.region"() ({
      %run_scoped3A = tpu.sem_alloc : memref<!tpu.dma_semaphore, #tpu.memory_space<semaphore_mem>>
      %dma_start3A = tpu.memref_slice %arg3[%add3A_28] : memref<65536xi32, #tpu.memory_space<hbm>> -> memref<128xi32, #tpu.memory_space<hbm>>
      %dma_start3A_70 = tpu.memref_slice %arg3[%add3A_28] : memref<65536xi32, #tpu.memory_space<hbm>> -> memref<128xi32, #tpu.memory_space<hbm>>
      tpu.enqueue_dma source(%dma_start3A_70 : memref<128xi32, #tpu.memory_space<hbm>>) target(%arg8 : memref<128xi32, #tpu.memory_space<vmem>>) target_semaphore(%run_scoped3A : memref<!tpu.dma_semaphore, #tpu.memory_space<semaphore_mem>>)
      %dma_wait3A = tpu.memref_slice %arg3[%add3A_28] : memref<65536xi32, #tpu.memory_space<hbm>> -> memref<128xi32, #tpu.memory_space<hbm>>
      %dma_wait3A_71 = tpu.memref_slice %arg3[%add3A_28] : memref<65536xi32, #tpu.memory_space<hbm>> -> memref<128xi32, #tpu.memory_space<hbm>>
      tpu.wait_dma2 semaphore(%run_scoped3A : memref<!tpu.dma_semaphore, #tpu.memory_space<semaphore_mem>>) src(%dma_wait3A_71 : memref<128xi32, #tpu.memory_space<hbm>>) dst(%arg8 : memref<128xi32, #tpu.memory_space<vmem>>)
      tpu.yield
    }) : () -> ()
    "tpu.region"() ({
      %run_scoped3A = tpu.sem_alloc : memref<!tpu.dma_semaphore, #tpu.memory_space<semaphore_mem>>
      %dma_start3A = arith.constant 0 : i32
      %dma_start3A_70 = arith.constant 0 : i32
      %dma_start3A_71 = tpu.memref_slice %arg11[%dma_start3A, %dma_start3A_70] : memref<4096x128xf32, #tpu.memory_space<vmem_shared>> -> memref<4096x128xf32, #tpu.memory_space<vmem_shared>>
      tpu.enqueue_indirect_dma source(%arg9 : memref<128x128xf32, #tpu.memory_space<vmem>>) target(%dma_start3A_71 : memref<4096x128xf32, #tpu.memory_space<vmem_shared>>) offsets(%arg8 : memref<128xi32, #tpu.memory_space<vmem>>) semaphore(%run_scoped3A : memref<!tpu.dma_semaphore, #tpu.memory_space<semaphore_mem>>) {add = true}
      %dma_wait3A = arith.constant 0 : i32
      %dma_wait3A_72 = arith.constant 0 : i32
      %dma_wait3A_73 = tpu.memref_slice %arg11[%dma_wait3A, %dma_wait3A_72] : memref<4096x128xf32, #tpu.memory_space<vmem_shared>> -> memref<4096x128xf32, #tpu.memory_space<vmem_shared>>
      tpu.wait_indirect_dma semaphore(%run_scoped3A : memref<!tpu.dma_semaphore, #tpu.memory_space<semaphore_mem>>) src(%arg9 : memref<128x128xf32, #tpu.memory_space<vmem>>) dst(%dma_wait3A_73 : memref<4096x128xf32, #tpu.memory_space<vmem_shared>>)
      tpu.yield
    }) : () -> ()
    %add3A_29 = arith.constant 768 : i32
    %add3A_30 = arith.addi %add3A, %add3A_29 : i32
    "tpu.region"() ({
      %run_scoped3A = tpu.sem_alloc : memref<!tpu.dma_semaphore, #tpu.memory_space<semaphore_mem>>
      %dma_start3A = tpu.memref_slice %arg2[%add3A_30] : memref<65536xi32, #tpu.memory_space<hbm>> -> memref<128xi32, #tpu.memory_space<hbm>>
      %dma_start3A_70 = tpu.memref_slice %arg2[%add3A_30] : memref<65536xi32, #tpu.memory_space<hbm>> -> memref<128xi32, #tpu.memory_space<hbm>>
      tpu.enqueue_dma source(%dma_start3A_70 : memref<128xi32, #tpu.memory_space<hbm>>) target(%arg8 : memref<128xi32, #tpu.memory_space<vmem>>) target_semaphore(%run_scoped3A : memref<!tpu.dma_semaphore, #tpu.memory_space<semaphore_mem>>)
      %dma_wait3A = tpu.memref_slice %arg2[%add3A_30] : memref<65536xi32, #tpu.memory_space<hbm>> -> memref<128xi32, #tpu.memory_space<hbm>>
      %dma_wait3A_71 = tpu.memref_slice %arg2[%add3A_30] : memref<65536xi32, #tpu.memory_space<hbm>> -> memref<128xi32, #tpu.memory_space<hbm>>
      tpu.wait_dma2 semaphore(%run_scoped3A : memref<!tpu.dma_semaphore, #tpu.memory_space<semaphore_mem>>) src(%dma_wait3A_71 : memref<128xi32, #tpu.memory_space<hbm>>) dst(%arg8 : memref<128xi32, #tpu.memory_space<vmem>>)
      tpu.yield
    }) : () -> ()
    "tpu.region"() ({
      %run_scoped3A = tpu.sem_alloc : memref<!tpu.dma_semaphore, #tpu.memory_space<semaphore_mem>>
      %dma_start3A = arith.constant 0 : i32
      %dma_start3A_70 = arith.constant 0 : i32
      %dma_start3A_71 = tpu.memref_slice %arg10[%dma_start3A, %dma_start3A_70] : memref<4096x128xf32, #tpu.memory_space<vmem_shared>> -> memref<4096x128xf32, #tpu.memory_space<vmem_shared>>
      tpu.enqueue_indirect_dma source(%arg9 : memref<128x128xf32, #tpu.memory_space<vmem>>) target(%dma_start3A_71 : memref<4096x128xf32, #tpu.memory_space<vmem_shared>>) offsets(%arg8 : memref<128xi32, #tpu.memory_space<vmem>>) semaphore(%run_scoped3A : memref<!tpu.dma_semaphore, #tpu.memory_space<semaphore_mem>>) {add = true}
      %dma_wait3A = arith.constant 0 : i32
      %dma_wait3A_72 = arith.constant 0 : i32
      %dma_wait3A_73 = tpu.memref_slice %arg10[%dma_wait3A, %dma_wait3A_72] : memref<4096x128xf32, #tpu.memory_space<vmem_shared>> -> memref<4096x128xf32, #tpu.memory_space<vmem_shared>>
      tpu.wait_indirect_dma semaphore(%run_scoped3A : memref<!tpu.dma_semaphore, #tpu.memory_space<semaphore_mem>>) src(%arg9 : memref<128x128xf32, #tpu.memory_space<vmem>>) dst(%dma_wait3A_73 : memref<4096x128xf32, #tpu.memory_space<vmem_shared>>)
      tpu.yield
    }) : () -> ()
    %add3A_31 = arith.constant 768 : i32
    %add3A_32 = arith.addi %add3A, %add3A_31 : i32
    "tpu.region"() ({
      %run_scoped3A = tpu.sem_alloc : memref<!tpu.dma_semaphore, #tpu.memory_space<semaphore_mem>>
      %dma_start3A = tpu.memref_slice %arg3[%add3A_32] : memref<65536xi32, #tpu.memory_space<hbm>> -> memref<128xi32, #tpu.memory_space<hbm>>
      %dma_start3A_70 = tpu.memref_slice %arg3[%add3A_32] : memref<65536xi32, #tpu.memory_space<hbm>> -> memref<128xi32, #tpu.memory_space<hbm>>
      tpu.enqueue_dma source(%dma_start3A_70 : memref<128xi32, #tpu.memory_space<hbm>>) target(%arg8 : memref<128xi32, #tpu.memory_space<vmem>>) target_semaphore(%run_scoped3A : memref<!tpu.dma_semaphore, #tpu.memory_space<semaphore_mem>>)
      %dma_wait3A = tpu.memref_slice %arg3[%add3A_32] : memref<65536xi32, #tpu.memory_space<hbm>> -> memref<128xi32, #tpu.memory_space<hbm>>
      %dma_wait3A_71 = tpu.memref_slice %arg3[%add3A_32] : memref<65536xi32, #tpu.memory_space<hbm>> -> memref<128xi32, #tpu.memory_space<hbm>>
      tpu.wait_dma2 semaphore(%run_scoped3A : memref<!tpu.dma_semaphore, #tpu.memory_space<semaphore_mem>>) src(%dma_wait3A_71 : memref<128xi32, #tpu.memory_space<hbm>>) dst(%arg8 : memref<128xi32, #tpu.memory_space<vmem>>)
      tpu.yield
    }) : () -> ()
    "tpu.region"() ({
      %run_scoped3A = tpu.sem_alloc : memref<!tpu.dma_semaphore, #tpu.memory_space<semaphore_mem>>
      %dma_start3A = arith.constant 0 : i32
      %dma_start3A_70 = arith.constant 0 : i32
      %dma_start3A_71 = tpu.memref_slice %arg11[%dma_start3A, %dma_start3A_70] : memref<4096x128xf32, #tpu.memory_space<vmem_shared>> -> memref<4096x128xf32, #tpu.memory_space<vmem_shared>>
      tpu.enqueue_indirect_dma source(%arg9 : memref<128x128xf32, #tpu.memory_space<vmem>>) target(%dma_start3A_71 : memref<4096x128xf32, #tpu.memory_space<vmem_shared>>) offsets(%arg8 : memref<128xi32, #tpu.memory_space<vmem>>) semaphore(%run_scoped3A : memref<!tpu.dma_semaphore, #tpu.memory_space<semaphore_mem>>) {add = true}
      %dma_wait3A = arith.constant 0 : i32
      %dma_wait3A_72 = arith.constant 0 : i32
      %dma_wait3A_73 = tpu.memref_slice %arg11[%dma_wait3A, %dma_wait3A_72] : memref<4096x128xf32, #tpu.memory_space<vmem_shared>> -> memref<4096x128xf32, #tpu.memory_space<vmem_shared>>
      tpu.wait_indirect_dma semaphore(%run_scoped3A : memref<!tpu.dma_semaphore, #tpu.memory_space<semaphore_mem>>) src(%arg9 : memref<128x128xf32, #tpu.memory_space<vmem>>) dst(%dma_wait3A_73 : memref<4096x128xf32, #tpu.memory_space<vmem_shared>>)
      tpu.yield
    }) : () -> ()
    %add3A_33 = arith.constant 896 : i32
    %add3A_34 = arith.addi %add3A, %add3A_33 : i32
    "tpu.region"() ({
      %run_scoped3A = tpu.sem_alloc : memref<!tpu.dma_semaphore, #tpu.memory_space<semaphore_mem>>
      %dma_start3A = tpu.memref_slice %arg2[%add3A_34] : memref<65536xi32, #tpu.memory_space<hbm>> -> memref<128xi32, #tpu.memory_space<hbm>>
      %dma_start3A_70 = tpu.memref_slice %arg2[%add3A_34] : memref<65536xi32, #tpu.memory_space<hbm>> -> memref<128xi32, #tpu.memory_space<hbm>>
      tpu.enqueue_dma source(%dma_start3A_70 : memref<128xi32, #tpu.memory_space<hbm>>) target(%arg8 : memref<128xi32, #tpu.memory_space<vmem>>) target_semaphore(%run_scoped3A : memref<!tpu.dma_semaphore, #tpu.memory_space<semaphore_mem>>)
      %dma_wait3A = tpu.memref_slice %arg2[%add3A_34] : memref<65536xi32, #tpu.memory_space<hbm>> -> memref<128xi32, #tpu.memory_space<hbm>>
      %dma_wait3A_71 = tpu.memref_slice %arg2[%add3A_34] : memref<65536xi32, #tpu.memory_space<hbm>> -> memref<128xi32, #tpu.memory_space<hbm>>
      tpu.wait_dma2 semaphore(%run_scoped3A : memref<!tpu.dma_semaphore, #tpu.memory_space<semaphore_mem>>) src(%dma_wait3A_71 : memref<128xi32, #tpu.memory_space<hbm>>) dst(%arg8 : memref<128xi32, #tpu.memory_space<vmem>>)
      tpu.yield
    }) : () -> ()
    "tpu.region"() ({
      %run_scoped3A = tpu.sem_alloc : memref<!tpu.dma_semaphore, #tpu.memory_space<semaphore_mem>>
      %dma_start3A = arith.constant 0 : i32
      %dma_start3A_70 = arith.constant 0 : i32
      %dma_start3A_71 = tpu.memref_slice %arg10[%dma_start3A, %dma_start3A_70] : memref<4096x128xf32, #tpu.memory_space<vmem_shared>> -> memref<4096x128xf32, #tpu.memory_space<vmem_shared>>
      tpu.enqueue_indirect_dma source(%arg9 : memref<128x128xf32, #tpu.memory_space<vmem>>) target(%dma_start3A_71 : memref<4096x128xf32, #tpu.memory_space<vmem_shared>>) offsets(%arg8 : memref<128xi32, #tpu.memory_space<vmem>>) semaphore(%run_scoped3A : memref<!tpu.dma_semaphore, #tpu.memory_space<semaphore_mem>>) {add = true}
      %dma_wait3A = arith.constant 0 : i32
      %dma_wait3A_72 = arith.constant 0 : i32
      %dma_wait3A_73 = tpu.memref_slice %arg10[%dma_wait3A, %dma_wait3A_72] : memref<4096x128xf32, #tpu.memory_space<vmem_shared>> -> memref<4096x128xf32, #tpu.memory_space<vmem_shared>>
      tpu.wait_indirect_dma semaphore(%run_scoped3A : memref<!tpu.dma_semaphore, #tpu.memory_space<semaphore_mem>>) src(%arg9 : memref<128x128xf32, #tpu.memory_space<vmem>>) dst(%dma_wait3A_73 : memref<4096x128xf32, #tpu.memory_space<vmem_shared>>)
      tpu.yield
    }) : () -> ()
    %add3A_35 = arith.constant 896 : i32
    %add3A_36 = arith.addi %add3A, %add3A_35 : i32
    "tpu.region"() ({
      %run_scoped3A = tpu.sem_alloc : memref<!tpu.dma_semaphore, #tpu.memory_space<semaphore_mem>>
      %dma_start3A = tpu.memref_slice %arg3[%add3A_36] : memref<65536xi32, #tpu.memory_space<hbm>> -> memref<128xi32, #tpu.memory_space<hbm>>
      %dma_start3A_70 = tpu.memref_slice %arg3[%add3A_36] : memref<65536xi32, #tpu.memory_space<hbm>> -> memref<128xi32, #tpu.memory_space<hbm>>
      tpu.enqueue_dma source(%dma_start3A_70 : memref<128xi32, #tpu.memory_space<hbm>>) target(%arg8 : memref<128xi32, #tpu.memory_space<vmem>>) target_semaphore(%run_scoped3A : memref<!tpu.dma_semaphore, #tpu.memory_space<semaphore_mem>>)
      %dma_wait3A = tpu.memref_slice %arg3[%add3A_36] : memref<65536xi32, #tpu.memory_space<hbm>> -> memref<128xi32, #tpu.memory_space<hbm>>
      %dma_wait3A_71 = tpu.memref_slice %arg3[%add3A_36] : memref<65536xi32, #tpu.memory_space<hbm>> -> memref<128xi32, #tpu.memory_space<hbm>>
      tpu.wait_dma2 semaphore(%run_scoped3A : memref<!tpu.dma_semaphore, #tpu.memory_space<semaphore_mem>>) src(%dma_wait3A_71 : memref<128xi32, #tpu.memory_space<hbm>>) dst(%arg8 : memref<128xi32, #tpu.memory_space<vmem>>)
      tpu.yield
    }) : () -> ()
    "tpu.region"() ({
      %run_scoped3A = tpu.sem_alloc : memref<!tpu.dma_semaphore, #tpu.memory_space<semaphore_mem>>
      %dma_start3A = arith.constant 0 : i32
      %dma_start3A_70 = arith.constant 0 : i32
      %dma_start3A_71 = tpu.memref_slice %arg11[%dma_start3A, %dma_start3A_70] : memref<4096x128xf32, #tpu.memory_space<vmem_shared>> -> memref<4096x128xf32, #tpu.memory_space<vmem_shared>>
      tpu.enqueue_indirect_dma source(%arg9 : memref<128x128xf32, #tpu.memory_space<vmem>>) target(%dma_start3A_71 : memref<4096x128xf32, #tpu.memory_space<vmem_shared>>) offsets(%arg8 : memref<128xi32, #tpu.memory_space<vmem>>) semaphore(%run_scoped3A : memref<!tpu.dma_semaphore, #tpu.memory_space<semaphore_mem>>) {add = true}
      %dma_wait3A = arith.constant 0 : i32
      %dma_wait3A_72 = arith.constant 0 : i32
      %dma_wait3A_73 = tpu.memref_slice %arg11[%dma_wait3A, %dma_wait3A_72] : memref<4096x128xf32, #tpu.memory_space<vmem_shared>> -> memref<4096x128xf32, #tpu.memory_space<vmem_shared>>
      tpu.wait_indirect_dma semaphore(%run_scoped3A : memref<!tpu.dma_semaphore, #tpu.memory_space<semaphore_mem>>) src(%arg9 : memref<128x128xf32, #tpu.memory_space<vmem>>) dst(%dma_wait3A_73 : memref<4096x128xf32, #tpu.memory_space<vmem_shared>>)
      tpu.yield
    }) : () -> ()
    %add3A_37 = arith.constant 1024 : i32
    %add3A_38 = arith.addi %add3A, %add3A_37 : i32
    "tpu.region"() ({
      %run_scoped3A = tpu.sem_alloc : memref<!tpu.dma_semaphore, #tpu.memory_space<semaphore_mem>>
      %dma_start3A = tpu.memref_slice %arg2[%add3A_38] : memref<65536xi32, #tpu.memory_space<hbm>> -> memref<128xi32, #tpu.memory_space<hbm>>
      %dma_start3A_70 = tpu.memref_slice %arg2[%add3A_38] : memref<65536xi32, #tpu.memory_space<hbm>> -> memref<128xi32, #tpu.memory_space<hbm>>
      tpu.enqueue_dma source(%dma_start3A_70 : memref<128xi32, #tpu.memory_space<hbm>>) target(%arg8 : memref<128xi32, #tpu.memory_space<vmem>>) target_semaphore(%run_scoped3A : memref<!tpu.dma_semaphore, #tpu.memory_space<semaphore_mem>>)
      %dma_wait3A = tpu.memref_slice %arg2[%add3A_38] : memref<65536xi32, #tpu.memory_space<hbm>> -> memref<128xi32, #tpu.memory_space<hbm>>
      %dma_wait3A_71 = tpu.memref_slice %arg2[%add3A_38] : memref<65536xi32, #tpu.memory_space<hbm>> -> memref<128xi32, #tpu.memory_space<hbm>>
      tpu.wait_dma2 semaphore(%run_scoped3A : memref<!tpu.dma_semaphore, #tpu.memory_space<semaphore_mem>>) src(%dma_wait3A_71 : memref<128xi32, #tpu.memory_space<hbm>>) dst(%arg8 : memref<128xi32, #tpu.memory_space<vmem>>)
      tpu.yield
    }) : () -> ()
    "tpu.region"() ({
      %run_scoped3A = tpu.sem_alloc : memref<!tpu.dma_semaphore, #tpu.memory_space<semaphore_mem>>
      %dma_start3A = arith.constant 0 : i32
      %dma_start3A_70 = arith.constant 0 : i32
      %dma_start3A_71 = tpu.memref_slice %arg10[%dma_start3A, %dma_start3A_70] : memref<4096x128xf32, #tpu.memory_space<vmem_shared>> -> memref<4096x128xf32, #tpu.memory_space<vmem_shared>>
      tpu.enqueue_indirect_dma source(%arg9 : memref<128x128xf32, #tpu.memory_space<vmem>>) target(%dma_start3A_71 : memref<4096x128xf32, #tpu.memory_space<vmem_shared>>) offsets(%arg8 : memref<128xi32, #tpu.memory_space<vmem>>) semaphore(%run_scoped3A : memref<!tpu.dma_semaphore, #tpu.memory_space<semaphore_mem>>) {add = true}
      %dma_wait3A = arith.constant 0 : i32
      %dma_wait3A_72 = arith.constant 0 : i32
      %dma_wait3A_73 = tpu.memref_slice %arg10[%dma_wait3A, %dma_wait3A_72] : memref<4096x128xf32, #tpu.memory_space<vmem_shared>> -> memref<4096x128xf32, #tpu.memory_space<vmem_shared>>
      tpu.wait_indirect_dma semaphore(%run_scoped3A : memref<!tpu.dma_semaphore, #tpu.memory_space<semaphore_mem>>) src(%arg9 : memref<128x128xf32, #tpu.memory_space<vmem>>) dst(%dma_wait3A_73 : memref<4096x128xf32, #tpu.memory_space<vmem_shared>>)
      tpu.yield
    }) : () -> ()
    %add3A_39 = arith.constant 1024 : i32
    %add3A_40 = arith.addi %add3A, %add3A_39 : i32
    "tpu.region"() ({
      %run_scoped3A = tpu.sem_alloc : memref<!tpu.dma_semaphore, #tpu.memory_space<semaphore_mem>>
      %dma_start3A = tpu.memref_slice %arg3[%add3A_40] : memref<65536xi32, #tpu.memory_space<hbm>> -> memref<128xi32, #tpu.memory_space<hbm>>
      %dma_start3A_70 = tpu.memref_slice %arg3[%add3A_40] : memref<65536xi32, #tpu.memory_space<hbm>> -> memref<128xi32, #tpu.memory_space<hbm>>
      tpu.enqueue_dma source(%dma_start3A_70 : memref<128xi32, #tpu.memory_space<hbm>>) target(%arg8 : memref<128xi32, #tpu.memory_space<vmem>>) target_semaphore(%run_scoped3A : memref<!tpu.dma_semaphore, #tpu.memory_space<semaphore_mem>>)
      %dma_wait3A = tpu.memref_slice %arg3[%add3A_40] : memref<65536xi32, #tpu.memory_space<hbm>> -> memref<128xi32, #tpu.memory_space<hbm>>
      %dma_wait3A_71 = tpu.memref_slice %arg3[%add3A_40] : memref<65536xi32, #tpu.memory_space<hbm>> -> memref<128xi32, #tpu.memory_space<hbm>>
      tpu.wait_dma2 semaphore(%run_scoped3A : memref<!tpu.dma_semaphore, #tpu.memory_space<semaphore_mem>>) src(%dma_wait3A_71 : memref<128xi32, #tpu.memory_space<hbm>>) dst(%arg8 : memref<128xi32, #tpu.memory_space<vmem>>)
      tpu.yield
    }) : () -> ()
    "tpu.region"() ({
      %run_scoped3A = tpu.sem_alloc : memref<!tpu.dma_semaphore, #tpu.memory_space<semaphore_mem>>
      %dma_start3A = arith.constant 0 : i32
      %dma_start3A_70 = arith.constant 0 : i32
      %dma_start3A_71 = tpu.memref_slice %arg11[%dma_start3A, %dma_start3A_70] : memref<4096x128xf32, #tpu.memory_space<vmem_shared>> -> memref<4096x128xf32, #tpu.memory_space<vmem_shared>>
      tpu.enqueue_indirect_dma source(%arg9 : memref<128x128xf32, #tpu.memory_space<vmem>>) target(%dma_start3A_71 : memref<4096x128xf32, #tpu.memory_space<vmem_shared>>) offsets(%arg8 : memref<128xi32, #tpu.memory_space<vmem>>) semaphore(%run_scoped3A : memref<!tpu.dma_semaphore, #tpu.memory_space<semaphore_mem>>) {add = true}
      %dma_wait3A = arith.constant 0 : i32
      %dma_wait3A_72 = arith.constant 0 : i32
      %dma_wait3A_73 = tpu.memref_slice %arg11[%dma_wait3A, %dma_wait3A_72] : memref<4096x128xf32, #tpu.memory_space<vmem_shared>> -> memref<4096x128xf32, #tpu.memory_space<vmem_shared>>
      tpu.wait_indirect_dma semaphore(%run_scoped3A : memref<!tpu.dma_semaphore, #tpu.memory_space<semaphore_mem>>) src(%arg9 : memref<128x128xf32, #tpu.memory_space<vmem>>) dst(%dma_wait3A_73 : memref<4096x128xf32, #tpu.memory_space<vmem_shared>>)
      tpu.yield
    }) : () -> ()
    %add3A_41 = arith.constant 1152 : i32
    %add3A_42 = arith.addi %add3A, %add3A_41 : i32
    "tpu.region"() ({
      %run_scoped3A = tpu.sem_alloc : memref<!tpu.dma_semaphore, #tpu.memory_space<semaphore_mem>>
      %dma_start3A = tpu.memref_slice %arg2[%add3A_42] : memref<65536xi32, #tpu.memory_space<hbm>> -> memref<128xi32, #tpu.memory_space<hbm>>
      %dma_start3A_70 = tpu.memref_slice %arg2[%add3A_42] : memref<65536xi32, #tpu.memory_space<hbm>> -> memref<128xi32, #tpu.memory_space<hbm>>
      tpu.enqueue_dma source(%dma_start3A_70 : memref<128xi32, #tpu.memory_space<hbm>>) target(%arg8 : memref<128xi32, #tpu.memory_space<vmem>>) target_semaphore(%run_scoped3A : memref<!tpu.dma_semaphore, #tpu.memory_space<semaphore_mem>>)
      %dma_wait3A = tpu.memref_slice %arg2[%add3A_42] : memref<65536xi32, #tpu.memory_space<hbm>> -> memref<128xi32, #tpu.memory_space<hbm>>
      %dma_wait3A_71 = tpu.memref_slice %arg2[%add3A_42] : memref<65536xi32, #tpu.memory_space<hbm>> -> memref<128xi32, #tpu.memory_space<hbm>>
      tpu.wait_dma2 semaphore(%run_scoped3A : memref<!tpu.dma_semaphore, #tpu.memory_space<semaphore_mem>>) src(%dma_wait3A_71 : memref<128xi32, #tpu.memory_space<hbm>>) dst(%arg8 : memref<128xi32, #tpu.memory_space<vmem>>)
      tpu.yield
    }) : () -> ()
    "tpu.region"() ({
      %run_scoped3A = tpu.sem_alloc : memref<!tpu.dma_semaphore, #tpu.memory_space<semaphore_mem>>
      %dma_start3A = arith.constant 0 : i32
      %dma_start3A_70 = arith.constant 0 : i32
      %dma_start3A_71 = tpu.memref_slice %arg10[%dma_start3A, %dma_start3A_70] : memref<4096x128xf32, #tpu.memory_space<vmem_shared>> -> memref<4096x128xf32, #tpu.memory_space<vmem_shared>>
      tpu.enqueue_indirect_dma source(%arg9 : memref<128x128xf32, #tpu.memory_space<vmem>>) target(%dma_start3A_71 : memref<4096x128xf32, #tpu.memory_space<vmem_shared>>) offsets(%arg8 : memref<128xi32, #tpu.memory_space<vmem>>) semaphore(%run_scoped3A : memref<!tpu.dma_semaphore, #tpu.memory_space<semaphore_mem>>) {add = true}
      %dma_wait3A = arith.constant 0 : i32
      %dma_wait3A_72 = arith.constant 0 : i32
      %dma_wait3A_73 = tpu.memref_slice %arg10[%dma_wait3A, %dma_wait3A_72] : memref<4096x128xf32, #tpu.memory_space<vmem_shared>> -> memref<4096x128xf32, #tpu.memory_space<vmem_shared>>
      tpu.wait_indirect_dma semaphore(%run_scoped3A : memref<!tpu.dma_semaphore, #tpu.memory_space<semaphore_mem>>) src(%arg9 : memref<128x128xf32, #tpu.memory_space<vmem>>) dst(%dma_wait3A_73 : memref<4096x128xf32, #tpu.memory_space<vmem_shared>>)
      tpu.yield
    }) : () -> ()
    %add3A_43 = arith.constant 1152 : i32
    %add3A_44 = arith.addi %add3A, %add3A_43 : i32
    "tpu.region"() ({
      %run_scoped3A = tpu.sem_alloc : memref<!tpu.dma_semaphore, #tpu.memory_space<semaphore_mem>>
      %dma_start3A = tpu.memref_slice %arg3[%add3A_44] : memref<65536xi32, #tpu.memory_space<hbm>> -> memref<128xi32, #tpu.memory_space<hbm>>
      %dma_start3A_70 = tpu.memref_slice %arg3[%add3A_44] : memref<65536xi32, #tpu.memory_space<hbm>> -> memref<128xi32, #tpu.memory_space<hbm>>
      tpu.enqueue_dma source(%dma_start3A_70 : memref<128xi32, #tpu.memory_space<hbm>>) target(%arg8 : memref<128xi32, #tpu.memory_space<vmem>>) target_semaphore(%run_scoped3A : memref<!tpu.dma_semaphore, #tpu.memory_space<semaphore_mem>>)
      %dma_wait3A = tpu.memref_slice %arg3[%add3A_44] : memref<65536xi32, #tpu.memory_space<hbm>> -> memref<128xi32, #tpu.memory_space<hbm>>
      %dma_wait3A_71 = tpu.memref_slice %arg3[%add3A_44] : memref<65536xi32, #tpu.memory_space<hbm>> -> memref<128xi32, #tpu.memory_space<hbm>>
      tpu.wait_dma2 semaphore(%run_scoped3A : memref<!tpu.dma_semaphore, #tpu.memory_space<semaphore_mem>>) src(%dma_wait3A_71 : memref<128xi32, #tpu.memory_space<hbm>>) dst(%arg8 : memref<128xi32, #tpu.memory_space<vmem>>)
      tpu.yield
    }) : () -> ()
    "tpu.region"() ({
      %run_scoped3A = tpu.sem_alloc : memref<!tpu.dma_semaphore, #tpu.memory_space<semaphore_mem>>
      %dma_start3A = arith.constant 0 : i32
      %dma_start3A_70 = arith.constant 0 : i32
      %dma_start3A_71 = tpu.memref_slice %arg11[%dma_start3A, %dma_start3A_70] : memref<4096x128xf32, #tpu.memory_space<vmem_shared>> -> memref<4096x128xf32, #tpu.memory_space<vmem_shared>>
      tpu.enqueue_indirect_dma source(%arg9 : memref<128x128xf32, #tpu.memory_space<vmem>>) target(%dma_start3A_71 : memref<4096x128xf32, #tpu.memory_space<vmem_shared>>) offsets(%arg8 : memref<128xi32, #tpu.memory_space<vmem>>) semaphore(%run_scoped3A : memref<!tpu.dma_semaphore, #tpu.memory_space<semaphore_mem>>) {add = true}
      %dma_wait3A = arith.constant 0 : i32
      %dma_wait3A_72 = arith.constant 0 : i32
      %dma_wait3A_73 = tpu.memref_slice %arg11[%dma_wait3A, %dma_wait3A_72] : memref<4096x128xf32, #tpu.memory_space<vmem_shared>> -> memref<4096x128xf32, #tpu.memory_space<vmem_shared>>
      tpu.wait_indirect_dma semaphore(%run_scoped3A : memref<!tpu.dma_semaphore, #tpu.memory_space<semaphore_mem>>) src(%arg9 : memref<128x128xf32, #tpu.memory_space<vmem>>) dst(%dma_wait3A_73 : memref<4096x128xf32, #tpu.memory_space<vmem_shared>>)
      tpu.yield
    }) : () -> ()
    %add3A_45 = arith.constant 1280 : i32
    %add3A_46 = arith.addi %add3A, %add3A_45 : i32
    "tpu.region"() ({
      %run_scoped3A = tpu.sem_alloc : memref<!tpu.dma_semaphore, #tpu.memory_space<semaphore_mem>>
      %dma_start3A = tpu.memref_slice %arg2[%add3A_46] : memref<65536xi32, #tpu.memory_space<hbm>> -> memref<128xi32, #tpu.memory_space<hbm>>
      %dma_start3A_70 = tpu.memref_slice %arg2[%add3A_46] : memref<65536xi32, #tpu.memory_space<hbm>> -> memref<128xi32, #tpu.memory_space<hbm>>
      tpu.enqueue_dma source(%dma_start3A_70 : memref<128xi32, #tpu.memory_space<hbm>>) target(%arg8 : memref<128xi32, #tpu.memory_space<vmem>>) target_semaphore(%run_scoped3A : memref<!tpu.dma_semaphore, #tpu.memory_space<semaphore_mem>>)
      %dma_wait3A = tpu.memref_slice %arg2[%add3A_46] : memref<65536xi32, #tpu.memory_space<hbm>> -> memref<128xi32, #tpu.memory_space<hbm>>
      %dma_wait3A_71 = tpu.memref_slice %arg2[%add3A_46] : memref<65536xi32, #tpu.memory_space<hbm>> -> memref<128xi32, #tpu.memory_space<hbm>>
      tpu.wait_dma2 semaphore(%run_scoped3A : memref<!tpu.dma_semaphore, #tpu.memory_space<semaphore_mem>>) src(%dma_wait3A_71 : memref<128xi32, #tpu.memory_space<hbm>>) dst(%arg8 : memref<128xi32, #tpu.memory_space<vmem>>)
      tpu.yield
    }) : () -> ()
    "tpu.region"() ({
      %run_scoped3A = tpu.sem_alloc : memref<!tpu.dma_semaphore, #tpu.memory_space<semaphore_mem>>
      %dma_start3A = arith.constant 0 : i32
      %dma_start3A_70 = arith.constant 0 : i32
      %dma_start3A_71 = tpu.memref_slice %arg10[%dma_start3A, %dma_start3A_70] : memref<4096x128xf32, #tpu.memory_space<vmem_shared>> -> memref<4096x128xf32, #tpu.memory_space<vmem_shared>>
      tpu.enqueue_indirect_dma source(%arg9 : memref<128x128xf32, #tpu.memory_space<vmem>>) target(%dma_start3A_71 : memref<4096x128xf32, #tpu.memory_space<vmem_shared>>) offsets(%arg8 : memref<128xi32, #tpu.memory_space<vmem>>) semaphore(%run_scoped3A : memref<!tpu.dma_semaphore, #tpu.memory_space<semaphore_mem>>) {add = true}
      %dma_wait3A = arith.constant 0 : i32
      %dma_wait3A_72 = arith.constant 0 : i32
      %dma_wait3A_73 = tpu.memref_slice %arg10[%dma_wait3A, %dma_wait3A_72] : memref<4096x128xf32, #tpu.memory_space<vmem_shared>> -> memref<4096x128xf32, #tpu.memory_space<vmem_shared>>
      tpu.wait_indirect_dma semaphore(%run_scoped3A : memref<!tpu.dma_semaphore, #tpu.memory_space<semaphore_mem>>) src(%arg9 : memref<128x128xf32, #tpu.memory_space<vmem>>) dst(%dma_wait3A_73 : memref<4096x128xf32, #tpu.memory_space<vmem_shared>>)
      tpu.yield
    }) : () -> ()
    %add3A_47 = arith.constant 1280 : i32
    %add3A_48 = arith.addi %add3A, %add3A_47 : i32
    "tpu.region"() ({
      %run_scoped3A = tpu.sem_alloc : memref<!tpu.dma_semaphore, #tpu.memory_space<semaphore_mem>>
      %dma_start3A = tpu.memref_slice %arg3[%add3A_48] : memref<65536xi32, #tpu.memory_space<hbm>> -> memref<128xi32, #tpu.memory_space<hbm>>
      %dma_start3A_70 = tpu.memref_slice %arg3[%add3A_48] : memref<65536xi32, #tpu.memory_space<hbm>> -> memref<128xi32, #tpu.memory_space<hbm>>
      tpu.enqueue_dma source(%dma_start3A_70 : memref<128xi32, #tpu.memory_space<hbm>>) target(%arg8 : memref<128xi32, #tpu.memory_space<vmem>>) target_semaphore(%run_scoped3A : memref<!tpu.dma_semaphore, #tpu.memory_space<semaphore_mem>>)
      %dma_wait3A = tpu.memref_slice %arg3[%add3A_48] : memref<65536xi32, #tpu.memory_space<hbm>> -> memref<128xi32, #tpu.memory_space<hbm>>
      %dma_wait3A_71 = tpu.memref_slice %arg3[%add3A_48] : memref<65536xi32, #tpu.memory_space<hbm>> -> memref<128xi32, #tpu.memory_space<hbm>>
      tpu.wait_dma2 semaphore(%run_scoped3A : memref<!tpu.dma_semaphore, #tpu.memory_space<semaphore_mem>>) src(%dma_wait3A_71 : memref<128xi32, #tpu.memory_space<hbm>>) dst(%arg8 : memref<128xi32, #tpu.memory_space<vmem>>)
      tpu.yield
    }) : () -> ()
    "tpu.region"() ({
      %run_scoped3A = tpu.sem_alloc : memref<!tpu.dma_semaphore, #tpu.memory_space<semaphore_mem>>
      %dma_start3A = arith.constant 0 : i32
      %dma_start3A_70 = arith.constant 0 : i32
      %dma_start3A_71 = tpu.memref_slice %arg11[%dma_start3A, %dma_start3A_70] : memref<4096x128xf32, #tpu.memory_space<vmem_shared>> -> memref<4096x128xf32, #tpu.memory_space<vmem_shared>>
      tpu.enqueue_indirect_dma source(%arg9 : memref<128x128xf32, #tpu.memory_space<vmem>>) target(%dma_start3A_71 : memref<4096x128xf32, #tpu.memory_space<vmem_shared>>) offsets(%arg8 : memref<128xi32, #tpu.memory_space<vmem>>) semaphore(%run_scoped3A : memref<!tpu.dma_semaphore, #tpu.memory_space<semaphore_mem>>) {add = true}
      %dma_wait3A = arith.constant 0 : i32
      %dma_wait3A_72 = arith.constant 0 : i32
      %dma_wait3A_73 = tpu.memref_slice %arg11[%dma_wait3A, %dma_wait3A_72] : memref<4096x128xf32, #tpu.memory_space<vmem_shared>> -> memref<4096x128xf32, #tpu.memory_space<vmem_shared>>
      tpu.wait_indirect_dma semaphore(%run_scoped3A : memref<!tpu.dma_semaphore, #tpu.memory_space<semaphore_mem>>) src(%arg9 : memref<128x128xf32, #tpu.memory_space<vmem>>) dst(%dma_wait3A_73 : memref<4096x128xf32, #tpu.memory_space<vmem_shared>>)
      tpu.yield
    }) : () -> ()
    %add3A_49 = arith.constant 1408 : i32
    %add3A_50 = arith.addi %add3A, %add3A_49 : i32
    "tpu.region"() ({
      %run_scoped3A = tpu.sem_alloc : memref<!tpu.dma_semaphore, #tpu.memory_space<semaphore_mem>>
      %dma_start3A = tpu.memref_slice %arg2[%add3A_50] : memref<65536xi32, #tpu.memory_space<hbm>> -> memref<128xi32, #tpu.memory_space<hbm>>
      %dma_start3A_70 = tpu.memref_slice %arg2[%add3A_50] : memref<65536xi32, #tpu.memory_space<hbm>> -> memref<128xi32, #tpu.memory_space<hbm>>
      tpu.enqueue_dma source(%dma_start3A_70 : memref<128xi32, #tpu.memory_space<hbm>>) target(%arg8 : memref<128xi32, #tpu.memory_space<vmem>>) target_semaphore(%run_scoped3A : memref<!tpu.dma_semaphore, #tpu.memory_space<semaphore_mem>>)
      %dma_wait3A = tpu.memref_slice %arg2[%add3A_50] : memref<65536xi32, #tpu.memory_space<hbm>> -> memref<128xi32, #tpu.memory_space<hbm>>
      %dma_wait3A_71 = tpu.memref_slice %arg2[%add3A_50] : memref<65536xi32, #tpu.memory_space<hbm>> -> memref<128xi32, #tpu.memory_space<hbm>>
      tpu.wait_dma2 semaphore(%run_scoped3A : memref<!tpu.dma_semaphore, #tpu.memory_space<semaphore_mem>>) src(%dma_wait3A_71 : memref<128xi32, #tpu.memory_space<hbm>>) dst(%arg8 : memref<128xi32, #tpu.memory_space<vmem>>)
      tpu.yield
    }) : () -> ()
    "tpu.region"() ({
      %run_scoped3A = tpu.sem_alloc : memref<!tpu.dma_semaphore, #tpu.memory_space<semaphore_mem>>
      %dma_start3A = arith.constant 0 : i32
      %dma_start3A_70 = arith.constant 0 : i32
      %dma_start3A_71 = tpu.memref_slice %arg10[%dma_start3A, %dma_start3A_70] : memref<4096x128xf32, #tpu.memory_space<vmem_shared>> -> memref<4096x128xf32, #tpu.memory_space<vmem_shared>>
      tpu.enqueue_indirect_dma source(%arg9 : memref<128x128xf32, #tpu.memory_space<vmem>>) target(%dma_start3A_71 : memref<4096x128xf32, #tpu.memory_space<vmem_shared>>) offsets(%arg8 : memref<128xi32, #tpu.memory_space<vmem>>) semaphore(%run_scoped3A : memref<!tpu.dma_semaphore, #tpu.memory_space<semaphore_mem>>) {add = true}
      %dma_wait3A = arith.constant 0 : i32
      %dma_wait3A_72 = arith.constant 0 : i32
      %dma_wait3A_73 = tpu.memref_slice %arg10[%dma_wait3A, %dma_wait3A_72] : memref<4096x128xf32, #tpu.memory_space<vmem_shared>> -> memref<4096x128xf32, #tpu.memory_space<vmem_shared>>
      tpu.wait_indirect_dma semaphore(%run_scoped3A : memref<!tpu.dma_semaphore, #tpu.memory_space<semaphore_mem>>) src(%arg9 : memref<128x128xf32, #tpu.memory_space<vmem>>) dst(%dma_wait3A_73 : memref<4096x128xf32, #tpu.memory_space<vmem_shared>>)
      tpu.yield
    }) : () -> ()
    %add3A_51 = arith.constant 1408 : i32
    %add3A_52 = arith.addi %add3A, %add3A_51 : i32
    "tpu.region"() ({
      %run_scoped3A = tpu.sem_alloc : memref<!tpu.dma_semaphore, #tpu.memory_space<semaphore_mem>>
      %dma_start3A = tpu.memref_slice %arg3[%add3A_52] : memref<65536xi32, #tpu.memory_space<hbm>> -> memref<128xi32, #tpu.memory_space<hbm>>
      %dma_start3A_70 = tpu.memref_slice %arg3[%add3A_52] : memref<65536xi32, #tpu.memory_space<hbm>> -> memref<128xi32, #tpu.memory_space<hbm>>
      tpu.enqueue_dma source(%dma_start3A_70 : memref<128xi32, #tpu.memory_space<hbm>>) target(%arg8 : memref<128xi32, #tpu.memory_space<vmem>>) target_semaphore(%run_scoped3A : memref<!tpu.dma_semaphore, #tpu.memory_space<semaphore_mem>>)
      %dma_wait3A = tpu.memref_slice %arg3[%add3A_52] : memref<65536xi32, #tpu.memory_space<hbm>> -> memref<128xi32, #tpu.memory_space<hbm>>
      %dma_wait3A_71 = tpu.memref_slice %arg3[%add3A_52] : memref<65536xi32, #tpu.memory_space<hbm>> -> memref<128xi32, #tpu.memory_space<hbm>>
      tpu.wait_dma2 semaphore(%run_scoped3A : memref<!tpu.dma_semaphore, #tpu.memory_space<semaphore_mem>>) src(%dma_wait3A_71 : memref<128xi32, #tpu.memory_space<hbm>>) dst(%arg8 : memref<128xi32, #tpu.memory_space<vmem>>)
      tpu.yield
    }) : () -> ()
    "tpu.region"() ({
      %run_scoped3A = tpu.sem_alloc : memref<!tpu.dma_semaphore, #tpu.memory_space<semaphore_mem>>
      %dma_start3A = arith.constant 0 : i32
      %dma_start3A_70 = arith.constant 0 : i32
      %dma_start3A_71 = tpu.memref_slice %arg11[%dma_start3A, %dma_start3A_70] : memref<4096x128xf32, #tpu.memory_space<vmem_shared>> -> memref<4096x128xf32, #tpu.memory_space<vmem_shared>>
      tpu.enqueue_indirect_dma source(%arg9 : memref<128x128xf32, #tpu.memory_space<vmem>>) target(%dma_start3A_71 : memref<4096x128xf32, #tpu.memory_space<vmem_shared>>) offsets(%arg8 : memref<128xi32, #tpu.memory_space<vmem>>) semaphore(%run_scoped3A : memref<!tpu.dma_semaphore, #tpu.memory_space<semaphore_mem>>) {add = true}
      %dma_wait3A = arith.constant 0 : i32
      %dma_wait3A_72 = arith.constant 0 : i32
      %dma_wait3A_73 = tpu.memref_slice %arg11[%dma_wait3A, %dma_wait3A_72] : memref<4096x128xf32, #tpu.memory_space<vmem_shared>> -> memref<4096x128xf32, #tpu.memory_space<vmem_shared>>
      tpu.wait_indirect_dma semaphore(%run_scoped3A : memref<!tpu.dma_semaphore, #tpu.memory_space<semaphore_mem>>) src(%arg9 : memref<128x128xf32, #tpu.memory_space<vmem>>) dst(%dma_wait3A_73 : memref<4096x128xf32, #tpu.memory_space<vmem_shared>>)
      tpu.yield
    }) : () -> ()
    %add3A_53 = arith.constant 1536 : i32
    %add3A_54 = arith.addi %add3A, %add3A_53 : i32
    "tpu.region"() ({
      %run_scoped3A = tpu.sem_alloc : memref<!tpu.dma_semaphore, #tpu.memory_space<semaphore_mem>>
      %dma_start3A = tpu.memref_slice %arg2[%add3A_54] : memref<65536xi32, #tpu.memory_space<hbm>> -> memref<128xi32, #tpu.memory_space<hbm>>
      %dma_start3A_70 = tpu.memref_slice %arg2[%add3A_54] : memref<65536xi32, #tpu.memory_space<hbm>> -> memref<128xi32, #tpu.memory_space<hbm>>
      tpu.enqueue_dma source(%dma_start3A_70 : memref<128xi32, #tpu.memory_space<hbm>>) target(%arg8 : memref<128xi32, #tpu.memory_space<vmem>>) target_semaphore(%run_scoped3A : memref<!tpu.dma_semaphore, #tpu.memory_space<semaphore_mem>>)
      %dma_wait3A = tpu.memref_slice %arg2[%add3A_54] : memref<65536xi32, #tpu.memory_space<hbm>> -> memref<128xi32, #tpu.memory_space<hbm>>
      %dma_wait3A_71 = tpu.memref_slice %arg2[%add3A_54] : memref<65536xi32, #tpu.memory_space<hbm>> -> memref<128xi32, #tpu.memory_space<hbm>>
      tpu.wait_dma2 semaphore(%run_scoped3A : memref<!tpu.dma_semaphore, #tpu.memory_space<semaphore_mem>>) src(%dma_wait3A_71 : memref<128xi32, #tpu.memory_space<hbm>>) dst(%arg8 : memref<128xi32, #tpu.memory_space<vmem>>)
      tpu.yield
    }) : () -> ()
    "tpu.region"() ({
      %run_scoped3A = tpu.sem_alloc : memref<!tpu.dma_semaphore, #tpu.memory_space<semaphore_mem>>
      %dma_start3A = arith.constant 0 : i32
      %dma_start3A_70 = arith.constant 0 : i32
      %dma_start3A_71 = tpu.memref_slice %arg10[%dma_start3A, %dma_start3A_70] : memref<4096x128xf32, #tpu.memory_space<vmem_shared>> -> memref<4096x128xf32, #tpu.memory_space<vmem_shared>>
      tpu.enqueue_indirect_dma source(%arg9 : memref<128x128xf32, #tpu.memory_space<vmem>>) target(%dma_start3A_71 : memref<4096x128xf32, #tpu.memory_space<vmem_shared>>) offsets(%arg8 : memref<128xi32, #tpu.memory_space<vmem>>) semaphore(%run_scoped3A : memref<!tpu.dma_semaphore, #tpu.memory_space<semaphore_mem>>) {add = true}
      %dma_wait3A = arith.constant 0 : i32
      %dma_wait3A_72 = arith.constant 0 : i32
      %dma_wait3A_73 = tpu.memref_slice %arg10[%dma_wait3A, %dma_wait3A_72] : memref<4096x128xf32, #tpu.memory_space<vmem_shared>> -> memref<4096x128xf32, #tpu.memory_space<vmem_shared>>
      tpu.wait_indirect_dma semaphore(%run_scoped3A : memref<!tpu.dma_semaphore, #tpu.memory_space<semaphore_mem>>) src(%arg9 : memref<128x128xf32, #tpu.memory_space<vmem>>) dst(%dma_wait3A_73 : memref<4096x128xf32, #tpu.memory_space<vmem_shared>>)
      tpu.yield
    }) : () -> ()
    %add3A_55 = arith.constant 1536 : i32
    %add3A_56 = arith.addi %add3A, %add3A_55 : i32
    "tpu.region"() ({
      %run_scoped3A = tpu.sem_alloc : memref<!tpu.dma_semaphore, #tpu.memory_space<semaphore_mem>>
      %dma_start3A = tpu.memref_slice %arg3[%add3A_56] : memref<65536xi32, #tpu.memory_space<hbm>> -> memref<128xi32, #tpu.memory_space<hbm>>
      %dma_start3A_70 = tpu.memref_slice %arg3[%add3A_56] : memref<65536xi32, #tpu.memory_space<hbm>> -> memref<128xi32, #tpu.memory_space<hbm>>
      tpu.enqueue_dma source(%dma_start3A_70 : memref<128xi32, #tpu.memory_space<hbm>>) target(%arg8 : memref<128xi32, #tpu.memory_space<vmem>>) target_semaphore(%run_scoped3A : memref<!tpu.dma_semaphore, #tpu.memory_space<semaphore_mem>>)
      %dma_wait3A = tpu.memref_slice %arg3[%add3A_56] : memref<65536xi32, #tpu.memory_space<hbm>> -> memref<128xi32, #tpu.memory_space<hbm>>
      %dma_wait3A_71 = tpu.memref_slice %arg3[%add3A_56] : memref<65536xi32, #tpu.memory_space<hbm>> -> memref<128xi32, #tpu.memory_space<hbm>>
      tpu.wait_dma2 semaphore(%run_scoped3A : memref<!tpu.dma_semaphore, #tpu.memory_space<semaphore_mem>>) src(%dma_wait3A_71 : memref<128xi32, #tpu.memory_space<hbm>>) dst(%arg8 : memref<128xi32, #tpu.memory_space<vmem>>)
      tpu.yield
    }) : () -> ()
    "tpu.region"() ({
      %run_scoped3A = tpu.sem_alloc : memref<!tpu.dma_semaphore, #tpu.memory_space<semaphore_mem>>
      %dma_start3A = arith.constant 0 : i32
      %dma_start3A_70 = arith.constant 0 : i32
      %dma_start3A_71 = tpu.memref_slice %arg11[%dma_start3A, %dma_start3A_70] : memref<4096x128xf32, #tpu.memory_space<vmem_shared>> -> memref<4096x128xf32, #tpu.memory_space<vmem_shared>>
      tpu.enqueue_indirect_dma source(%arg9 : memref<128x128xf32, #tpu.memory_space<vmem>>) target(%dma_start3A_71 : memref<4096x128xf32, #tpu.memory_space<vmem_shared>>) offsets(%arg8 : memref<128xi32, #tpu.memory_space<vmem>>) semaphore(%run_scoped3A : memref<!tpu.dma_semaphore, #tpu.memory_space<semaphore_mem>>) {add = true}
      %dma_wait3A = arith.constant 0 : i32
      %dma_wait3A_72 = arith.constant 0 : i32
      %dma_wait3A_73 = tpu.memref_slice %arg11[%dma_wait3A, %dma_wait3A_72] : memref<4096x128xf32, #tpu.memory_space<vmem_shared>> -> memref<4096x128xf32, #tpu.memory_space<vmem_shared>>
      tpu.wait_indirect_dma semaphore(%run_scoped3A : memref<!tpu.dma_semaphore, #tpu.memory_space<semaphore_mem>>) src(%arg9 : memref<128x128xf32, #tpu.memory_space<vmem>>) dst(%dma_wait3A_73 : memref<4096x128xf32, #tpu.memory_space<vmem_shared>>)
      tpu.yield
    }) : () -> ()
    %add3A_57 = arith.constant 1664 : i32
    %add3A_58 = arith.addi %add3A, %add3A_57 : i32
    "tpu.region"() ({
      %run_scoped3A = tpu.sem_alloc : memref<!tpu.dma_semaphore, #tpu.memory_space<semaphore_mem>>
      %dma_start3A = tpu.memref_slice %arg2[%add3A_58] : memref<65536xi32, #tpu.memory_space<hbm>> -> memref<128xi32, #tpu.memory_space<hbm>>
      %dma_start3A_70 = tpu.memref_slice %arg2[%add3A_58] : memref<65536xi32, #tpu.memory_space<hbm>> -> memref<128xi32, #tpu.memory_space<hbm>>
      tpu.enqueue_dma source(%dma_start3A_70 : memref<128xi32, #tpu.memory_space<hbm>>) target(%arg8 : memref<128xi32, #tpu.memory_space<vmem>>) target_semaphore(%run_scoped3A : memref<!tpu.dma_semaphore, #tpu.memory_space<semaphore_mem>>)
      %dma_wait3A = tpu.memref_slice %arg2[%add3A_58] : memref<65536xi32, #tpu.memory_space<hbm>> -> memref<128xi32, #tpu.memory_space<hbm>>
      %dma_wait3A_71 = tpu.memref_slice %arg2[%add3A_58] : memref<65536xi32, #tpu.memory_space<hbm>> -> memref<128xi32, #tpu.memory_space<hbm>>
      tpu.wait_dma2 semaphore(%run_scoped3A : memref<!tpu.dma_semaphore, #tpu.memory_space<semaphore_mem>>) src(%dma_wait3A_71 : memref<128xi32, #tpu.memory_space<hbm>>) dst(%arg8 : memref<128xi32, #tpu.memory_space<vmem>>)
      tpu.yield
    }) : () -> ()
    "tpu.region"() ({
      %run_scoped3A = tpu.sem_alloc : memref<!tpu.dma_semaphore, #tpu.memory_space<semaphore_mem>>
      %dma_start3A = arith.constant 0 : i32
      %dma_start3A_70 = arith.constant 0 : i32
      %dma_start3A_71 = tpu.memref_slice %arg10[%dma_start3A, %dma_start3A_70] : memref<4096x128xf32, #tpu.memory_space<vmem_shared>> -> memref<4096x128xf32, #tpu.memory_space<vmem_shared>>
      tpu.enqueue_indirect_dma source(%arg9 : memref<128x128xf32, #tpu.memory_space<vmem>>) target(%dma_start3A_71 : memref<4096x128xf32, #tpu.memory_space<vmem_shared>>) offsets(%arg8 : memref<128xi32, #tpu.memory_space<vmem>>) semaphore(%run_scoped3A : memref<!tpu.dma_semaphore, #tpu.memory_space<semaphore_mem>>) {add = true}
      %dma_wait3A = arith.constant 0 : i32
      %dma_wait3A_72 = arith.constant 0 : i32
      %dma_wait3A_73 = tpu.memref_slice %arg10[%dma_wait3A, %dma_wait3A_72] : memref<4096x128xf32, #tpu.memory_space<vmem_shared>> -> memref<4096x128xf32, #tpu.memory_space<vmem_shared>>
      tpu.wait_indirect_dma semaphore(%run_scoped3A : memref<!tpu.dma_semaphore, #tpu.memory_space<semaphore_mem>>) src(%arg9 : memref<128x128xf32, #tpu.memory_space<vmem>>) dst(%dma_wait3A_73 : memref<4096x128xf32, #tpu.memory_space<vmem_shared>>)
      tpu.yield
    }) : () -> ()
    %add3A_59 = arith.constant 1664 : i32
    %add3A_60 = arith.addi %add3A, %add3A_59 : i32
    "tpu.region"() ({
      %run_scoped3A = tpu.sem_alloc : memref<!tpu.dma_semaphore, #tpu.memory_space<semaphore_mem>>
      %dma_start3A = tpu.memref_slice %arg3[%add3A_60] : memref<65536xi32, #tpu.memory_space<hbm>> -> memref<128xi32, #tpu.memory_space<hbm>>
      %dma_start3A_70 = tpu.memref_slice %arg3[%add3A_60] : memref<65536xi32, #tpu.memory_space<hbm>> -> memref<128xi32, #tpu.memory_space<hbm>>
      tpu.enqueue_dma source(%dma_start3A_70 : memref<128xi32, #tpu.memory_space<hbm>>) target(%arg8 : memref<128xi32, #tpu.memory_space<vmem>>) target_semaphore(%run_scoped3A : memref<!tpu.dma_semaphore, #tpu.memory_space<semaphore_mem>>)
      %dma_wait3A = tpu.memref_slice %arg3[%add3A_60] : memref<65536xi32, #tpu.memory_space<hbm>> -> memref<128xi32, #tpu.memory_space<hbm>>
      %dma_wait3A_71 = tpu.memref_slice %arg3[%add3A_60] : memref<65536xi32, #tpu.memory_space<hbm>> -> memref<128xi32, #tpu.memory_space<hbm>>
      tpu.wait_dma2 semaphore(%run_scoped3A : memref<!tpu.dma_semaphore, #tpu.memory_space<semaphore_mem>>) src(%dma_wait3A_71 : memref<128xi32, #tpu.memory_space<hbm>>) dst(%arg8 : memref<128xi32, #tpu.memory_space<vmem>>)
      tpu.yield
    }) : () -> ()
    "tpu.region"() ({
      %run_scoped3A = tpu.sem_alloc : memref<!tpu.dma_semaphore, #tpu.memory_space<semaphore_mem>>
      %dma_start3A = arith.constant 0 : i32
      %dma_start3A_70 = arith.constant 0 : i32
      %dma_start3A_71 = tpu.memref_slice %arg11[%dma_start3A, %dma_start3A_70] : memref<4096x128xf32, #tpu.memory_space<vmem_shared>> -> memref<4096x128xf32, #tpu.memory_space<vmem_shared>>
      tpu.enqueue_indirect_dma source(%arg9 : memref<128x128xf32, #tpu.memory_space<vmem>>) target(%dma_start3A_71 : memref<4096x128xf32, #tpu.memory_space<vmem_shared>>) offsets(%arg8 : memref<128xi32, #tpu.memory_space<vmem>>) semaphore(%run_scoped3A : memref<!tpu.dma_semaphore, #tpu.memory_space<semaphore_mem>>) {add = true}
      %dma_wait3A = arith.constant 0 : i32
      %dma_wait3A_72 = arith.constant 0 : i32
      %dma_wait3A_73 = tpu.memref_slice %arg11[%dma_wait3A, %dma_wait3A_72] : memref<4096x128xf32, #tpu.memory_space<vmem_shared>> -> memref<4096x128xf32, #tpu.memory_space<vmem_shared>>
      tpu.wait_indirect_dma semaphore(%run_scoped3A : memref<!tpu.dma_semaphore, #tpu.memory_space<semaphore_mem>>) src(%arg9 : memref<128x128xf32, #tpu.memory_space<vmem>>) dst(%dma_wait3A_73 : memref<4096x128xf32, #tpu.memory_space<vmem_shared>>)
      tpu.yield
    }) : () -> ()
    %add3A_61 = arith.constant 1792 : i32
    %add3A_62 = arith.addi %add3A, %add3A_61 : i32
    "tpu.region"() ({
      %run_scoped3A = tpu.sem_alloc : memref<!tpu.dma_semaphore, #tpu.memory_space<semaphore_mem>>
      %dma_start3A = tpu.memref_slice %arg2[%add3A_62] : memref<65536xi32, #tpu.memory_space<hbm>> -> memref<128xi32, #tpu.memory_space<hbm>>
      %dma_start3A_70 = tpu.memref_slice %arg2[%add3A_62] : memref<65536xi32, #tpu.memory_space<hbm>> -> memref<128xi32, #tpu.memory_space<hbm>>
      tpu.enqueue_dma source(%dma_start3A_70 : memref<128xi32, #tpu.memory_space<hbm>>) target(%arg8 : memref<128xi32, #tpu.memory_space<vmem>>) target_semaphore(%run_scoped3A : memref<!tpu.dma_semaphore, #tpu.memory_space<semaphore_mem>>)
      %dma_wait3A = tpu.memref_slice %arg2[%add3A_62] : memref<65536xi32, #tpu.memory_space<hbm>> -> memref<128xi32, #tpu.memory_space<hbm>>
      %dma_wait3A_71 = tpu.memref_slice %arg2[%add3A_62] : memref<65536xi32, #tpu.memory_space<hbm>> -> memref<128xi32, #tpu.memory_space<hbm>>
      tpu.wait_dma2 semaphore(%run_scoped3A : memref<!tpu.dma_semaphore, #tpu.memory_space<semaphore_mem>>) src(%dma_wait3A_71 : memref<128xi32, #tpu.memory_space<hbm>>) dst(%arg8 : memref<128xi32, #tpu.memory_space<vmem>>)
      tpu.yield
    }) : () -> ()
    "tpu.region"() ({
      %run_scoped3A = tpu.sem_alloc : memref<!tpu.dma_semaphore, #tpu.memory_space<semaphore_mem>>
      %dma_start3A = arith.constant 0 : i32
      %dma_start3A_70 = arith.constant 0 : i32
      %dma_start3A_71 = tpu.memref_slice %arg10[%dma_start3A, %dma_start3A_70] : memref<4096x128xf32, #tpu.memory_space<vmem_shared>> -> memref<4096x128xf32, #tpu.memory_space<vmem_shared>>
      tpu.enqueue_indirect_dma source(%arg9 : memref<128x128xf32, #tpu.memory_space<vmem>>) target(%dma_start3A_71 : memref<4096x128xf32, #tpu.memory_space<vmem_shared>>) offsets(%arg8 : memref<128xi32, #tpu.memory_space<vmem>>) semaphore(%run_scoped3A : memref<!tpu.dma_semaphore, #tpu.memory_space<semaphore_mem>>) {add = true}
      %dma_wait3A = arith.constant 0 : i32
      %dma_wait3A_72 = arith.constant 0 : i32
      %dma_wait3A_73 = tpu.memref_slice %arg10[%dma_wait3A, %dma_wait3A_72] : memref<4096x128xf32, #tpu.memory_space<vmem_shared>> -> memref<4096x128xf32, #tpu.memory_space<vmem_shared>>
      tpu.wait_indirect_dma semaphore(%run_scoped3A : memref<!tpu.dma_semaphore, #tpu.memory_space<semaphore_mem>>) src(%arg9 : memref<128x128xf32, #tpu.memory_space<vmem>>) dst(%dma_wait3A_73 : memref<4096x128xf32, #tpu.memory_space<vmem_shared>>)
      tpu.yield
    }) : () -> ()
    %add3A_63 = arith.constant 1792 : i32
    %add3A_64 = arith.addi %add3A, %add3A_63 : i32
    "tpu.region"() ({
      %run_scoped3A = tpu.sem_alloc : memref<!tpu.dma_semaphore, #tpu.memory_space<semaphore_mem>>
      %dma_start3A = tpu.memref_slice %arg3[%add3A_64] : memref<65536xi32, #tpu.memory_space<hbm>> -> memref<128xi32, #tpu.memory_space<hbm>>
      %dma_start3A_70 = tpu.memref_slice %arg3[%add3A_64] : memref<65536xi32, #tpu.memory_space<hbm>> -> memref<128xi32, #tpu.memory_space<hbm>>
      tpu.enqueue_dma source(%dma_start3A_70 : memref<128xi32, #tpu.memory_space<hbm>>) target(%arg8 : memref<128xi32, #tpu.memory_space<vmem>>) target_semaphore(%run_scoped3A : memref<!tpu.dma_semaphore, #tpu.memory_space<semaphore_mem>>)
      %dma_wait3A = tpu.memref_slice %arg3[%add3A_64] : memref<65536xi32, #tpu.memory_space<hbm>> -> memref<128xi32, #tpu.memory_space<hbm>>
      %dma_wait3A_71 = tpu.memref_slice %arg3[%add3A_64] : memref<65536xi32, #tpu.memory_space<hbm>> -> memref<128xi32, #tpu.memory_space<hbm>>
      tpu.wait_dma2 semaphore(%run_scoped3A : memref<!tpu.dma_semaphore, #tpu.memory_space<semaphore_mem>>) src(%dma_wait3A_71 : memref<128xi32, #tpu.memory_space<hbm>>) dst(%arg8 : memref<128xi32, #tpu.memory_space<vmem>>)
      tpu.yield
    }) : () -> ()
    "tpu.region"() ({
      %run_scoped3A = tpu.sem_alloc : memref<!tpu.dma_semaphore, #tpu.memory_space<semaphore_mem>>
      %dma_start3A = arith.constant 0 : i32
      %dma_start3A_70 = arith.constant 0 : i32
      %dma_start3A_71 = tpu.memref_slice %arg11[%dma_start3A, %dma_start3A_70] : memref<4096x128xf32, #tpu.memory_space<vmem_shared>> -> memref<4096x128xf32, #tpu.memory_space<vmem_shared>>
      tpu.enqueue_indirect_dma source(%arg9 : memref<128x128xf32, #tpu.memory_space<vmem>>) target(%dma_start3A_71 : memref<4096x128xf32, #tpu.memory_space<vmem_shared>>) offsets(%arg8 : memref<128xi32, #tpu.memory_space<vmem>>) semaphore(%run_scoped3A : memref<!tpu.dma_semaphore, #tpu.memory_space<semaphore_mem>>) {add = true}
      %dma_wait3A = arith.constant 0 : i32
      %dma_wait3A_72 = arith.constant 0 : i32
      %dma_wait3A_73 = tpu.memref_slice %arg11[%dma_wait3A, %dma_wait3A_72] : memref<4096x128xf32, #tpu.memory_space<vmem_shared>> -> memref<4096x128xf32, #tpu.memory_space<vmem_shared>>
      tpu.wait_indirect_dma semaphore(%run_scoped3A : memref<!tpu.dma_semaphore, #tpu.memory_space<semaphore_mem>>) src(%arg9 : memref<128x128xf32, #tpu.memory_space<vmem>>) dst(%dma_wait3A_73 : memref<4096x128xf32, #tpu.memory_space<vmem_shared>>)
      tpu.yield
    }) : () -> ()
    %add3A_65 = arith.constant 1920 : i32
    %add3A_66 = arith.addi %add3A, %add3A_65 : i32
    "tpu.region"() ({
      %run_scoped3A = tpu.sem_alloc : memref<!tpu.dma_semaphore, #tpu.memory_space<semaphore_mem>>
      %dma_start3A = tpu.memref_slice %arg2[%add3A_66] : memref<65536xi32, #tpu.memory_space<hbm>> -> memref<128xi32, #tpu.memory_space<hbm>>
      %dma_start3A_70 = tpu.memref_slice %arg2[%add3A_66] : memref<65536xi32, #tpu.memory_space<hbm>> -> memref<128xi32, #tpu.memory_space<hbm>>
      tpu.enqueue_dma source(%dma_start3A_70 : memref<128xi32, #tpu.memory_space<hbm>>) target(%arg8 : memref<128xi32, #tpu.memory_space<vmem>>) target_semaphore(%run_scoped3A : memref<!tpu.dma_semaphore, #tpu.memory_space<semaphore_mem>>)
      %dma_wait3A = tpu.memref_slice %arg2[%add3A_66] : memref<65536xi32, #tpu.memory_space<hbm>> -> memref<128xi32, #tpu.memory_space<hbm>>
      %dma_wait3A_71 = tpu.memref_slice %arg2[%add3A_66] : memref<65536xi32, #tpu.memory_space<hbm>> -> memref<128xi32, #tpu.memory_space<hbm>>
      tpu.wait_dma2 semaphore(%run_scoped3A : memref<!tpu.dma_semaphore, #tpu.memory_space<semaphore_mem>>) src(%dma_wait3A_71 : memref<128xi32, #tpu.memory_space<hbm>>) dst(%arg8 : memref<128xi32, #tpu.memory_space<vmem>>)
      tpu.yield
    }) : () -> ()
    "tpu.region"() ({
      %run_scoped3A = tpu.sem_alloc : memref<!tpu.dma_semaphore, #tpu.memory_space<semaphore_mem>>
      %dma_start3A = arith.constant 0 : i32
      %dma_start3A_70 = arith.constant 0 : i32
      %dma_start3A_71 = tpu.memref_slice %arg10[%dma_start3A, %dma_start3A_70] : memref<4096x128xf32, #tpu.memory_space<vmem_shared>> -> memref<4096x128xf32, #tpu.memory_space<vmem_shared>>
      tpu.enqueue_indirect_dma source(%arg9 : memref<128x128xf32, #tpu.memory_space<vmem>>) target(%dma_start3A_71 : memref<4096x128xf32, #tpu.memory_space<vmem_shared>>) offsets(%arg8 : memref<128xi32, #tpu.memory_space<vmem>>) semaphore(%run_scoped3A : memref<!tpu.dma_semaphore, #tpu.memory_space<semaphore_mem>>) {add = true}
      %dma_wait3A = arith.constant 0 : i32
      %dma_wait3A_72 = arith.constant 0 : i32
      %dma_wait3A_73 = tpu.memref_slice %arg10[%dma_wait3A, %dma_wait3A_72] : memref<4096x128xf32, #tpu.memory_space<vmem_shared>> -> memref<4096x128xf32, #tpu.memory_space<vmem_shared>>
      tpu.wait_indirect_dma semaphore(%run_scoped3A : memref<!tpu.dma_semaphore, #tpu.memory_space<semaphore_mem>>) src(%arg9 : memref<128x128xf32, #tpu.memory_space<vmem>>) dst(%dma_wait3A_73 : memref<4096x128xf32, #tpu.memory_space<vmem_shared>>)
      tpu.yield
    }) : () -> ()
    %add3A_67 = arith.constant 1920 : i32
    %add3A_68 = arith.addi %add3A, %add3A_67 : i32
    "tpu.region"() ({
      %run_scoped3A = tpu.sem_alloc : memref<!tpu.dma_semaphore, #tpu.memory_space<semaphore_mem>>
      %dma_start3A = tpu.memref_slice %arg3[%add3A_68] : memref<65536xi32, #tpu.memory_space<hbm>> -> memref<128xi32, #tpu.memory_space<hbm>>
      %dma_start3A_70 = tpu.memref_slice %arg3[%add3A_68] : memref<65536xi32, #tpu.memory_space<hbm>> -> memref<128xi32, #tpu.memory_space<hbm>>
      tpu.enqueue_dma source(%dma_start3A_70 : memref<128xi32, #tpu.memory_space<hbm>>) target(%arg8 : memref<128xi32, #tpu.memory_space<vmem>>) target_semaphore(%run_scoped3A : memref<!tpu.dma_semaphore, #tpu.memory_space<semaphore_mem>>)
      %dma_wait3A = tpu.memref_slice %arg3[%add3A_68] : memref<65536xi32, #tpu.memory_space<hbm>> -> memref<128xi32, #tpu.memory_space<hbm>>
      %dma_wait3A_71 = tpu.memref_slice %arg3[%add3A_68] : memref<65536xi32, #tpu.memory_space<hbm>> -> memref<128xi32, #tpu.memory_space<hbm>>
      tpu.wait_dma2 semaphore(%run_scoped3A : memref<!tpu.dma_semaphore, #tpu.memory_space<semaphore_mem>>) src(%dma_wait3A_71 : memref<128xi32, #tpu.memory_space<hbm>>) dst(%arg8 : memref<128xi32, #tpu.memory_space<vmem>>)
      tpu.yield
    }) : () -> ()
    "tpu.region"() ({
      %run_scoped3A = tpu.sem_alloc : memref<!tpu.dma_semaphore, #tpu.memory_space<semaphore_mem>>
      %dma_start3A = arith.constant 0 : i32
      %dma_start3A_70 = arith.constant 0 : i32
      %dma_start3A_71 = tpu.memref_slice %arg11[%dma_start3A, %dma_start3A_70] : memref<4096x128xf32, #tpu.memory_space<vmem_shared>> -> memref<4096x128xf32, #tpu.memory_space<vmem_shared>>
      tpu.enqueue_indirect_dma source(%arg9 : memref<128x128xf32, #tpu.memory_space<vmem>>) target(%dma_start3A_71 : memref<4096x128xf32, #tpu.memory_space<vmem_shared>>) offsets(%arg8 : memref<128xi32, #tpu.memory_space<vmem>>) semaphore(%run_scoped3A : memref<!tpu.dma_semaphore, #tpu.memory_space<semaphore_mem>>) {add = true}
      %dma_wait3A = arith.constant 0 : i32
      %dma_wait3A_72 = arith.constant 0 : i32
      %dma_wait3A_73 = tpu.memref_slice %arg11[%dma_wait3A, %dma_wait3A_72] : memref<4096x128xf32, #tpu.memory_space<vmem_shared>> -> memref<4096x128xf32, #tpu.memory_space<vmem_shared>>
      tpu.wait_indirect_dma semaphore(%run_scoped3A : memref<!tpu.dma_semaphore, #tpu.memory_space<semaphore_mem>>) src(%arg9 : memref<128x128xf32, #tpu.memory_space<vmem>>) dst(%dma_wait3A_73 : memref<4096x128xf32, #tpu.memory_space<vmem_shared>>)
      tpu.yield
    }) : () -> ()
    %barrier3A_69 = arith.constant 0 : index
    tpu.barrier barrier_id(%barrier3A_69)
    "tpu.region"() ({
      %run_scoped3A = tpu.sem_alloc : memref<!tpu.dma_semaphore, #tpu.memory_space<semaphore_mem>>
      %dma_start3A = arith.constant 0 : i32
      %dma_start3A_70 = arith.constant 0 : i32
      %dma_start3A_71 = tpu.memref_slice %arg6[%arg0, %dma_start3A, %dma_start3A_70] : memref<2x4096x128xf32, #tpu.memory_space<hbm>> -> memref<1x4096x128xf32, #tpu.memory_space<hbm>>
      %dma_start3A_72 = tpu.memref_squeeze %dma_start3A_71 : memref<1x4096x128xf32, #tpu.memory_space<hbm>> -> memref<4096x128xf32, #tpu.memory_space<hbm>>
      %dma_start3A_73 = arith.constant 0 : i32
      %dma_start3A_74 = tpu.memref_slice %dma_start3A_72[%mul3A_0, %dma_start3A_73] : memref<4096x128xf32, #tpu.memory_space<hbm>> -> memref<256x128xf32, #tpu.memory_space<hbm>>
      %dma_start3A_75 = arith.constant 0 : i32
      %dma_start3A_76 = tpu.memref_slice %arg10[%mul3A_0, %dma_start3A_75] : memref<4096x128xf32, #tpu.memory_space<vmem_shared>> -> memref<256x128xf32, #tpu.memory_space<vmem_shared>>
      tpu.enqueue_dma source(%dma_start3A_76 : memref<256x128xf32, #tpu.memory_space<vmem_shared>>) target(%dma_start3A_74 : memref<256x128xf32, #tpu.memory_space<hbm>>) target_semaphore(%run_scoped3A : memref<!tpu.dma_semaphore, #tpu.memory_space<semaphore_mem>>)
      %dma_wait3A = arith.constant 0 : i32
      %dma_wait3A_77 = arith.constant 0 : i32
      %dma_wait3A_78 = tpu.memref_slice %arg6[%arg0, %dma_wait3A, %dma_wait3A_77] : memref<2x4096x128xf32, #tpu.memory_space<hbm>> -> memref<1x4096x128xf32, #tpu.memory_space<hbm>>
      %dma_wait3A_79 = tpu.memref_squeeze %dma_wait3A_78 : memref<1x4096x128xf32, #tpu.memory_space<hbm>> -> memref<4096x128xf32, #tpu.memory_space<hbm>>
      %dma_wait3A_80 = arith.constant 0 : i32
      %dma_wait3A_81 = tpu.memref_slice %dma_wait3A_79[%mul3A_0, %dma_wait3A_80] : memref<4096x128xf32, #tpu.memory_space<hbm>> -> memref<256x128xf32, #tpu.memory_space<hbm>>
      %dma_wait3A_82 = arith.constant 0 : i32
      %dma_wait3A_83 = tpu.memref_slice %arg10[%mul3A_0, %dma_wait3A_82] : memref<4096x128xf32, #tpu.memory_space<vmem_shared>> -> memref<256x128xf32, #tpu.memory_space<vmem_shared>>
      tpu.wait_dma2 semaphore(%run_scoped3A : memref<!tpu.dma_semaphore, #tpu.memory_space<semaphore_mem>>) src(%dma_wait3A_83 : memref<256x128xf32, #tpu.memory_space<vmem_shared>>) dst(%dma_wait3A_81 : memref<256x128xf32, #tpu.memory_space<hbm>>)
      tpu.yield
    }) : () -> ()
    "tpu.region"() ({
      %run_scoped3A = tpu.sem_alloc : memref<!tpu.dma_semaphore, #tpu.memory_space<semaphore_mem>>
      %dma_start3A = arith.constant 0 : i32
      %dma_start3A_70 = arith.constant 0 : i32
      %dma_start3A_71 = tpu.memref_slice %arg7[%arg0, %dma_start3A, %dma_start3A_70] : memref<2x4096x128xf32, #tpu.memory_space<hbm>> -> memref<1x4096x128xf32, #tpu.memory_space<hbm>>
      %dma_start3A_72 = tpu.memref_squeeze %dma_start3A_71 : memref<1x4096x128xf32, #tpu.memory_space<hbm>> -> memref<4096x128xf32, #tpu.memory_space<hbm>>
      %dma_start3A_73 = arith.constant 0 : i32
      %dma_start3A_74 = tpu.memref_slice %dma_start3A_72[%mul3A_0, %dma_start3A_73] : memref<4096x128xf32, #tpu.memory_space<hbm>> -> memref<256x128xf32, #tpu.memory_space<hbm>>
      %dma_start3A_75 = arith.constant 0 : i32
      %dma_start3A_76 = tpu.memref_slice %arg11[%mul3A_0, %dma_start3A_75] : memref<4096x128xf32, #tpu.memory_space<vmem_shared>> -> memref<256x128xf32, #tpu.memory_space<vmem_shared>>
      tpu.enqueue_dma source(%dma_start3A_76 : memref<256x128xf32, #tpu.memory_space<vmem_shared>>) target(%dma_start3A_74 : memref<256x128xf32, #tpu.memory_space<hbm>>) target_semaphore(%run_scoped3A : memref<!tpu.dma_semaphore, #tpu.memory_space<semaphore_mem>>)
      %dma_wait3A = arith.constant 0 : i32
      %dma_wait3A_77 = arith.constant 0 : i32
      %dma_wait3A_78 = tpu.memref_slice %arg7[%arg0, %dma_wait3A, %dma_wait3A_77] : memref<2x4096x128xf32, #tpu.memory_space<hbm>> -> memref<1x4096x128xf32, #tpu.memory_space<hbm>>
      %dma_wait3A_79 = tpu.memref_squeeze %dma_wait3A_78 : memref<1x4096x128xf32, #tpu.memory_space<hbm>> -> memref<4096x128xf32, #tpu.memory_space<hbm>>
      %dma_wait3A_80 = arith.constant 0 : i32
      %dma_wait3A_81 = tpu.memref_slice %dma_wait3A_79[%mul3A_0, %dma_wait3A_80] : memref<4096x128xf32, #tpu.memory_space<hbm>> -> memref<256x128xf32, #tpu.memory_space<hbm>>
      %dma_wait3A_82 = arith.constant 0 : i32
      %dma_wait3A_83 = tpu.memref_slice %arg11[%mul3A_0, %dma_wait3A_82] : memref<4096x128xf32, #tpu.memory_space<vmem_shared>> -> memref<256x128xf32, #tpu.memory_space<vmem_shared>>
      tpu.wait_dma2 semaphore(%run_scoped3A : memref<!tpu.dma_semaphore, #tpu.memory_space<semaphore_mem>>) src(%dma_wait3A_83 : memref<256x128xf32, #tpu.memory_space<vmem_shared>>) dst(%dma_wait3A_81 : memref<256x128xf32, #tpu.memory_space<hbm>>)
      tpu.yield
    }) : () -> ()
    return
  }
}

module attributes {stable_mosaic.version = 14 : i64} {
  func.func @_mha1_body(%arg0: i32, %arg1: memref<512x128xf32, #tpu.memory_space<vmem>>, %arg2: memref<4096x128xf32, #tpu.memory_space<vmem>>, %arg3: memref<384x128xf32, #tpu.memory_space<vmem>>, %arg4: memref<1x384xf32, #tpu.memory_space<vmem>>, %arg5: memref<128x128xf32, #tpu.memory_space<vmem>>, %arg6: memref<1x128xf32, #tpu.memory_space<vmem>>, %arg7: memref<512x128xf32, #tpu.memory_space<vmem>>, %arg8: memref<4096x128xf32, #tpu.memory_space<vmem>>, %arg9: memref<4096x128xf32, #tpu.memory_space<vmem>>) attributes {dimension_semantics = [#tpu.dimension_semantics<arbitrary>], iteration_bounds = array<i64: 8>, scalar_prefetch = 0 : i64, scratch_operands = 2 : i64, tpu.core_type = #tpu.core_type<tc>, window_params = [{transform_indices = @transform_0, window_bounds = array<i64: 512, 128>}, {pipeline_mode = #tpu.pipeline_mode<synchronous>, transform_indices = @transform_1, window_bounds = array<i64: 4096, 128>}, {pipeline_mode = #tpu.pipeline_mode<synchronous>, transform_indices = @transform_2, window_bounds = array<i64: 384, 128>}, {pipeline_mode = #tpu.pipeline_mode<synchronous>, transform_indices = @transform_3, window_bounds = array<i64: 1, 384>}, {pipeline_mode = #tpu.pipeline_mode<synchronous>, transform_indices = @transform_4, window_bounds = array<i64: 128, 128>}, {pipeline_mode = #tpu.pipeline_mode<synchronous>, transform_indices = @transform_5, window_bounds = array<i64: 1, 128>}, {transform_indices = @transform_6, window_bounds = array<i64: 512, 128>}]} {
    %get3A = arith.constant 0 : index
    %get3A_0 = arith.constant 0 : index
    %get3A_1 = vector.load %arg3[%get3A, %get3A_0] : memref<384x128xf32, #tpu.memory_space<vmem>>, vector<384x128xf32>
    %get3A_2 = arith.constant 0 : index
    %get3A_3 = arith.constant 0 : index
    %get3A_4 = vector.load %arg4[%get3A_2, %get3A_3] : memref<1x384xf32, #tpu.memory_space<vmem>>, vector<1x384xf32>
    %eq3A = arith.constant 0 : i32
    %eq3A_5 = arith.cmpi eq, %arg0, %eq3A : i32
    %convert_element_type3A = arith.extui %eq3A_5 : i1 to i32
    %cond3A = arith.constant 0 : i32
    %cond3A_6 = arith.cmpi ne, %convert_element_type3A, %cond3A : i32
    scf.if %cond3A_6 {
      %get3A_108 = arith.constant 0 : index
      %get3A_109 = arith.constant 0 : index
      %get3A_110 = vector.load %arg2[%get3A_108, %get3A_109] : memref<4096x128xf32, #tpu.memory_space<vmem>>, vector<4096x128xf32>
      %slice3A_111 = vector.extract_strided_slice %get3A_1 {offsets = [128, 0], sizes = [128, 128], strides = [1, 1]} : vector<384x128xf32> to vector<128x128xf32>
      %dot_general3A_112 = arith.constant dense<0.000000e+00> : vector<4096x128xf32>
      %dot_general3A_113 = tpu.matmul %get3A_110, %slice3A_111, %dot_general3A_112 {dimension_numbers = #tpu.dot_dimension_numbers<[1], [1], [0], [0], [0, 0, 1, 0], [], []>, transpose_lhs_hint = false} : vector<4096x128xf32>, vector<128x128xf32>, vector<4096x128xf32> -> vector<4096x128xf32>
      %slice3A_114 = vector.extract_strided_slice %get3A_4 {offsets = [0, 128], sizes = [1, 128], strides = [1, 1]} : vector<1x384xf32> to vector<1x128xf32>
      %add3A_115 = vector.broadcast %slice3A_114 : vector<1x128xf32> to vector<4096x128xf32>
      %add3A_116 = arith.addf %dot_general3A_113, %add3A_115 : vector<4096x128xf32>
      %swap3A_117 = arith.constant 0 : index
      %swap3A_118 = arith.constant 0 : index
      %swap3A_119 = vector.load %arg8[%swap3A_117, %swap3A_118] : memref<4096x128xf32, #tpu.memory_space<vmem>>, vector<4096x128xf32>
      tpu.vector_store %arg8[%swap3A_117, %swap3A_118], %add3A_116 {strides = array<i32>} : memref<4096x128xf32, #tpu.memory_space<vmem>>, vector<4096x128xf32>,
      %slice3A_120 = vector.extract_strided_slice %get3A_1 {offsets = [256, 0], sizes = [128, 128], strides = [1, 1]} : vector<384x128xf32> to vector<128x128xf32>
      %dot_general3A_121 = arith.constant dense<0.000000e+00> : vector<4096x128xf32>
      %dot_general3A_122 = tpu.matmul %get3A_110, %slice3A_120, %dot_general3A_121 {dimension_numbers = #tpu.dot_dimension_numbers<[1], [1], [0], [0], [0, 0, 1, 0], [], []>, transpose_lhs_hint = false} : vector<4096x128xf32>, vector<128x128xf32>, vector<4096x128xf32> -> vector<4096x128xf32>
      %slice3A_123 = vector.extract_strided_slice %get3A_4 {offsets = [0, 256], sizes = [1, 128], strides = [1, 1]} : vector<1x384xf32> to vector<1x128xf32>
      %add3A_124 = vector.broadcast %slice3A_123 : vector<1x128xf32> to vector<4096x128xf32>
      %add3A_125 = arith.addf %dot_general3A_122, %add3A_124 : vector<4096x128xf32>
      %swap3A_126 = arith.constant 0 : index
      %swap3A_127 = arith.constant 0 : index
      %swap3A_128 = vector.load %arg9[%swap3A_126, %swap3A_127] : memref<4096x128xf32, #tpu.memory_space<vmem>>, vector<4096x128xf32>
      tpu.vector_store %arg9[%swap3A_126, %swap3A_127], %add3A_125 {strides = array<i32>} : memref<4096x128xf32, #tpu.memory_space<vmem>>, vector<4096x128xf32>,
    } else {
    }
    %get3A_7 = arith.constant 0 : index
    %get3A_8 = arith.constant 0 : index
    %get3A_9 = vector.load %arg1[%get3A_7, %get3A_8] : memref<512x128xf32, #tpu.memory_space<vmem>>, vector<512x128xf32>
    %slice3A = vector.extract_strided_slice %get3A_1 {offsets = [0, 0], sizes = [128, 128], strides = [1, 1]} : vector<384x128xf32> to vector<128x128xf32>
    %dot_general3A = arith.constant dense<0.000000e+00> : vector<512x128xf32>
    %dot_general3A_10 = tpu.matmul %get3A_9, %slice3A, %dot_general3A {dimension_numbers = #tpu.dot_dimension_numbers<[1], [1], [0], [0], [0, 0, 1, 0], [], []>, transpose_lhs_hint = false} : vector<512x128xf32>, vector<128x128xf32>, vector<512x128xf32> -> vector<512x128xf32>
    %slice3A_11 = vector.extract_strided_slice %get3A_4 {offsets = [0, 0], sizes = [1, 128], strides = [1, 1]} : vector<1x384xf32> to vector<1x128xf32>
    %add3A = vector.broadcast %slice3A_11 : vector<1x128xf32> to vector<512x128xf32>
    %add3A_12 = arith.addf %dot_general3A_10, %add3A : vector<512x128xf32>
    %get3A_13 = arith.constant 0 : index
    %get3A_14 = arith.constant 0 : index
    %get3A_15 = vector.load %arg8[%get3A_13, %get3A_14] : memref<4096x128xf32, #tpu.memory_space<vmem>>, vector<4096x128xf32>
    %get3A_16 = arith.constant 0 : index
    %get3A_17 = arith.constant 0 : index
    %get3A_18 = vector.load %arg9[%get3A_16, %get3A_17] : memref<4096x128xf32, #tpu.memory_space<vmem>>, vector<4096x128xf32>
    %get3A_19 = arith.constant 0 : index
    %get3A_20 = arith.constant 0 : index
    %get3A_21 = vector.load %arg5[%get3A_19, %get3A_20] : memref<128x128xf32, #tpu.memory_space<vmem>>, vector<128x128xf32>
    %get3A_22 = arith.constant 0 : index
    %get3A_23 = arith.constant 0 : index
    %get3A_24 = vector.load %arg6[%get3A_22, %get3A_23] : memref<1x128xf32, #tpu.memory_space<vmem>>, vector<1x128xf32>
    %slice3A_25 = vector.extract_strided_slice %add3A_12 {offsets = [0, 0], sizes = [512, 32], strides = [1, 1]} : vector<512x128xf32> to vector<512x32xf32>
    %mul3A = arith.constant 0.176776692 : f32
    %mul3A_26 = vector.broadcast %mul3A : f32 to vector<512x32xf32>
    %mul3A_27 = arith.mulf %slice3A_25, %mul3A_26 : vector<512x32xf32>
    %slice3A_28 = vector.extract_strided_slice %get3A_15 {offsets = [0, 0], sizes = [4096, 32], strides = [1, 1]} : vector<4096x128xf32> to vector<4096x32xf32>
    %slice3A_29 = vector.extract_strided_slice %get3A_18 {offsets = [0, 0], sizes = [4096, 32], strides = [1, 1]} : vector<4096x128xf32> to vector<4096x32xf32>
    %dot_general3A_30 = arith.constant dense<0.000000e+00> : vector<512x4096xf32>
    %dot_general3A_31 = tpu.matmul %mul3A_27, %slice3A_28, %dot_general3A_30 {dimension_numbers = #tpu.dot_dimension_numbers<[1], [1], [0], [0], [0, 0, 1, 0], [], []>, transpose_lhs_hint = false} : vector<512x32xf32>, vector<4096x32xf32>, vector<512x4096xf32> -> vector<512x4096xf32>
    %reduce_max3A = arith.constant dense<0xFF800000> : vector<512xf32>
    %reduce_max3A_32 = vector.multi_reduction <maximumf>, %dot_general3A_31, %reduce_max3A [1] : vector<512x4096xf32> to vector<512xf32>
    %broadcast_in_dim3A = vector.shape_cast %reduce_max3A_32 : vector<512xf32> to vector<512x1xf32>
    %sub3A = vector.broadcast %broadcast_in_dim3A : vector<512x1xf32> to vector<512x4096xf32>
    %sub3A_33 = arith.subf %dot_general3A_31, %sub3A : vector<512x4096xf32>
    %exp3A = math.exp %sub3A_33 : vector<512x4096xf32>
    %dot_general3A_34 = arith.constant dense<0.000000e+00> : vector<512x32xf32>
    %dot_general3A_35 = tpu.matmul %exp3A, %slice3A_29, %dot_general3A_34 {dimension_numbers = #tpu.dot_dimension_numbers<[1], [0], [0], [1], [0, 0, 1, 1], [], []>, transpose_lhs_hint = false} : vector<512x4096xf32>, vector<4096x32xf32>, vector<512x32xf32> -> vector<512x32xf32>
    %reduce_sum3A = arith.constant dense<0.000000e+00> : vector<512xf32>
    %reduce_sum3A_36 = vector.multi_reduction <add>, %exp3A, %reduce_sum3A [1] : vector<512x4096xf32> to vector<512xf32>
    %broadcast_in_dim3A_37 = vector.shape_cast %reduce_sum3A_36 : vector<512xf32> to vector<512x1xf32>
    %div3A = vector.broadcast %broadcast_in_dim3A_37 : vector<512x1xf32> to vector<512x32xf32>
    %div3A_38 = arith.divf %dot_general3A_35, %div3A : vector<512x32xf32>
    %slice3A_39 = vector.extract_strided_slice %add3A_12 {offsets = [0, 32], sizes = [512, 32], strides = [1, 1]} : vector<512x128xf32> to vector<512x32xf32>
    %mul3A_40 = arith.constant 0.176776692 : f32
    %mul3A_41 = vector.broadcast %mul3A_40 : f32 to vector<512x32xf32>
    %mul3A_42 = arith.mulf %slice3A_39, %mul3A_41 : vector<512x32xf32>
    %slice3A_43 = vector.extract_strided_slice %get3A_15 {offsets = [0, 32], sizes = [4096, 32], strides = [1, 1]} : vector<4096x128xf32> to vector<4096x32xf32>
    %slice3A_44 = vector.extract_strided_slice %get3A_18 {offsets = [0, 32], sizes = [4096, 32], strides = [1, 1]} : vector<4096x128xf32> to vector<4096x32xf32>
    %dot_general3A_45 = arith.constant dense<0.000000e+00> : vector<512x4096xf32>
    %dot_general3A_46 = tpu.matmul %mul3A_42, %slice3A_43, %dot_general3A_45 {dimension_numbers = #tpu.dot_dimension_numbers<[1], [1], [0], [0], [0, 0, 1, 0], [], []>, transpose_lhs_hint = false} : vector<512x32xf32>, vector<4096x32xf32>, vector<512x4096xf32> -> vector<512x4096xf32>
    %reduce_max3A_47 = arith.constant dense<0xFF800000> : vector<512xf32>
    %reduce_max3A_48 = vector.multi_reduction <maximumf>, %dot_general3A_46, %reduce_max3A_47 [1] : vector<512x4096xf32> to vector<512xf32>
    %broadcast_in_dim3A_49 = vector.shape_cast %reduce_max3A_48 : vector<512xf32> to vector<512x1xf32>
    %sub3A_50 = vector.broadcast %broadcast_in_dim3A_49 : vector<512x1xf32> to vector<512x4096xf32>
    %sub3A_51 = arith.subf %dot_general3A_46, %sub3A_50 : vector<512x4096xf32>
    %exp3A_52 = math.exp %sub3A_51 : vector<512x4096xf32>
    %dot_general3A_53 = arith.constant dense<0.000000e+00> : vector<512x32xf32>
    %dot_general3A_54 = tpu.matmul %exp3A_52, %slice3A_44, %dot_general3A_53 {dimension_numbers = #tpu.dot_dimension_numbers<[1], [0], [0], [1], [0, 0, 1, 1], [], []>, transpose_lhs_hint = false} : vector<512x4096xf32>, vector<4096x32xf32>, vector<512x32xf32> -> vector<512x32xf32>
    %reduce_sum3A_55 = arith.constant dense<0.000000e+00> : vector<512xf32>
    %reduce_sum3A_56 = vector.multi_reduction <add>, %exp3A_52, %reduce_sum3A_55 [1] : vector<512x4096xf32> to vector<512xf32>
    %broadcast_in_dim3A_57 = vector.shape_cast %reduce_sum3A_56 : vector<512xf32> to vector<512x1xf32>
    %div3A_58 = vector.broadcast %broadcast_in_dim3A_57 : vector<512x1xf32> to vector<512x32xf32>
    %div3A_59 = arith.divf %dot_general3A_54, %div3A_58 : vector<512x32xf32>
    %slice3A_60 = vector.extract_strided_slice %add3A_12 {offsets = [0, 64], sizes = [512, 32], strides = [1, 1]} : vector<512x128xf32> to vector<512x32xf32>
    %mul3A_61 = arith.constant 0.176776692 : f32
    %mul3A_62 = vector.broadcast %mul3A_61 : f32 to vector<512x32xf32>
    %mul3A_63 = arith.mulf %slice3A_60, %mul3A_62 : vector<512x32xf32>
    %slice3A_64 = vector.extract_strided_slice %get3A_15 {offsets = [0, 64], sizes = [4096, 32], strides = [1, 1]} : vector<4096x128xf32> to vector<4096x32xf32>
    %slice3A_65 = vector.extract_strided_slice %get3A_18 {offsets = [0, 64], sizes = [4096, 32], strides = [1, 1]} : vector<4096x128xf32> to vector<4096x32xf32>
    %dot_general3A_66 = arith.constant dense<0.000000e+00> : vector<512x4096xf32>
    %dot_general3A_67 = tpu.matmul %mul3A_63, %slice3A_64, %dot_general3A_66 {dimension_numbers = #tpu.dot_dimension_numbers<[1], [1], [0], [0], [0, 0, 1, 0], [], []>, transpose_lhs_hint = false} : vector<512x32xf32>, vector<4096x32xf32>, vector<512x4096xf32> -> vector<512x4096xf32>
    %reduce_max3A_68 = arith.constant dense<0xFF800000> : vector<512xf32>
    %reduce_max3A_69 = vector.multi_reduction <maximumf>, %dot_general3A_67, %reduce_max3A_68 [1] : vector<512x4096xf32> to vector<512xf32>
    %broadcast_in_dim3A_70 = vector.shape_cast %reduce_max3A_69 : vector<512xf32> to vector<512x1xf32>
    %sub3A_71 = vector.broadcast %broadcast_in_dim3A_70 : vector<512x1xf32> to vector<512x4096xf32>
    %sub3A_72 = arith.subf %dot_general3A_67, %sub3A_71 : vector<512x4096xf32>
    %exp3A_73 = math.exp %sub3A_72 : vector<512x4096xf32>
    %dot_general3A_74 = arith.constant dense<0.000000e+00> : vector<512x32xf32>
    %dot_general3A_75 = tpu.matmul %exp3A_73, %slice3A_65, %dot_general3A_74 {dimension_numbers = #tpu.dot_dimension_numbers<[1], [0], [0], [1], [0, 0, 1, 1], [], []>, transpose_lhs_hint = false} : vector<512x4096xf32>, vector<4096x32xf32>, vector<512x32xf32> -> vector<512x32xf32>
    %reduce_sum3A_76 = arith.constant dense<0.000000e+00> : vector<512xf32>
    %reduce_sum3A_77 = vector.multi_reduction <add>, %exp3A_73, %reduce_sum3A_76 [1] : vector<512x4096xf32> to vector<512xf32>
    %broadcast_in_dim3A_78 = vector.shape_cast %reduce_sum3A_77 : vector<512xf32> to vector<512x1xf32>
    %div3A_79 = vector.broadcast %broadcast_in_dim3A_78 : vector<512x1xf32> to vector<512x32xf32>
    %div3A_80 = arith.divf %dot_general3A_75, %div3A_79 : vector<512x32xf32>
    %slice3A_81 = vector.extract_strided_slice %add3A_12 {offsets = [0, 96], sizes = [512, 32], strides = [1, 1]} : vector<512x128xf32> to vector<512x32xf32>
    %mul3A_82 = arith.constant 0.176776692 : f32
    %mul3A_83 = vector.broadcast %mul3A_82 : f32 to vector<512x32xf32>
    %mul3A_84 = arith.mulf %slice3A_81, %mul3A_83 : vector<512x32xf32>
    %slice3A_85 = vector.extract_strided_slice %get3A_15 {offsets = [0, 96], sizes = [4096, 32], strides = [1, 1]} : vector<4096x128xf32> to vector<4096x32xf32>
    %slice3A_86 = vector.extract_strided_slice %get3A_18 {offsets = [0, 96], sizes = [4096, 32], strides = [1, 1]} : vector<4096x128xf32> to vector<4096x32xf32>
    %dot_general3A_87 = arith.constant dense<0.000000e+00> : vector<512x4096xf32>
    %dot_general3A_88 = tpu.matmul %mul3A_84, %slice3A_85, %dot_general3A_87 {dimension_numbers = #tpu.dot_dimension_numbers<[1], [1], [0], [0], [0, 0, 1, 0], [], []>, transpose_lhs_hint = false} : vector<512x32xf32>, vector<4096x32xf32>, vector<512x4096xf32> -> vector<512x4096xf32>
    %reduce_max3A_89 = arith.constant dense<0xFF800000> : vector<512xf32>
    %reduce_max3A_90 = vector.multi_reduction <maximumf>, %dot_general3A_88, %reduce_max3A_89 [1] : vector<512x4096xf32> to vector<512xf32>
    %broadcast_in_dim3A_91 = vector.shape_cast %reduce_max3A_90 : vector<512xf32> to vector<512x1xf32>
    %sub3A_92 = vector.broadcast %broadcast_in_dim3A_91 : vector<512x1xf32> to vector<512x4096xf32>
    %sub3A_93 = arith.subf %dot_general3A_88, %sub3A_92 : vector<512x4096xf32>
    %exp3A_94 = math.exp %sub3A_93 : vector<512x4096xf32>
    %dot_general3A_95 = arith.constant dense<0.000000e+00> : vector<512x32xf32>
    %dot_general3A_96 = tpu.matmul %exp3A_94, %slice3A_86, %dot_general3A_95 {dimension_numbers = #tpu.dot_dimension_numbers<[1], [0], [0], [1], [0, 0, 1, 1], [], []>, transpose_lhs_hint = false} : vector<512x4096xf32>, vector<4096x32xf32>, vector<512x32xf32> -> vector<512x32xf32>
    %reduce_sum3A_97 = arith.constant dense<0.000000e+00> : vector<512xf32>
    %reduce_sum3A_98 = vector.multi_reduction <add>, %exp3A_94, %reduce_sum3A_97 [1] : vector<512x4096xf32> to vector<512xf32>
    %broadcast_in_dim3A_99 = vector.shape_cast %reduce_sum3A_98 : vector<512xf32> to vector<512x1xf32>
    %div3A_100 = vector.broadcast %broadcast_in_dim3A_99 : vector<512x1xf32> to vector<512x32xf32>
    %div3A_101 = arith.divf %dot_general3A_96, %div3A_100 : vector<512x32xf32>
    %concatenate3A = tpu.concatenate %div3A_38, %div3A_59, %div3A_80, %div3A_101 in 1 : vector<512x32xf32>, vector<512x32xf32>, vector<512x32xf32>, vector<512x32xf32> -> vector<512x128xf32>
    %dot_general3A_102 = arith.constant dense<0.000000e+00> : vector<512x128xf32>
    %dot_general3A_103 = tpu.matmul %concatenate3A, %get3A_21, %dot_general3A_102 {dimension_numbers = #tpu.dot_dimension_numbers<[1], [1], [0], [0], [0, 0, 1, 0], [], []>, transpose_lhs_hint = false} : vector<512x128xf32>, vector<128x128xf32>, vector<512x128xf32> -> vector<512x128xf32>
    %add3A_104 = vector.broadcast %get3A_24 : vector<1x128xf32> to vector<512x128xf32>
    %add3A_105 = arith.addf %dot_general3A_103, %add3A_104 : vector<512x128xf32>
    %swap3A = arith.constant 0 : index
    %swap3A_106 = arith.constant 0 : index
    %swap3A_107 = vector.load %arg7[%swap3A, %swap3A_106] : memref<512x128xf32, #tpu.memory_space<vmem>>, vector<512x128xf32>
    tpu.vector_store %arg7[%swap3A, %swap3A_106], %add3A_105 {strides = array<i32>} : memref<512x128xf32, #tpu.memory_space<vmem>>, vector<512x128xf32>,
    return
  }
  func.func @transform_0(%arg0: i32) -> (i32, i32) {
    %c0_i32 = arith.constant 0 : i32
    %c0_i32_0 = arith.constant 0 : i32
    return %arg0, %c0_i32 : i32, i32
  }
  func.func @transform_1(%arg0: i32) -> (i32, i32) {
    %c0_i32 = arith.constant 0 : i32
    %c0_i32_0 = arith.constant 0 : i32
    %c0_i32_1 = arith.constant 0 : i32
    return %c0_i32, %c0_i32_0 : i32, i32
  }
  func.func @transform_2(%arg0: i32) -> (i32, i32) {
    %c0_i32 = arith.constant 0 : i32
    %c0_i32_0 = arith.constant 0 : i32
    %c0_i32_1 = arith.constant 0 : i32
    return %c0_i32, %c0_i32_0 : i32, i32
  }
  func.func @transform_3(%arg0: i32) -> (i32, i32) {
    %c0_i32 = arith.constant 0 : i32
    %c0_i32_0 = arith.constant 0 : i32
    %c0_i32_1 = arith.constant 0 : i32
    return %c0_i32, %c0_i32_0 : i32, i32
  }
  func.func @transform_4(%arg0: i32) -> (i32, i32) {
    %c0_i32 = arith.constant 0 : i32
    %c0_i32_0 = arith.constant 0 : i32
    %c0_i32_1 = arith.constant 0 : i32
    return %c0_i32, %c0_i32_0 : i32, i32
  }
  func.func @transform_5(%arg0: i32) -> (i32, i32) {
    %c0_i32 = arith.constant 0 : i32
    %c0_i32_0 = arith.constant 0 : i32
    %c0_i32_1 = arith.constant 0 : i32
    return %c0_i32, %c0_i32_0 : i32, i32
  }
  func.func @transform_6(%arg0: i32) -> (i32, i32) {
    %c0_i32 = arith.constant 0 : i32
    %c0_i32_0 = arith.constant 0 : i32
    return %arg0, %c0_i32 : i32, i32
  }
}

module attributes {stable_mosaic.version = 14 : i64} {
  func.func @_knn_body(%arg0: i32, %arg1: memref<256x128xf32, #tpu.memory_space<vmem>>, %arg2: memref<4096x128xf32, #tpu.memory_space<vmem>>, %arg3: memref<4096x128xf32, #tpu.memory_space<vmem>>, %arg4: memref<128x128xf32, #tpu.memory_space<vmem>>, %arg5: memref<256x128xf32, #tpu.memory_space<vmem>>) attributes {dimension_semantics = [#tpu.dimension_semantics<arbitrary>], iteration_bounds = array<i64: 16>, scalar_prefetch = 0 : i64, scratch_operands = 0 : i64, tpu.core_type = #tpu.core_type<tc>, window_params = [{transform_indices = @transform_0, window_bounds = array<i64: 256, 128>}, {pipeline_mode = #tpu.pipeline_mode<synchronous>, transform_indices = @transform_1, window_bounds = array<i64: 4096, 128>}, {pipeline_mode = #tpu.pipeline_mode<synchronous>, transform_indices = @transform_2, window_bounds = array<i64: 4096, 128>}, {pipeline_mode = #tpu.pipeline_mode<synchronous>, transform_indices = @transform_3, window_bounds = array<i64: 128, 128>}, {transform_indices = @transform_4, window_bounds = array<i64: 256, 128>}]} {
    %get3A = arith.constant 0 : index
    %get3A_0 = arith.constant 0 : index
    %get3A_1 = vector.load %arg1[%get3A, %get3A_0] : memref<256x128xf32, #tpu.memory_space<vmem>>, vector<256x128xf32>
    %get3A_2 = arith.constant 0 : index
    %get3A_3 = arith.constant 0 : index
    %get3A_4 = vector.load %arg2[%get3A_2, %get3A_3] : memref<4096x128xf32, #tpu.memory_space<vmem>>, vector<4096x128xf32>
    %mul3A = arith.mulf %get3A_1, %get3A_1 : vector<256x128xf32>
    %reduce_sum3A = arith.constant dense<0.000000e+00> : vector<256xf32>
    %reduce_sum3A_5 = vector.multi_reduction <add>, %mul3A, %reduce_sum3A [1] : vector<256x128xf32> to vector<256xf32>
    %mul3A_6 = arith.mulf %get3A_4, %get3A_4 : vector<4096x128xf32>
    %reduce_sum3A_7 = arith.constant dense<0.000000e+00> : vector<4096xf32>
    %reduce_sum3A_8 = vector.multi_reduction <add>, %mul3A_6, %reduce_sum3A_7 [1] : vector<4096x128xf32> to vector<4096xf32>
    %broadcast_in_dim3A = vector.shape_cast %reduce_sum3A_8 : vector<4096xf32> to vector<4096x1xf32>
    %dot_general3A = arith.constant dense<0.000000e+00> : vector<4096x256xf32>
    %dot_general3A_9 = tpu.matmul %get3A_4, %get3A_1, %dot_general3A {dimension_numbers = #tpu.dot_dimension_numbers<[1], [1], [0], [0], [0, 0, 1, 0], [], []>, transpose_lhs_hint = false} : vector<4096x128xf32>, vector<256x128xf32>, vector<4096x256xf32> -> vector<4096x256xf32>
    %broadcast_in_dim3A_10 = vector.shape_cast %reduce_sum3A_5 : vector<256xf32> to vector<1x256xf32>
    %add3A = vector.broadcast %broadcast_in_dim3A : vector<4096x1xf32> to vector<4096x256xf32>
    %add3A_11 = vector.broadcast %broadcast_in_dim3A_10 : vector<1x256xf32> to vector<4096x256xf32>
    %add3A_12 = arith.addf %add3A, %add3A_11 : vector<4096x256xf32>
    %mul3A_13 = arith.constant 2.000000e+00 : f32
    %mul3A_14 = vector.broadcast %mul3A_13 : f32 to vector<4096x256xf32>
    %mul3A_15 = arith.mulf %mul3A_14, %dot_general3A_9 : vector<4096x256xf32>
    %sub3A = arith.subf %add3A_12, %mul3A_15 : vector<4096x256xf32>
    %max3A = arith.constant 0.000000e+00 : f32
    %max3A_16 = vector.broadcast %max3A : f32 to vector<4096x256xf32>
    %max3A_17 = arith.maximumf %sub3A, %max3A_16 : vector<4096x256xf32>
    %reduce_min3A = arith.constant dense<0x7F800000> : vector<256xf32>
    %reduce_min3A_18 = vector.multi_reduction <minimumf>, %max3A_17, %reduce_min3A [0] : vector<4096x256xf32> to vector<256xf32>
    %broadcast_in_dim3A_19 = vector.shape_cast %reduce_min3A_18 : vector<256xf32> to vector<1x256xf32>
    %eq3A = vector.broadcast %broadcast_in_dim3A_19 : vector<1x256xf32> to vector<4096x256xf32>
    %eq3A_20 = arith.cmpf oeq, %max3A_17, %eq3A : vector<4096x256xf32>
    %jit3A = arith.constant 0x7F800000 : f32
    %broadcast_in_dim3A_21 = vector.broadcast %jit3A : f32 to vector<4096x256xf32>
    %select_n3A = arith.select %eq3A_20, %broadcast_in_dim3A_21, %max3A_17 : vector<4096x256xi1>, vector<4096x256xf32>
    %reduce_min3A_22 = arith.constant dense<0x7F800000> : vector<256xf32>
    %reduce_min3A_23 = vector.multi_reduction <minimumf>, %select_n3A, %reduce_min3A_22 [0] : vector<4096x256xf32> to vector<256xf32>
    %broadcast_in_dim3A_24 = vector.shape_cast %reduce_min3A_23 : vector<256xf32> to vector<1x256xf32>
    %eq3A_25 = vector.broadcast %broadcast_in_dim3A_24 : vector<1x256xf32> to vector<4096x256xf32>
    %eq3A_26 = arith.cmpf oeq, %select_n3A, %eq3A_25 : vector<4096x256xf32>
    %jit3A_27 = arith.constant 0x7F800000 : f32
    %broadcast_in_dim3A_28 = vector.broadcast %jit3A_27 : f32 to vector<4096x256xf32>
    %select_n3A_29 = arith.select %eq3A_26, %broadcast_in_dim3A_28, %select_n3A : vector<4096x256xi1>, vector<4096x256xf32>
    %reduce_min3A_30 = arith.constant dense<0x7F800000> : vector<256xf32>
    %reduce_min3A_31 = vector.multi_reduction <minimumf>, %select_n3A_29, %reduce_min3A_30 [0] : vector<4096x256xf32> to vector<256xf32>
    %broadcast_in_dim3A_32 = vector.shape_cast %reduce_min3A_31 : vector<256xf32> to vector<1x256xf32>
    %eq3A_33 = vector.broadcast %broadcast_in_dim3A_32 : vector<1x256xf32> to vector<4096x256xf32>
    %eq3A_34 = arith.cmpf oeq, %select_n3A_29, %eq3A_33 : vector<4096x256xf32>
    %jit3A_35 = arith.constant 0x7F800000 : f32
    %broadcast_in_dim3A_36 = vector.broadcast %jit3A_35 : f32 to vector<4096x256xf32>
    %select_n3A_37 = arith.select %eq3A_34, %broadcast_in_dim3A_36, %select_n3A_29 : vector<4096x256xi1>, vector<4096x256xf32>
    %reduce_min3A_38 = arith.constant dense<0x7F800000> : vector<256xf32>
    %reduce_min3A_39 = vector.multi_reduction <minimumf>, %select_n3A_37, %reduce_min3A_38 [0] : vector<4096x256xf32> to vector<256xf32>
    %broadcast_in_dim3A_40 = vector.shape_cast %reduce_min3A_39 : vector<256xf32> to vector<1x256xf32>
    %eq3A_41 = vector.broadcast %broadcast_in_dim3A_40 : vector<1x256xf32> to vector<4096x256xf32>
    %eq3A_42 = arith.cmpf oeq, %select_n3A_37, %eq3A_41 : vector<4096x256xf32>
    %jit3A_43 = arith.constant 0x7F800000 : f32
    %broadcast_in_dim3A_44 = vector.broadcast %jit3A_43 : f32 to vector<4096x256xf32>
    %select_n3A_45 = arith.select %eq3A_42, %broadcast_in_dim3A_44, %select_n3A_37 : vector<4096x256xi1>, vector<4096x256xf32>
    %reduce_min3A_46 = arith.constant dense<0x7F800000> : vector<256xf32>
    %reduce_min3A_47 = vector.multi_reduction <minimumf>, %select_n3A_45, %reduce_min3A_46 [0] : vector<4096x256xf32> to vector<256xf32>
    %broadcast_in_dim3A_48 = vector.shape_cast %reduce_min3A_47 : vector<256xf32> to vector<1x256xf32>
    %eq3A_49 = vector.broadcast %broadcast_in_dim3A_48 : vector<1x256xf32> to vector<4096x256xf32>
    %eq3A_50 = arith.cmpf oeq, %select_n3A_45, %eq3A_49 : vector<4096x256xf32>
    %jit3A_51 = arith.constant 0x7F800000 : f32
    %broadcast_in_dim3A_52 = vector.broadcast %jit3A_51 : f32 to vector<4096x256xf32>
    %select_n3A_53 = arith.select %eq3A_50, %broadcast_in_dim3A_52, %select_n3A_45 : vector<4096x256xi1>, vector<4096x256xf32>
    %reduce_min3A_54 = arith.constant dense<0x7F800000> : vector<256xf32>
    %reduce_min3A_55 = vector.multi_reduction <minimumf>, %select_n3A_53, %reduce_min3A_54 [0] : vector<4096x256xf32> to vector<256xf32>
    %broadcast_in_dim3A_56 = vector.shape_cast %reduce_min3A_55 : vector<256xf32> to vector<1x256xf32>
    %eq3A_57 = vector.broadcast %broadcast_in_dim3A_56 : vector<1x256xf32> to vector<4096x256xf32>
    %eq3A_58 = arith.cmpf oeq, %select_n3A_53, %eq3A_57 : vector<4096x256xf32>
    %jit3A_59 = arith.constant 0x7F800000 : f32
    %broadcast_in_dim3A_60 = vector.broadcast %jit3A_59 : f32 to vector<4096x256xf32>
    %select_n3A_61 = arith.select %eq3A_58, %broadcast_in_dim3A_60, %select_n3A_53 : vector<4096x256xi1>, vector<4096x256xf32>
    %reduce_min3A_62 = arith.constant dense<0x7F800000> : vector<256xf32>
    %reduce_min3A_63 = vector.multi_reduction <minimumf>, %select_n3A_61, %reduce_min3A_62 [0] : vector<4096x256xf32> to vector<256xf32>
    %broadcast_in_dim3A_64 = vector.shape_cast %reduce_min3A_63 : vector<256xf32> to vector<1x256xf32>
    %eq3A_65 = vector.broadcast %broadcast_in_dim3A_64 : vector<1x256xf32> to vector<4096x256xf32>
    %eq3A_66 = arith.cmpf oeq, %select_n3A_61, %eq3A_65 : vector<4096x256xf32>
    %jit3A_67 = arith.constant 0x7F800000 : f32
    %broadcast_in_dim3A_68 = vector.broadcast %jit3A_67 : f32 to vector<4096x256xf32>
    %select_n3A_69 = arith.select %eq3A_66, %broadcast_in_dim3A_68, %select_n3A_61 : vector<4096x256xi1>, vector<4096x256xf32>
    %reduce_min3A_70 = arith.constant dense<0x7F800000> : vector<256xf32>
    %reduce_min3A_71 = vector.multi_reduction <minimumf>, %select_n3A_69, %reduce_min3A_70 [0] : vector<4096x256xf32> to vector<256xf32>
    %broadcast_in_dim3A_72 = vector.shape_cast %reduce_min3A_71 : vector<256xf32> to vector<1x256xf32>
    %eq3A_73 = vector.broadcast %broadcast_in_dim3A_72 : vector<1x256xf32> to vector<4096x256xf32>
    %eq3A_74 = arith.cmpf oeq, %select_n3A_69, %eq3A_73 : vector<4096x256xf32>
    %jit3A_75 = arith.constant 0x7F800000 : f32
    %broadcast_in_dim3A_76 = vector.broadcast %jit3A_75 : f32 to vector<4096x256xf32>
    %select_n3A_77 = arith.select %eq3A_74, %broadcast_in_dim3A_76, %select_n3A_69 : vector<4096x256xi1>, vector<4096x256xf32>
    %reduce_min3A_78 = arith.constant dense<0x7F800000> : vector<256xf32>
    %reduce_min3A_79 = vector.multi_reduction <minimumf>, %select_n3A_77, %reduce_min3A_78 [0] : vector<4096x256xf32> to vector<256xf32>
    %broadcast_in_dim3A_80 = vector.shape_cast %reduce_min3A_79 : vector<256xf32> to vector<1x256xf32>
    %eq3A_81 = vector.broadcast %broadcast_in_dim3A_80 : vector<1x256xf32> to vector<4096x256xf32>
    %eq3A_82 = arith.cmpf oeq, %select_n3A_77, %eq3A_81 : vector<4096x256xf32>
    %jit3A_83 = arith.constant 0x7F800000 : f32
    %broadcast_in_dim3A_84 = vector.broadcast %jit3A_83 : f32 to vector<4096x256xf32>
    %select_n3A_85 = arith.select %eq3A_82, %broadcast_in_dim3A_84, %select_n3A_77 : vector<4096x256xi1>, vector<4096x256xf32>
    %reduce_min3A_86 = arith.constant dense<0x7F800000> : vector<256xf32>
    %reduce_min3A_87 = vector.multi_reduction <minimumf>, %select_n3A_85, %reduce_min3A_86 [0] : vector<4096x256xf32> to vector<256xf32>
    %broadcast_in_dim3A_88 = vector.shape_cast %reduce_min3A_87 : vector<256xf32> to vector<1x256xf32>
    %eq3A_89 = vector.broadcast %broadcast_in_dim3A_88 : vector<1x256xf32> to vector<4096x256xf32>
    %eq3A_90 = arith.cmpf oeq, %select_n3A_85, %eq3A_89 : vector<4096x256xf32>
    %jit3A_91 = arith.constant 0x7F800000 : f32
    %broadcast_in_dim3A_92 = vector.broadcast %jit3A_91 : f32 to vector<4096x256xf32>
    %select_n3A_93 = arith.select %eq3A_90, %broadcast_in_dim3A_92, %select_n3A_85 : vector<4096x256xi1>, vector<4096x256xf32>
    %eq3A_94 = arith.constant 0x7F800000 : f32
    %eq3A_95 = vector.broadcast %eq3A_94 : f32 to vector<4096x256xf32>
    %eq3A_96 = arith.cmpf oeq, %select_n3A_93, %eq3A_95 : vector<4096x256xf32>
    %jit3A_97 = arith.constant 1.000000e+00 : f32
    %jit3A_98 = arith.constant 0.000000e+00 : f32
    %broadcast_in_dim3A_99 = vector.broadcast %jit3A_97 : f32 to vector<4096x256xf32>
    %broadcast_in_dim3A_100 = vector.broadcast %jit3A_98 : f32 to vector<4096x256xf32>
    %select_n3A_101 = arith.select %eq3A_96, %broadcast_in_dim3A_99, %broadcast_in_dim3A_100 : vector<4096x256xi1>, vector<4096x256xf32>
    %get3A_102 = arith.constant 0 : index
    %get3A_103 = arith.constant 0 : index
    %get3A_104 = vector.load %arg3[%get3A_102, %get3A_103] : memref<4096x128xf32, #tpu.memory_space<vmem>>, vector<4096x128xf32>
    %dot_general3A_105 = arith.constant dense<0.000000e+00> : vector<256x128xf32>
    %dot_general3A_106 = tpu.matmul %select_n3A_101, %get3A_104, %dot_general3A_105 {dimension_numbers = #tpu.dot_dimension_numbers<[0], [0], [1], [1], [0, 1, 1, 1], [], []>, transpose_lhs_hint = false} : vector<4096x256xf32>, vector<4096x128xf32>, vector<256x128xf32> -> vector<256x128xf32>
    %add3A_107 = arith.addf %get3A_1, %dot_general3A_106 : vector<256x128xf32>
    %get3A_108 = arith.constant 0 : index
    %get3A_109 = arith.constant 0 : index
    %get3A_110 = vector.load %arg4[%get3A_108, %get3A_109] : memref<128x128xf32, #tpu.memory_space<vmem>>, vector<128x128xf32>
    %dot_general3A_111 = arith.constant dense<0.000000e+00> : vector<256x128xf32>
    %dot_general3A_112 = tpu.matmul %add3A_107, %get3A_110, %dot_general3A_111 {dimension_numbers = #tpu.dot_dimension_numbers<[1], [1], [0], [0], [0, 0, 1, 0], [], []>, transpose_lhs_hint = false} : vector<256x128xf32>, vector<128x128xf32>, vector<256x128xf32> -> vector<256x128xf32>
    %swap3A = arith.constant 0 : index
    %swap3A_113 = arith.constant 0 : index
    %swap3A_114 = vector.load %arg5[%swap3A, %swap3A_113] : memref<256x128xf32, #tpu.memory_space<vmem>>, vector<256x128xf32>
    tpu.vector_store %arg5[%swap3A, %swap3A_113], %dot_general3A_112 {strides = array<i32>} : memref<256x128xf32, #tpu.memory_space<vmem>>, vector<256x128xf32>,
    return
  }
  func.func @transform_0(%arg0: i32) -> (i32, i32) {
    %c0_i32 = arith.constant 0 : i32
    %c0_i32_0 = arith.constant 0 : i32
    return %arg0, %c0_i32 : i32, i32
  }
  func.func @transform_1(%arg0: i32) -> (i32, i32) {
    %c0_i32 = arith.constant 0 : i32
    %c0_i32_0 = arith.constant 0 : i32
    %c0_i32_1 = arith.constant 0 : i32
    return %c0_i32, %c0_i32_0 : i32, i32
  }
  func.func @transform_2(%arg0: i32) -> (i32, i32) {
    %c0_i32 = arith.constant 0 : i32
    %c0_i32_0 = arith.constant 0 : i32
    %c0_i32_1 = arith.constant 0 : i32
    return %c0_i32, %c0_i32_0 : i32, i32
  }
  func.func @transform_3(%arg0: i32) -> (i32, i32) {
    %c0_i32 = arith.constant 0 : i32
    %c0_i32_0 = arith.constant 0 : i32
    %c0_i32_1 = arith.constant 0 : i32
    return %c0_i32, %c0_i32_0 : i32, i32
  }
  func.func @transform_4(%arg0: i32) -> (i32, i32) {
    %c0_i32 = arith.constant 0 : i32
    %c0_i32_0 = arith.constant 0 : i32
    return %arg0, %c0_i32 : i32, i32
  }
}

module attributes {stable_mosaic.version = 14 : i64} {
  func.func @_combine_ef_body(%arg0: i32, %arg1: memref<1x512x128xf32, #tpu.memory_space<vmem>>, %arg2: memref<1x512x128xf32, #tpu.memory_space<vmem>>, %arg3: memref<1x512x128xf32, #tpu.memory_space<vmem>>, %arg4: memref<1x512x128xf32, #tpu.memory_space<vmem>>, %arg5: memref<512x128xf32, #tpu.memory_space<vmem>>) attributes {dimension_semantics = [#tpu.dimension_semantics<arbitrary>], iteration_bounds = array<i64: 8>, scalar_prefetch = 0 : i64, scratch_operands = 0 : i64, tpu.core_type = #tpu.core_type<tc>, window_params = [{transform_indices = @transform_0, window_bounds = array<i64: 1, 512, 128>}, {transform_indices = @transform_1, window_bounds = array<i64: 1, 512, 128>}, {transform_indices = @transform_2, window_bounds = array<i64: 1, 512, 128>}, {transform_indices = @transform_3, window_bounds = array<i64: 1, 512, 128>}, {transform_indices = @transform_4, window_bounds = array<i64: 512, 128>}]} {
    %get3A = arith.constant 0 : index
    %get3A_0 = arith.constant 0 : index
    %get3A_1 = arith.constant 0 : index
    %get3A_2 = vector.load %arg3[%get3A, %get3A_0, %get3A_1] : memref<1x512x128xf32, #tpu.memory_space<vmem>>, vector<1x512x128xf32>
    %get3A_3 = vector.shape_cast %get3A_2 : vector<1x512x128xf32> to vector<512x128xf32>
    %slice3A = vector.extract_strided_slice %get3A_3 {offsets = [0, 0], sizes = [512, 1], strides = [1, 1]} : vector<512x128xf32> to vector<512x1xf32>
    %get3A_4 = arith.constant 0 : index
    %get3A_5 = arith.constant 0 : index
    %get3A_6 = arith.constant 0 : index
    %get3A_7 = vector.load %arg4[%get3A_4, %get3A_5, %get3A_6] : memref<1x512x128xf32, #tpu.memory_space<vmem>>, vector<1x512x128xf32>
    %get3A_8 = vector.shape_cast %get3A_7 : vector<1x512x128xf32> to vector<512x128xf32>
    %slice3A_9 = vector.extract_strided_slice %get3A_8 {offsets = [0, 0], sizes = [512, 1], strides = [1, 1]} : vector<512x128xf32> to vector<512x1xf32>
    %add3A = arith.addf %slice3A, %slice3A_9 : vector<512x1xf32>
    %gt3A = arith.constant 0.000000e+00 : f32
    %gt3A_10 = vector.broadcast %gt3A : f32 to vector<512x1xf32>
    %gt3A_11 = arith.cmpf ogt, %add3A, %gt3A_10 : vector<512x1xf32>
    %div3A = arith.constant 1.000000e+00 : f32
    %div3A_12 = vector.broadcast %div3A : f32 to vector<512x1xf32>
    %div3A_13 = arith.divf %div3A_12, %add3A : vector<512x1xf32>
    %jit3A = arith.constant 0.000000e+00 : f32
    %broadcast_in_dim3A = vector.broadcast %jit3A : f32 to vector<512x1xf32>
    %select_n3A = arith.select %gt3A_11, %div3A_13, %broadcast_in_dim3A : vector<512x1xi1>, vector<512x1xf32>
    %get3A_14 = arith.constant 0 : index
    %get3A_15 = arith.constant 0 : index
    %get3A_16 = arith.constant 0 : index
    %get3A_17 = vector.load %arg1[%get3A_14, %get3A_15, %get3A_16] : memref<1x512x128xf32, #tpu.memory_space<vmem>>, vector<1x512x128xf32>
    %get3A_18 = vector.shape_cast %get3A_17 : vector<1x512x128xf32> to vector<512x128xf32>
    %get3A_19 = arith.constant 0 : index
    %get3A_20 = arith.constant 0 : index
    %get3A_21 = arith.constant 0 : index
    %get3A_22 = vector.load %arg2[%get3A_19, %get3A_20, %get3A_21] : memref<1x512x128xf32, #tpu.memory_space<vmem>>, vector<1x512x128xf32>
    %get3A_23 = vector.shape_cast %get3A_22 : vector<1x512x128xf32> to vector<512x128xf32>
    %add3A_24 = arith.addf %get3A_18, %get3A_23 : vector<512x128xf32>
    %mul3A = vector.broadcast %select_n3A : vector<512x1xf32> to vector<512x128xf32>
    %mul3A_25 = arith.mulf %add3A_24, %mul3A : vector<512x128xf32>
    %swap3A = arith.constant 0 : index
    %swap3A_26 = arith.constant 0 : index
    %swap3A_27 = vector.load %arg5[%swap3A, %swap3A_26] : memref<512x128xf32, #tpu.memory_space<vmem>>, vector<512x128xf32>
    tpu.vector_store %arg5[%swap3A, %swap3A_26], %mul3A_25 {strides = array<i32>} : memref<512x128xf32, #tpu.memory_space<vmem>>, vector<512x128xf32>,
    return
  }
  func.func @transform_0(%arg0: i32) -> (i32, i32, i32) {
    %c0_i32 = arith.constant 0 : i32
    %c0_i32_0 = arith.constant 0 : i32
    %c0_i32_1 = arith.constant 0 : i32
    return %c0_i32, %arg0, %c0_i32_0 : i32, i32, i32
  }
  func.func @transform_1(%arg0: i32) -> (i32, i32, i32) {
    %c1_i32 = arith.constant 1 : i32
    %c0_i32 = arith.constant 0 : i32
    %c0_i32_0 = arith.constant 0 : i32
    return %c1_i32, %arg0, %c0_i32 : i32, i32, i32
  }
  func.func @transform_2(%arg0: i32) -> (i32, i32, i32) {
    %c0_i32 = arith.constant 0 : i32
    %c0_i32_0 = arith.constant 0 : i32
    %c0_i32_1 = arith.constant 0 : i32
    return %c0_i32, %arg0, %c0_i32_0 : i32, i32, i32
  }
  func.func @transform_3(%arg0: i32) -> (i32, i32, i32) {
    %c1_i32 = arith.constant 1 : i32
    %c0_i32 = arith.constant 0 : i32
    %c0_i32_0 = arith.constant 0 : i32
    return %c1_i32, %arg0, %c0_i32 : i32, i32, i32
  }
  func.func @transform_4(%arg0: i32) -> (i32, i32) {
    %c0_i32 = arith.constant 0 : i32
    %c0_i32_0 = arith.constant 0 : i32
    return %arg0, %c0_i32 : i32, i32
  }
}

module attributes {stable_mosaic.version = 14 : i64} {
  func.func @_final_body(%arg0: i32, %arg1: memref<2x4096x128xf32, #tpu.memory_space<vmem>>, %arg2: memref<2x4096x128xf32, #tpu.memory_space<vmem>>, %arg3: memref<1x128xf32, #tpu.memory_space<vmem>>, %arg4: memref<1x128xf32, #tpu.memory_space<vmem>>, %arg5: memref<1x128xf32, #tpu.memory_space<vmem>>, %arg6: memref<512x128xf32, #tpu.memory_space<vmem>>, %arg7: memref<384x128xf32, #tpu.memory_space<vmem>>, %arg8: memref<1x384xf32, #tpu.memory_space<vmem>>, %arg9: memref<128x128xf32, #tpu.memory_space<vmem>>, %arg10: memref<1x128xf32, #tpu.memory_space<vmem>>, %arg11: memref<512x128xf32, #tpu.memory_space<vmem>>, %arg12: memref<4096x128xf32, #tpu.memory_space<vmem>>, %arg13: memref<4096x128xf32, #tpu.memory_space<vmem>>) attributes {dimension_semantics = [#tpu.dimension_semantics<arbitrary>], iteration_bounds = array<i64: 4>, scalar_prefetch = 0 : i64, scratch_operands = 2 : i64, tpu.core_type = #tpu.core_type<tc>, window_params = [{pipeline_mode = #tpu.pipeline_mode<synchronous>, transform_indices = @transform_0, window_bounds = array<i64: 2, 4096, 128>}, {pipeline_mode = #tpu.pipeline_mode<synchronous>, transform_indices = @transform_1, window_bounds = array<i64: 2, 4096, 128>}, {pipeline_mode = #tpu.pipeline_mode<synchronous>, transform_indices = @transform_2, window_bounds = array<i64: 1, 128>}, {pipeline_mode = #tpu.pipeline_mode<synchronous>, transform_indices = @transform_3, window_bounds = array<i64: 1, 128>}, {pipeline_mode = #tpu.pipeline_mode<synchronous>, transform_indices = @transform_4, window_bounds = array<i64: 1, 128>}, {transform_indices = @transform_5, window_bounds = array<i64: 512, 128>}, {pipeline_mode = #tpu.pipeline_mode<synchronous>, transform_indices = @transform_6, window_bounds = array<i64: 384, 128>}, {pipeline_mode = #tpu.pipeline_mode<synchronous>, transform_indices = @transform_7, window_bounds = array<i64: 1, 384>}, {pipeline_mode = #tpu.pipeline_mode<synchronous>, transform_indices = @transform_8, window_bounds = array<i64: 128, 128>}, {pipeline_mode = #tpu.pipeline_mode<synchronous>, transform_indices = @transform_9, window_bounds = array<i64: 1, 128>}, {transform_indices = @transform_10, window_bounds = array<i64: 512, 128>}]} {
    %get3A = arith.constant 0 : index
    %get3A_0 = arith.constant 0 : index
    %get3A_1 = vector.load %arg7[%get3A, %get3A_0] : memref<384x128xf32, #tpu.memory_space<vmem>>, vector<384x128xf32>
    %get3A_2 = arith.constant 0 : index
    %get3A_3 = arith.constant 0 : index
    %get3A_4 = vector.load %arg8[%get3A_2, %get3A_3] : memref<1x384xf32, #tpu.memory_space<vmem>>, vector<1x384xf32>
    %eq3A = arith.constant 0 : i32
    %eq3A_5 = arith.cmpi eq, %arg0, %eq3A : i32
    %convert_element_type3A = arith.extui %eq3A_5 : i1 to i32
    %cond3A = arith.constant 0 : i32
    %cond3A_6 = arith.cmpi ne, %convert_element_type3A, %cond3A : i32
    scf.if %cond3A_6 {
      %get3A_108 = arith.constant 0 : index
      %get3A_109 = arith.constant 0 : index
      %get3A_110 = arith.constant 0 : index
      %get3A_111 = vector.load %arg2[%get3A_108, %get3A_109, %get3A_110] : memref<2x4096x128xf32, #tpu.memory_space<vmem>>, vector<1x4096x1xf32>
      %get3A_112 = vector.shape_cast %get3A_111 : vector<1x4096x1xf32> to vector<4096x1xf32>
      %get3A_113 = arith.constant 1 : index
      %get3A_114 = arith.constant 0 : index
      %get3A_115 = arith.constant 0 : index
      %get3A_116 = vector.load %arg2[%get3A_113, %get3A_114, %get3A_115] : memref<2x4096x128xf32, #tpu.memory_space<vmem>>, vector<1x4096x1xf32>
      %get3A_117 = vector.shape_cast %get3A_116 : vector<1x4096x1xf32> to vector<4096x1xf32>
      %add3A_118 = arith.addf %get3A_112, %get3A_117 : vector<4096x1xf32>
      %gt3A = arith.constant 0.000000e+00 : f32
      %gt3A_119 = vector.broadcast %gt3A : f32 to vector<4096x1xf32>
      %gt3A_120 = arith.cmpf ogt, %add3A_118, %gt3A_119 : vector<4096x1xf32>
      %div3A_121 = arith.constant 1.000000e+00 : f32
      %div3A_122 = vector.broadcast %div3A_121 : f32 to vector<4096x1xf32>
      %div3A_123 = arith.divf %div3A_122, %add3A_118 : vector<4096x1xf32>
      %jit3A = arith.constant 0.000000e+00 : f32
      %broadcast_in_dim3A_124 = vector.broadcast %jit3A : f32 to vector<4096x1xf32>
      %select_n3A = arith.select %gt3A_120, %div3A_123, %broadcast_in_dim3A_124 : vector<4096x1xi1>, vector<4096x1xf32>
      %get3A_125 = arith.constant 0 : index
      %get3A_126 = arith.constant 0 : index
      %get3A_127 = arith.constant 0 : index
      %get3A_128 = vector.load %arg1[%get3A_125, %get3A_126, %get3A_127] : memref<2x4096x128xf32, #tpu.memory_space<vmem>>, vector<1x4096x128xf32>
      %get3A_129 = vector.shape_cast %get3A_128 : vector<1x4096x128xf32> to vector<4096x128xf32>
      %get3A_130 = arith.constant 1 : index
      %get3A_131 = arith.constant 0 : index
      %get3A_132 = arith.constant 0 : index
      %get3A_133 = vector.load %arg1[%get3A_130, %get3A_131, %get3A_132] : memref<2x4096x128xf32, #tpu.memory_space<vmem>>, vector<1x4096x128xf32>
      %get3A_134 = vector.shape_cast %get3A_133 : vector<1x4096x128xf32> to vector<4096x128xf32>
      %add3A_135 = arith.addf %get3A_129, %get3A_134 : vector<4096x128xf32>
      %mul3A_136 = vector.broadcast %select_n3A : vector<4096x1xf32> to vector<4096x128xf32>
      %mul3A_137 = arith.mulf %add3A_135, %mul3A_136 : vector<4096x128xf32>
      %get3A_138 = arith.constant 0 : index
      %get3A_139 = arith.constant 0 : index
      %get3A_140 = vector.load %arg3[%get3A_138, %get3A_139] : memref<1x128xf32, #tpu.memory_space<vmem>>, vector<1x128xf32>
      %add3A_141 = vector.broadcast %get3A_140 : vector<1x128xf32> to vector<4096x128xf32>
      %add3A_142 = arith.addf %mul3A_137, %add3A_141 : vector<4096x128xf32>
      %reduce_sum3A_143 = arith.constant dense<0.000000e+00> : vector<128xf32>
      %reduce_sum3A_144 = vector.multi_reduction <add>, %add3A_142, %reduce_sum3A_143 [0] : vector<4096x128xf32> to vector<128xf32>
      %broadcast_in_dim3A_145 = vector.shape_cast %reduce_sum3A_144 : vector<128xf32> to vector<1x128xf32>
      %div3A_146 = arith.constant 4.096000e+03 : f32
      %div3A_147 = vector.broadcast %div3A_146 : f32 to vector<1x128xf32>
      %div3A_148 = arith.divf %broadcast_in_dim3A_145, %div3A_147 : vector<1x128xf32>
      %sub3A_149 = vector.broadcast %div3A_148 : vector<1x128xf32> to vector<4096x128xf32>
      %sub3A_150 = arith.subf %add3A_142, %sub3A_149 : vector<4096x128xf32>
      %integer_pow3A = arith.mulf %sub3A_150, %sub3A_150 : vector<4096x128xf32>
      %reduce_sum3A_151 = arith.constant dense<0.000000e+00> : vector<128xf32>
      %reduce_sum3A_152 = vector.multi_reduction <add>, %integer_pow3A, %reduce_sum3A_151 [0] : vector<4096x128xf32> to vector<128xf32>
      %broadcast_in_dim3A_153 = vector.shape_cast %reduce_sum3A_152 : vector<128xf32> to vector<1x128xf32>
      %div3A_154 = arith.constant 4.096000e+03 : f32
      %div3A_155 = vector.broadcast %div3A_154 : f32 to vector<1x128xf32>
      %div3A_156 = arith.divf %broadcast_in_dim3A_153, %div3A_155 : vector<1x128xf32>
      %get3A_157 = arith.constant 0 : index
      %get3A_158 = arith.constant 0 : index
      %get3A_159 = vector.load %arg4[%get3A_157, %get3A_158] : memref<1x128xf32, #tpu.memory_space<vmem>>, vector<1x128xf32>
      %sub3A_160 = vector.broadcast %div3A_148 : vector<1x128xf32> to vector<4096x128xf32>
      %sub3A_161 = arith.subf %add3A_142, %sub3A_160 : vector<4096x128xf32>
      %mul3A_162 = vector.broadcast %get3A_159 : vector<1x128xf32> to vector<4096x128xf32>
      %mul3A_163 = arith.mulf %mul3A_162, %sub3A_161 : vector<4096x128xf32>
      %add3A_164 = arith.constant 9.99999974E-6 : f32
      %add3A_165 = vector.broadcast %add3A_164 : f32 to vector<1x128xf32>
      %add3A_166 = arith.addf %div3A_156, %add3A_165 : vector<1x128xf32>
      %sqrt3A = math.sqrt %add3A_166 : vector<1x128xf32>
      %div3A_167 = vector.broadcast %sqrt3A : vector<1x128xf32> to vector<4096x128xf32>
      %div3A_168 = arith.divf %mul3A_163, %div3A_167 : vector<4096x128xf32>
      %get3A_169 = arith.constant 0 : index
      %get3A_170 = arith.constant 0 : index
      %get3A_171 = vector.load %arg5[%get3A_169, %get3A_170] : memref<1x128xf32, #tpu.memory_space<vmem>>, vector<1x128xf32>
      %add3A_172 = vector.broadcast %get3A_171 : vector<1x128xf32> to vector<4096x128xf32>
      %add3A_173 = arith.addf %div3A_168, %add3A_172 : vector<4096x128xf32>
      %gt3A_174 = arith.constant 0.000000e+00 : f32
      %gt3A_175 = vector.broadcast %gt3A_174 : f32 to vector<4096x128xf32>
      %gt3A_176 = arith.cmpf ogt, %add3A_173, %gt3A_175 : vector<4096x128xf32>
      %min3A = arith.constant 0.000000e+00 : f32
      %min3A_177 = vector.broadcast %min3A : f32 to vector<4096x128xf32>
      %min3A_178 = arith.minimumf %add3A_173, %min3A_177 : vector<4096x128xf32>
      %exp3A_179 = math.exp %min3A_178 : vector<4096x128xf32>
      %sub3A_180 = arith.constant 1.000000e+00 : f32
      %sub3A_181 = vector.broadcast %sub3A_180 : f32 to vector<4096x128xf32>
      %sub3A_182 = arith.subf %exp3A_179, %sub3A_181 : vector<4096x128xf32>
      %select_n3A_183 = arith.select %gt3A_176, %add3A_173, %sub3A_182 : vector<4096x128xi1>, vector<4096x128xf32>
      %slice3A_184 = vector.extract_strided_slice %get3A_1 {offsets = [128, 0], sizes = [128, 128], strides = [1, 1]} : vector<384x128xf32> to vector<128x128xf32>
      %dot_general3A_185 = arith.constant dense<0.000000e+00> : vector<4096x128xf32>
      %dot_general3A_186 = tpu.matmul %select_n3A_183, %slice3A_184, %dot_general3A_185 {dimension_numbers = #tpu.dot_dimension_numbers<[1], [1], [0], [0], [0, 0, 1, 0], [], []>, transpose_lhs_hint = false} : vector<4096x128xf32>, vector<128x128xf32>, vector<4096x128xf32> -> vector<4096x128xf32>
      %slice3A_187 = vector.extract_strided_slice %get3A_4 {offsets = [0, 128], sizes = [1, 128], strides = [1, 1]} : vector<1x384xf32> to vector<1x128xf32>
      %add3A_188 = vector.broadcast %slice3A_187 : vector<1x128xf32> to vector<4096x128xf32>
      %add3A_189 = arith.addf %dot_general3A_186, %add3A_188 : vector<4096x128xf32>
      %swap3A_190 = arith.constant 0 : index
      %swap3A_191 = arith.constant 0 : index
      %swap3A_192 = vector.load %arg12[%swap3A_190, %swap3A_191] : memref<4096x128xf32, #tpu.memory_space<vmem>>, vector<4096x128xf32>
      tpu.vector_store %arg12[%swap3A_190, %swap3A_191], %add3A_189 {strides = array<i32>} : memref<4096x128xf32, #tpu.memory_space<vmem>>, vector<4096x128xf32>,
      %slice3A_193 = vector.extract_strided_slice %get3A_1 {offsets = [256, 0], sizes = [128, 128], strides = [1, 1]} : vector<384x128xf32> to vector<128x128xf32>
      %dot_general3A_194 = arith.constant dense<0.000000e+00> : vector<4096x128xf32>
      %dot_general3A_195 = tpu.matmul %select_n3A_183, %slice3A_193, %dot_general3A_194 {dimension_numbers = #tpu.dot_dimension_numbers<[1], [1], [0], [0], [0, 0, 1, 0], [], []>, transpose_lhs_hint = false} : vector<4096x128xf32>, vector<128x128xf32>, vector<4096x128xf32> -> vector<4096x128xf32>
      %slice3A_196 = vector.extract_strided_slice %get3A_4 {offsets = [0, 256], sizes = [1, 128], strides = [1, 1]} : vector<1x384xf32> to vector<1x128xf32>
      %add3A_197 = vector.broadcast %slice3A_196 : vector<1x128xf32> to vector<4096x128xf32>
      %add3A_198 = arith.addf %dot_general3A_195, %add3A_197 : vector<4096x128xf32>
      %swap3A_199 = arith.constant 0 : index
      %swap3A_200 = arith.constant 0 : index
      %swap3A_201 = vector.load %arg13[%swap3A_199, %swap3A_200] : memref<4096x128xf32, #tpu.memory_space<vmem>>, vector<4096x128xf32>
      tpu.vector_store %arg13[%swap3A_199, %swap3A_200], %add3A_198 {strides = array<i32>} : memref<4096x128xf32, #tpu.memory_space<vmem>>, vector<4096x128xf32>,
    } else {
    }
    %get3A_7 = arith.constant 0 : index
    %get3A_8 = arith.constant 0 : index
    %get3A_9 = vector.load %arg6[%get3A_7, %get3A_8] : memref<512x128xf32, #tpu.memory_space<vmem>>, vector<512x128xf32>
    %slice3A = vector.extract_strided_slice %get3A_1 {offsets = [0, 0], sizes = [128, 128], strides = [1, 1]} : vector<384x128xf32> to vector<128x128xf32>
    %dot_general3A = arith.constant dense<0.000000e+00> : vector<512x128xf32>
    %dot_general3A_10 = tpu.matmul %get3A_9, %slice3A, %dot_general3A {dimension_numbers = #tpu.dot_dimension_numbers<[1], [1], [0], [0], [0, 0, 1, 0], [], []>, transpose_lhs_hint = false} : vector<512x128xf32>, vector<128x128xf32>, vector<512x128xf32> -> vector<512x128xf32>
    %slice3A_11 = vector.extract_strided_slice %get3A_4 {offsets = [0, 0], sizes = [1, 128], strides = [1, 1]} : vector<1x384xf32> to vector<1x128xf32>
    %add3A = vector.broadcast %slice3A_11 : vector<1x128xf32> to vector<512x128xf32>
    %add3A_12 = arith.addf %dot_general3A_10, %add3A : vector<512x128xf32>
    %get3A_13 = arith.constant 0 : index
    %get3A_14 = arith.constant 0 : index
    %get3A_15 = vector.load %arg12[%get3A_13, %get3A_14] : memref<4096x128xf32, #tpu.memory_space<vmem>>, vector<4096x128xf32>
    %get3A_16 = arith.constant 0 : index
    %get3A_17 = arith.constant 0 : index
    %get3A_18 = vector.load %arg13[%get3A_16, %get3A_17] : memref<4096x128xf32, #tpu.memory_space<vmem>>, vector<4096x128xf32>
    %get3A_19 = arith.constant 0 : index
    %get3A_20 = arith.constant 0 : index
    %get3A_21 = vector.load %arg9[%get3A_19, %get3A_20] : memref<128x128xf32, #tpu.memory_space<vmem>>, vector<128x128xf32>
    %get3A_22 = arith.constant 0 : index
    %get3A_23 = arith.constant 0 : index
    %get3A_24 = vector.load %arg10[%get3A_22, %get3A_23] : memref<1x128xf32, #tpu.memory_space<vmem>>, vector<1x128xf32>
    %slice3A_25 = vector.extract_strided_slice %add3A_12 {offsets = [0, 0], sizes = [512, 32], strides = [1, 1]} : vector<512x128xf32> to vector<512x32xf32>
    %mul3A = arith.constant 0.176776692 : f32
    %mul3A_26 = vector.broadcast %mul3A : f32 to vector<512x32xf32>
    %mul3A_27 = arith.mulf %slice3A_25, %mul3A_26 : vector<512x32xf32>
    %slice3A_28 = vector.extract_strided_slice %get3A_15 {offsets = [0, 0], sizes = [4096, 32], strides = [1, 1]} : vector<4096x128xf32> to vector<4096x32xf32>
    %slice3A_29 = vector.extract_strided_slice %get3A_18 {offsets = [0, 0], sizes = [4096, 32], strides = [1, 1]} : vector<4096x128xf32> to vector<4096x32xf32>
    %dot_general3A_30 = arith.constant dense<0.000000e+00> : vector<512x4096xf32>
    %dot_general3A_31 = tpu.matmul %mul3A_27, %slice3A_28, %dot_general3A_30 {dimension_numbers = #tpu.dot_dimension_numbers<[1], [1], [0], [0], [0, 0, 1, 0], [], []>, transpose_lhs_hint = false} : vector<512x32xf32>, vector<4096x32xf32>, vector<512x4096xf32> -> vector<512x4096xf32>
    %reduce_max3A = arith.constant dense<0xFF800000> : vector<512xf32>
    %reduce_max3A_32 = vector.multi_reduction <maximumf>, %dot_general3A_31, %reduce_max3A [1] : vector<512x4096xf32> to vector<512xf32>
    %broadcast_in_dim3A = vector.shape_cast %reduce_max3A_32 : vector<512xf32> to vector<512x1xf32>
    %sub3A = vector.broadcast %broadcast_in_dim3A : vector<512x1xf32> to vector<512x4096xf32>
    %sub3A_33 = arith.subf %dot_general3A_31, %sub3A : vector<512x4096xf32>
    %exp3A = math.exp %sub3A_33 : vector<512x4096xf32>
    %dot_general3A_34 = arith.constant dense<0.000000e+00> : vector<512x32xf32>
    %dot_general3A_35 = tpu.matmul %exp3A, %slice3A_29, %dot_general3A_34 {dimension_numbers = #tpu.dot_dimension_numbers<[1], [0], [0], [1], [0, 0, 1, 1], [], []>, transpose_lhs_hint = false} : vector<512x4096xf32>, vector<4096x32xf32>, vector<512x32xf32> -> vector<512x32xf32>
    %reduce_sum3A = arith.constant dense<0.000000e+00> : vector<512xf32>
    %reduce_sum3A_36 = vector.multi_reduction <add>, %exp3A, %reduce_sum3A [1] : vector<512x4096xf32> to vector<512xf32>
    %broadcast_in_dim3A_37 = vector.shape_cast %reduce_sum3A_36 : vector<512xf32> to vector<512x1xf32>
    %div3A = vector.broadcast %broadcast_in_dim3A_37 : vector<512x1xf32> to vector<512x32xf32>
    %div3A_38 = arith.divf %dot_general3A_35, %div3A : vector<512x32xf32>
    %slice3A_39 = vector.extract_strided_slice %add3A_12 {offsets = [0, 32], sizes = [512, 32], strides = [1, 1]} : vector<512x128xf32> to vector<512x32xf32>
    %mul3A_40 = arith.constant 0.176776692 : f32
    %mul3A_41 = vector.broadcast %mul3A_40 : f32 to vector<512x32xf32>
    %mul3A_42 = arith.mulf %slice3A_39, %mul3A_41 : vector<512x32xf32>
    %slice3A_43 = vector.extract_strided_slice %get3A_15 {offsets = [0, 32], sizes = [4096, 32], strides = [1, 1]} : vector<4096x128xf32> to vector<4096x32xf32>
    %slice3A_44 = vector.extract_strided_slice %get3A_18 {offsets = [0, 32], sizes = [4096, 32], strides = [1, 1]} : vector<4096x128xf32> to vector<4096x32xf32>
    %dot_general3A_45 = arith.constant dense<0.000000e+00> : vector<512x4096xf32>
    %dot_general3A_46 = tpu.matmul %mul3A_42, %slice3A_43, %dot_general3A_45 {dimension_numbers = #tpu.dot_dimension_numbers<[1], [1], [0], [0], [0, 0, 1, 0], [], []>, transpose_lhs_hint = false} : vector<512x32xf32>, vector<4096x32xf32>, vector<512x4096xf32> -> vector<512x4096xf32>
    %reduce_max3A_47 = arith.constant dense<0xFF800000> : vector<512xf32>
    %reduce_max3A_48 = vector.multi_reduction <maximumf>, %dot_general3A_46, %reduce_max3A_47 [1] : vector<512x4096xf32> to vector<512xf32>
    %broadcast_in_dim3A_49 = vector.shape_cast %reduce_max3A_48 : vector<512xf32> to vector<512x1xf32>
    %sub3A_50 = vector.broadcast %broadcast_in_dim3A_49 : vector<512x1xf32> to vector<512x4096xf32>
    %sub3A_51 = arith.subf %dot_general3A_46, %sub3A_50 : vector<512x4096xf32>
    %exp3A_52 = math.exp %sub3A_51 : vector<512x4096xf32>
    %dot_general3A_53 = arith.constant dense<0.000000e+00> : vector<512x32xf32>
    %dot_general3A_54 = tpu.matmul %exp3A_52, %slice3A_44, %dot_general3A_53 {dimension_numbers = #tpu.dot_dimension_numbers<[1], [0], [0], [1], [0, 0, 1, 1], [], []>, transpose_lhs_hint = false} : vector<512x4096xf32>, vector<4096x32xf32>, vector<512x32xf32> -> vector<512x32xf32>
    %reduce_sum3A_55 = arith.constant dense<0.000000e+00> : vector<512xf32>
    %reduce_sum3A_56 = vector.multi_reduction <add>, %exp3A_52, %reduce_sum3A_55 [1] : vector<512x4096xf32> to vector<512xf32>
    %broadcast_in_dim3A_57 = vector.shape_cast %reduce_sum3A_56 : vector<512xf32> to vector<512x1xf32>
    %div3A_58 = vector.broadcast %broadcast_in_dim3A_57 : vector<512x1xf32> to vector<512x32xf32>
    %div3A_59 = arith.divf %dot_general3A_54, %div3A_58 : vector<512x32xf32>
    %slice3A_60 = vector.extract_strided_slice %add3A_12 {offsets = [0, 64], sizes = [512, 32], strides = [1, 1]} : vector<512x128xf32> to vector<512x32xf32>
    %mul3A_61 = arith.constant 0.176776692 : f32
    %mul3A_62 = vector.broadcast %mul3A_61 : f32 to vector<512x32xf32>
    %mul3A_63 = arith.mulf %slice3A_60, %mul3A_62 : vector<512x32xf32>
    %slice3A_64 = vector.extract_strided_slice %get3A_15 {offsets = [0, 64], sizes = [4096, 32], strides = [1, 1]} : vector<4096x128xf32> to vector<4096x32xf32>
    %slice3A_65 = vector.extract_strided_slice %get3A_18 {offsets = [0, 64], sizes = [4096, 32], strides = [1, 1]} : vector<4096x128xf32> to vector<4096x32xf32>
    %dot_general3A_66 = arith.constant dense<0.000000e+00> : vector<512x4096xf32>
    %dot_general3A_67 = tpu.matmul %mul3A_63, %slice3A_64, %dot_general3A_66 {dimension_numbers = #tpu.dot_dimension_numbers<[1], [1], [0], [0], [0, 0, 1, 0], [], []>, transpose_lhs_hint = false} : vector<512x32xf32>, vector<4096x32xf32>, vector<512x4096xf32> -> vector<512x4096xf32>
    %reduce_max3A_68 = arith.constant dense<0xFF800000> : vector<512xf32>
    %reduce_max3A_69 = vector.multi_reduction <maximumf>, %dot_general3A_67, %reduce_max3A_68 [1] : vector<512x4096xf32> to vector<512xf32>
    %broadcast_in_dim3A_70 = vector.shape_cast %reduce_max3A_69 : vector<512xf32> to vector<512x1xf32>
    %sub3A_71 = vector.broadcast %broadcast_in_dim3A_70 : vector<512x1xf32> to vector<512x4096xf32>
    %sub3A_72 = arith.subf %dot_general3A_67, %sub3A_71 : vector<512x4096xf32>
    %exp3A_73 = math.exp %sub3A_72 : vector<512x4096xf32>
    %dot_general3A_74 = arith.constant dense<0.000000e+00> : vector<512x32xf32>
    %dot_general3A_75 = tpu.matmul %exp3A_73, %slice3A_65, %dot_general3A_74 {dimension_numbers = #tpu.dot_dimension_numbers<[1], [0], [0], [1], [0, 0, 1, 1], [], []>, transpose_lhs_hint = false} : vector<512x4096xf32>, vector<4096x32xf32>, vector<512x32xf32> -> vector<512x32xf32>
    %reduce_sum3A_76 = arith.constant dense<0.000000e+00> : vector<512xf32>
    %reduce_sum3A_77 = vector.multi_reduction <add>, %exp3A_73, %reduce_sum3A_76 [1] : vector<512x4096xf32> to vector<512xf32>
    %broadcast_in_dim3A_78 = vector.shape_cast %reduce_sum3A_77 : vector<512xf32> to vector<512x1xf32>
    %div3A_79 = vector.broadcast %broadcast_in_dim3A_78 : vector<512x1xf32> to vector<512x32xf32>
    %div3A_80 = arith.divf %dot_general3A_75, %div3A_79 : vector<512x32xf32>
    %slice3A_81 = vector.extract_strided_slice %add3A_12 {offsets = [0, 96], sizes = [512, 32], strides = [1, 1]} : vector<512x128xf32> to vector<512x32xf32>
    %mul3A_82 = arith.constant 0.176776692 : f32
    %mul3A_83 = vector.broadcast %mul3A_82 : f32 to vector<512x32xf32>
    %mul3A_84 = arith.mulf %slice3A_81, %mul3A_83 : vector<512x32xf32>
    %slice3A_85 = vector.extract_strided_slice %get3A_15 {offsets = [0, 96], sizes = [4096, 32], strides = [1, 1]} : vector<4096x128xf32> to vector<4096x32xf32>
    %slice3A_86 = vector.extract_strided_slice %get3A_18 {offsets = [0, 96], sizes = [4096, 32], strides = [1, 1]} : vector<4096x128xf32> to vector<4096x32xf32>
    %dot_general3A_87 = arith.constant dense<0.000000e+00> : vector<512x4096xf32>
    %dot_general3A_88 = tpu.matmul %mul3A_84, %slice3A_85, %dot_general3A_87 {dimension_numbers = #tpu.dot_dimension_numbers<[1], [1], [0], [0], [0, 0, 1, 0], [], []>, transpose_lhs_hint = false} : vector<512x32xf32>, vector<4096x32xf32>, vector<512x4096xf32> -> vector<512x4096xf32>
    %reduce_max3A_89 = arith.constant dense<0xFF800000> : vector<512xf32>
    %reduce_max3A_90 = vector.multi_reduction <maximumf>, %dot_general3A_88, %reduce_max3A_89 [1] : vector<512x4096xf32> to vector<512xf32>
    %broadcast_in_dim3A_91 = vector.shape_cast %reduce_max3A_90 : vector<512xf32> to vector<512x1xf32>
    %sub3A_92 = vector.broadcast %broadcast_in_dim3A_91 : vector<512x1xf32> to vector<512x4096xf32>
    %sub3A_93 = arith.subf %dot_general3A_88, %sub3A_92 : vector<512x4096xf32>
    %exp3A_94 = math.exp %sub3A_93 : vector<512x4096xf32>
    %dot_general3A_95 = arith.constant dense<0.000000e+00> : vector<512x32xf32>
    %dot_general3A_96 = tpu.matmul %exp3A_94, %slice3A_86, %dot_general3A_95 {dimension_numbers = #tpu.dot_dimension_numbers<[1], [0], [0], [1], [0, 0, 1, 1], [], []>, transpose_lhs_hint = false} : vector<512x4096xf32>, vector<4096x32xf32>, vector<512x32xf32> -> vector<512x32xf32>
    %reduce_sum3A_97 = arith.constant dense<0.000000e+00> : vector<512xf32>
    %reduce_sum3A_98 = vector.multi_reduction <add>, %exp3A_94, %reduce_sum3A_97 [1] : vector<512x4096xf32> to vector<512xf32>
    %broadcast_in_dim3A_99 = vector.shape_cast %reduce_sum3A_98 : vector<512xf32> to vector<512x1xf32>
    %div3A_100 = vector.broadcast %broadcast_in_dim3A_99 : vector<512x1xf32> to vector<512x32xf32>
    %div3A_101 = arith.divf %dot_general3A_96, %div3A_100 : vector<512x32xf32>
    %concatenate3A = tpu.concatenate %div3A_38, %div3A_59, %div3A_80, %div3A_101 in 1 : vector<512x32xf32>, vector<512x32xf32>, vector<512x32xf32>, vector<512x32xf32> -> vector<512x128xf32>
    %dot_general3A_102 = arith.constant dense<0.000000e+00> : vector<512x128xf32>
    %dot_general3A_103 = tpu.matmul %concatenate3A, %get3A_21, %dot_general3A_102 {dimension_numbers = #tpu.dot_dimension_numbers<[1], [1], [0], [0], [0, 0, 1, 0], [], []>, transpose_lhs_hint = false} : vector<512x128xf32>, vector<128x128xf32>, vector<512x128xf32> -> vector<512x128xf32>
    %add3A_104 = vector.broadcast %get3A_24 : vector<1x128xf32> to vector<512x128xf32>
    %add3A_105 = arith.addf %dot_general3A_103, %add3A_104 : vector<512x128xf32>
    %swap3A = arith.constant 0 : index
    %swap3A_106 = arith.constant 0 : index
    %swap3A_107 = vector.load %arg11[%swap3A, %swap3A_106] : memref<512x128xf32, #tpu.memory_space<vmem>>, vector<512x128xf32>
    tpu.vector_store %arg11[%swap3A, %swap3A_106], %add3A_105 {strides = array<i32>} : memref<512x128xf32, #tpu.memory_space<vmem>>, vector<512x128xf32>,
    return
  }
  func.func @transform_0(%arg0: i32) -> (i32, i32, i32) {
    %c0_i32 = arith.constant 0 : i32
    %c0_i32_0 = arith.constant 0 : i32
    %c0_i32_1 = arith.constant 0 : i32
    %c0_i32_2 = arith.constant 0 : i32
    return %c0_i32, %c0_i32_0, %c0_i32_1 : i32, i32, i32
  }
  func.func @transform_1(%arg0: i32) -> (i32, i32, i32) {
    %c0_i32 = arith.constant 0 : i32
    %c0_i32_0 = arith.constant 0 : i32
    %c0_i32_1 = arith.constant 0 : i32
    %c0_i32_2 = arith.constant 0 : i32
    return %c0_i32, %c0_i32_0, %c0_i32_1 : i32, i32, i32
  }
  func.func @transform_2(%arg0: i32) -> (i32, i32) {
    %c0_i32 = arith.constant 0 : i32
    %c0_i32_0 = arith.constant 0 : i32
    %c0_i32_1 = arith.constant 0 : i32
    return %c0_i32, %c0_i32_0 : i32, i32
  }
  func.func @transform_3(%arg0: i32) -> (i32, i32) {
    %c0_i32 = arith.constant 0 : i32
    %c0_i32_0 = arith.constant 0 : i32
    %c0_i32_1 = arith.constant 0 : i32
    return %c0_i32, %c0_i32_0 : i32, i32
  }
  func.func @transform_4(%arg0: i32) -> (i32, i32) {
    %c0_i32 = arith.constant 0 : i32
    %c0_i32_0 = arith.constant 0 : i32
    %c0_i32_1 = arith.constant 0 : i32
    return %c0_i32, %c0_i32_0 : i32, i32
  }
  func.func @transform_5(%arg0: i32) -> (i32, i32) {
    %c0_i32 = arith.constant 0 : i32
    %c0_i32_0 = arith.constant 0 : i32
    return %arg0, %c0_i32 : i32, i32
  }
  func.func @transform_6(%arg0: i32) -> (i32, i32) {
    %c0_i32 = arith.constant 0 : i32
    %c0_i32_0 = arith.constant 0 : i32
    %c0_i32_1 = arith.constant 0 : i32
    return %c0_i32, %c0_i32_0 : i32, i32
  }
  func.func @transform_7(%arg0: i32) -> (i32, i32) {
    %c0_i32 = arith.constant 0 : i32
    %c0_i32_0 = arith.constant 0 : i32
    %c0_i32_1 = arith.constant 0 : i32
    return %c0_i32, %c0_i32_0 : i32, i32
  }
  func.func @transform_8(%arg0: i32) -> (i32, i32) {
    %c0_i32 = arith.constant 0 : i32
    %c0_i32_0 = arith.constant 0 : i32
    %c0_i32_1 = arith.constant 0 : i32
    return %c0_i32, %c0_i32_0 : i32, i32
  }
  func.func @transform_9(%arg0: i32) -> (i32, i32) {
    %c0_i32 = arith.constant 0 : i32
    %c0_i32_0 = arith.constant 0 : i32
    %c0_i32_1 = arith.constant 0 : i32
    return %c0_i32, %c0_i32_0 : i32, i32
  }
  func.func @transform_10(%arg0: i32) -> (i32, i32) {
    %c0_i32 = arith.constant 0 : i32
    %c0_i32_0 = arith.constant 0 : i32
    return %arg0, %c0_i32 : i32, i32
  }
}

</mosaic_0001>

<sc_bundles>
// kernel: kernel.12.cloned.1.call-start
scs
__scs_entry_jumppad:
0x0: {  	(pc) =	sbr.rel $0x88, $3  }
0x1: {  	(tag) =	ssettag $0x0;
	lr =	simm.s32 $0x1  }
0x2: {  	[smem:$0x3F91] =	sst lr;
	_ =	strace $0xD0000000  }
0x3: {  	_ = 	snop  }
0x4: {  	_ = 	snop  }
0x5: {  	_ = 	snop  }
0x6: {  	_ = 	snop  }
0x7: {  	_ = 	snop  }
__scs_overlays_trampoline_lowered:
0x8: {  	[smem:$0x3FA0] =	sst s0  }
0x9: {  	[smem:$0x3FA1] =	sst s1  }
0xa: {  	[smem:$0x3FA2] =	sst s2  }
0xb: {  	[smem:$0x3FA3] =	sst s3  }
0xc: {  	[smem:$0x3FA4] =	sst s4  }
0xd: {  	[smem:$0x3FA5] =	sst s5  }
0xe: {  	[smem:$0x3FA6] =	sst s6  }
0xf: {  	[smem:$0x3FA7] =	sst s7  }
0x10: {  	[smem:$0x3FA8] =	sst s8  }
0x11: {  	[smem:$0x3FA9] =	sst s9;
	s0 =	simm.s32 @!p0 $0x0  }
0x12: {  	s1 =	sld [smem:$0x3F8F];
	s0 =	simm.s32 @p0 $0x1  }
0x13: {  	[smem:$0x3FAA] =	sst s0;
	s0 =	simm.s32 @!p1 $0x0  }
0x14: {  	s2 =	sld [smem:$0x3F8E];
	s0 =	simm.s32 @p1 $0x1  }
0x15: {  	[smem:$0x3FAB] =	sst s0;
	s0 =	simm.s32 @!p2 $0x0  }
0x16: {  	s3 =	sld [smem:$0x3FDB];
	s0 =	simm.s32 @p2 $0x1  }
0x17: {  	s4 =	simm.s32 $0x1BF5;
	[smem:$0x3FAD] =	sst s0  }
0x18: {  	s0 =	sld [smem:$0x3F90];
	_ =	swait.ge [sflag:s4], $0x0  }
0x19: {  	s7 =	sld [smem:$0x3F91]  }
0x1a: {  	s8 =	sadd.s32 $0xFFFFE003, lr  }
0x1b: {  	s9 =	sadd.s32 $0xFFFFFEF7, lr;
	s5 =	simm.s32 $0xFFFFFFFF;
	p2 =	slt.u32 s8, $0xFFFFF086  }
0x1c: {  	p1 =	slt.u32 s9, $0xF7A;
	s5 =	simm.s32 @!p2 $0x0  }
0x1d: {  	s5 =	simm.s32 @p1 $0x1;
	p0 =	seq.s32 s7, s2  }
0x1e: {  	s7 =	smul.u32 @!p0 $0xF7A, s2;
	p2 =	seq.s32 @!p0 s5, $0x0  }
0x1f: {  	s9 =	smul.u32 $0xF7A, s1;
	s8 =	simm.s32 @!p0 $0x1BF5;
	p2 =	por !p2, p0  }
0x20: {  	[sflag:s8] =	ssyncset.s32 @!p0 $0xFFFFF086;
	s6 =	sadd.s32 @!p0 s3, s7;
	s7 =	simm.s32 @!p0 $0x108  }
0x21: {  	s3 =	sadd.s32 s3, s9;
	s6 =	sadd.s32 @!p0 $0x88, s6;
	s7 =	simm.s32 @p2 $0x1082  }
0x22: {  	[simem:s7], [sflag:s8] =	dma.local @!p0 [hbm:s6], $0xF7A  }
0x23: {  	s9 =	sor.u32 $0xD0000000, s2;
	s6 =	simm.s32 $0x108;
	_ =	swait.ge @!p0 [sflag:s8], $0x0  }
0x24: {  	s3 =	sadd.s32 $0x88, s3;
	s6 =	simm.s32 @!p1 $0x1082;
	[sflag:s4] =	ssyncset.s32 $0xFFFFF086  }
0x25: {  	[simem:s6], [sflag:s4] =	dma.local [hbm:s3], $0xF7A  }
0x26: {  	[smem:$0x3F91] =	sst s1;
	(tag) =	ssettag s2;
	_ =	strace s9  }
0x27: {  	s1 =	sld [smem:$0x3FA1]  }
0x28: {  	s2 =	sld [smem:$0x3FA2]  }
0x29: {  	s4 =	sld [smem:$0x3FA4]  }
0x2a: {  	p0 =	seq.s32 s5, $0x0;
	s5 =	sld [smem:$0x3FA5]  }
0x2b: {  	s6 =	sld [smem:$0x3FA6]  }
0x2c: {  	s7 =	sld [smem:$0x3FA7]  }
0x2d: {  	s3 =	simm.s32 $0x108;
	s8 =	sld [smem:$0x3FA8]  }
0x2e: {  	s3 =	simm.s32 @!p0 $0x1082;
	s9 =	sld [smem:$0x3FA9]  }
0x2f: {  	lr =	sadd.s32 s0, s3;
	s0 =	sld [smem:$0x3FA0]  }
0x30: {  	s3 =	sld [smem:$0x3FA3]  }
0x31: {  	[smem:$0x3FAC] =	sst s10  }
0x32: {  	s10 =	sld [smem:$0x3FAA];
	_ =	sdelay $0x3  }
0x33: {  	p0 =	seq.s32 s10, $0x1;
	s10 =	sld [smem:$0x3FAC];
	_ =	sdelay $0x3  }
0x34: {  	[smem:$0x3FAC] =	sst s10  }
0x35: {  	s10 =	sld [smem:$0x3FAB];
	_ =	sdelay $0x3  }
0x36: {  	p1 =	seq.s32 s10, $0x1;
	s10 =	sld [smem:$0x3FAC];
	_ =	sdelay $0x3  }
0x37: {  	[smem:$0x3FAC] =	sst s10  }
0x38: {  	s10 =	sld [smem:$0x3FAD]  }
0x39: {  	_ = 	snop;
	(pc) =	sbr.ind lr, $3  }
0x3a: {  	_ = 	snop  }
0x3b: {  	_ = 	snop  }
0x3c: {  	p2 =	seq.s32 s10, $0x1;
	s10 =	sld [smem:$0x3FAC]  }
0x3d: {  	_ =	shalt  }
0x3e: {  	_ =	shalt  }
0x3f: {  	_ =	shalt  }
0x40: {  	_ =	shalt  }
0x41: {  	_ =	shalt  }
0x42: {  	_ =	shalt  }
0x43: {  	_ =	shalt  }
0x44: {  	_ =	shalt  }
0x45: {  	_ =	shalt  }
0x46: {  	_ =	shalt  }
0x47: {  	_ =	shalt  }
0x48: {  	_ =	shalt  }
0x49: {  	_ =	shalt  }
0x4a: {  	_ =	shalt  }
0x4b: {  	_ =	shalt  }
0x4c: {  	_ =	shalt  }
0x4d: {  	_ =	shalt  }
0x4e: {  	_ =	shalt  }
0x4f: {  	_ =	shalt  }
0x50: {  	_ =	shalt  }
0x51: {  	_ =	shalt  }
0x52: {  	_ =	shalt  }
0x53: {  	_ =	shalt  }
0x54: {  	_ =	shalt  }
0x55: {  	_ =	shalt  }
0x56: {  	_ =	shalt  }
0x57: {  	_ =	shalt  }
0x58: {  	_ =	shalt  }
0x59: {  	_ =	shalt  }
0x5a: {  	_ =	shalt  }
0x5b: {  	_ =	shalt  }
0x5c: {  	_ =	shalt  }
0x5d: {  	_ =	shalt  }
0x5e: {  	_ =	shalt  }
0x5f: {  	_ =	shalt  }
0x60: {  	_ =	shalt  }
0x61: {  	_ =	shalt  }
0x62: {  	_ =	shalt  }
0x63: {  	_ =	shalt  }
0x64: {  	_ =	shalt  }
0x65: {  	_ =	shalt  }
0x66: {  	_ =	shalt  }
0x67: {  	_ =	shalt  }
0x68: {  	_ =	shalt  }
0x69: {  	_ =	shalt  }
0x6a: {  	_ =	shalt  }
0x6b: {  	_ =	shalt  }
0x6c: {  	_ =	shalt  }
0x6d: {  	_ =	shalt  }
0x6e: {  	_ =	shalt  }
0x6f: {  	_ =	shalt  }
0x70: {  	_ =	shalt  }
0x71: {  	_ =	shalt  }
0x72: {  	_ =	shalt  }
0x73: {  	_ =	shalt  }
0x74: {  	_ =	shalt  }
0x75: {  	_ =	shalt  }
0x76: {  	_ =	shalt  }
0x77: {  	_ =	shalt  }
0x78: {  	_ =	shalt  }
0x79: {  	_ =	shalt  }
0x7a: {  	_ =	shalt  }
0x7b: {  	_ =	shalt  }
0x7c: {  	_ =	shalt  }
0x7d: {  	_ =	shalt  }
0x7e: {  	_ =	shalt  }
0x7f: {  	_ =	shalt  }
0x80: {  	_ =	shalt  }
0x81: {  	_ =	shalt  }
0x82: {  	_ =	shalt  }
0x83: {  	_ =	shalt  }
0x84: {  	_ =	shalt  }
0x85: {  	_ =	shalt  }
0x86: {  	_ =	shalt  }
0x87: {  	_ =	shalt  }
.Lfunc_end0:
.L_simem_size_0:
called_computation.1_lowered:
.L_overlay_start_0:
0x88: {  	s2 =	sld [smem:$0x3FD9]  }
0x89: {  	s3 =	sld [smem:$0x3FFE];
	_ =	sdelay $0x1  }
0x8a: {  	s1 =	srdreg.scid  }
0x8b: {  	s0 =	sand.u32 $0x1, s1  }
0x8c: {  	s17 =	sshll.u32 s0, $0xA;
	s2 =	sadd.s32 s3, s2  }
0x8d: {  	s2 =	sadd.s32 s2, s17  }
0x8e: {  	[smem:$0x3FB8] =	sst s2  }
0x8f: {  	_ = 	snop  }
0x90: {  	s2 =	sld [smem:$0x3FD0];
	(tm) =	ssettm $0x1  }
0x91: {  	s18 =	sld [smem:$0x3FFB];
	_ =	sdelay $0x3  }
0x92: {  	_ =	strace s18  }
0x93: {  	s3 =	sld [smem:$0x3FFC];
	_ =	sdelay $0x3  }
0x94: {  	_ =	strace s3  }
0x95: {  	s3 =	sld [smem:$0x3FFD];
	_ =	sdelay $0x3  }
0x96: {  	_ =	strace s3  }
0x97: {  	_ =	strace $0x8FFFFFFF  }
0x98: {  	s19 =	sld [smem:$0x3FDB];
	_ =	sdelay $0x1  }
0x99: {  	s4 =	simm.s32 $_scs_section_size  }
0x9a: {  	s5 =	simm.s32 $_size__tile_overlayer_lowered;
	s6 =	simm.s32 $_tile_overlayer_lowered  }
0x9b: {  	s22 =	simm.s32 $0x1BFF;
	s21 =	sshll.u32 s6, $0x1;
	s3 =	sadd.s32 s4, s19  }
0x9c: {  	s7 =	simm.s32 $0x0;
	s20 =	sshll.u32 s5, $0x1;
	s5 =	sadd.s32 s21, s3  }
0x9d: {  	[timem:s7], [sflag:s22] =	dma.local [hbm:s5], s20  }
0x9e: {  	_ =	swait.ge [sflag:s22], s20  }
0x9f: {  	s4 =	ssub.s32 $0x0, s20;
	[sflag:s22] =	ssyncset.done $0x0  }
0xa0: {  	[sflag:s22] =	ssyncadd.s32 s4;
	_ =	sdelay $0x1  }
0xa1: {  	s23 =	simm.s32 $0x1B8B  }
0xa2: {  	_ =	swait.ge [sflag:s23], $0x1  }
0xa3: {  	[sflag:s23] =	ssyncset.done $0x0  }
0xa4: {  	s25 =	simm.s32 $0x1B8E;
	s24 =	sld [smem:$0x3FFE];
	[sflag:s23] =	ssyncadd.s32 $0xFFFFFFFF  }
0xa5: {  	s26 =	simm.s32 $execute0_lowered;
	[smem:$0x3FD2] =	sst s25  }
0xa6: {  	s5 =	sshll.u32 s26, $0x1;
	_ =	strace $0x80000046;
	[dreg:$0x1] =	wrdreg $0xFFFFFFFF  }
0xa7: {  	s28 =	simm.s32 $_size_execute0_lowered;
	s3 =	sadd.s32 s3, s5;
	[dreg:$0x0] =	wrdreg $0x0  }
0xa8: {  	s5 =	sshll.u32 s28, $0x1;
	[dreg:$0x2] =	wrdreg s3  }
0xa9: {  	[dreg:$0x3] =	wrdreg s5  }
0xaa: {  	[dreg:$0x4] =	wrdreg $0xC0  }
0xab: {  	_ =	task [dreg:s7], $0x5FFFF  }
0xac: {  	[dreg:$0x1] =	wrdreg $0xFFFFFFFF  }
0xad: {  	[dreg:$0x0] =	wrdreg $0x60  }
0xae: {  	[dreg:$0x2] =	wrdreg s24  }
0xaf: {  	[dreg:$0x3] =	wrdreg s2  }
0xb0: {  	[dreg:$0x4] =	wrdreg $0x82000  }
0xb1: {  	[dreg:$0x5] =	wrdreg $0x102000  }
0xb2: {  	[dreg:$0x6] =	wrdreg $0xA  }
0xb3: {  	_ =	task.clear_ibuf [dreg:s7], $0x7FFFF;
	_ =	strace $0x90000046  }
0xb4: {  	s29 =	simm.s32 $0xA;
	_ =	strace $0x80000048  }
0xb5: {  	_ =	swait.ge [sflag:s29], $0x1  }
0xb6: {  	[sflag:s29] =	ssyncadd.s32 $0xFFFFFFFF  }
0xb7: {  	_ =	strace $0x90000048  }
0xb8: {  	_ =	sfence  }
0xb9: {  	s30 =	sld [smem:$0x0];
	_ =	sdelay $0x2  }
0xba: {  	s31 =	sshll.u32 s1, $0xD;
	s1 =	sshrl.u32 s1, $0x2  }
0xbb: {  	s3 =	sand.u32 $0x4000, s31;
	s1 =	sadd.s32 s1, s30  }
0xbc: {  	s0 =	sor.u32 s3, s0;
	s1 =	sshll.u32 s1, $0x11  }
0xbd: {  	s0 =	sor.u32 s1, s0  }
0xbe: {  	s0 =	sadd.s32 $0x8F2B, s0  }
0xbf: {  	[sflag:s0] =	ssyncadd.remote.s32 $0x1  }
0xc0: {  	_ =	sfence.sel $0xFFFF  }
0xc1: {  	[dreg:$0x0] =	wrdreg $0xFFFFFFFF;
	(pc) =	sbr.abs _section_cstart, $3  }
0xc2: {  	[dreg:$0x1] =	wrdreg $0xFFFFFFFF  }
0xc3: {  	_ =	task.clear_ibuf [dreg:s7], $0x2FFFF;
	_ =	strace $0x9FFFFFFF  }
0xc4: {  	(tm) =	ssettm $0x7FFFFFFF  }
0xc5: {  	_ =	shalt  }
tec
execute0_lowered:
.L_overlay_start_1:
0x0: {  	(tag) =	ssettag $0x1  }
0x1: {  	s30 =	rddreg [dreg:$0x0]  }
0x2: {  	s29 =	rddreg [dreg:$0x1]  }
0x3: {  	s2 =	rddreg [dreg:$0x2];
	s11 =	stileid.u32  }
0x4: {  	s3 =	rddreg [dreg:$0x3];
	s4 =	simm.s32 $0x0;
	s31 =	sshll.u32 s11, $0xC  }
0x5: {  	[smem:$0x7FF] =	sst s4;
	s24 =	sshll.u32 s11, $0xF;
	s0 =	sadd.s32 s31, s30  }
0x6: {  	s6 =	sshll.u32 s11, $0x6;
	_ =	strace $0x80000047;
	s1 =	sadd.s32 $0x15C00, s0  }
0x7: {  	s5 =	sadd.s32 s24, s2;
	s6 =	sor.u32 $0x1C02, s6;
	[dreg:$0x5] =	wrdreg s1  }
0x8: {  	s7 =	sshrl.u32 s5, $0x3;
	s5 =	simm.s32 $0x2;
	s8 =	rddreg [dreg:$0x5]  }
0x9: {  	[spmem:s7], [sflag:s6] =	dma.local [hbm:s8], $0x1000  }
0xa: {  	_ =	swait.ge [sflag:s5], $0x1000  }
0xb: {  	s10 =	srdreg.scid;
	s1 =	sadd.s32 s24, s3;
	[sflag:s5] =	ssyncset.done $0x0  }
0xc: {  	s9 =	sshrl.u32 s1, $0x3;
	s8 =	sadd.s32 $0x5C00, s0;
	[sflag:s5] =	ssyncadd.s32 $0xFFFFF000  }
0xd: {  	[spmem:s9], [sflag:s6] =	dma.local [hbm:s8], $0x1000  }
0xe: {  	s0 =	sand.u32 $0x1, s10;
	_ =	swait.ge [sflag:s5], $0x1000  }
0xf: {  	s26 =	sshll.u32 s11, $0x8;
	s25 =	sshll.u32 s0, $0xC;
	[sflag:s5] =	ssyncset.done $0x0  }
0x10: {  	s28 =	sadd.s32 $0x3C00, s30;
	s1 =	sor.u32 s26, s25;
	[sflag:s5] =	ssyncadd.s32 $0xFFFFF000  }
0x11: {  	s10 =	sadd.s32 s28, s1;
	[bflag:$0x0] =	sbarrier.arrive $0xFFFF  }
0x12: {  	[tilespmem:s4], [sflag:$0x2] =	stream.linear.gather [hbm4b:s10+s4], $0x100, $0x38;
	[tilespmem:$0x18200] =	vst v63  }
0x13: {  	_ =	swait.ge [sflag:s5], $0x100  }
0x14: {  	[sflag:s5] =	ssyncset.done $0x0  }
0x15: {  	s12 =	simm.s32 $0x100;
	s11 =	sadd.s32 s29, s1;
	[sflag:s5] =	ssyncadd.s32 $0xFFFFFF00  }
0x16: {  	[tilespmem:s12], [sflag:$0x2] =	stream.linear.gather [hbm4b:s11+s4], $0x100, $0x38;
	[tilespmem:$0x18200] =	vst v63  }
0x17: {  	_ =	swait.ge [sflag:s5], $0x100  }
0x18: {  	[sflag:s5] =	ssyncset.done $0x0  }
0x19: {  	s13 =	simm.s32 $0x200;
	s14 =	simm.s32 $0x1;
	[sflag:s5] =	ssyncadd.s32 $0xFFFFFF00  }
0x1a: {  	[tilespmem:s13], [sflag:$0x1] =	stream.indirect.gather [spmem:s3], $0x80, s4, s12, $0xb8;
	[tilespmem:$0x18200] =	vst v63  }
0x1b: {  	_ =	swait.ge [sflag:s14], $0x8000  }
0x1c: {  	[sflag:s14] =	ssyncset.done $0x0  }
0x1d: {  	[sflag:s14] =	ssyncadd.s32 $0xFFFF8000  }
0x1e: {  	[spmem:s2] =	stream.indirect.scatter.add.f32 [tilespmem:s13], [sflag:$0x2], $0x80, s12, s12, $0xb8;
	[tilespmem:$0x18200] =	vst v63  }
0x1f: {  	_ =	swait.ge [sflag:s5], $0x8000  }
0x20: {  	s16 =	sor.u32 $0x20, s1;
	[sflag:s5] =	ssyncset.done $0x0  }
0x21: {  	s15 =	sadd.s32 s28, s16;
	[sflag:s5] =	ssyncadd.s32 $0xFFFF8000  }
0x22: {  	[tilespmem:s4], [sflag:$0x2] =	stream.linear.gather [hbm4b:s15+s4], $0x100, $0x38;
	[tilespmem:$0x18200] =	vst v63  }
0x23: {  	_ =	swait.ge [sflag:s5], $0x100  }
0x24: {  	[sflag:s5] =	ssyncset.done $0x0  }
0x25: {  	s16 =	sadd.s32 s29, s16;
	[sflag:s5] =	ssyncadd.s32 $0xFFFFFF00  }
0x26: {  	[tilespmem:s12], [sflag:$0x2] =	stream.linear.gather [hbm4b:s16+s4], $0x100, $0x38;
	[tilespmem:$0x18200] =	vst v63  }
0x27: {  	_ =	swait.ge [sflag:s5], $0x100  }
0x28: {  	[sflag:s5] =	ssyncset.done $0x0  }
0x29: {  	[sflag:s5] =	ssyncadd.s32 $0xFFFFFF00  }
0x2a: {  	[tilespmem:s13], [sflag:$0x1] =	stream.indirect.gather [spmem:s3], $0x80, s4, s12, $0xb8;
	[tilespmem:$0x18200] =	vst v63  }
0x2b: {  	_ =	swait.ge [sflag:s14], $0x8000  }
0x2c: {  	[sflag:s14] =	ssyncset.done $0x0  }
0x2d: {  	[sflag:s14] =	ssyncadd.s32 $0xFFFF8000  }
0x2e: {  	[spmem:s2] =	stream.indirect.scatter.add.f32 [tilespmem:s13], [sflag:$0x2], $0x80, s12, s12, $0xb8;
	[tilespmem:$0x18200] =	vst v63  }
0x2f: {  	_ =	swait.ge [sflag:s5], $0x8000  }
0x30: {  	s18 =	sor.u32 $0x40, s1;
	[sflag:s5] =	ssyncset.done $0x0  }
0x31: {  	s17 =	sadd.s32 s28, s18;
	[sflag:s5] =	ssyncadd.s32 $0xFFFF8000  }
0x32: {  	[tilespmem:s4], [sflag:$0x2] =	stream.linear.gather [hbm4b:s17+s4], $0x100, $0x38;
	[tilespmem:$0x18200] =	vst v63  }
0x33: {  	_ =	swait.ge [sflag:s5], $0x100  }
0x34: {  	[sflag:s5] =	ssyncset.done $0x0  }
0x35: {  	s18 =	sadd.s32 s29, s18;
	[sflag:s5] =	ssyncadd.s32 $0xFFFFFF00  }
0x36: {  	[tilespmem:s12], [sflag:$0x2] =	stream.linear.gather [hbm4b:s18+s4], $0x100, $0x38;
	[tilespmem:$0x18200] =	vst v63  }
0x37: {  	_ =	swait.ge [sflag:s5], $0x100  }
0x38: {  	[sflag:s5] =	ssyncset.done $0x0  }
0x39: {  	[sflag:s5] =	ssyncadd.s32 $0xFFFFFF00  }
0x3a: {  	[tilespmem:s13], [sflag:$0x1] =	stream.indirect.gather [spmem:s3], $0x80, s4, s12, $0xb8;
	[tilespmem:$0x18200] =	vst v63  }
0x3b: {  	_ =	swait.ge [sflag:s14], $0x8000  }
0x3c: {  	[sflag:s14] =	ssyncset.done $0x0  }
0x3d: {  	[sflag:s14] =	ssyncadd.s32 $0xFFFF8000  }
0x3e: {  	[spmem:s2] =	stream.indirect.scatter.add.f32 [tilespmem:s13], [sflag:$0x2], $0x80, s12, s12, $0xb8;
	[tilespmem:$0x18200] =	vst v63  }
0x3f: {  	_ =	swait.ge [sflag:s5], $0x8000  }
0x40: {  	s20 =	sor.u32 $0x60, s1;
	[sflag:s5] =	ssyncset.done $0x0  }
0x41: {  	s19 =	sadd.s32 s28, s20;
	[sflag:s5] =	ssyncadd.s32 $0xFFFF8000  }
0x42: {  	[tilespmem:s4], [sflag:$0x2] =	stream.linear.gather [hbm4b:s19+s4], $0x100, $0x38;
	[tilespmem:$0x18200] =	vst v63  }
0x43: {  	_ =	swait.ge [sflag:s5], $0x100  }
0x44: {  	[sflag:s5] =	ssyncset.done $0x0  }
0x45: {  	s20 =	sadd.s32 s29, s20;
	[sflag:s5] =	ssyncadd.s32 $0xFFFFFF00  }
0x46: {  	[tilespmem:s12], [sflag:$0x2] =	stream.linear.gather [hbm4b:s20+s4], $0x100, $0x38;
	[tilespmem:$0x18200] =	vst v63  }
0x47: {  	_ =	swait.ge [sflag:s5], $0x100  }
0x48: {  	[sflag:s5] =	ssyncset.done $0x0  }
0x49: {  	[sflag:s5] =	ssyncadd.s32 $0xFFFFFF00  }
0x4a: {  	[tilespmem:s13], [sflag:$0x1] =	stream.indirect.gather [spmem:s3], $0x80, s4, s12, $0xb8;
	[tilespmem:$0x18200] =	vst v63  }
0x4b: {  	_ =	swait.ge [sflag:s14], $0x8000  }
0x4c: {  	[sflag:s14] =	ssyncset.done $0x0  }
0x4d: {  	[sflag:s14] =	ssyncadd.s32 $0xFFFF8000  }
0x4e: {  	[spmem:s2] =	stream.indirect.scatter.add.f32 [tilespmem:s13], [sflag:$0x2], $0x80, s12, s12, $0xb8;
	[tilespmem:$0x18200] =	vst v63  }
0x4f: {  	_ =	swait.ge [sflag:s5], $0x8000  }
0x50: {  	s22 =	sor.u32 $0x80, s1;
	[sflag:s5] =	ssyncset.done $0x0  }
0x51: {  	s21 =	sadd.s32 s28, s22;
	[sflag:s5] =	ssyncadd.s32 $0xFFFF8000  }
0x52: {  	[tilespmem:s4], [sflag:$0x2] =	stream.linear.gather [hbm4b:s21+s4], $0x100, $0x38;
	[tilespmem:$0x18200] =	vst v63  }
0x53: {  	_ =	swait.ge [sflag:s5], $0x100  }
0x54: {  	[sflag:s5] =	ssyncset.done $0x0  }
0x55: {  	s22 =	sadd.s32 s29, s22;
	[sflag:s5] =	ssyncadd.s32 $0xFFFFFF00  }
0x56: {  	[tilespmem:s12], [sflag:$0x2] =	stream.linear.gather [hbm4b:s22+s4], $0x100, $0x38;
	[tilespmem:$0x18200] =	vst v63  }
0x57: {  	_ =	swait.ge [sflag:s5], $0x100  }
0x58: {  	[sflag:s5] =	ssyncset.done $0x0  }
0x59: {  	[sflag:s5] =	ssyncadd.s32 $0xFFFFFF00  }
0x5a: {  	[tilespmem:s13], [sflag:$0x1] =	stream.indirect.gather [spmem:s3], $0x80, s4, s12, $0xb8;
	[tilespmem:$0x18200] =	vst v63  }
0x5b: {  	_ =	swait.ge [sflag:s14], $0x8000  }
0x5c: {  	[sflag:s14] =	ssyncset.done $0x0  }
0x5d: {  	[sflag:s14] =	ssyncadd.s32 $0xFFFF8000  }
0x5e: {  	[spmem:s2] =	stream.indirect.scatter.add.f32 [tilespmem:s13], [sflag:$0x2], $0x80, s12, s12, $0xb8;
	[tilespmem:$0x18200] =	vst v63  }
0x5f: {  	_ =	swait.ge [sflag:s5], $0x8000  }
0x60: {  	s24 =	sor.u32 $0xA0, s1;
	[sflag:s5] =	ssyncset.done $0x0  }
0x61: {  	s23 =	sadd.s32 s28, s24;
	[sflag:s5] =	ssyncadd.s32 $0xFFFF8000  }
0x62: {  	[tilespmem:s4], [sflag:$0x2] =	stream.linear.gather [hbm4b:s23+s4], $0x100, $0x38;
	[tilespmem:$0x18200] =	vst v63  }
0x63: {  	_ =	swait.ge [sflag:s5], $0x100  }
0x64: {  	[sflag:s5] =	ssyncset.done $0x0  }
0x65: {  	s24 =	sadd.s32 s29, s24;
	[sflag:s5] =	ssyncadd.s32 $0xFFFFFF00  }
0x66: {  	[tilespmem:s12], [sflag:$0x2] =	stream.linear.gather [hbm4b:s24+s4], $0x100, $0x38;
	[tilespmem:$0x18200] =	vst v63  }
0x67: {  	_ =	swait.ge [sflag:s5], $0x100  }
0x68: {  	[sflag:s5] =	ssyncset.done $0x0  }
0x69: {  	[sflag:s5] =	ssyncadd.s32 $0xFFFFFF00  }
0x6a: {  	[tilespmem:s13], [sflag:$0x1] =	stream.indirect.gather [spmem:s3], $0x80, s4, s12, $0xb8;
	[tilespmem:$0x18200] =	vst v63  }
0x6b: {  	_ =	swait.ge [sflag:s14], $0x8000  }
0x6c: {  	[sflag:s14] =	ssyncset.done $0x0  }
0x6d: {  	[sflag:s14] =	ssyncadd.s32 $0xFFFF8000  }
0x6e: {  	[spmem:s2] =	stream.indirect.scatter.add.f32 [tilespmem:s13], [sflag:$0x2], $0x80, s12, s12, $0xb8;
	[tilespmem:$0x18200] =	vst v63  }
0x6f: {  	_ =	swait.ge [sflag:s5], $0x8000  }
0x70: {  	s26 =	sor.u32 $0xC0, s1;
	[sflag:s5] =	ssyncset.done $0x0  }
0x71: {  	s25 =	sadd.s32 s28, s26;
	[sflag:s5] =	ssyncadd.s32 $0xFFFF8000  }
0x72: {  	[tilespmem:s4], [sflag:$0x2] =	stream.linear.gather [hbm4b:s25+s4], $0x100, $0x38;
	[tilespmem:$0x18200] =	vst v63  }
0x73: {  	_ =	swait.ge [sflag:s5], $0x100  }
0x74: {  	[sflag:s5] =	ssyncset.done $0x0  }
0x75: {  	s26 =	sadd.s32 s29, s26;
	[sflag:s5] =	ssyncadd.s32 $0xFFFFFF00  }
0x76: {  	[tilespmem:s12], [sflag:$0x2] =	stream.linear.gather [hbm4b:s26+s4], $0x100, $0x38;
	[tilespmem:$0x18200] =	vst v63  }
0x77: {  	_ =	swait.ge [sflag:s5], $0x100  }
0x78: {  	[sflag:s5] =	ssyncset.done $0x0  }
0x79: {  	[sflag:s5] =	ssyncadd.s32 $0xFFFFFF00  }
0x7a: {  	[tilespmem:s13], [sflag:$0x1] =	stream.indirect.gather [spmem:s3], $0x80, s4, s12, $0xb8;
	[tilespmem:$0x18200] =	vst v63  }
0x7b: {  	_ =	swait.ge [sflag:s14], $0x8000  }
0x7c: {  	[sflag:s14] =	ssyncset.done $0x0  }
0x7d: {  	[sflag:s14] =	ssyncadd.s32 $0xFFFF8000  }
0x7e: {  	[spmem:s2] =	stream.indirect.scatter.add.f32 [tilespmem:s13], [sflag:$0x2], $0x80, s12, s12, $0xb8;
	[tilespmem:$0x18200] =	vst v63  }
0x7f: {  	_ =	swait.ge [sflag:s5], $0x8000  }
0x80: {  	s1 =	sor.u32 $0xE0, s1;
	[sflag:s5] =	ssyncset.done $0x0  }
0x81: {  	s28 =	sadd.s32 s28, s1;
	[sflag:s5] =	ssyncadd.s32 $0xFFFF8000  }
0x82: {  	[tilespmem:s4], [sflag:$0x2] =	stream.linear.gather [hbm4b:s28+s4], $0x100, $0x38;
	[tilespmem:$0x18200] =	vst v63  }
0x83: {  	_ =	swait.ge [sflag:s5], $0x100  }
0x84: {  	[sflag:s5] =	ssyncset.done $0x0  }
0x85: {  	s29 =	sadd.s32 s29, s1;
	[sflag:s5] =	ssyncadd.s32 $0xFFFFFF00  }
0x86: {  	[tilespmem:s12], [sflag:$0x2] =	stream.linear.gather [hbm4b:s29+s4], $0x100, $0x38;
	[tilespmem:$0x18200] =	vst v63  }
0x87: {  	_ =	swait.ge [sflag:s5], $0x100  }
0x88: {  	[sflag:s5] =	ssyncset.done $0x0  }
0x89: {  	s1 =	sshll.u32 s0, $0x10;
	s0 =	ssub.s32 $0x2, s0;
	[sflag:s5] =	ssyncadd.s32 $0xFFFFFF00  }
0x8a: {  	[tilespmem:s13], [sflag:$0x1] =	stream.indirect.gather [spmem:s3], $0x80, s4, s12, $0xb8;
	[tilespmem:$0x18200] =	vst v63  }
0x8b: {  	s1 =	sadd.s32 s1, s30;
	s30 =	sshrl.u32 s0, $0x1;
	_ =	swait.ge [sflag:s14], $0x8000  }
0x8c: {  	s0 =	ssub.s32 s0, s30;
	[sflag:s14] =	ssyncset.done $0x0  }
0x8d: {  	s0 =	smax.u32 s0, $0x1;
	[sflag:s14] =	ssyncadd.s32 $0xFFFF8000  }
0x8e: {  	[spmem:s2] =	stream.indirect.scatter.add.f32 [tilespmem:s13], [sflag:$0x2], $0x80, s12, s12, $0xb8;
	[tilespmem:$0x18200] =	vst v63  }
0x8f: {  	p0 =	sne.s32 s0, $0x1;
	_ =	swait.ge [sflag:s5], $0x8000  }
.Ltmp0:
0x90: {  	[sflag:s5] =	ssyncset.done $0x0;
	(pc) =	sbr.rel @!p0 .LBB2_2-.Ltmp0, $4  }
0x91: {  	s1 =	sadd.s32 $0x25C00, s1;
	[sflag:s5] =	ssyncadd.s32 $0xFFFF8000  }
0x92: {  	s30 =	sadd.s32 s31, s1;
	[bflag:$0x0] =	sbarrier.arrive $0xFFFF  }
0x93: {  	[hbm:s30], [sflag:s6] =	dma.local [spmem:s7], $0x1000  }
0x94: {  	s31 =	sadd.s32 $0xFFFFFFFF, s0;
	_ =	swait.ge [sflag:s5], $0x1000  }
.LBB2_1:
0x95: {  	[sflag:s5] =	ssyncset.done $0x0  }
0x96: {  	s0 =	rddreg [dreg:$0x5];
	[sflag:s5] =	ssyncadd.s32 $0xFFFFF000  }
0x97: {  	[spmem:s7], [sflag:s6] =	dma.local [hbm:s0], $0x1000  }
0x98: {  	_ =	swait.ge [sflag:s5], $0x1000  }
0x99: {  	[sflag:s5] =	ssyncset.done $0x0  }
0x9a: {  	[sflag:s5] =	ssyncadd.s32 $0xFFFFF000  }
0x9b: {  	[spmem:s9], [sflag:s6] =	dma.local [hbm:s8], $0x1000  }
0x9c: {  	_ =	swait.ge [sflag:s5], $0x1000  }
0x9d: {  	[sflag:s5] =	ssyncset.done $0x0  }
0x9e: {  	[sflag:s5] =	ssyncadd.s32 $0xFFFFF000  }
0x9f: {  	[bflag:$0x0] =	sbarrier.arrive $0xFFFF  }
0xa0: {  	[tilespmem:s4], [sflag:$0x2] =	stream.linear.gather [hbm4b:s10+s4], $0x100, $0x38;
	[tilespmem:$0x18200] =	vst v63  }
0xa1: {  	_ =	swait.ge [sflag:s5], $0x100  }
0xa2: {  	[sflag:s5] =	ssyncset.done $0x0  }
0xa3: {  	[sflag:s5] =	ssyncadd.s32 $0xFFFFFF00  }
0xa4: {  	[tilespmem:s12], [sflag:$0x2] =	stream.linear.gather [hbm4b:s11+s4], $0x100, $0x38;
	[tilespmem:$0x18200] =	vst v63  }
0xa5: {  	_ =	swait.ge [sflag:s5], $0x100  }
0xa6: {  	[sflag:s5] =	ssyncset.done $0x0  }
0xa7: {  	[sflag:s5] =	ssyncadd.s32 $0xFFFFFF00  }
0xa8: {  	[tilespmem:s13], [sflag:$0x1] =	stream.indirect.gather [spmem:s3], $0x80, s4, s12, $0xb8;
	[tilespmem:$0x18200] =	vst v63  }
0xa9: {  	_ =	swait.ge [sflag:s14], $0x8000  }
0xaa: {  	[sflag:s14] =	ssyncset.done $0x0  }
0xab: {  	[sflag:s14] =	ssyncadd.s32 $0xFFFF8000  }
0xac: {  	[spmem:s2] =	stream.indirect.scatter.add.f32 [tilespmem:s13], [sflag:$0x2], $0x80, s12, s12, $0xb8;
	[tilespmem:$0x18200] =	vst v63  }
0xad: {  	_ =	swait.ge [sflag:s5], $0x8000  }
0xae: {  	[sflag:s5] =	ssyncset.done $0x0  }
0xaf: {  	[sflag:s5] =	ssyncadd.s32 $0xFFFF8000  }
0xb0: {  	[tilespmem:s4], [sflag:$0x2] =	stream.linear.gather [hbm4b:s15+s4], $0x100, $0x38;
	[tilespmem:$0x18200] =	vst v63  }
0xb1: {  	_ =	swait.ge [sflag:s5], $0x100  }
0xb2: {  	[sflag:s5] =	ssyncset.done $0x0  }
0xb3: {  	[sflag:s5] =	ssyncadd.s32 $0xFFFFFF00  }
0xb4: {  	[tilespmem:s12], [sflag:$0x2] =	stream.linear.gather [hbm4b:s16+s4], $0x100, $0x38;
	[tilespmem:$0x18200] =	vst v63  }
0xb5: {  	_ =	swait.ge [sflag:s5], $0x100  }
0xb6: {  	[sflag:s5] =	ssyncset.done $0x0  }
0xb7: {  	[sflag:s5] =	ssyncadd.s32 $0xFFFFFF00  }
0xb8: {  	[tilespmem:s13], [sflag:$0x1] =	stream.indirect.gather [spmem:s3], $0x80, s4, s12, $0xb8;
	[tilespmem:$0x18200] =	vst v63  }
0xb9: {  	_ =	swait.ge [sflag:s14], $0x8000  }
0xba: {  	[sflag:s14] =	ssyncset.done $0x0  }
0xbb: {  	[sflag:s14] =	ssyncadd.s32 $0xFFFF8000  }
0xbc: {  	[spmem:s2] =	stream.indirect.scatter.add.f32 [tilespmem:s13], [sflag:$0x2], $0x80, s12, s12, $0xb8;
	[tilespmem:$0x18200] =	vst v63  }
0xbd: {  	_ =	swait.ge [sflag:s5], $0x8000  }
0xbe: {  	[sflag:s5] =	ssyncset.done $0x0  }
0xbf: {  	[sflag:s5] =	ssyncadd.s32 $0xFFFF8000  }
0xc0: {  	[tilespmem:s4], [sflag:$0x2] =	stream.linear.gather [hbm4b:s17+s4], $0x100, $0x38;
	[tilespmem:$0x18200] =	vst v63  }
0xc1: {  	_ =	swait.ge [sflag:s5], $0x100  }
0xc2: {  	[sflag:s5] =	ssyncset.done $0x0  }
0xc3: {  	[sflag:s5] =	ssyncadd.s32 $0xFFFFFF00  }
0xc4: {  	[tilespmem:s12], [sflag:$0x2] =	stream.linear.gather [hbm4b:s18+s4], $0x100, $0x38;
	[tilespmem:$0x18200] =	vst v63  }
0xc5: {  	_ =	swait.ge [sflag:s5], $0x100  }
0xc6: {  	[sflag:s5] =	ssyncset.done $0x0  }
0xc7: {  	[sflag:s5] =	ssyncadd.s32 $0xFFFFFF00  }
0xc8: {  	[tilespmem:s13], [sflag:$0x1] =	stream.indirect.gather [spmem:s3], $0x80, s4, s12, $0xb8;
	[tilespmem:$0x18200] =	vst v63  }
0xc9: {  	_ =	swait.ge [sflag:s14], $0x8000  }
0xca: {  	[sflag:s14] =	ssyncset.done $0x0  }
0xcb: {  	[sflag:s14] =	ssyncadd.s32 $0xFFFF8000  }
0xcc: {  	[spmem:s2] =	stream.indirect.scatter.add.f32 [tilespmem:s13], [sflag:$0x2], $0x80, s12, s12, $0xb8;
	[tilespmem:$0x18200] =	vst v63  }
0xcd: {  	_ =	swait.ge [sflag:s5], $0x8000  }
0xce: {  	[sflag:s5] =	ssyncset.done $0x0  }
0xcf: {  	[sflag:s5] =	ssyncadd.s32 $0xFFFF8000  }
0xd0: {  	[tilespmem:s4], [sflag:$0x2] =	stream.linear.gather [hbm4b:s19+s4], $0x100, $0x38;
	[tilespmem:$0x18200] =	vst v63  }
0xd1: {  	_ =	swait.ge [sflag:s5], $0x100  }
0xd2: {  	[sflag:s5] =	ssyncset.done $0x0  }
0xd3: {  	[sflag:s5] =	ssyncadd.s32 $0xFFFFFF00  }
0xd4: {  	[tilespmem:s12], [sflag:$0x2] =	stream.linear.gather [hbm4b:s20+s4], $0x100, $0x38;
	[tilespmem:$0x18200] =	vst v63  }
0xd5: {  	_ =	swait.ge [sflag:s5], $0x100  }
0xd6: {  	[sflag:s5] =	ssyncset.done $0x0  }
0xd7: {  	[sflag:s5] =	ssyncadd.s32 $0xFFFFFF00  }
0xd8: {  	[tilespmem:s13], [sflag:$0x1] =	stream.indirect.gather [spmem:s3], $0x80, s4, s12, $0xb8;
	[tilespmem:$0x18200] =	vst v63  }
0xd9: {  	_ =	swait.ge [sflag:s14], $0x8000  }
0xda: {  	[sflag:s14] =	ssyncset.done $0x0  }
0xdb: {  	[sflag:s14] =	ssyncadd.s32 $0xFFFF8000  }
0xdc: {  	[spmem:s2] =	stream.indirect.scatter.add.f32 [tilespmem:s13], [sflag:$0x2], $0x80, s12, s12, $0xb8;
	[tilespmem:$0x18200] =	vst v63  }
0xdd: {  	_ =	swait.ge [sflag:s5], $0x8000  }
0xde: {  	[sflag:s5] =	ssyncset.done $0x0  }
0xdf: {  	[sflag:s5] =	ssyncadd.s32 $0xFFFF8000  }
0xe0: {  	[tilespmem:s4], [sflag:$0x2] =	stream.linear.gather [hbm4b:s21+s4], $0x100, $0x38;
	[tilespmem:$0x18200] =	vst v63  }
0xe1: {  	_ =	swait.ge [sflag:s5], $0x100  }
0xe2: {  	[sflag:s5] =	ssyncset.done $0x0  }
0xe3: {  	[sflag:s5] =	ssyncadd.s32 $0xFFFFFF00  }
0xe4: {  	[tilespmem:s12], [sflag:$0x2] =	stream.linear.gather [hbm4b:s22+s4], $0x100, $0x38;
	[tilespmem:$0x18200] =	vst v63  }
0xe5: {  	_ =	swait.ge [sflag:s5], $0x100  }
0xe6: {  	[sflag:s5] =	ssyncset.done $0x0  }
0xe7: {  	[sflag:s5] =	ssyncadd.s32 $0xFFFFFF00  }
0xe8: {  	[tilespmem:s13], [sflag:$0x1] =	stream.indirect.gather [spmem:s3], $0x80, s4, s12, $0xb8;
	[tilespmem:$0x18200] =	vst v63  }
0xe9: {  	_ =	swait.ge [sflag:s14], $0x8000  }
0xea: {  	[sflag:s14] =	ssyncset.done $0x0  }
0xeb: {  	[sflag:s14] =	ssyncadd.s32 $0xFFFF8000  }
0xec: {  	[spmem:s2] =	stream.indirect.scatter.add.f32 [tilespmem:s13], [sflag:$0x2], $0x80, s12, s12, $0xb8;
	[tilespmem:$0x18200] =	vst v63  }
0xed: {  	_ =	swait.ge [sflag:s5], $0x8000  }
0xee: {  	[sflag:s5] =	ssyncset.done $0x0  }
0xef: {  	[sflag:s5] =	ssyncadd.s32 $0xFFFF8000  }
0xf0: {  	[tilespmem:s4], [sflag:$0x2] =	stream.linear.gather [hbm4b:s23+s4], $0x100, $0x38;
	[tilespmem:$0x18200] =	vst v63  }
0xf1: {  	_ =	swait.ge [sflag:s5], $0x100  }
0xf2: {  	[sflag:s5] =	ssyncset.done $0x0  }
0xf3: {  	[sflag:s5] =	ssyncadd.s32 $0xFFFFFF00  }
0xf4: {  	[tilespmem:s12], [sflag:$0x2] =	stream.linear.gather [hbm4b:s24+s4], $0x100, $0x38;
	[tilespmem:$0x18200] =	vst v63  }
0xf5: {  	_ =	swait.ge [sflag:s5], $0x100  }
0xf6: {  	[sflag:s5] =	ssyncset.done $0x0  }
0xf7: {  	[sflag:s5] =	ssyncadd.s32 $0xFFFFFF00  }
0xf8: {  	[tilespmem:s13], [sflag:$0x1] =	stream.indirect.gather [spmem:s3], $0x80, s4, s12, $0xb8;
	[tilespmem:$0x18200] =	vst v63  }
0xf9: {  	_ =	swait.ge [sflag:s14], $0x8000  }
0xfa: {  	[sflag:s14] =	ssyncset.done $0x0  }
0xfb: {  	[sflag:s14] =	ssyncadd.s32 $0xFFFF8000  }
0xfc: {  	[spmem:s2] =	stream.indirect.scatter.add.f32 [tilespmem:s13], [sflag:$0x2], $0x80, s12, s12, $0xb8;
	[tilespmem:$0x18200] =	vst v63  }
0xfd: {  	_ =	swait.ge [sflag:s5], $0x8000  }
0xfe: {  	[sflag:s5] =	ssyncset.done $0x0  }
0xff: {  	[sflag:s5] =	ssyncadd.s32 $0xFFFF8000  }
0x100: {  	[tilespmem:s4], [sflag:$0x2] =	stream.linear.gather [hbm4b:s25+s4], $0x100, $0x38;
	[tilespmem:$0x18200] =	vst v63  }
0x101: {  	_ =	swait.ge [sflag:s5], $0x100  }
0x102: {  	[sflag:s5] =	ssyncset.done $0x0  }
0x103: {  	[sflag:s5] =	ssyncadd.s32 $0xFFFFFF00  }
0x104: {  	[tilespmem:s12], [sflag:$0x2] =	stream.linear.gather [hbm4b:s26+s4], $0x100, $0x38;
	[tilespmem:$0x18200] =	vst v63  }
0x105: {  	_ =	swait.ge [sflag:s5], $0x100  }
0x106: {  	[sflag:s5] =	ssyncset.done $0x0  }
0x107: {  	[sflag:s5] =	ssyncadd.s32 $0xFFFFFF00  }
0x108: {  	[tilespmem:s13], [sflag:$0x1] =	stream.indirect.gather [spmem:s3], $0x80, s4, s12, $0xb8;
	[tilespmem:$0x18200] =	vst v63  }
0x109: {  	_ =	swait.ge [sflag:s14], $0x8000  }
0x10a: {  	[sflag:s14] =	ssyncset.done $0x0  }
0x10b: {  	[sflag:s14] =	ssyncadd.s32 $0xFFFF8000  }
0x10c: {  	[spmem:s2] =	stream.indirect.scatter.add.f32 [tilespmem:s13], [sflag:$0x2], $0x80, s12, s12, $0xb8;
	[tilespmem:$0x18200] =	vst v63  }
0x10d: {  	_ =	swait.ge [sflag:s5], $0x8000  }
0x10e: {  	[sflag:s5] =	ssyncset.done $0x0  }
0x10f: {  	[sflag:s5] =	ssyncadd.s32 $0xFFFF8000  }
0x110: {  	[tilespmem:s4], [sflag:$0x2] =	stream.linear.gather [hbm4b:s28+s4], $0x100, $0x38;
	[tilespmem:$0x18200] =	vst v63  }
0x111: {  	_ =	swait.ge [sflag:s5], $0x100  }
0x112: {  	[sflag:s5] =	ssyncset.done $0x0  }
0x113: {  	[sflag:s5] =	ssyncadd.s32 $0xFFFFFF00  }
0x114: {  	[tilespmem:s12], [sflag:$0x2] =	stream.linear.gather [hbm4b:s29+s4], $0x100, $0x38;
	[tilespmem:$0x18200] =	vst v63  }
0x115: {  	_ =	swait.ge [sflag:s5], $0x100  }
0x116: {  	[sflag:s5] =	ssyncset.done $0x0  }
0x117: {  	[sflag:s5] =	ssyncadd.s32 $0xFFFFFF00  }
0x118: {  	[tilespmem:s13], [sflag:$0x1] =	stream.indirect.gather [spmem:s3], $0x80, s4, s12, $0xb8;
	[tilespmem:$0x18200] =	vst v63  }
0x119: {  	_ =	swait.ge [sflag:s14], $0x8000  }
0x11a: {  	[sflag:s14] =	ssyncset.done $0x0  }
0x11b: {  	[sflag:s14] =	ssyncadd.s32 $0xFFFF8000  }
0x11c: {  	[spmem:s2] =	stream.indirect.scatter.add.f32 [tilespmem:s13], [sflag:$0x2], $0x80, s12, s12, $0xb8;
	[tilespmem:$0x18200] =	vst v63  }
0x11d: {  	p0 =	sne.s32 s31, $0x1;
	_ =	swait.ge [sflag:s5], $0x8000  }
.Ltmp1:
0x11e: {  	[sflag:s5] =	ssyncset.done $0x0;
	(pc) =	sbr.rel @p0 .LBB2_1-.Ltmp1, $4  }
0x11f: {  	[sflag:s5] =	ssyncadd.s32 $0xFFFF8000  }
0x120: {  	[bflag:$0x0] =	sbarrier.arrive $0xFFFF  }
0x121: {  	[hbm:s30], [sflag:s6] =	dma.local [spmem:s7], $0x1000  }
0x122: {  	s31 =	sadd.s32 $0xFFFFFFFF, s31;
	_ =	swait.ge [sflag:s5], $0x1000  }
.LBB2_2:
0x123: {  	[sflag:s5] =	ssyncset.done $0x0  }
0x124: {  	[sflag:s5] =	ssyncadd.s32 $0xFFFFF000  }
0x125: {  	_ =	sfence.sel $0x180000  }
0x126: {  	[bflag:$0x0] =	sbarrier.arrive $0xFFFF  }
0x127: {  	_ =	strace $0x90000047  }
0x128: {  	s0 =	stileid.u32;
	[bflag:$0x2] =	sbarrier.arrive $0xFFFF  }
0x129: {  	p0 =	sne.s32 s0, $0x0;
	s0 =	rddreg [dreg:$0x4]  }
0x12a: {  	s0 =	sadd.s32 @!p0 $0x100000, s0  }
0x12b: {  	[sflag:s0] =	ssyncadd.tile.s32 @!p0 $0x1;
	_ =	shalt  }
.Lfunc_end2:
_tile_overlayer_lowered:
.L_overlay_start_2:
0x12c: {  	(tag) =	ssettag $0x2  }
0x12d: {  	s0 =	rddreg [dreg:$0x0];
	s2 =	stileid.u32  }
0x12e: {  	s1 =	rddreg [dreg:$0x1];
	p0 =	sne.s32 s2, $0x0  }
0x12f: {  	s3 =	rddreg [dreg:$0x2];
	[bflag:$0x3] =	sbarrier.arrive $0xFFFF;
	s2 =	simm.s32 @!p0 $0x1C02  }
0x130: {  	[timem:s3], [sflag:s2] =	dma.local @!p0 [hbm:s0], s1  }
0x131: {  	s0 =	simm.s32 @!p0 $0x2  }
0x132: {  	_ =	swait.ge @!p0 [sflag:s0], s1  }
0x133: {  	s1 =	ssub.s32 @!p0 $0x0, s1;
	[sflag:s0] =	ssyncset.done @!p0 $0x0  }
0x134: {  	[sflag:s0] =	ssyncadd.s32 @!p0 s1  }
0x135: {  	[bflag:$0x3] =	sbarrier.arrive $0xFFFF  }
0x136: {  	_ =	shalt  }

// kernel: kernel.15.cloned.1.call-start
scs
__scs_entry_jumppad:
0x0: {  	(pc) =	sbr.rel $0x88, $3  }
0x1: {  	(tag) =	ssettag $0x0;
	lr =	simm.s32 $0x1  }
0x2: {  	[smem:$0x3F91] =	sst lr;
	_ =	strace $0xD0000000  }
0x3: {  	_ = 	snop  }
0x4: {  	_ = 	snop  }
0x5: {  	_ = 	snop  }
0x6: {  	_ = 	snop  }
0x7: {  	_ = 	snop  }
__scs_overlays_trampoline_lowered:
0x8: {  	[smem:$0x3FA0] =	sst s0  }
0x9: {  	[smem:$0x3FA1] =	sst s1  }
0xa: {  	[smem:$0x3FA2] =	sst s2  }
0xb: {  	[smem:$0x3FA3] =	sst s3  }
0xc: {  	[smem:$0x3FA4] =	sst s4  }
0xd: {  	[smem:$0x3FA5] =	sst s5  }
0xe: {  	[smem:$0x3FA6] =	sst s6  }
0xf: {  	[smem:$0x3FA7] =	sst s7  }
0x10: {  	[smem:$0x3FA8] =	sst s8  }
0x11: {  	[smem:$0x3FA9] =	sst s9;
	s0 =	simm.s32 @!p0 $0x0  }
0x12: {  	s1 =	sld [smem:$0x3F8F];
	s0 =	simm.s32 @p0 $0x1  }
0x13: {  	[smem:$0x3FAA] =	sst s0;
	s0 =	simm.s32 @!p1 $0x0  }
0x14: {  	s2 =	sld [smem:$0x3F8E];
	s0 =	simm.s32 @p1 $0x1  }
0x15: {  	[smem:$0x3FAB] =	sst s0;
	s0 =	simm.s32 @!p2 $0x0  }
0x16: {  	s3 =	sld [smem:$0x3FDB];
	s0 =	simm.s32 @p2 $0x1  }
0x17: {  	s4 =	simm.s32 $0x1BF5;
	[smem:$0x3FAD] =	sst s0  }
0x18: {  	s0 =	sld [smem:$0x3F90];
	_ =	swait.ge [sflag:s4], $0x0  }
0x19: {  	s7 =	sld [smem:$0x3F91]  }
0x1a: {  	s8 =	sadd.s32 $0xFFFFE003, lr  }
0x1b: {  	s9 =	sadd.s32 $0xFFFFFEF7, lr;
	s5 =	simm.s32 $0xFFFFFFFF;
	p2 =	slt.u32 s8, $0xFFFFF086  }
0x1c: {  	p1 =	slt.u32 s9, $0xF7A;
	s5 =	simm.s32 @!p2 $0x0  }
0x1d: {  	s5 =	simm.s32 @p1 $0x1;
	p0 =	seq.s32 s7, s2  }
0x1e: {  	s7 =	smul.u32 @!p0 $0xF7A, s2;
	p2 =	seq.s32 @!p0 s5, $0x0  }
0x1f: {  	s9 =	smul.u32 $0xF7A, s1;
	s8 =	simm.s32 @!p0 $0x1BF5;
	p2 =	por !p2, p0  }
0x20: {  	[sflag:s8] =	ssyncset.s32 @!p0 $0xFFFFF086;
	s6 =	sadd.s32 @!p0 s3, s7;
	s7 =	simm.s32 @!p0 $0x108  }
0x21: {  	s3 =	sadd.s32 s3, s9;
	s6 =	sadd.s32 @!p0 $0x88, s6;
	s7 =	simm.s32 @p2 $0x1082  }
0x22: {  	[simem:s7], [sflag:s8] =	dma.local @!p0 [hbm:s6], $0xF7A  }
0x23: {  	s9 =	sor.u32 $0xD0000000, s2;
	s6 =	simm.s32 $0x108;
	_ =	swait.ge @!p0 [sflag:s8], $0x0  }
0x24: {  	s3 =	sadd.s32 $0x88, s3;
	s6 =	simm.s32 @!p1 $0x1082;
	[sflag:s4] =	ssyncset.s32 $0xFFFFF086  }
0x25: {  	[simem:s6], [sflag:s4] =	dma.local [hbm:s3], $0xF7A  }
0x26: {  	[smem:$0x3F91] =	sst s1;
	(tag) =	ssettag s2;
	_ =	strace s9  }
0x27: {  	s1 =	sld [smem:$0x3FA1]  }
0x28: {  	s2 =	sld [smem:$0x3FA2]  }
0x29: {  	s4 =	sld [smem:$0x3FA4]  }
0x2a: {  	p0 =	seq.s32 s5, $0x0;
	s5 =	sld [smem:$0x3FA5]  }
0x2b: {  	s6 =	sld [smem:$0x3FA6]  }
0x2c: {  	s7 =	sld [smem:$0x3FA7]  }
0x2d: {  	s3 =	simm.s32 $0x108;
	s8 =	sld [smem:$0x3FA8]  }
0x2e: {  	s3 =	simm.s32 @!p0 $0x1082;
	s9 =	sld [smem:$0x3FA9]  }
0x2f: {  	lr =	sadd.s32 s0, s3;
	s0 =	sld [smem:$0x3FA0]  }
0x30: {  	s3 =	sld [smem:$0x3FA3]  }
0x31: {  	[smem:$0x3FAC] =	sst s10  }
0x32: {  	s10 =	sld [smem:$0x3FAA];
	_ =	sdelay $0x3  }
0x33: {  	p0 =	seq.s32 s10, $0x1;
	s10 =	sld [smem:$0x3FAC];
	_ =	sdelay $0x3  }
0x34: {  	[smem:$0x3FAC] =	sst s10  }
0x35: {  	s10 =	sld [smem:$0x3FAB];
	_ =	sdelay $0x3  }
0x36: {  	p1 =	seq.s32 s10, $0x1;
	s10 =	sld [smem:$0x3FAC];
	_ =	sdelay $0x3  }
0x37: {  	[smem:$0x3FAC] =	sst s10  }
0x38: {  	s10 =	sld [smem:$0x3FAD]  }
0x39: {  	_ = 	snop;
	(pc) =	sbr.ind lr, $3  }
0x3a: {  	_ = 	snop  }
0x3b: {  	_ = 	snop  }
0x3c: {  	p2 =	seq.s32 s10, $0x1;
	s10 =	sld [smem:$0x3FAC]  }
0x3d: {  	_ =	shalt  }
0x3e: {  	_ =	shalt  }
0x3f: {  	_ =	shalt  }
0x40: {  	_ =	shalt  }
0x41: {  	_ =	shalt  }
0x42: {  	_ =	shalt  }
0x43: {  	_ =	shalt  }
0x44: {  	_ =	shalt  }
0x45: {  	_ =	shalt  }
0x46: {  	_ =	shalt  }
0x47: {  	_ =	shalt  }
0x48: {  	_ =	shalt  }
0x49: {  	_ =	shalt  }
0x4a: {  	_ =	shalt  }
0x4b: {  	_ =	shalt  }
0x4c: {  	_ =	shalt  }
0x4d: {  	_ =	shalt  }
0x4e: {  	_ =	shalt  }
0x4f: {  	_ =	shalt  }
0x50: {  	_ =	shalt  }
0x51: {  	_ =	shalt  }
0x52: {  	_ =	shalt  }
0x53: {  	_ =	shalt  }
0x54: {  	_ =	shalt  }
0x55: {  	_ =	shalt  }
0x56: {  	_ =	shalt  }
0x57: {  	_ =	shalt  }
0x58: {  	_ =	shalt  }
0x59: {  	_ =	shalt  }
0x5a: {  	_ =	shalt  }
0x5b: {  	_ =	shalt  }
0x5c: {  	_ =	shalt  }
0x5d: {  	_ =	shalt  }
0x5e: {  	_ =	shalt  }
0x5f: {  	_ =	shalt  }
0x60: {  	_ =	shalt  }
0x61: {  	_ =	shalt  }
0x62: {  	_ =	shalt  }
0x63: {  	_ =	shalt  }
0x64: {  	_ =	shalt  }
0x65: {  	_ =	shalt  }
0x66: {  	_ =	shalt  }
0x67: {  	_ =	shalt  }
0x68: {  	_ =	shalt  }
0x69: {  	_ =	shalt  }
0x6a: {  	_ =	shalt  }
0x6b: {  	_ =	shalt  }
0x6c: {  	_ =	shalt  }
0x6d: {  	_ =	shalt  }
0x6e: {  	_ =	shalt  }
0x6f: {  	_ =	shalt  }
0x70: {  	_ =	shalt  }
0x71: {  	_ =	shalt  }
0x72: {  	_ =	shalt  }
0x73: {  	_ =	shalt  }
0x74: {  	_ =	shalt  }
0x75: {  	_ =	shalt  }
0x76: {  	_ =	shalt  }
0x77: {  	_ =	shalt  }
0x78: {  	_ =	shalt  }
0x79: {  	_ =	shalt  }
0x7a: {  	_ =	shalt  }
0x7b: {  	_ =	shalt  }
0x7c: {  	_ =	shalt  }
0x7d: {  	_ =	shalt  }
0x7e: {  	_ =	shalt  }
0x7f: {  	_ =	shalt  }
0x80: {  	_ =	shalt  }
0x81: {  	_ =	shalt  }
0x82: {  	_ =	shalt  }
0x83: {  	_ =	shalt  }
0x84: {  	_ =	shalt  }
0x85: {  	_ =	shalt  }
0x86: {  	_ =	shalt  }
0x87: {  	_ =	shalt  }
.Lfunc_end0:
.L_simem_size_0:
called_computation.2_lowered:
.L_overlay_start_0:
0x88: {  	s2 =	sld [smem:$0x3FD9]  }
0x89: {  	s3 =	sld [smem:$0x3FFE];
	_ =	sdelay $0x1  }
0x8a: {  	s1 =	srdreg.scid  }
0x8b: {  	s0 =	sand.u32 $0x1, s1  }
0x8c: {  	s17 =	sshll.u32 s0, $0xA;
	s2 =	sadd.s32 s3, s2  }
0x8d: {  	s2 =	sadd.s32 s2, s17  }
0x8e: {  	[smem:$0x3FB8] =	sst s2  }
0x8f: {  	_ = 	snop  }
0x90: {  	s2 =	sld [smem:$0x3FD0];
	(tm) =	ssettm $0x1  }
0x91: {  	s18 =	sld [smem:$0x3FFB];
	_ =	sdelay $0x3  }
0x92: {  	_ =	strace s18  }
0x93: {  	s3 =	sld [smem:$0x3FFC];
	_ =	sdelay $0x3  }
0x94: {  	_ =	strace s3  }
0x95: {  	s3 =	sld [smem:$0x3FFD];
	_ =	sdelay $0x3  }
0x96: {  	_ =	strace s3  }
0x97: {  	_ =	strace $0x8FFFFFFF  }
0x98: {  	s19 =	sld [smem:$0x3FDB];
	_ =	sdelay $0x1  }
0x99: {  	s4 =	simm.s32 $_scs_section_size  }
0x9a: {  	s5 =	simm.s32 $_size__tile_overlayer_lowered;
	s6 =	simm.s32 $_tile_overlayer_lowered  }
0x9b: {  	s22 =	simm.s32 $0x1BFF;
	s21 =	sshll.u32 s6, $0x1;
	s3 =	sadd.s32 s4, s19  }
0x9c: {  	s7 =	simm.s32 $0x0;
	s20 =	sshll.u32 s5, $0x1;
	s5 =	sadd.s32 s21, s3  }
0x9d: {  	[timem:s7], [sflag:s22] =	dma.local [hbm:s5], s20  }
0x9e: {  	_ =	swait.ge [sflag:s22], s20  }
0x9f: {  	s4 =	ssub.s32 $0x0, s20;
	[sflag:s22] =	ssyncset.done $0x0  }
0xa0: {  	[sflag:s22] =	ssyncadd.s32 s4;
	_ =	sdelay $0x1  }
0xa1: {  	s23 =	simm.s32 $0x1B8B  }
0xa2: {  	_ =	swait.ge [sflag:s23], $0x1  }
0xa3: {  	[sflag:s23] =	ssyncset.done $0x0  }
0xa4: {  	s25 =	simm.s32 $0x1B8E;
	s24 =	sld [smem:$0x3FFE];
	[sflag:s23] =	ssyncadd.s32 $0xFFFFFFFF  }
0xa5: {  	s26 =	simm.s32 $execute0_lowered;
	[smem:$0x3FD2] =	sst s25  }
0xa6: {  	s5 =	sshll.u32 s26, $0x1;
	_ =	strace $0x8000004C;
	[dreg:$0x1] =	wrdreg $0xFFFFFFFF  }
0xa7: {  	s28 =	simm.s32 $_size_execute0_lowered;
	s3 =	sadd.s32 s3, s5;
	[dreg:$0x0] =	wrdreg $0x0  }
0xa8: {  	s5 =	sshll.u32 s28, $0x1;
	[dreg:$0x2] =	wrdreg s3  }
0xa9: {  	[dreg:$0x3] =	wrdreg s5  }
0xaa: {  	[dreg:$0x4] =	wrdreg $0xC0  }
0xab: {  	_ =	task [dreg:s7], $0x5FFFF  }
0xac: {  	[dreg:$0x1] =	wrdreg $0xFFFFFFFF  }
0xad: {  	[dreg:$0x0] =	wrdreg $0x60  }
0xae: {  	[dreg:$0x2] =	wrdreg s24  }
0xaf: {  	[dreg:$0x3] =	wrdreg s2  }
0xb0: {  	[dreg:$0x4] =	wrdreg $0x82000  }
0xb1: {  	[dreg:$0x5] =	wrdreg $0x102000  }
0xb2: {  	[dreg:$0x6] =	wrdreg $0x9  }
0xb3: {  	_ =	task.clear_ibuf [dreg:s7], $0x7FFFF;
	_ =	strace $0x9000004C  }
0xb4: {  	s29 =	simm.s32 $0x9;
	_ =	strace $0x8000004E  }
0xb5: {  	_ =	swait.ge [sflag:s29], $0x1  }
0xb6: {  	[sflag:s29] =	ssyncadd.s32 $0xFFFFFFFF  }
0xb7: {  	_ =	strace $0x9000004E  }
0xb8: {  	_ =	sfence  }
0xb9: {  	s30 =	sld [smem:$0x0];
	_ =	sdelay $0x2  }
0xba: {  	s31 =	sshll.u32 s1, $0xD;
	s1 =	sshrl.u32 s1, $0x2  }
0xbb: {  	s3 =	sand.u32 $0x4000, s31;
	s1 =	sadd.s32 s1, s30  }
0xbc: {  	s0 =	sor.u32 s3, s0;
	s1 =	sshll.u32 s1, $0x11  }
0xbd: {  	s0 =	sor.u32 s1, s0  }
0xbe: {  	s0 =	sadd.s32 $0x8F2B, s0  }
0xbf: {  	[sflag:s0] =	ssyncadd.remote.s32 $0x1  }
0xc0: {  	_ =	sfence.sel $0xFFFF  }
0xc1: {  	[dreg:$0x0] =	wrdreg $0xFFFFFFFF;
	(pc) =	sbr.abs _section_cstart, $3  }
0xc2: {  	[dreg:$0x1] =	wrdreg $0xFFFFFFFF  }
0xc3: {  	_ =	task.clear_ibuf [dreg:s7], $0x2FFFF;
	_ =	strace $0x9FFFFFFF  }
0xc4: {  	(tm) =	ssettm $0x7FFFFFFF  }
0xc5: {  	_ =	shalt  }
tec
execute0_lowered:
.L_overlay_start_1:
0x0: {  	(tag) =	ssettag $0x1  }
0x1: {  	s30 =	rddreg [dreg:$0x0]  }
0x2: {  	s28 =	rddreg [dreg:$0x1]  }
0x3: {  	s2 =	rddreg [dreg:$0x2];
	s11 =	stileid.u32  }
0x4: {  	s3 =	rddreg [dreg:$0x3];
	s4 =	simm.s32 $0x0;
	s31 =	sshll.u32 s11, $0xC  }
0x5: {  	[smem:$0x7FF] =	sst s4;
	s24 =	sshll.u32 s11, $0xF;
	s0 =	sadd.s32 s31, s30  }
0x6: {  	s6 =	sshll.u32 s11, $0x6;
	_ =	strace $0x8000004D;
	s1 =	sadd.s32 $0x15C00, s0  }
0x7: {  	s5 =	sadd.s32 s24, s2;
	s6 =	sor.u32 $0x1C02, s6;
	[dreg:$0x5] =	wrdreg s1  }
0x8: {  	s7 =	sshrl.u32 s5, $0x3;
	s5 =	simm.s32 $0x2;
	s8 =	rddreg [dreg:$0x5]  }
0x9: {  	[spmem:s7], [sflag:s6] =	dma.local [hbm:s8], $0x1000  }
0xa: {  	_ =	swait.ge [sflag:s5], $0x1000  }
0xb: {  	s10 =	srdreg.scid;
	s1 =	sadd.s32 s24, s3;
	[sflag:s5] =	ssyncset.done $0x0  }
0xc: {  	s9 =	sshrl.u32 s1, $0x3;
	s8 =	sadd.s32 $0x5C00, s0;
	[sflag:s5] =	ssyncadd.s32 $0xFFFFF000  }
0xd: {  	[spmem:s9], [sflag:s6] =	dma.local [hbm:s8], $0x1000  }
0xe: {  	s0 =	sand.u32 $0x1, s10;
	_ =	swait.ge [sflag:s5], $0x1000  }
0xf: {  	s26 =	sshll.u32 s11, $0x8;
	s25 =	sshll.u32 s0, $0xC;
	[sflag:s5] =	ssyncset.done $0x0  }
0x10: {  	s1 =	sor.u32 s26, s25;
	[sflag:s5] =	ssyncadd.s32 $0xFFFFF000  }
0x11: {  	s10 =	sadd.s32 s28, s1;
	[bflag:$0x0] =	sbarrier.arrive $0xFFFF  }
0x12: {  	[tilespmem:s4], [sflag:$0x2] =	stream.linear.gather [hbm4b:s10+s4], $0x100, $0x38;
	[tilespmem:$0x18200] =	vst v63  }
0x13: {  	_ =	swait.ge [sflag:s5], $0x100  }
0x14: {  	s29 =	sadd.s32 $0x3C00, s30;
	[sflag:s5] =	ssyncset.done $0x0  }
0x15: {  	s12 =	simm.s32 $0x100;
	s11 =	sadd.s32 s29, s1;
	[sflag:s5] =	ssyncadd.s32 $0xFFFFFF00  }
0x16: {  	[tilespmem:s12], [sflag:$0x2] =	stream.linear.gather [hbm4b:s11+s4], $0x100, $0x38;
	[tilespmem:$0x18200] =	vst v63  }
0x17: {  	_ =	swait.ge [sflag:s5], $0x100  }
0x18: {  	[sflag:s5] =	ssyncset.done $0x0  }
0x19: {  	s13 =	simm.s32 $0x200;
	s14 =	simm.s32 $0x1;
	[sflag:s5] =	ssyncadd.s32 $0xFFFFFF00  }
0x1a: {  	[tilespmem:s13], [sflag:$0x1] =	stream.indirect.gather [spmem:s3], $0x80, s4, s12, $0xb8;
	[tilespmem:$0x18200] =	vst v63  }
0x1b: {  	_ =	swait.ge [sflag:s14], $0x8000  }
0x1c: {  	[sflag:s14] =	ssyncset.done $0x0  }
0x1d: {  	[sflag:s14] =	ssyncadd.s32 $0xFFFF8000  }
0x1e: {  	[spmem:s2] =	stream.indirect.scatter.add.f32 [tilespmem:s13], [sflag:$0x2], $0x80, s12, s12, $0xb8;
	[tilespmem:$0x18200] =	vst v63  }
0x1f: {  	_ =	swait.ge [sflag:s5], $0x8000  }
0x20: {  	s16 =	sor.u32 $0x20, s1;
	[sflag:s5] =	ssyncset.done $0x0  }
0x21: {  	s15 =	sadd.s32 s28, s16;
	[sflag:s5] =	ssyncadd.s32 $0xFFFF8000  }
0x22: {  	[tilespmem:s4], [sflag:$0x2] =	stream.linear.gather [hbm4b:s15+s4], $0x100, $0x38;
	[tilespmem:$0x18200] =	vst v63  }
0x23: {  	_ =	swait.ge [sflag:s5], $0x100  }
0x24: {  	[sflag:s5] =	ssyncset.done $0x0  }
0x25: {  	s16 =	sadd.s32 s29, s16;
	[sflag:s5] =	ssyncadd.s32 $0xFFFFFF00  }
0x26: {  	[tilespmem:s12], [sflag:$0x2] =	stream.linear.gather [hbm4b:s16+s4], $0x100, $0x38;
	[tilespmem:$0x18200] =	vst v63  }
0x27: {  	_ =	swait.ge [sflag:s5], $0x100  }
0x28: {  	[sflag:s5] =	ssyncset.done $0x0  }
0x29: {  	[sflag:s5] =	ssyncadd.s32 $0xFFFFFF00  }
0x2a: {  	[tilespmem:s13], [sflag:$0x1] =	stream.indirect.gather [spmem:s3], $0x80, s4, s12, $0xb8;
	[tilespmem:$0x18200] =	vst v63  }
0x2b: {  	_ =	swait.ge [sflag:s14], $0x8000  }
0x2c: {  	[sflag:s14] =	ssyncset.done $0x0  }
0x2d: {  	[sflag:s14] =	ssyncadd.s32 $0xFFFF8000  }
0x2e: {  	[spmem:s2] =	stream.indirect.scatter.add.f32 [tilespmem:s13], [sflag:$0x2], $0x80, s12, s12, $0xb8;
	[tilespmem:$0x18200] =	vst v63  }
0x2f: {  	_ =	swait.ge [sflag:s5], $0x8000  }
0x30: {  	s18 =	sor.u32 $0x40, s1;
	[sflag:s5] =	ssyncset.done $0x0  }
0x31: {  	s17 =	sadd.s32 s28, s18;
	[sflag:s5] =	ssyncadd.s32 $0xFFFF8000  }
0x32: {  	[tilespmem:s4], [sflag:$0x2] =	stream.linear.gather [hbm4b:s17+s4], $0x100, $0x38;
	[tilespmem:$0x18200] =	vst v63  }
0x33: {  	_ =	swait.ge [sflag:s5], $0x100  }
0x34: {  	[sflag:s5] =	ssyncset.done $0x0  }
0x35: {  	s18 =	sadd.s32 s29, s18;
	[sflag:s5] =	ssyncadd.s32 $0xFFFFFF00  }
0x36: {  	[tilespmem:s12], [sflag:$0x2] =	stream.linear.gather [hbm4b:s18+s4], $0x100, $0x38;
	[tilespmem:$0x18200] =	vst v63  }
0x37: {  	_ =	swait.ge [sflag:s5], $0x100  }
0x38: {  	[sflag:s5] =	ssyncset.done $0x0  }
0x39: {  	[sflag:s5] =	ssyncadd.s32 $0xFFFFFF00  }
0x3a: {  	[tilespmem:s13], [sflag:$0x1] =	stream.indirect.gather [spmem:s3], $0x80, s4, s12, $0xb8;
	[tilespmem:$0x18200] =	vst v63  }
0x3b: {  	_ =	swait.ge [sflag:s14], $0x8000  }
0x3c: {  	[sflag:s14] =	ssyncset.done $0x0  }
0x3d: {  	[sflag:s14] =	ssyncadd.s32 $0xFFFF8000  }
0x3e: {  	[spmem:s2] =	stream.indirect.scatter.add.f32 [tilespmem:s13], [sflag:$0x2], $0x80, s12, s12, $0xb8;
	[tilespmem:$0x18200] =	vst v63  }
0x3f: {  	_ =	swait.ge [sflag:s5], $0x8000  }
0x40: {  	s20 =	sor.u32 $0x60, s1;
	[sflag:s5] =	ssyncset.done $0x0  }
0x41: {  	s19 =	sadd.s32 s28, s20;
	[sflag:s5] =	ssyncadd.s32 $0xFFFF8000  }
0x42: {  	[tilespmem:s4], [sflag:$0x2] =	stream.linear.gather [hbm4b:s19+s4], $0x100, $0x38;
	[tilespmem:$0x18200] =	vst v63  }
0x43: {  	_ =	swait.ge [sflag:s5], $0x100  }
0x44: {  	[sflag:s5] =	ssyncset.done $0x0  }
0x45: {  	s20 =	sadd.s32 s29, s20;
	[sflag:s5] =	ssyncadd.s32 $0xFFFFFF00  }
0x46: {  	[tilespmem:s12], [sflag:$0x2] =	stream.linear.gather [hbm4b:s20+s4], $0x100, $0x38;
	[tilespmem:$0x18200] =	vst v63  }
0x47: {  	_ =	swait.ge [sflag:s5], $0x100  }
0x48: {  	[sflag:s5] =	ssyncset.done $0x0  }
0x49: {  	[sflag:s5] =	ssyncadd.s32 $0xFFFFFF00  }
0x4a: {  	[tilespmem:s13], [sflag:$0x1] =	stream.indirect.gather [spmem:s3], $0x80, s4, s12, $0xb8;
	[tilespmem:$0x18200] =	vst v63  }
0x4b: {  	_ =	swait.ge [sflag:s14], $0x8000  }
0x4c: {  	[sflag:s14] =	ssyncset.done $0x0  }
0x4d: {  	[sflag:s14] =	ssyncadd.s32 $0xFFFF8000  }
0x4e: {  	[spmem:s2] =	stream.indirect.scatter.add.f32 [tilespmem:s13], [sflag:$0x2], $0x80, s12, s12, $0xb8;
	[tilespmem:$0x18200] =	vst v63  }
0x4f: {  	_ =	swait.ge [sflag:s5], $0x8000  }
0x50: {  	s22 =	sor.u32 $0x80, s1;
	[sflag:s5] =	ssyncset.done $0x0  }
0x51: {  	s21 =	sadd.s32 s28, s22;
	[sflag:s5] =	ssyncadd.s32 $0xFFFF8000  }
0x52: {  	[tilespmem:s4], [sflag:$0x2] =	stream.linear.gather [hbm4b:s21+s4], $0x100, $0x38;
	[tilespmem:$0x18200] =	vst v63  }
0x53: {  	_ =	swait.ge [sflag:s5], $0x100  }
0x54: {  	[sflag:s5] =	ssyncset.done $0x0  }
0x55: {  	s22 =	sadd.s32 s29, s22;
	[sflag:s5] =	ssyncadd.s32 $0xFFFFFF00  }
0x56: {  	[tilespmem:s12], [sflag:$0x2] =	stream.linear.gather [hbm4b:s22+s4], $0x100, $0x38;
	[tilespmem:$0x18200] =	vst v63  }
0x57: {  	_ =	swait.ge [sflag:s5], $0x100  }
0x58: {  	[sflag:s5] =	ssyncset.done $0x0  }
0x59: {  	[sflag:s5] =	ssyncadd.s32 $0xFFFFFF00  }
0x5a: {  	[tilespmem:s13], [sflag:$0x1] =	stream.indirect.gather [spmem:s3], $0x80, s4, s12, $0xb8;
	[tilespmem:$0x18200] =	vst v63  }
0x5b: {  	_ =	swait.ge [sflag:s14], $0x8000  }
0x5c: {  	[sflag:s14] =	ssyncset.done $0x0  }
0x5d: {  	[sflag:s14] =	ssyncadd.s32 $0xFFFF8000  }
0x5e: {  	[spmem:s2] =	stream.indirect.scatter.add.f32 [tilespmem:s13], [sflag:$0x2], $0x80, s12, s12, $0xb8;
	[tilespmem:$0x18200] =	vst v63  }
0x5f: {  	_ =	swait.ge [sflag:s5], $0x8000  }
0x60: {  	s24 =	sor.u32 $0xA0, s1;
	[sflag:s5] =	ssyncset.done $0x0  }
0x61: {  	s23 =	sadd.s32 s28, s24;
	[sflag:s5] =	ssyncadd.s32 $0xFFFF8000  }
0x62: {  	[tilespmem:s4], [sflag:$0x2] =	stream.linear.gather [hbm4b:s23+s4], $0x100, $0x38;
	[tilespmem:$0x18200] =	vst v63  }
0x63: {  	_ =	swait.ge [sflag:s5], $0x100  }
0x64: {  	[sflag:s5] =	ssyncset.done $0x0  }
0x65: {  	s24 =	sadd.s32 s29, s24;
	[sflag:s5] =	ssyncadd.s32 $0xFFFFFF00  }
0x66: {  	[tilespmem:s12], [sflag:$0x2] =	stream.linear.gather [hbm4b:s24+s4], $0x100, $0x38;
	[tilespmem:$0x18200] =	vst v63  }
0x67: {  	_ =	swait.ge [sflag:s5], $0x100  }
0x68: {  	[sflag:s5] =	ssyncset.done $0x0  }
0x69: {  	[sflag:s5] =	ssyncadd.s32 $0xFFFFFF00  }
0x6a: {  	[tilespmem:s13], [sflag:$0x1] =	stream.indirect.gather [spmem:s3], $0x80, s4, s12, $0xb8;
	[tilespmem:$0x18200] =	vst v63  }
0x6b: {  	_ =	swait.ge [sflag:s14], $0x8000  }
0x6c: {  	[sflag:s14] =	ssyncset.done $0x0  }
0x6d: {  	[sflag:s14] =	ssyncadd.s32 $0xFFFF8000  }
0x6e: {  	[spmem:s2] =	stream.indirect.scatter.add.f32 [tilespmem:s13], [sflag:$0x2], $0x80, s12, s12, $0xb8;
	[tilespmem:$0x18200] =	vst v63  }
0x6f: {  	_ =	swait.ge [sflag:s5], $0x8000  }
0x70: {  	s26 =	sor.u32 $0xC0, s1;
	[sflag:s5] =	ssyncset.done $0x0  }
0x71: {  	s25 =	sadd.s32 s28, s26;
	[sflag:s5] =	ssyncadd.s32 $0xFFFF8000  }
0x72: {  	[tilespmem:s4], [sflag:$0x2] =	stream.linear.gather [hbm4b:s25+s4], $0x100, $0x38;
	[tilespmem:$0x18200] =	vst v63  }
0x73: {  	_ =	swait.ge [sflag:s5], $0x100  }
0x74: {  	[sflag:s5] =	ssyncset.done $0x0  }
0x75: {  	s26 =	sadd.s32 s29, s26;
	[sflag:s5] =	ssyncadd.s32 $0xFFFFFF00  }
0x76: {  	[tilespmem:s12], [sflag:$0x2] =	stream.linear.gather [hbm4b:s26+s4], $0x100, $0x38;
	[tilespmem:$0x18200] =	vst v63  }
0x77: {  	_ =	swait.ge [sflag:s5], $0x100  }
0x78: {  	[sflag:s5] =	ssyncset.done $0x0  }
0x79: {  	[sflag:s5] =	ssyncadd.s32 $0xFFFFFF00  }
0x7a: {  	[tilespmem:s13], [sflag:$0x1] =	stream.indirect.gather [spmem:s3], $0x80, s4, s12, $0xb8;
	[tilespmem:$0x18200] =	vst v63  }
0x7b: {  	_ =	swait.ge [sflag:s14], $0x8000  }
0x7c: {  	[sflag:s14] =	ssyncset.done $0x0  }
0x7d: {  	[sflag:s14] =	ssyncadd.s32 $0xFFFF8000  }
0x7e: {  	[spmem:s2] =	stream.indirect.scatter.add.f32 [tilespmem:s13], [sflag:$0x2], $0x80, s12, s12, $0xb8;
	[tilespmem:$0x18200] =	vst v63  }
0x7f: {  	_ =	swait.ge [sflag:s5], $0x8000  }
0x80: {  	s1 =	sor.u32 $0xE0, s1;
	[sflag:s5] =	ssyncset.done $0x0  }
0x81: {  	s28 =	sadd.s32 s28, s1;
	[sflag:s5] =	ssyncadd.s32 $0xFFFF8000  }
0x82: {  	[tilespmem:s4], [sflag:$0x2] =	stream.linear.gather [hbm4b:s28+s4], $0x100, $0x38;
	[tilespmem:$0x18200] =	vst v63  }
0x83: {  	_ =	swait.ge [sflag:s5], $0x100  }
0x84: {  	[sflag:s5] =	ssyncset.done $0x0  }
0x85: {  	s29 =	sadd.s32 s29, s1;
	[sflag:s5] =	ssyncadd.s32 $0xFFFFFF00  }
0x86: {  	[tilespmem:s12], [sflag:$0x2] =	stream.linear.gather [hbm4b:s29+s4], $0x100, $0x38;
	[tilespmem:$0x18200] =	vst v63  }
0x87: {  	_ =	swait.ge [sflag:s5], $0x100  }
0x88: {  	[sflag:s5] =	ssyncset.done $0x0  }
0x89: {  	s1 =	sshll.u32 s0, $0x10;
	s0 =	ssub.s32 $0x2, s0;
	[sflag:s5] =	ssyncadd.s32 $0xFFFFFF00  }
0x8a: {  	[tilespmem:s13], [sflag:$0x1] =	stream.indirect.gather [spmem:s3], $0x80, s4, s12, $0xb8;
	[tilespmem:$0x18200] =	vst v63  }
0x8b: {  	s1 =	sadd.s32 s1, s30;
	s30 =	sshrl.u32 s0, $0x1;
	_ =	swait.ge [sflag:s14], $0x8000  }
0x8c: {  	s0 =	ssub.s32 s0, s30;
	[sflag:s14] =	ssyncset.done $0x0  }
0x8d: {  	s0 =	smax.u32 s0, $0x1;
	[sflag:s14] =	ssyncadd.s32 $0xFFFF8000  }
0x8e: {  	[spmem:s2] =	stream.indirect.scatter.add.f32 [tilespmem:s13], [sflag:$0x2], $0x80, s12, s12, $0xb8;
	[tilespmem:$0x18200] =	vst v63  }
0x8f: {  	p0 =	sne.s32 s0, $0x1;
	_ =	swait.ge [sflag:s5], $0x8000  }
.Ltmp0:
0x90: {  	[sflag:s5] =	ssyncset.done $0x0;
	(pc) =	sbr.rel @!p0 .LBB2_2-.Ltmp0, $4  }
0x91: {  	s1 =	sadd.s32 $0x25C00, s1;
	[sflag:s5] =	ssyncadd.s32 $0xFFFF8000  }
0x92: {  	s30 =	sadd.s32 s31, s1;
	[bflag:$0x0] =	sbarrier.arrive $0xFFFF  }
0x93: {  	[hbm:s30], [sflag:s6] =	dma.local [spmem:s7], $0x1000  }
0x94: {  	s31 =	sadd.s32 $0xFFFFFFFF, s0;
	_ =	swait.ge [sflag:s5], $0x1000  }
.LBB2_1:
0x95: {  	[sflag:s5] =	ssyncset.done $0x0  }
0x96: {  	s0 =	rddreg [dreg:$0x5];
	[sflag:s5] =	ssyncadd.s32 $0xFFFFF000  }
0x97: {  	[spmem:s7], [sflag:s6] =	dma.local [hbm:s0], $0x1000  }
0x98: {  	_ =	swait.ge [sflag:s5], $0x1000  }
0x99: {  	[sflag:s5] =	ssyncset.done $0x0  }
0x9a: {  	[sflag:s5] =	ssyncadd.s32 $0xFFFFF000  }
0x9b: {  	[spmem:s9], [sflag:s6] =	dma.local [hbm:s8], $0x1000  }
0x9c: {  	_ =	swait.ge [sflag:s5], $0x1000  }
0x9d: {  	[sflag:s5] =	ssyncset.done $0x0  }
0x9e: {  	[sflag:s5] =	ssyncadd.s32 $0xFFFFF000  }
0x9f: {  	[bflag:$0x0] =	sbarrier.arrive $0xFFFF  }
0xa0: {  	[tilespmem:s4], [sflag:$0x2] =	stream.linear.gather [hbm4b:s10+s4], $0x100, $0x38;
	[tilespmem:$0x18200] =	vst v63  }
0xa1: {  	_ =	swait.ge [sflag:s5], $0x100  }
0xa2: {  	[sflag:s5] =	ssyncset.done $0x0  }
0xa3: {  	[sflag:s5] =	ssyncadd.s32 $0xFFFFFF00  }
0xa4: {  	[tilespmem:s12], [sflag:$0x2] =	stream.linear.gather [hbm4b:s11+s4], $0x100, $0x38;
	[tilespmem:$0x18200] =	vst v63  }
0xa5: {  	_ =	swait.ge [sflag:s5], $0x100  }
0xa6: {  	[sflag:s5] =	ssyncset.done $0x0  }
0xa7: {  	[sflag:s5] =	ssyncadd.s32 $0xFFFFFF00  }
0xa8: {  	[tilespmem:s13], [sflag:$0x1] =	stream.indirect.gather [spmem:s3], $0x80, s4, s12, $0xb8;
	[tilespmem:$0x18200] =	vst v63  }
0xa9: {  	_ =	swait.ge [sflag:s14], $0x8000  }
0xaa: {  	[sflag:s14] =	ssyncset.done $0x0  }
0xab: {  	[sflag:s14] =	ssyncadd.s32 $0xFFFF8000  }
0xac: {  	[spmem:s2] =	stream.indirect.scatter.add.f32 [tilespmem:s13], [sflag:$0x2], $0x80, s12, s12, $0xb8;
	[tilespmem:$0x18200] =	vst v63  }
0xad: {  	_ =	swait.ge [sflag:s5], $0x8000  }
0xae: {  	[sflag:s5] =	ssyncset.done $0x0  }
0xaf: {  	[sflag:s5] =	ssyncadd.s32 $0xFFFF8000  }
0xb0: {  	[tilespmem:s4], [sflag:$0x2] =	stream.linear.gather [hbm4b:s15+s4], $0x100, $0x38;
	[tilespmem:$0x18200] =	vst v63  }
0xb1: {  	_ =	swait.ge [sflag:s5], $0x100  }
0xb2: {  	[sflag:s5] =	ssyncset.done $0x0  }
0xb3: {  	[sflag:s5] =	ssyncadd.s32 $0xFFFFFF00  }
0xb4: {  	[tilespmem:s12], [sflag:$0x2] =	stream.linear.gather [hbm4b:s16+s4], $0x100, $0x38;
	[tilespmem:$0x18200] =	vst v63  }
0xb5: {  	_ =	swait.ge [sflag:s5], $0x100  }
0xb6: {  	[sflag:s5] =	ssyncset.done $0x0  }
0xb7: {  	[sflag:s5] =	ssyncadd.s32 $0xFFFFFF00  }
0xb8: {  	[tilespmem:s13], [sflag:$0x1] =	stream.indirect.gather [spmem:s3], $0x80, s4, s12, $0xb8;
	[tilespmem:$0x18200] =	vst v63  }
0xb9: {  	_ =	swait.ge [sflag:s14], $0x8000  }
0xba: {  	[sflag:s14] =	ssyncset.done $0x0  }
0xbb: {  	[sflag:s14] =	ssyncadd.s32 $0xFFFF8000  }
0xbc: {  	[spmem:s2] =	stream.indirect.scatter.add.f32 [tilespmem:s13], [sflag:$0x2], $0x80, s12, s12, $0xb8;
	[tilespmem:$0x18200] =	vst v63  }
0xbd: {  	_ =	swait.ge [sflag:s5], $0x8000  }
0xbe: {  	[sflag:s5] =	ssyncset.done $0x0  }
0xbf: {  	[sflag:s5] =	ssyncadd.s32 $0xFFFF8000  }
0xc0: {  	[tilespmem:s4], [sflag:$0x2] =	stream.linear.gather [hbm4b:s17+s4], $0x100, $0x38;
	[tilespmem:$0x18200] =	vst v63  }
0xc1: {  	_ =	swait.ge [sflag:s5], $0x100  }
0xc2: {  	[sflag:s5] =	ssyncset.done $0x0  }
0xc3: {  	[sflag:s5] =	ssyncadd.s32 $0xFFFFFF00  }
0xc4: {  	[tilespmem:s12], [sflag:$0x2] =	stream.linear.gather [hbm4b:s18+s4], $0x100, $0x38;
	[tilespmem:$0x18200] =	vst v63  }
0xc5: {  	_ =	swait.ge [sflag:s5], $0x100  }
0xc6: {  	[sflag:s5] =	ssyncset.done $0x0  }
0xc7: {  	[sflag:s5] =	ssyncadd.s32 $0xFFFFFF00  }
0xc8: {  	[tilespmem:s13], [sflag:$0x1] =	stream.indirect.gather [spmem:s3], $0x80, s4, s12, $0xb8;
	[tilespmem:$0x18200] =	vst v63  }
0xc9: {  	_ =	swait.ge [sflag:s14], $0x8000  }
0xca: {  	[sflag:s14] =	ssyncset.done $0x0  }
0xcb: {  	[sflag:s14] =	ssyncadd.s32 $0xFFFF8000  }
0xcc: {  	[spmem:s2] =	stream.indirect.scatter.add.f32 [tilespmem:s13], [sflag:$0x2], $0x80, s12, s12, $0xb8;
	[tilespmem:$0x18200] =	vst v63  }
0xcd: {  	_ =	swait.ge [sflag:s5], $0x8000  }
0xce: {  	[sflag:s5] =	ssyncset.done $0x0  }
0xcf: {  	[sflag:s5] =	ssyncadd.s32 $0xFFFF8000  }
0xd0: {  	[tilespmem:s4], [sflag:$0x2] =	stream.linear.gather [hbm4b:s19+s4], $0x100, $0x38;
	[tilespmem:$0x18200] =	vst v63  }
0xd1: {  	_ =	swait.ge [sflag:s5], $0x100  }
0xd2: {  	[sflag:s5] =	ssyncset.done $0x0  }
0xd3: {  	[sflag:s5] =	ssyncadd.s32 $0xFFFFFF00  }
0xd4: {  	[tilespmem:s12], [sflag:$0x2] =	stream.linear.gather [hbm4b:s20+s4], $0x100, $0x38;
	[tilespmem:$0x18200] =	vst v63  }
0xd5: {  	_ =	swait.ge [sflag:s5], $0x100  }
0xd6: {  	[sflag:s5] =	ssyncset.done $0x0  }
0xd7: {  	[sflag:s5] =	ssyncadd.s32 $0xFFFFFF00  }
0xd8: {  	[tilespmem:s13], [sflag:$0x1] =	stream.indirect.gather [spmem:s3], $0x80, s4, s12, $0xb8;
	[tilespmem:$0x18200] =	vst v63  }
0xd9: {  	_ =	swait.ge [sflag:s14], $0x8000  }
0xda: {  	[sflag:s14] =	ssyncset.done $0x0  }
0xdb: {  	[sflag:s14] =	ssyncadd.s32 $0xFFFF8000  }
0xdc: {  	[spmem:s2] =	stream.indirect.scatter.add.f32 [tilespmem:s13], [sflag:$0x2], $0x80, s12, s12, $0xb8;
	[tilespmem:$0x18200] =	vst v63  }
0xdd: {  	_ =	swait.ge [sflag:s5], $0x8000  }
0xde: {  	[sflag:s5] =	ssyncset.done $0x0  }
0xdf: {  	[sflag:s5] =	ssyncadd.s32 $0xFFFF8000  }
0xe0: {  	[tilespmem:s4], [sflag:$0x2] =	stream.linear.gather [hbm4b:s21+s4], $0x100, $0x38;
	[tilespmem:$0x18200] =	vst v63  }
0xe1: {  	_ =	swait.ge [sflag:s5], $0x100  }
0xe2: {  	[sflag:s5] =	ssyncset.done $0x0  }
0xe3: {  	[sflag:s5] =	ssyncadd.s32 $0xFFFFFF00  }
0xe4: {  	[tilespmem:s12], [sflag:$0x2] =	stream.linear.gather [hbm4b:s22+s4], $0x100, $0x38;
	[tilespmem:$0x18200] =	vst v63  }
0xe5: {  	_ =	swait.ge [sflag:s5], $0x100  }
0xe6: {  	[sflag:s5] =	ssyncset.done $0x0  }
0xe7: {  	[sflag:s5] =	ssyncadd.s32 $0xFFFFFF00  }
0xe8: {  	[tilespmem:s13], [sflag:$0x1] =	stream.indirect.gather [spmem:s3], $0x80, s4, s12, $0xb8;
	[tilespmem:$0x18200] =	vst v63  }
0xe9: {  	_ =	swait.ge [sflag:s14], $0x8000  }
0xea: {  	[sflag:s14] =	ssyncset.done $0x0  }
0xeb: {  	[sflag:s14] =	ssyncadd.s32 $0xFFFF8000  }
0xec: {  	[spmem:s2] =	stream.indirect.scatter.add.f32 [tilespmem:s13], [sflag:$0x2], $0x80, s12, s12, $0xb8;
	[tilespmem:$0x18200] =	vst v63  }
0xed: {  	_ =	swait.ge [sflag:s5], $0x8000  }
0xee: {  	[sflag:s5] =	ssyncset.done $0x0  }
0xef: {  	[sflag:s5] =	ssyncadd.s32 $0xFFFF8000  }
0xf0: {  	[tilespmem:s4], [sflag:$0x2] =	stream.linear.gather [hbm4b:s23+s4], $0x100, $0x38;
	[tilespmem:$0x18200] =	vst v63  }
0xf1: {  	_ =	swait.ge [sflag:s5], $0x100  }
0xf2: {  	[sflag:s5] =	ssyncset.done $0x0  }
0xf3: {  	[sflag:s5] =	ssyncadd.s32 $0xFFFFFF00  }
0xf4: {  	[tilespmem:s12], [sflag:$0x2] =	stream.linear.gather [hbm4b:s24+s4], $0x100, $0x38;
	[tilespmem:$0x18200] =	vst v63  }
0xf5: {  	_ =	swait.ge [sflag:s5], $0x100  }
0xf6: {  	[sflag:s5] =	ssyncset.done $0x0  }
0xf7: {  	[sflag:s5] =	ssyncadd.s32 $0xFFFFFF00  }
0xf8: {  	[tilespmem:s13], [sflag:$0x1] =	stream.indirect.gather [spmem:s3], $0x80, s4, s12, $0xb8;
	[tilespmem:$0x18200] =	vst v63  }
0xf9: {  	_ =	swait.ge [sflag:s14], $0x8000  }
0xfa: {  	[sflag:s14] =	ssyncset.done $0x0  }
0xfb: {  	[sflag:s14] =	ssyncadd.s32 $0xFFFF8000  }
0xfc: {  	[spmem:s2] =	stream.indirect.scatter.add.f32 [tilespmem:s13], [sflag:$0x2], $0x80, s12, s12, $0xb8;
	[tilespmem:$0x18200] =	vst v63  }
0xfd: {  	_ =	swait.ge [sflag:s5], $0x8000  }
0xfe: {  	[sflag:s5] =	ssyncset.done $0x0  }
0xff: {  	[sflag:s5] =	ssyncadd.s32 $0xFFFF8000  }
0x100: {  	[tilespmem:s4], [sflag:$0x2] =	stream.linear.gather [hbm4b:s25+s4], $0x100, $0x38;
	[tilespmem:$0x18200] =	vst v63  }
0x101: {  	_ =	swait.ge [sflag:s5], $0x100  }
0x102: {  	[sflag:s5] =	ssyncset.done $0x0  }
0x103: {  	[sflag:s5] =	ssyncadd.s32 $0xFFFFFF00  }
0x104: {  	[tilespmem:s12], [sflag:$0x2] =	stream.linear.gather [hbm4b:s26+s4], $0x100, $0x38;
	[tilespmem:$0x18200] =	vst v63  }
0x105: {  	_ =	swait.ge [sflag:s5], $0x100  }
0x106: {  	[sflag:s5] =	ssyncset.done $0x0  }
0x107: {  	[sflag:s5] =	ssyncadd.s32 $0xFFFFFF00  }
0x108: {  	[tilespmem:s13], [sflag:$0x1] =	stream.indirect.gather [spmem:s3], $0x80, s4, s12, $0xb8;
	[tilespmem:$0x18200] =	vst v63  }
0x109: {  	_ =	swait.ge [sflag:s14], $0x8000  }
0x10a: {  	[sflag:s14] =	ssyncset.done $0x0  }
0x10b: {  	[sflag:s14] =	ssyncadd.s32 $0xFFFF8000  }
0x10c: {  	[spmem:s2] =	stream.indirect.scatter.add.f32 [tilespmem:s13], [sflag:$0x2], $0x80, s12, s12, $0xb8;
	[tilespmem:$0x18200] =	vst v63  }
0x10d: {  	_ =	swait.ge [sflag:s5], $0x8000  }
0x10e: {  	[sflag:s5] =	ssyncset.done $0x0  }
0x10f: {  	[sflag:s5] =	ssyncadd.s32 $0xFFFF8000  }
0x110: {  	[tilespmem:s4], [sflag:$0x2] =	stream.linear.gather [hbm4b:s28+s4], $0x100, $0x38;
	[tilespmem:$0x18200] =	vst v63  }
0x111: {  	_ =	swait.ge [sflag:s5], $0x100  }
0x112: {  	[sflag:s5] =	ssyncset.done $0x0  }
0x113: {  	[sflag:s5] =	ssyncadd.s32 $0xFFFFFF00  }
0x114: {  	[tilespmem:s12], [sflag:$0x2] =	stream.linear.gather [hbm4b:s29+s4], $0x100, $0x38;
	[tilespmem:$0x18200] =	vst v63  }
0x115: {  	_ =	swait.ge [sflag:s5], $0x100  }
0x116: {  	[sflag:s5] =	ssyncset.done $0x0  }
0x117: {  	[sflag:s5] =	ssyncadd.s32 $0xFFFFFF00  }
0x118: {  	[tilespmem:s13], [sflag:$0x1] =	stream.indirect.gather [spmem:s3], $0x80, s4, s12, $0xb8;
	[tilespmem:$0x18200] =	vst v63  }
0x119: {  	_ =	swait.ge [sflag:s14], $0x8000  }
0x11a: {  	[sflag:s14] =	ssyncset.done $0x0  }
0x11b: {  	[sflag:s14] =	ssyncadd.s32 $0xFFFF8000  }
0x11c: {  	[spmem:s2] =	stream.indirect.scatter.add.f32 [tilespmem:s13], [sflag:$0x2], $0x80, s12, s12, $0xb8;
	[tilespmem:$0x18200] =	vst v63  }
0x11d: {  	p0 =	sne.s32 s31, $0x1;
	_ =	swait.ge [sflag:s5], $0x8000  }
.Ltmp1:
0x11e: {  	[sflag:s5] =	ssyncset.done $0x0;
	(pc) =	sbr.rel @p0 .LBB2_1-.Ltmp1, $4  }
0x11f: {  	[sflag:s5] =	ssyncadd.s32 $0xFFFF8000  }
0x120: {  	[bflag:$0x0] =	sbarrier.arrive $0xFFFF  }
0x121: {  	[hbm:s30], [sflag:s6] =	dma.local [spmem:s7], $0x1000  }
0x122: {  	s31 =	sadd.s32 $0xFFFFFFFF, s31;
	_ =	swait.ge [sflag:s5], $0x1000  }
.LBB2_2:
0x123: {  	[sflag:s5] =	ssyncset.done $0x0  }
0x124: {  	[sflag:s5] =	ssyncadd.s32 $0xFFFFF000  }
0x125: {  	_ =	sfence.sel $0x180000  }
0x126: {  	[bflag:$0x0] =	sbarrier.arrive $0xFFFF  }
0x127: {  	_ =	strace $0x9000004D  }
0x128: {  	s0 =	stileid.u32;
	[bflag:$0x2] =	sbarrier.arrive $0xFFFF  }
0x129: {  	p0 =	sne.s32 s0, $0x0;
	s0 =	rddreg [dreg:$0x4]  }
0x12a: {  	s0 =	sadd.s32 @!p0 $0x100000, s0  }
0x12b: {  	[sflag:s0] =	ssyncadd.tile.s32 @!p0 $0x1;
	_ =	shalt  }
.Lfunc_end2:
_tile_overlayer_lowered:
.L_overlay_start_2:
0x12c: {  	(tag) =	ssettag $0x2  }
0x12d: {  	s0 =	rddreg [dreg:$0x0];
	s2 =	stileid.u32  }
0x12e: {  	s1 =	rddreg [dreg:$0x1];
	p0 =	sne.s32 s2, $0x0  }
0x12f: {  	s3 =	rddreg [dreg:$0x2];
	[bflag:$0x3] =	sbarrier.arrive $0xFFFF;
	s2 =	simm.s32 @!p0 $0x1C02  }
0x130: {  	[timem:s3], [sflag:s2] =	dma.local @!p0 [hbm:s0], s1  }
0x131: {  	s0 =	simm.s32 @!p0 $0x2  }
0x132: {  	_ =	swait.ge @!p0 [sflag:s0], s1  }
0x133: {  	s1 =	ssub.s32 @!p0 $0x0, s1;
	[sflag:s0] =	ssyncset.done @!p0 $0x0  }
0x134: {  	[sflag:s0] =	ssyncadd.s32 @!p0 s1  }
0x135: {  	[bflag:$0x3] =	sbarrier.arrive $0xFFFF  }
0x136: {  	_ =	shalt  }

// kernel: kernel.9.cloned.1.call-start
scs
__scs_entry_jumppad:
0x0: {  	(pc) =	sbr.rel $0x88, $3  }
0x1: {  	(tag) =	ssettag $0x0;
	lr =	simm.s32 $0x1  }
0x2: {  	[smem:$0x3F91] =	sst lr;
	_ =	strace $0xD0000000  }
0x3: {  	_ = 	snop  }
0x4: {  	_ = 	snop  }
0x5: {  	_ = 	snop  }
0x6: {  	_ = 	snop  }
0x7: {  	_ = 	snop  }
__scs_overlays_trampoline_lowered:
0x8: {  	[smem:$0x3FA0] =	sst s0  }
0x9: {  	[smem:$0x3FA1] =	sst s1  }
0xa: {  	[smem:$0x3FA2] =	sst s2  }
0xb: {  	[smem:$0x3FA3] =	sst s3  }
0xc: {  	[smem:$0x3FA4] =	sst s4  }
0xd: {  	[smem:$0x3FA5] =	sst s5  }
0xe: {  	[smem:$0x3FA6] =	sst s6  }
0xf: {  	[smem:$0x3FA7] =	sst s7  }
0x10: {  	[smem:$0x3FA8] =	sst s8  }
0x11: {  	[smem:$0x3FA9] =	sst s9;
	s0 =	simm.s32 @!p0 $0x0  }
0x12: {  	s1 =	sld [smem:$0x3F8F];
	s0 =	simm.s32 @p0 $0x1  }
0x13: {  	[smem:$0x3FAA] =	sst s0;
	s0 =	simm.s32 @!p1 $0x0  }
0x14: {  	s2 =	sld [smem:$0x3F8E];
	s0 =	simm.s32 @p1 $0x1  }
0x15: {  	[smem:$0x3FAB] =	sst s0;
	s0 =	simm.s32 @!p2 $0x0  }
0x16: {  	s3 =	sld [smem:$0x3FDB];
	s0 =	simm.s32 @p2 $0x1  }
0x17: {  	s4 =	simm.s32 $0x1BF5;
	[smem:$0x3FAD] =	sst s0  }
0x18: {  	s0 =	sld [smem:$0x3F90];
	_ =	swait.ge [sflag:s4], $0x0  }
0x19: {  	s7 =	sld [smem:$0x3F91]  }
0x1a: {  	s8 =	sadd.s32 $0xFFFFE003, lr  }
0x1b: {  	s9 =	sadd.s32 $0xFFFFFEF7, lr;
	s5 =	simm.s32 $0xFFFFFFFF;
	p2 =	slt.u32 s8, $0xFFFFF086  }
0x1c: {  	p1 =	slt.u32 s9, $0xF7A;
	s5 =	simm.s32 @!p2 $0x0  }
0x1d: {  	s5 =	simm.s32 @p1 $0x1;
	p0 =	seq.s32 s7, s2  }
0x1e: {  	s7 =	smul.u32 @!p0 $0xF7A, s2;
	p2 =	seq.s32 @!p0 s5, $0x0  }
0x1f: {  	s9 =	smul.u32 $0xF7A, s1;
	s8 =	simm.s32 @!p0 $0x1BF5;
	p2 =	por !p2, p0  }
0x20: {  	[sflag:s8] =	ssyncset.s32 @!p0 $0xFFFFF086;
	s6 =	sadd.s32 @!p0 s3, s7;
	s7 =	simm.s32 @!p0 $0x108  }
0x21: {  	s3 =	sadd.s32 s3, s9;
	s6 =	sadd.s32 @!p0 $0x88, s6;
	s7 =	simm.s32 @p2 $0x1082  }
0x22: {  	[simem:s7], [sflag:s8] =	dma.local @!p0 [hbm:s6], $0xF7A  }
0x23: {  	s9 =	sor.u32 $0xD0000000, s2;
	s6 =	simm.s32 $0x108;
	_ =	swait.ge @!p0 [sflag:s8], $0x0  }
0x24: {  	s3 =	sadd.s32 $0x88, s3;
	s6 =	simm.s32 @!p1 $0x1082;
	[sflag:s4] =	ssyncset.s32 $0xFFFFF086  }
0x25: {  	[simem:s6], [sflag:s4] =	dma.local [hbm:s3], $0xF7A  }
0x26: {  	[smem:$0x3F91] =	sst s1;
	(tag) =	ssettag s2;
	_ =	strace s9  }
0x27: {  	s1 =	sld [smem:$0x3FA1]  }
0x28: {  	s2 =	sld [smem:$0x3FA2]  }
0x29: {  	s4 =	sld [smem:$0x3FA4]  }
0x2a: {  	p0 =	seq.s32 s5, $0x0;
	s5 =	sld [smem:$0x3FA5]  }
0x2b: {  	s6 =	sld [smem:$0x3FA6]  }
0x2c: {  	s7 =	sld [smem:$0x3FA7]  }
0x2d: {  	s3 =	simm.s32 $0x108;
	s8 =	sld [smem:$0x3FA8]  }
0x2e: {  	s3 =	simm.s32 @!p0 $0x1082;
	s9 =	sld [smem:$0x3FA9]  }
0x2f: {  	lr =	sadd.s32 s0, s3;
	s0 =	sld [smem:$0x3FA0]  }
0x30: {  	s3 =	sld [smem:$0x3FA3]  }
0x31: {  	[smem:$0x3FAC] =	sst s10  }
0x32: {  	s10 =	sld [smem:$0x3FAA];
	_ =	sdelay $0x3  }
0x33: {  	p0 =	seq.s32 s10, $0x1;
	s10 =	sld [smem:$0x3FAC];
	_ =	sdelay $0x3  }
0x34: {  	[smem:$0x3FAC] =	sst s10  }
0x35: {  	s10 =	sld [smem:$0x3FAB];
	_ =	sdelay $0x3  }
0x36: {  	p1 =	seq.s32 s10, $0x1;
	s10 =	sld [smem:$0x3FAC];
	_ =	sdelay $0x3  }
0x37: {  	[smem:$0x3FAC] =	sst s10  }
0x38: {  	s10 =	sld [smem:$0x3FAD]  }
0x39: {  	_ = 	snop;
	(pc) =	sbr.ind lr, $3  }
0x3a: {  	_ = 	snop  }
0x3b: {  	_ = 	snop  }
0x3c: {  	p2 =	seq.s32 s10, $0x1;
	s10 =	sld [smem:$0x3FAC]  }
0x3d: {  	_ =	shalt  }
0x3e: {  	_ =	shalt  }
0x3f: {  	_ =	shalt  }
0x40: {  	_ =	shalt  }
0x41: {  	_ =	shalt  }
0x42: {  	_ =	shalt  }
0x43: {  	_ =	shalt  }
0x44: {  	_ =	shalt  }
0x45: {  	_ =	shalt  }
0x46: {  	_ =	shalt  }
0x47: {  	_ =	shalt  }
0x48: {  	_ =	shalt  }
0x49: {  	_ =	shalt  }
0x4a: {  	_ =	shalt  }
0x4b: {  	_ =	shalt  }
0x4c: {  	_ =	shalt  }
0x4d: {  	_ =	shalt  }
0x4e: {  	_ =	shalt  }
0x4f: {  	_ =	shalt  }
0x50: {  	_ =	shalt  }
0x51: {  	_ =	shalt  }
0x52: {  	_ =	shalt  }
0x53: {  	_ =	shalt  }
0x54: {  	_ =	shalt  }
0x55: {  	_ =	shalt  }
0x56: {  	_ =	shalt  }
0x57: {  	_ =	shalt  }
0x58: {  	_ =	shalt  }
0x59: {  	_ =	shalt  }
0x5a: {  	_ =	shalt  }
0x5b: {  	_ =	shalt  }
0x5c: {  	_ =	shalt  }
0x5d: {  	_ =	shalt  }
0x5e: {  	_ =	shalt  }
0x5f: {  	_ =	shalt  }
0x60: {  	_ =	shalt  }
0x61: {  	_ =	shalt  }
0x62: {  	_ =	shalt  }
0x63: {  	_ =	shalt  }
0x64: {  	_ =	shalt  }
0x65: {  	_ =	shalt  }
0x66: {  	_ =	shalt  }
0x67: {  	_ =	shalt  }
0x68: {  	_ =	shalt  }
0x69: {  	_ =	shalt  }
0x6a: {  	_ =	shalt  }
0x6b: {  	_ =	shalt  }
0x6c: {  	_ =	shalt  }
0x6d: {  	_ =	shalt  }
0x6e: {  	_ =	shalt  }
0x6f: {  	_ =	shalt  }
0x70: {  	_ =	shalt  }
0x71: {  	_ =	shalt  }
0x72: {  	_ =	shalt  }
0x73: {  	_ =	shalt  }
0x74: {  	_ =	shalt  }
0x75: {  	_ =	shalt  }
0x76: {  	_ =	shalt  }
0x77: {  	_ =	shalt  }
0x78: {  	_ =	shalt  }
0x79: {  	_ =	shalt  }
0x7a: {  	_ =	shalt  }
0x7b: {  	_ =	shalt  }
0x7c: {  	_ =	shalt  }
0x7d: {  	_ =	shalt  }
0x7e: {  	_ =	shalt  }
0x7f: {  	_ =	shalt  }
0x80: {  	_ =	shalt  }
0x81: {  	_ =	shalt  }
0x82: {  	_ =	shalt  }
0x83: {  	_ =	shalt  }
0x84: {  	_ =	shalt  }
0x85: {  	_ =	shalt  }
0x86: {  	_ =	shalt  }
0x87: {  	_ =	shalt  }
.Lfunc_end0:
.L_simem_size_0:
called_computation_lowered:
.L_overlay_start_0:
0x88: {  	s2 =	sld [smem:$0x3FD9]  }
0x89: {  	s3 =	sld [smem:$0x3FFE];
	_ =	sdelay $0x1  }
0x8a: {  	s1 =	srdreg.scid  }
0x8b: {  	s0 =	sand.u32 $0x1, s1  }
0x8c: {  	s17 =	sshll.u32 s0, $0xA;
	s2 =	sadd.s32 s3, s2  }
0x8d: {  	s2 =	sadd.s32 s2, s17  }
0x8e: {  	[smem:$0x3FB8] =	sst s2  }
0x8f: {  	_ = 	snop  }
0x90: {  	s18 =	sld [smem:$0x3FD0];
	(tm) =	ssettm $0x1  }
0x91: {  	s19 =	sld [smem:$0x3FFB];
	_ =	sdelay $0x3  }
0x92: {  	_ =	strace s19  }
0x93: {  	s2 =	sld [smem:$0x3FFC];
	_ =	sdelay $0x3  }
0x94: {  	_ =	strace s2  }
0x95: {  	s2 =	sld [smem:$0x3FFD];
	_ =	sdelay $0x3  }
0x96: {  	_ =	strace s2  }
0x97: {  	_ =	strace $0x8FFFFFFF  }
0x98: {  	s20 =	sld [smem:$0x3FDB];
	_ =	sdelay $0x1  }
0x99: {  	s4 =	simm.s32 $_scs_section_size  }
0x9a: {  	s5 =	simm.s32 $_size__tile_overlayer_lowered;
	s6 =	simm.s32 $_tile_overlayer_lowered  }
0x9b: {  	s7 =	simm.s32 $0x1BFF;
	s21 =	sshll.u32 s6, $0x1;
	s4 =	sadd.s32 s4, s20  }
0x9c: {  	s22 =	simm.s32 $0x0;
	s5 =	sshll.u32 s5, $0x1;
	s6 =	sadd.s32 s21, s4  }
0x9d: {  	[timem:s22], [sflag:s7] =	dma.local [hbm:s6], s5  }
0x9e: {  	_ =	swait.ge [sflag:s7], s5  }
0x9f: {  	s5 =	ssub.s32 $0x0, s5;
	[sflag:s7] =	ssyncset.done $0x0  }
0xa0: {  	[sflag:s7] =	ssyncadd.s32 s5;
	_ =	sdelay $0x1  }
0xa1: {  	s23 =	simm.s32 $0x1B8B  }
0xa2: {  	_ =	swait.ge [sflag:s23], $0x1  }
0xa3: {  	[sflag:s23] =	ssyncset.done $0x0  }
0xa4: {  	[sflag:s23] =	ssyncadd.s32 $0xFFFFFFFF  }
0xa5: {  	s5 =	sld [smem:$0x0]  }
0xa6: {  	s6 =	sand.u32 $0xFFFFFFFE, s1  }
0xa7: {  	p0 =	sne.s32 s1, s6  }
0xa8: {  	s6 =	sshll.u32 @p0 s6, $0xE  }
0xa9: {  	s6 =	sadd.s32 @p0 $0x11B8D, s6;
	s7 =	sshll.u32 @p0 s5, $0x11  }
0xaa: {  	s6 =	sor.u32 @p0 s7, s6  }
0xab: {  	[sflag:s6] =	ssyncadd.remote.s32 @p0 $0x1;
	_ =	sdelay $0x1  }
0xac: {  	s6 =	simm.s32 @p0 $0x1B8D  }
0xad: {  	_ =	swait.eq @p0 [sflag:s6], $0x1  }
0xae: {  	[sflag:s6] =	ssyncadd.s32 @p0 $0xFFFFFFFF  }
0xaf: {  	s7 =	sshll.u32 @!p0 s1, $0xE  }
0xb0: {  	s7 =	sor.u32 @!p0 $0x4000, s7;
	s6 =	simm.s32 @!p0 $0x1B8D  }
0xb1: {  	s5 =	sshll.u32 @!p0 s5, $0x11;
	s7 =	sadd.s32 @!p0 $0x11B8D, s7;
	_ =	swait.eq @!p0 [sflag:s6], $0x1  }
0xb2: {  	s5 =	sor.u32 @!p0 s5, s7;
	[sflag:s6] =	ssyncadd.s32 @!p0 $0xFFFFFFFF  }
0xb3: {  	s25 =	simm.s32 $0x1B8E;
	s24 =	sld [smem:$0x3FFE];
	[sflag:s5] =	ssyncadd.remote.s32 @!p0 $0x1  }
0xb4: {  	s26 =	simm.s32 $execute0_lowered;
	[smem:$0x3FD2] =	sst s25  }
0xb5: {  	s6 =	sshll.u32 s26, $0x1;
	_ =	strace $0x80000049;
	[dreg:$0x1] =	wrdreg $0xFFFFFFFF  }
0xb6: {  	s28 =	simm.s32 $_size_execute0_lowered;
	s4 =	sadd.s32 s4, s6;
	[dreg:$0x0] =	wrdreg $0x0  }
0xb7: {  	s6 =	sshll.u32 s28, $0x1;
	[dreg:$0x2] =	wrdreg s4  }
0xb8: {  	[dreg:$0x3] =	wrdreg s6  }
0xb9: {  	[dreg:$0x4] =	wrdreg $0xC0  }
0xba: {  	_ =	task [dreg:s22], $0x5FFFF  }
0xbb: {  	[dreg:$0x1] =	wrdreg $0xFFFFFFFF  }
0xbc: {  	[dreg:$0x0] =	wrdreg $0x60  }
0xbd: {  	[dreg:$0x2] =	wrdreg s24  }
0xbe: {  	[dreg:$0x3] =	wrdreg s18  }
0xbf: {  	[dreg:$0x4] =	wrdreg $0x40800  }
0xc0: {  	[dreg:$0x5] =	wrdreg $0xC0800  }
0xc1: {  	[dreg:$0x6] =	wrdreg $0x9  }
0xc2: {  	_ =	task.clear_ibuf [dreg:s22], $0x7FFFF;
	_ =	strace $0x90000049  }
0xc3: {  	s29 =	simm.s32 $0x9;
	_ =	strace $0x8000004B  }
0xc4: {  	_ =	swait.ge [sflag:s29], $0x1  }
0xc5: {  	[sflag:s29] =	ssyncadd.s32 $0xFFFFFFFF  }
0xc6: {  	_ =	strace $0x9000004B  }
0xc7: {  	_ =	sfence  }
0xc8: {  	s30 =	sld [smem:$0x0];
	_ =	sdelay $0x2  }
0xc9: {  	s31 =	sshll.u32 s1, $0xD;
	s1 =	sshrl.u32 s1, $0x2  }
0xca: {  	s4 =	sand.u32 $0x4000, s31;
	s1 =	sadd.s32 s1, s30  }
0xcb: {  	s0 =	sor.u32 s4, s0;
	s1 =	sshll.u32 s1, $0x11  }
0xcc: {  	s0 =	sor.u32 s1, s0  }
0xcd: {  	s0 =	sadd.s32 $0x8F2B, s0  }
0xce: {  	[sflag:s0] =	ssyncadd.remote.s32 $0x1  }
0xcf: {  	_ =	sfence.sel $0xFFFF  }
0xd0: {  	[dreg:$0x0] =	wrdreg $0xFFFFFFFF;
	(pc) =	sbr.abs _section_cstart, $3  }
0xd1: {  	[dreg:$0x1] =	wrdreg $0xFFFFFFFF  }
0xd2: {  	_ =	task.clear_ibuf [dreg:s22], $0x2FFFF;
	_ =	strace $0x9FFFFFFF  }
0xd3: {  	(tm) =	ssettm $0x7FFFFFFF  }
tec
execute0_lowered:
.L_overlay_start_1:
0x0: {  	(tag) =	ssettag $0x1  }
0x1: {  	s30 =	rddreg [dreg:$0x0]  }
0x2: {  	s29 =	rddreg [dreg:$0x1]  }
0x3: {  	s1 =	rddreg [dreg:$0x2]  }
0x4: {  	s3 =	rddreg [dreg:$0x3];
	s4 =	simm.s32 $0x0;
	s2 =	srdreg.scid  }
0x5: {  	s11 =	stileid.u32;
	[smem:$0x7FF] =	sst s4  }
0x6: {  	s0 =	sand.u32 $0x1, s2;
	s5 =	sshll.u32 s11, $0x8;
	s28 =	sadd.s32 $0x3C00, s30  }
0x7: {  	s6 =	sadd.s32 $0x45C00, s30;
	s31 =	sshll.u32 s11, $0xC;
	s2 =	sshll.u32 s0, $0xC  }
0x8: {  	_ =	strace $0x8000004A;
	[dreg:$0x5] =	wrdreg s6;
	s2 =	sor.u32 s5, s2  }
0x9: {  	[dreg:$0x14] =	wrdreg s31;
	s5 =	sadd.s32 s28, s2  }
0xa: {  	s9 =	sadd.s32 s29, s2;
	s10 =	sor.u32 $0x10, s2;
	[dreg:$0x6] =	wrdreg s5  }
0xb: {  	[dreg:$0x7] =	wrdreg s9;
	s12 =	sadd.s32 s28, s10  }
0xc: {  	s14 =	sor.u32 $0x20, s2;
	s13 =	sadd.s32 s29, s10;
	[dreg:$0x8] =	wrdreg s12  }
0xd: {  	s25 =	sshll.u32 s11, $0x6;
	s15 =	sadd.s32 s28, s14;
	[dreg:$0x9] =	wrdreg s13  }
0xe: {  	s17 =	sor.u32 $0x30, s2;
	s16 =	sadd.s32 s29, s14;
	[dreg:$0xa] =	wrdreg s15  }
0xf: {  	s7 =	sadd.s32 s31, s30;
	s18 =	sadd.s32 s28, s17;
	[dreg:$0xb] =	wrdreg s16  }
0x10: {  	s20 =	sor.u32 $0x40, s2;
	s19 =	sadd.s32 s29, s17;
	[dreg:$0xc] =	wrdreg s18  }
0x11: {  	s24 =	sor.u32 $0x60, s2;
	s21 =	sadd.s32 s28, s20;
	[dreg:$0xd] =	wrdreg s19  }
0x12: {  	s9 =	sshll.u32 s11, $0xF;
	s6 =	sadd.s32 s29, s20;
	[dreg:$0xe] =	wrdreg s21  }
0x13: {  	s10 =	sor.u32 $0x50, s2;
	s26 =	sadd.s32 s28, s24;
	[dreg:$0xf] =	wrdreg s6  }
0x14: {  	s5 =	sadd.s32 $0x15C00, s7;
	s7 =	sadd.s32 s29, s24;
	[dreg:$0x12] =	wrdreg s26  }
0x15: {  	s8 =	sadd.s32 s9, s1;
	s22 =	sadd.s32 s28, s10;
	[dreg:$0x13] =	wrdreg s7  }
0x16: {  	s23 =	sadd.s32 s29, s10;
	s6 =	sor.u32 $0x1C01, s25;
	[dreg:$0x10] =	wrdreg s22  }
0x17: {  	s7 =	simm.s32 $0x1;
	[dreg:$0x11] =	wrdreg s23;
	s8 =	sshrl.u32 s8, $0x3  }
0x18: {  	[spmem:s8], [sflag:s6] =	dma.local [hbm:s5], $0x1000  }
0x19: {  	_ =	swait.ge [sflag:s7], $0x1000  }
0x1a: {  	s9 =	sadd.s32 s9, s3;
	[sflag:s7] =	ssyncset.done $0x0  }
0x1b: {  	s9 =	sshrl.u32 s9, $0x3;
	[sflag:s7] =	ssyncadd.s32 $0xFFFFF000  }
0x1c: {  	[spmem:s9], [sflag:s6] =	dma.local [hbm:s5], $0x1000  }
0x1d: {  	_ =	swait.ge [sflag:s7], $0x1000  }
0x1e: {  	[sflag:s7] =	ssyncset.done $0x0  }
0x1f: {  	s10 =	simm.s32 $0x80;
	s12 =	rddreg [dreg:$0x5];
	[sflag:s7] =	ssyncadd.s32 $0xFFFFF000  }
0x20: {  	[tilespmem:s10], [sflag:$0x1] =	stream.linear.gather [hbm4b:s12+s4], $0x4000, $0x38;
	[tilespmem:$0x14080] =	vst v63  }
0x21: {  	_ =	swait.ge [sflag:s7], $0x4000  }
0x22: {  	[sflag:s7] =	ssyncset.done $0x0  }
0x23: {  	[sflag:s7] =	ssyncadd.s32 $0xFFFFC000  }
0x24: {  	[bflag:$0x0] =	sbarrier.arrive $0xFFFF  }
0x25: {  	s13 =	rddreg [dreg:$0x6]  }
0x26: {  	[tilespmem:s4], [sflag:$0x1] =	stream.linear.gather [hbm4b:s13+s4], $0x80, $0x38;
	[tilespmem:$0x14080] =	vst v63  }
0x27: {  	_ =	swait.ge [sflag:s7], $0x80  }
0x28: {  	[sflag:s7] =	ssyncset.done $0x0  }
0x29: {  	[sflag:s7] =	ssyncadd.s32 $0xFFFFFF80  }
0x2a: {  	[spmem:s1] =	stream.indirect.scatter.add.f32 [tilespmem:s10], [sflag:$0x1], $0x80, s4, s10, $0xb8;
	[tilespmem:$0x14080] =	vst v63  }
0x2b: {  	_ =	swait.ge [sflag:s7], $0x4000  }
0x2c: {  	[sflag:s7] =	ssyncset.done $0x0  }
0x2d: {  	s14 =	rddreg [dreg:$0x7];
	[sflag:s7] =	ssyncadd.s32 $0xFFFFC000  }
0x2e: {  	[tilespmem:s4], [sflag:$0x1] =	stream.linear.gather [hbm4b:s14+s4], $0x80, $0x38;
	[tilespmem:$0x14080] =	vst v63  }
0x2f: {  	_ =	swait.ge [sflag:s7], $0x80  }
0x30: {  	[sflag:s7] =	ssyncset.done $0x0  }
0x31: {  	[sflag:s7] =	ssyncadd.s32 $0xFFFFFF80  }
0x32: {  	[spmem:s3] =	stream.indirect.scatter.add.f32 [tilespmem:s10], [sflag:$0x1], $0x80, s4, s10, $0xb8;
	[tilespmem:$0x14080] =	vst v63  }
0x33: {  	_ =	swait.ge [sflag:s7], $0x4000  }
0x34: {  	[sflag:s7] =	ssyncset.done $0x0  }
0x35: {  	s15 =	rddreg [dreg:$0x8];
	[sflag:s7] =	ssyncadd.s32 $0xFFFFC000  }
0x36: {  	[tilespmem:s4], [sflag:$0x1] =	stream.linear.gather [hbm4b:s15+s4], $0x80, $0x38;
	[tilespmem:$0x14080] =	vst v63  }
0x37: {  	_ =	swait.ge [sflag:s7], $0x80  }
0x38: {  	[sflag:s7] =	ssyncset.done $0x0  }
0x39: {  	[sflag:s7] =	ssyncadd.s32 $0xFFFFFF80  }
0x3a: {  	[spmem:s1] =	stream.indirect.scatter.add.f32 [tilespmem:s10], [sflag:$0x1], $0x80, s4, s10, $0xb8;
	[tilespmem:$0x14080] =	vst v63  }
0x3b: {  	_ =	swait.ge [sflag:s7], $0x4000  }
0x3c: {  	[sflag:s7] =	ssyncset.done $0x0  }
0x3d: {  	s16 =	rddreg [dreg:$0x9];
	[sflag:s7] =	ssyncadd.s32 $0xFFFFC000  }
0x3e: {  	[tilespmem:s4], [sflag:$0x1] =	stream.linear.gather [hbm4b:s16+s4], $0x80, $0x38;
	[tilespmem:$0x14080] =	vst v63  }
0x3f: {  	_ =	swait.ge [sflag:s7], $0x80  }
0x40: {  	[sflag:s7] =	ssyncset.done $0x0  }
0x41: {  	[sflag:s7] =	ssyncadd.s32 $0xFFFFFF80  }
0x42: {  	[spmem:s3] =	stream.indirect.scatter.add.f32 [tilespmem:s10], [sflag:$0x1], $0x80, s4, s10, $0xb8;
	[tilespmem:$0x14080] =	vst v63  }
0x43: {  	_ =	swait.ge [sflag:s7], $0x4000  }
0x44: {  	[sflag:s7] =	ssyncset.done $0x0  }
0x45: {  	s17 =	rddreg [dreg:$0xa];
	[sflag:s7] =	ssyncadd.s32 $0xFFFFC000  }
0x46: {  	[tilespmem:s4], [sflag:$0x1] =	stream.linear.gather [hbm4b:s17+s4], $0x80, $0x38;
	[tilespmem:$0x14080] =	vst v63  }
0x47: {  	_ =	swait.ge [sflag:s7], $0x80  }
0x48: {  	[sflag:s7] =	ssyncset.done $0x0  }
0x49: {  	[sflag:s7] =	ssyncadd.s32 $0xFFFFFF80  }
0x4a: {  	[spmem:s1] =	stream.indirect.scatter.add.f32 [tilespmem:s10], [sflag:$0x1], $0x80, s4, s10, $0xb8;
	[tilespmem:$0x14080] =	vst v63  }
0x4b: {  	_ =	swait.ge [sflag:s7], $0x4000  }
0x4c: {  	[sflag:s7] =	ssyncset.done $0x0  }
0x4d: {  	s18 =	rddreg [dreg:$0xb];
	[sflag:s7] =	ssyncadd.s32 $0xFFFFC000  }
0x4e: {  	[tilespmem:s4], [sflag:$0x1] =	stream.linear.gather [hbm4b:s18+s4], $0x80, $0x38;
	[tilespmem:$0x14080] =	vst v63  }
0x4f: {  	_ =	swait.ge [sflag:s7], $0x80  }
0x50: {  	[sflag:s7] =	ssyncset.done $0x0  }
0x51: {  	[sflag:s7] =	ssyncadd.s32 $0xFFFFFF80  }
0x52: {  	[spmem:s3] =	stream.indirect.scatter.add.f32 [tilespmem:s10], [sflag:$0x1], $0x80, s4, s10, $0xb8;
	[tilespmem:$0x14080] =	vst v63  }
0x53: {  	_ =	swait.ge [sflag:s7], $0x4000  }
0x54: {  	[sflag:s7] =	ssyncset.done $0x0  }
0x55: {  	s19 =	rddreg [dreg:$0xc];
	[sflag:s7] =	ssyncadd.s32 $0xFFFFC000  }
0x56: {  	[tilespmem:s4], [sflag:$0x1] =	stream.linear.gather [hbm4b:s19+s4], $0x80, $0x38;
	[tilespmem:$0x14080] =	vst v63  }
0x57: {  	_ =	swait.ge [sflag:s7], $0x80  }
0x58: {  	[sflag:s7] =	ssyncset.done $0x0  }
0x59: {  	[sflag:s7] =	ssyncadd.s32 $0xFFFFFF80  }
0x5a: {  	[spmem:s1] =	stream.indirect.scatter.add.f32 [tilespmem:s10], [sflag:$0x1], $0x80, s4, s10, $0xb8;
	[tilespmem:$0x14080] =	vst v63  }
0x5b: {  	_ =	swait.ge [sflag:s7], $0x4000  }
0x5c: {  	[sflag:s7] =	ssyncset.done $0x0  }
0x5d: {  	s20 =	rddreg [dreg:$0xd];
	[sflag:s7] =	ssyncadd.s32 $0xFFFFC000  }
0x5e: {  	[tilespmem:s4], [sflag:$0x1] =	stream.linear.gather [hbm4b:s20+s4], $0x80, $0x38;
	[tilespmem:$0x14080] =	vst v63  }
0x5f: {  	_ =	swait.ge [sflag:s7], $0x80  }
0x60: {  	[sflag:s7] =	ssyncset.done $0x0  }
0x61: {  	[sflag:s7] =	ssyncadd.s32 $0xFFFFFF80  }
0x62: {  	[spmem:s3] =	stream.indirect.scatter.add.f32 [tilespmem:s10], [sflag:$0x1], $0x80, s4, s10, $0xb8;
	[tilespmem:$0x14080] =	vst v63  }
0x63: {  	_ =	swait.ge [sflag:s7], $0x4000  }
0x64: {  	[sflag:s7] =	ssyncset.done $0x0  }
0x65: {  	s21 =	rddreg [dreg:$0xe];
	[sflag:s7] =	ssyncadd.s32 $0xFFFFC000  }
0x66: {  	[tilespmem:s4], [sflag:$0x1] =	stream.linear.gather [hbm4b:s21+s4], $0x80, $0x38;
	[tilespmem:$0x14080] =	vst v63  }
0x67: {  	_ =	swait.ge [sflag:s7], $0x80  }
0x68: {  	[sflag:s7] =	ssyncset.done $0x0  }
0x69: {  	[sflag:s7] =	ssyncadd.s32 $0xFFFFFF80  }
0x6a: {  	[spmem:s1] =	stream.indirect.scatter.add.f32 [tilespmem:s10], [sflag:$0x1], $0x80, s4, s10, $0xb8;
	[tilespmem:$0x14080] =	vst v63  }
0x6b: {  	_ =	swait.ge [sflag:s7], $0x4000  }
0x6c: {  	[sflag:s7] =	ssyncset.done $0x0  }
0x6d: {  	s22 =	rddreg [dreg:$0xf];
	[sflag:s7] =	ssyncadd.s32 $0xFFFFC000  }
0x6e: {  	[tilespmem:s4], [sflag:$0x1] =	stream.linear.gather [hbm4b:s22+s4], $0x80, $0x38;
	[tilespmem:$0x14080] =	vst v63  }
0x6f: {  	_ =	swait.ge [sflag:s7], $0x80  }
0x70: {  	[sflag:s7] =	ssyncset.done $0x0  }
0x71: {  	[sflag:s7] =	ssyncadd.s32 $0xFFFFFF80  }
0x72: {  	[spmem:s3] =	stream.indirect.scatter.add.f32 [tilespmem:s10], [sflag:$0x1], $0x80, s4, s10, $0xb8;
	[tilespmem:$0x14080] =	vst v63  }
0x73: {  	_ =	swait.ge [sflag:s7], $0x4000  }
0x74: {  	[sflag:s7] =	ssyncset.done $0x0  }
0x75: {  	s23 =	rddreg [dreg:$0x10];
	[sflag:s7] =	ssyncadd.s32 $0xFFFFC000  }
0x76: {  	[tilespmem:s4], [sflag:$0x1] =	stream.linear.gather [hbm4b:s23+s4], $0x80, $0x38;
	[tilespmem:$0x14080] =	vst v63  }
0x77: {  	_ =	swait.ge [sflag:s7], $0x80  }
0x78: {  	[sflag:s7] =	ssyncset.done $0x0  }
0x79: {  	[sflag:s7] =	ssyncadd.s32 $0xFFFFFF80  }
0x7a: {  	[spmem:s1] =	stream.indirect.scatter.add.f32 [tilespmem:s10], [sflag:$0x1], $0x80, s4, s10, $0xb8;
	[tilespmem:$0x14080] =	vst v63  }
0x7b: {  	_ =	swait.ge [sflag:s7], $0x4000  }
0x7c: {  	[sflag:s7] =	ssyncset.done $0x0  }
0x7d: {  	s24 =	rddreg [dreg:$0x11];
	[sflag:s7] =	ssyncadd.s32 $0xFFFFC000  }
0x7e: {  	[tilespmem:s4], [sflag:$0x1] =	stream.linear.gather [hbm4b:s24+s4], $0x80, $0x38;
	[tilespmem:$0x14080] =	vst v63  }
0x7f: {  	_ =	swait.ge [sflag:s7], $0x80  }
0x80: {  	[sflag:s7] =	ssyncset.done $0x0  }
0x81: {  	[sflag:s7] =	ssyncadd.s32 $0xFFFFFF80  }
0x82: {  	[spmem:s3] =	stream.indirect.scatter.add.f32 [tilespmem:s10], [sflag:$0x1], $0x80, s4, s10, $0xb8;
	[tilespmem:$0x14080] =	vst v63  }
0x83: {  	_ =	swait.ge [sflag:s7], $0x4000  }
0x84: {  	[sflag:s7] =	ssyncset.done $0x0  }
0x85: {  	s25 =	rddreg [dreg:$0x12];
	[sflag:s7] =	ssyncadd.s32 $0xFFFFC000  }
0x86: {  	[tilespmem:s4], [sflag:$0x1] =	stream.linear.gather [hbm4b:s25+s4], $0x80, $0x38;
	[tilespmem:$0x14080] =	vst v63  }
0x87: {  	_ =	swait.ge [sflag:s7], $0x80  }
0x88: {  	[sflag:s7] =	ssyncset.done $0x0  }
0x89: {  	[sflag:s7] =	ssyncadd.s32 $0xFFFFFF80  }
0x8a: {  	[spmem:s1] =	stream.indirect.scatter.add.f32 [tilespmem:s10], [sflag:$0x1], $0x80, s4, s10, $0xb8;
	[tilespmem:$0x14080] =	vst v63  }
0x8b: {  	_ =	swait.ge [sflag:s7], $0x4000  }
0x8c: {  	[sflag:s7] =	ssyncset.done $0x0  }
0x8d: {  	s26 =	rddreg [dreg:$0x13];
	[sflag:s7] =	ssyncadd.s32 $0xFFFFC000  }
0x8e: {  	[tilespmem:s4], [sflag:$0x1] =	stream.linear.gather [hbm4b:s26+s4], $0x80, $0x38;
	[tilespmem:$0x14080] =	vst v63  }
0x8f: {  	_ =	swait.ge [sflag:s7], $0x80  }
0x90: {  	[sflag:s7] =	ssyncset.done $0x0  }
0x91: {  	[sflag:s7] =	ssyncadd.s32 $0xFFFFFF80  }
0x92: {  	[spmem:s3] =	stream.indirect.scatter.add.f32 [tilespmem:s10], [sflag:$0x1], $0x80, s4, s10, $0xb8;
	[tilespmem:$0x14080] =	vst v63  }
0x93: {  	_ =	swait.ge [sflag:s7], $0x4000  }
0x94: {  	s12 =	sor.u32 $0x70, s2;
	[sflag:s7] =	ssyncset.done $0x0  }
0x95: {  	s11 =	sadd.s32 s28, s12;
	[sflag:s7] =	ssyncadd.s32 $0xFFFFC000  }
0x96: {  	[tilespmem:s4], [sflag:$0x1] =	stream.linear.gather [hbm4b:s11+s4], $0x80, $0x38;
	[tilespmem:$0x14080] =	vst v63  }
0x97: {  	_ =	swait.ge [sflag:s7], $0x80  }
0x98: {  	[sflag:s7] =	ssyncset.done $0x0  }
0x99: {  	[sflag:s7] =	ssyncadd.s32 $0xFFFFFF80  }
0x9a: {  	[spmem:s1] =	stream.indirect.scatter.add.f32 [tilespmem:s10], [sflag:$0x1], $0x80, s4, s10, $0xb8;
	[tilespmem:$0x14080] =	vst v63  }
0x9b: {  	_ =	swait.ge [sflag:s7], $0x4000  }
0x9c: {  	[sflag:s7] =	ssyncset.done $0x0  }
0x9d: {  	s12 =	sadd.s32 s29, s12;
	[sflag:s7] =	ssyncadd.s32 $0xFFFFC000  }
0x9e: {  	[tilespmem:s4], [sflag:$0x1] =	stream.linear.gather [hbm4b:s12+s4], $0x80, $0x38;
	[tilespmem:$0x14080] =	vst v63  }
0x9f: {  	_ =	swait.ge [sflag:s7], $0x80  }
0xa0: {  	[sflag:s7] =	ssyncset.done $0x0  }
0xa1: {  	[sflag:s7] =	ssyncadd.s32 $0xFFFFFF80  }
0xa2: {  	[spmem:s3] =	stream.indirect.scatter.add.f32 [tilespmem:s10], [sflag:$0x1], $0x80, s4, s10, $0xb8;
	[tilespmem:$0x14080] =	vst v63  }
0xa3: {  	_ =	swait.ge [sflag:s7], $0x4000  }
0xa4: {  	s14 =	sor.u32 $0x80, s2;
	[sflag:s7] =	ssyncset.done $0x0  }
0xa5: {  	s13 =	sadd.s32 s28, s14;
	[sflag:s7] =	ssyncadd.s32 $0xFFFFC000  }
0xa6: {  	[tilespmem:s4], [sflag:$0x1] =	stream.linear.gather [hbm4b:s13+s4], $0x80, $0x38;
	[tilespmem:$0x14080] =	vst v63  }
0xa7: {  	_ =	swait.ge [sflag:s7], $0x80  }
0xa8: {  	[sflag:s7] =	ssyncset.done $0x0  }
0xa9: {  	[sflag:s7] =	ssyncadd.s32 $0xFFFFFF80  }
0xaa: {  	[spmem:s1] =	stream.indirect.scatter.add.f32 [tilespmem:s10], [sflag:$0x1], $0x80, s4, s10, $0xb8;
	[tilespmem:$0x14080] =	vst v63  }
0xab: {  	_ =	swait.ge [sflag:s7], $0x4000  }
0xac: {  	[sflag:s7] =	ssyncset.done $0x0  }
0xad: {  	s14 =	sadd.s32 s29, s14;
	[sflag:s7] =	ssyncadd.s32 $0xFFFFC000  }
0xae: {  	[tilespmem:s4], [sflag:$0x1] =	stream.linear.gather [hbm4b:s14+s4], $0x80, $0x38;
	[tilespmem:$0x14080] =	vst v63  }
0xaf: {  	_ =	swait.ge [sflag:s7], $0x80  }
0xb0: {  	[sflag:s7] =	ssyncset.done $0x0  }
0xb1: {  	[sflag:s7] =	ssyncadd.s32 $0xFFFFFF80  }
0xb2: {  	[spmem:s3] =	stream.indirect.scatter.add.f32 [tilespmem:s10], [sflag:$0x1], $0x80, s4, s10, $0xb8;
	[tilespmem:$0x14080] =	vst v63  }
0xb3: {  	_ =	swait.ge [sflag:s7], $0x4000  }
0xb4: {  	s16 =	sor.u32 $0x90, s2;
	[sflag:s7] =	ssyncset.done $0x0  }
0xb5: {  	s15 =	sadd.s32 s28, s16;
	[sflag:s7] =	ssyncadd.s32 $0xFFFFC000  }
0xb6: {  	[tilespmem:s4], [sflag:$0x1] =	stream.linear.gather [hbm4b:s15+s4], $0x80, $0x38;
	[tilespmem:$0x14080] =	vst v63  }
0xb7: {  	_ =	swait.ge [sflag:s7], $0x80  }
0xb8: {  	[sflag:s7] =	ssyncset.done $0x0  }
0xb9: {  	[sflag:s7] =	ssyncadd.s32 $0xFFFFFF80  }
0xba: {  	[spmem:s1] =	stream.indirect.scatter.add.f32 [tilespmem:s10], [sflag:$0x1], $0x80, s4, s10, $0xb8;
	[tilespmem:$0x14080] =	vst v63  }
0xbb: {  	_ =	swait.ge [sflag:s7], $0x4000  }
0xbc: {  	[sflag:s7] =	ssyncset.done $0x0  }
0xbd: {  	s16 =	sadd.s32 s29, s16;
	[sflag:s7] =	ssyncadd.s32 $0xFFFFC000  }
0xbe: {  	[tilespmem:s4], [sflag:$0x1] =	stream.linear.gather [hbm4b:s16+s4], $0x80, $0x38;
	[tilespmem:$0x14080] =	vst v63  }
0xbf: {  	_ =	swait.ge [sflag:s7], $0x80  }
0xc0: {  	[sflag:s7] =	ssyncset.done $0x0  }
0xc1: {  	[sflag:s7] =	ssyncadd.s32 $0xFFFFFF80  }
0xc2: {  	[spmem:s3] =	stream.indirect.scatter.add.f32 [tilespmem:s10], [sflag:$0x1], $0x80, s4, s10, $0xb8;
	[tilespmem:$0x14080] =	vst v63  }
0xc3: {  	_ =	swait.ge [sflag:s7], $0x4000  }
0xc4: {  	s18 =	sor.u32 $0xA0, s2;
	[sflag:s7] =	ssyncset.done $0x0  }
0xc5: {  	s17 =	sadd.s32 s28, s18;
	[sflag:s7] =	ssyncadd.s32 $0xFFFFC000  }
0xc6: {  	[tilespmem:s4], [sflag:$0x1] =	stream.linear.gather [hbm4b:s17+s4], $0x80, $0x38;
	[tilespmem:$0x14080] =	vst v63  }
0xc7: {  	_ =	swait.ge [sflag:s7], $0x80  }
0xc8: {  	[sflag:s7] =	ssyncset.done $0x0  }
0xc9: {  	[sflag:s7] =	ssyncadd.s32 $0xFFFFFF80  }
0xca: {  	[spmem:s1] =	stream.indirect.scatter.add.f32 [tilespmem:s10], [sflag:$0x1], $0x80, s4, s10, $0xb8;
	[tilespmem:$0x14080] =	vst v63  }
0xcb: {  	_ =	swait.ge [sflag:s7], $0x4000  }
0xcc: {  	[sflag:s7] =	ssyncset.done $0x0  }
0xcd: {  	s18 =	sadd.s32 s29, s18;
	[sflag:s7] =	ssyncadd.s32 $0xFFFFC000  }
0xce: {  	[tilespmem:s4], [sflag:$0x1] =	stream.linear.gather [hbm4b:s18+s4], $0x80, $0x38;
	[tilespmem:$0x14080] =	vst v63  }
0xcf: {  	_ =	swait.ge [sflag:s7], $0x80  }
0xd0: {  	[sflag:s7] =	ssyncset.done $0x0  }
0xd1: {  	[sflag:s7] =	ssyncadd.s32 $0xFFFFFF80  }
0xd2: {  	[spmem:s3] =	stream.indirect.scatter.add.f32 [tilespmem:s10], [sflag:$0x1], $0x80, s4, s10, $0xb8;
	[tilespmem:$0x14080] =	vst v63  }
0xd3: {  	_ =	swait.ge [sflag:s7], $0x4000  }
0xd4: {  	s20 =	sor.u32 $0xB0, s2;
	[sflag:s7] =	ssyncset.done $0x0  }
0xd5: {  	s19 =	sadd.s32 s28, s20;
	[sflag:s7] =	ssyncadd.s32 $0xFFFFC000  }
0xd6: {  	[tilespmem:s4], [sflag:$0x1] =	stream.linear.gather [hbm4b:s19+s4], $0x80, $0x38;
	[tilespmem:$0x14080] =	vst v63  }
0xd7: {  	_ =	swait.ge [sflag:s7], $0x80  }
0xd8: {  	[sflag:s7] =	ssyncset.done $0x0  }
0xd9: {  	[sflag:s7] =	ssyncadd.s32 $0xFFFFFF80  }
0xda: {  	[spmem:s1] =	stream.indirect.scatter.add.f32 [tilespmem:s10], [sflag:$0x1], $0x80, s4, s10, $0xb8;
	[tilespmem:$0x14080] =	vst v63  }
0xdb: {  	_ =	swait.ge [sflag:s7], $0x4000  }
0xdc: {  	[sflag:s7] =	ssyncset.done $0x0  }
0xdd: {  	s20 =	sadd.s32 s29, s20;
	[sflag:s7] =	ssyncadd.s32 $0xFFFFC000  }
0xde: {  	[tilespmem:s4], [sflag:$0x1] =	stream.linear.gather [hbm4b:s20+s4], $0x80, $0x38;
	[tilespmem:$0x14080] =	vst v63  }
0xdf: {  	_ =	swait.ge [sflag:s7], $0x80  }
0xe0: {  	[sflag:s7] =	ssyncset.done $0x0  }
0xe1: {  	[sflag:s7] =	ssyncadd.s32 $0xFFFFFF80  }
0xe2: {  	[spmem:s3] =	stream.indirect.scatter.add.f32 [tilespmem:s10], [sflag:$0x1], $0x80, s4, s10, $0xb8;
	[tilespmem:$0x14080] =	vst v63  }
0xe3: {  	_ =	swait.ge [sflag:s7], $0x4000  }
0xe4: {  	s22 =	sor.u32 $0xC0, s2;
	[sflag:s7] =	ssyncset.done $0x0  }
0xe5: {  	s21 =	sadd.s32 s28, s22;
	[sflag:s7] =	ssyncadd.s32 $0xFFFFC000  }
0xe6: {  	[tilespmem:s4], [sflag:$0x1] =	stream.linear.gather [hbm4b:s21+s4], $0x80, $0x38;
	[tilespmem:$0x14080] =	vst v63  }
0xe7: {  	_ =	swait.ge [sflag:s7], $0x80  }
0xe8: {  	[sflag:s7] =	ssyncset.done $0x0  }
0xe9: {  	[sflag:s7] =	ssyncadd.s32 $0xFFFFFF80  }
0xea: {  	[spmem:s1] =	stream.indirect.scatter.add.f32 [tilespmem:s10], [sflag:$0x1], $0x80, s4, s10, $0xb8;
	[tilespmem:$0x14080] =	vst v63  }
0xeb: {  	_ =	swait.ge [sflag:s7], $0x4000  }
0xec: {  	[sflag:s7] =	ssyncset.done $0x0  }
0xed: {  	s22 =	sadd.s32 s29, s22;
	[sflag:s7] =	ssyncadd.s32 $0xFFFFC000  }
0xee: {  	[tilespmem:s4], [sflag:$0x1] =	stream.linear.gather [hbm4b:s22+s4], $0x80, $0x38;
	[tilespmem:$0x14080] =	vst v63  }
0xef: {  	_ =	swait.ge [sflag:s7], $0x80  }
0xf0: {  	[sflag:s7] =	ssyncset.done $0x0  }
0xf1: {  	[sflag:s7] =	ssyncadd.s32 $0xFFFFFF80  }
0xf2: {  	[spmem:s3] =	stream.indirect.scatter.add.f32 [tilespmem:s10], [sflag:$0x1], $0x80, s4, s10, $0xb8;
	[tilespmem:$0x14080] =	vst v63  }
0xf3: {  	_ =	swait.ge [sflag:s7], $0x4000  }
0xf4: {  	s24 =	sor.u32 $0xD0, s2;
	[sflag:s7] =	ssyncset.done $0x0  }
0xf5: {  	s23 =	sadd.s32 s28, s24;
	[sflag:s7] =	ssyncadd.s32 $0xFFFFC000  }
0xf6: {  	[tilespmem:s4], [sflag:$0x1] =	stream.linear.gather [hbm4b:s23+s4], $0x80, $0x38;
	[tilespmem:$0x14080] =	vst v63  }
0xf7: {  	_ =	swait.ge [sflag:s7], $0x80  }
0xf8: {  	[sflag:s7] =	ssyncset.done $0x0  }
0xf9: {  	[sflag:s7] =	ssyncadd.s32 $0xFFFFFF80  }
0xfa: {  	[spmem:s1] =	stream.indirect.scatter.add.f32 [tilespmem:s10], [sflag:$0x1], $0x80, s4, s10, $0xb8;
	[tilespmem:$0x14080] =	vst v63  }
0xfb: {  	_ =	swait.ge [sflag:s7], $0x4000  }
0xfc: {  	[sflag:s7] =	ssyncset.done $0x0  }
0xfd: {  	s24 =	sadd.s32 s29, s24;
	[sflag:s7] =	ssyncadd.s32 $0xFFFFC000  }
0xfe: {  	[tilespmem:s4], [sflag:$0x1] =	stream.linear.gather [hbm4b:s24+s4], $0x80, $0x38;
	[tilespmem:$0x14080] =	vst v63  }
0xff: {  	_ =	swait.ge [sflag:s7], $0x80  }
0x100: {  	[sflag:s7] =	ssyncset.done $0x0  }
0x101: {  	[sflag:s7] =	ssyncadd.s32 $0xFFFFFF80  }
0x102: {  	[spmem:s3] =	stream.indirect.scatter.add.f32 [tilespmem:s10], [sflag:$0x1], $0x80, s4, s10, $0xb8;
	[tilespmem:$0x14080] =	vst v63  }
0x103: {  	_ =	swait.ge [sflag:s7], $0x4000  }
0x104: {  	s26 =	sor.u32 $0xE0, s2;
	[sflag:s7] =	ssyncset.done $0x0  }
0x105: {  	s25 =	sadd.s32 s28, s26;
	[sflag:s7] =	ssyncadd.s32 $0xFFFFC000  }
0x106: {  	[tilespmem:s4], [sflag:$0x1] =	stream.linear.gather [hbm4b:s25+s4], $0x80, $0x38;
	[tilespmem:$0x14080] =	vst v63  }
0x107: {  	_ =	swait.ge [sflag:s7], $0x80  }
0x108: {  	[sflag:s7] =	ssyncset.done $0x0  }
0x109: {  	[sflag:s7] =	ssyncadd.s32 $0xFFFFFF80  }
0x10a: {  	[spmem:s1] =	stream.indirect.scatter.add.f32 [tilespmem:s10], [sflag:$0x1], $0x80, s4, s10, $0xb8;
	[tilespmem:$0x14080] =	vst v63  }
0x10b: {  	_ =	swait.ge [sflag:s7], $0x4000  }
0x10c: {  	[sflag:s7] =	ssyncset.done $0x0  }
0x10d: {  	s26 =	sadd.s32 s29, s26;
	[sflag:s7] =	ssyncadd.s32 $0xFFFFC000  }
0x10e: {  	[tilespmem:s4], [sflag:$0x1] =	stream.linear.gather [hbm4b:s26+s4], $0x80, $0x38;
	[tilespmem:$0x14080] =	vst v63  }
0x10f: {  	_ =	swait.ge [sflag:s7], $0x80  }
0x110: {  	[sflag:s7] =	ssyncset.done $0x0  }
0x111: {  	[sflag:s7] =	ssyncadd.s32 $0xFFFFFF80  }
0x112: {  	[spmem:s3] =	stream.indirect.scatter.add.f32 [tilespmem:s10], [sflag:$0x1], $0x80, s4, s10, $0xb8;
	[tilespmem:$0x14080] =	vst v63  }
0x113: {  	_ =	swait.ge [sflag:s7], $0x4000  }
0x114: {  	s2 =	sor.u32 $0xF0, s2;
	[sflag:s7] =	ssyncset.done $0x0  }
0x115: {  	s28 =	sadd.s32 s28, s2;
	[sflag:s7] =	ssyncadd.s32 $0xFFFFC000  }
0x116: {  	[tilespmem:s4], [sflag:$0x1] =	stream.linear.gather [hbm4b:s28+s4], $0x80, $0x38;
	[tilespmem:$0x14080] =	vst v63  }
0x117: {  	_ =	swait.ge [sflag:s7], $0x80  }
0x118: {  	[sflag:s7] =	ssyncset.done $0x0  }
0x119: {  	[sflag:s7] =	ssyncadd.s32 $0xFFFFFF80  }
0x11a: {  	[spmem:s1] =	stream.indirect.scatter.add.f32 [tilespmem:s10], [sflag:$0x1], $0x80, s4, s10, $0xb8;
	[tilespmem:$0x14080] =	vst v63  }
0x11b: {  	_ =	swait.ge [sflag:s7], $0x4000  }
0x11c: {  	[sflag:s7] =	ssyncset.done $0x0  }
0x11d: {  	s29 =	sadd.s32 s29, s2;
	[sflag:s7] =	ssyncadd.s32 $0xFFFFC000  }
0x11e: {  	[tilespmem:s4], [sflag:$0x1] =	stream.linear.gather [hbm4b:s29+s4], $0x80, $0x38;
	[tilespmem:$0x14080] =	vst v63  }
0x11f: {  	_ =	swait.ge [sflag:s7], $0x80  }
0x120: {  	s2 =	sshll.u32 s0, $0x10;
	[sflag:s7] =	ssyncset.done $0x0  }
0x121: {  	s2 =	sadd.s32 s2, s30;
	[sflag:s7] =	ssyncadd.s32 $0xFFFFFF80  }
0x122: {  	[spmem:s3] =	stream.indirect.scatter.add.f32 [tilespmem:s10], [sflag:$0x1], $0x80, s4, s10, $0xb8;
	[tilespmem:$0x14080] =	vst v63  }
0x123: {  	s0 =	ssub.s32 $0x2, s0;
	s30 =	sadd.s32 $0x66400, s2;
	_ =	swait.ge [sflag:s7], $0x4000  }
0x124: {  	s30 =	sadd.s32 s31, s30;
	s31 =	sshrl.u32 s0, $0x1;
	[sflag:s7] =	ssyncset.done $0x0  }
0x125: {  	s0 =	ssub.s32 s0, s31;
	[sflag:s7] =	ssyncadd.s32 $0xFFFFC000  }
0x126: {  	s0 =	smax.u32 s0, $0x1;
	[bflag:$0x0] =	sbarrier.arrive $0xFFFF  }
0x127: {  	[hbm:s30], [sflag:s6] =	dma.local [spmem:s8], $0x1000  }
0x128: {  	s2 =	sadd.s32 $0x46400, s2;
	p0 =	sne.s32 s0, $0x1;
	_ =	swait.ge [sflag:s7], $0x1000  }
.Ltmp0:
0x129: {  	[sflag:s7] =	ssyncset.done $0x0;
	s31 =	rddreg [dreg:$0x14];
	(pc) =	sbr.rel @!p0 .LBB2_2-.Ltmp0, $4  }
0x12a: {  	s31 =	sadd.s32 s31, s2;
	[sflag:s7] =	ssyncadd.s32 $0xFFFFF000  }
0x12b: {  	[hbm:s31], [sflag:s6] =	dma.local [spmem:s9], $0x1000  }
0x12c: {  	_ =	swait.ge [sflag:s7], $0x1000  }
0x12d: {  	s0 =	sadd.s32 $0xFFFFFFFF, s0;
	[sflag:s7] =	ssyncset.done $0x0  }
.LBB2_1:
0x12e: {  	[sflag:s7] =	ssyncadd.s32 $0xFFFFF000  }
0x12f: {  	[spmem:s8], [sflag:s6] =	dma.local [hbm:s5], $0x1000  }
0x130: {  	_ =	swait.ge [sflag:s7], $0x1000  }
0x131: {  	[sflag:s7] =	ssyncset.done $0x0  }
0x132: {  	[sflag:s7] =	ssyncadd.s32 $0xFFFFF000  }
0x133: {  	[spmem:s9], [sflag:s6] =	dma.local [hbm:s5], $0x1000  }
0x134: {  	_ =	swait.ge [sflag:s7], $0x1000  }
0x135: {  	[sflag:s7] =	ssyncset.done $0x0  }
0x136: {  	s2 =	rddreg [dreg:$0x5];
	[sflag:s7] =	ssyncadd.s32 $0xFFFFF000  }
0x137: {  	[tilespmem:s10], [sflag:$0x1] =	stream.linear.gather [hbm4b:s2+s4], $0x4000, $0x38;
	[tilespmem:$0x14080] =	vst v63  }
0x138: {  	_ =	swait.ge [sflag:s7], $0x4000  }
0x139: {  	[sflag:s7] =	ssyncset.done $0x0  }
0x13a: {  	[sflag:s7] =	ssyncadd.s32 $0xFFFFC000  }
0x13b: {  	[bflag:$0x0] =	sbarrier.arrive $0xFFFF  }
0x13c: {  	s2 =	rddreg [dreg:$0x6]  }
0x13d: {  	[tilespmem:s4], [sflag:$0x1] =	stream.linear.gather [hbm4b:s2+s4], $0x80, $0x38;
	[tilespmem:$0x14080] =	vst v63  }
0x13e: {  	_ =	swait.ge [sflag:s7], $0x80  }
0x13f: {  	[sflag:s7] =	ssyncset.done $0x0  }
0x140: {  	[sflag:s7] =	ssyncadd.s32 $0xFFFFFF80  }
0x141: {  	[spmem:s1] =	stream.indirect.scatter.add.f32 [tilespmem:s10], [sflag:$0x1], $0x80, s4, s10, $0xb8;
	[tilespmem:$0x14080] =	vst v63  }
0x142: {  	_ =	swait.ge [sflag:s7], $0x4000  }
0x143: {  	[sflag:s7] =	ssyncset.done $0x0  }
0x144: {  	s2 =	rddreg [dreg:$0x7];
	[sflag:s7] =	ssyncadd.s32 $0xFFFFC000  }
0x145: {  	[tilespmem:s4], [sflag:$0x1] =	stream.linear.gather [hbm4b:s2+s4], $0x80, $0x38;
	[tilespmem:$0x14080] =	vst v63  }
0x146: {  	_ =	swait.ge [sflag:s7], $0x80  }
0x147: {  	[sflag:s7] =	ssyncset.done $0x0  }
0x148: {  	[sflag:s7] =	ssyncadd.s32 $0xFFFFFF80  }
0x149: {  	[spmem:s3] =	stream.indirect.scatter.add.f32 [tilespmem:s10], [sflag:$0x1], $0x80, s4, s10, $0xb8;
	[tilespmem:$0x14080] =	vst v63  }
0x14a: {  	_ =	swait.ge [sflag:s7], $0x4000  }
0x14b: {  	[sflag:s7] =	ssyncset.done $0x0  }
0x14c: {  	s2 =	rddreg [dreg:$0x8];
	[sflag:s7] =	ssyncadd.s32 $0xFFFFC000  }
0x14d: {  	[tilespmem:s4], [sflag:$0x1] =	stream.linear.gather [hbm4b:s2+s4], $0x80, $0x38;
	[tilespmem:$0x14080] =	vst v63  }
0x14e: {  	_ =	swait.ge [sflag:s7], $0x80  }
0x14f: {  	[sflag:s7] =	ssyncset.done $0x0  }
0x150: {  	[sflag:s7] =	ssyncadd.s32 $0xFFFFFF80  }
0x151: {  	[spmem:s1] =	stream.indirect.scatter.add.f32 [tilespmem:s10], [sflag:$0x1], $0x80, s4, s10, $0xb8;
	[tilespmem:$0x14080] =	vst v63  }
0x152: {  	_ =	swait.ge [sflag:s7], $0x4000  }
0x153: {  	[sflag:s7] =	ssyncset.done $0x0  }
0x154: {  	s2 =	rddreg [dreg:$0x9];
	[sflag:s7] =	ssyncadd.s32 $0xFFFFC000  }
0x155: {  	[tilespmem:s4], [sflag:$0x1] =	stream.linear.gather [hbm4b:s2+s4], $0x80, $0x38;
	[tilespmem:$0x14080] =	vst v63  }
0x156: {  	_ =	swait.ge [sflag:s7], $0x80  }
0x157: {  	[sflag:s7] =	ssyncset.done $0x0  }
0x158: {  	[sflag:s7] =	ssyncadd.s32 $0xFFFFFF80  }
0x159: {  	[spmem:s3] =	stream.indirect.scatter.add.f32 [tilespmem:s10], [sflag:$0x1], $0x80, s4, s10, $0xb8;
	[tilespmem:$0x14080] =	vst v63  }
0x15a: {  	_ =	swait.ge [sflag:s7], $0x4000  }
0x15b: {  	[sflag:s7] =	ssyncset.done $0x0  }
0x15c: {  	s2 =	rddreg [dreg:$0xa];
	[sflag:s7] =	ssyncadd.s32 $0xFFFFC000  }
0x15d: {  	[tilespmem:s4], [sflag:$0x1] =	stream.linear.gather [hbm4b:s2+s4], $0x80, $0x38;
	[tilespmem:$0x14080] =	vst v63  }
0x15e: {  	_ =	swait.ge [sflag:s7], $0x80  }
0x15f: {  	[sflag:s7] =	ssyncset.done $0x0  }
0x160: {  	[sflag:s7] =	ssyncadd.s32 $0xFFFFFF80  }
0x161: {  	[spmem:s1] =	stream.indirect.scatter.add.f32 [tilespmem:s10], [sflag:$0x1], $0x80, s4, s10, $0xb8;
	[tilespmem:$0x14080] =	vst v63  }
0x162: {  	_ =	swait.ge [sflag:s7], $0x4000  }
0x163: {  	[sflag:s7] =	ssyncset.done $0x0  }
0x164: {  	s2 =	rddreg [dreg:$0xb];
	[sflag:s7] =	ssyncadd.s32 $0xFFFFC000  }
0x165: {  	[tilespmem:s4], [sflag:$0x1] =	stream.linear.gather [hbm4b:s2+s4], $0x80, $0x38;
	[tilespmem:$0x14080] =	vst v63  }
0x166: {  	_ =	swait.ge [sflag:s7], $0x80  }
0x167: {  	[sflag:s7] =	ssyncset.done $0x0  }
0x168: {  	[sflag:s7] =	ssyncadd.s32 $0xFFFFFF80  }
0x169: {  	[spmem:s3] =	stream.indirect.scatter.add.f32 [tilespmem:s10], [sflag:$0x1], $0x80, s4, s10, $0xb8;
	[tilespmem:$0x14080] =	vst v63  }
0x16a: {  	_ =	swait.ge [sflag:s7], $0x4000  }
0x16b: {  	[sflag:s7] =	ssyncset.done $0x0  }
0x16c: {  	s2 =	rddreg [dreg:$0xc];
	[sflag:s7] =	ssyncadd.s32 $0xFFFFC000  }
0x16d: {  	[tilespmem:s4], [sflag:$0x1] =	stream.linear.gather [hbm4b:s2+s4], $0x80, $0x38;
	[tilespmem:$0x14080] =	vst v63  }
0x16e: {  	_ =	swait.ge [sflag:s7], $0x80  }
0x16f: {  	[sflag:s7] =	ssyncset.done $0x0  }
0x170: {  	[sflag:s7] =	ssyncadd.s32 $0xFFFFFF80  }
0x171: {  	[spmem:s1] =	stream.indirect.scatter.add.f32 [tilespmem:s10], [sflag:$0x1], $0x80, s4, s10, $0xb8;
	[tilespmem:$0x14080] =	vst v63  }
0x172: {  	_ =	swait.ge [sflag:s7], $0x4000  }
0x173: {  	[sflag:s7] =	ssyncset.done $0x0  }
0x174: {  	s2 =	rddreg [dreg:$0xd];
	[sflag:s7] =	ssyncadd.s32 $0xFFFFC000  }
0x175: {  	[tilespmem:s4], [sflag:$0x1] =	stream.linear.gather [hbm4b:s2+s4], $0x80, $0x38;
	[tilespmem:$0x14080] =	vst v63  }
0x176: {  	_ =	swait.ge [sflag:s7], $0x80  }
0x177: {  	[sflag:s7] =	ssyncset.done $0x0  }
0x178: {  	[sflag:s7] =	ssyncadd.s32 $0xFFFFFF80  }
0x179: {  	[spmem:s3] =	stream.indirect.scatter.add.f32 [tilespmem:s10], [sflag:$0x1], $0x80, s4, s10, $0xb8;
	[tilespmem:$0x14080] =	vst v63  }
0x17a: {  	_ =	swait.ge [sflag:s7], $0x4000  }
0x17b: {  	[sflag:s7] =	ssyncset.done $0x0  }
0x17c: {  	s2 =	rddreg [dreg:$0xe];
	[sflag:s7] =	ssyncadd.s32 $0xFFFFC000  }
0x17d: {  	[tilespmem:s4], [sflag:$0x1] =	stream.linear.gather [hbm4b:s2+s4], $0x80, $0x38;
	[tilespmem:$0x14080] =	vst v63  }
0x17e: {  	_ =	swait.ge [sflag:s7], $0x80  }
0x17f: {  	[sflag:s7] =	ssyncset.done $0x0  }
0x180: {  	[sflag:s7] =	ssyncadd.s32 $0xFFFFFF80  }
0x181: {  	[spmem:s1] =	stream.indirect.scatter.add.f32 [tilespmem:s10], [sflag:$0x1], $0x80, s4, s10, $0xb8;
	[tilespmem:$0x14080] =	vst v63  }
0x182: {  	_ =	swait.ge [sflag:s7], $0x4000  }
0x183: {  	[sflag:s7] =	ssyncset.done $0x0  }
0x184: {  	s2 =	rddreg [dreg:$0xf];
	[sflag:s7] =	ssyncadd.s32 $0xFFFFC000  }
0x185: {  	[tilespmem:s4], [sflag:$0x1] =	stream.linear.gather [hbm4b:s2+s4], $0x80, $0x38;
	[tilespmem:$0x14080] =	vst v63  }
0x186: {  	_ =	swait.ge [sflag:s7], $0x80  }
0x187: {  	[sflag:s7] =	ssyncset.done $0x0  }
0x188: {  	[sflag:s7] =	ssyncadd.s32 $0xFFFFFF80  }
0x189: {  	[spmem:s3] =	stream.indirect.scatter.add.f32 [tilespmem:s10], [sflag:$0x1], $0x80, s4, s10, $0xb8;
	[tilespmem:$0x14080] =	vst v63  }
0x18a: {  	_ =	swait.ge [sflag:s7], $0x4000  }
0x18b: {  	[sflag:s7] =	ssyncset.done $0x0  }
0x18c: {  	s2 =	rddreg [dreg:$0x10];
	[sflag:s7] =	ssyncadd.s32 $0xFFFFC000  }
0x18d: {  	[tilespmem:s4], [sflag:$0x1] =	stream.linear.gather [hbm4b:s2+s4], $0x80, $0x38;
	[tilespmem:$0x14080] =	vst v63  }
0x18e: {  	_ =	swait.ge [sflag:s7], $0x80  }
0x18f: {  	[sflag:s7] =	ssyncset.done $0x0  }
0x190: {  	[sflag:s7] =	ssyncadd.s32 $0xFFFFFF80  }
0x191: {  	[spmem:s1] =	stream.indirect.scatter.add.f32 [tilespmem:s10], [sflag:$0x1], $0x80, s4, s10, $0xb8;
	[tilespmem:$0x14080] =	vst v63  }
0x192: {  	_ =	swait.ge [sflag:s7], $0x4000  }
0x193: {  	[sflag:s7] =	ssyncset.done $0x0  }
0x194: {  	s2 =	rddreg [dreg:$0x11];
	[sflag:s7] =	ssyncadd.s32 $0xFFFFC000  }
0x195: {  	[tilespmem:s4], [sflag:$0x1] =	stream.linear.gather [hbm4b:s2+s4], $0x80, $0x38;
	[tilespmem:$0x14080] =	vst v63  }
0x196: {  	_ =	swait.ge [sflag:s7], $0x80  }
0x197: {  	[sflag:s7] =	ssyncset.done $0x0  }
0x198: {  	[sflag:s7] =	ssyncadd.s32 $0xFFFFFF80  }
0x199: {  	[spmem:s3] =	stream.indirect.scatter.add.f32 [tilespmem:s10], [sflag:$0x1], $0x80, s4, s10, $0xb8;
	[tilespmem:$0x14080] =	vst v63  }
0x19a: {  	_ =	swait.ge [sflag:s7], $0x4000  }
0x19b: {  	[sflag:s7] =	ssyncset.done $0x0  }
0x19c: {  	s2 =	rddreg [dreg:$0x12];
	[sflag:s7] =	ssyncadd.s32 $0xFFFFC000  }
0x19d: {  	[tilespmem:s4], [sflag:$0x1] =	stream.linear.gather [hbm4b:s2+s4], $0x80, $0x38;
	[tilespmem:$0x14080] =	vst v63  }
0x19e: {  	_ =	swait.ge [sflag:s7], $0x80  }
0x19f: {  	[sflag:s7] =	ssyncset.done $0x0  }
0x1a0: {  	[sflag:s7] =	ssyncadd.s32 $0xFFFFFF80  }
0x1a1: {  	[spmem:s1] =	stream.indirect.scatter.add.f32 [tilespmem:s10], [sflag:$0x1], $0x80, s4, s10, $0xb8;
	[tilespmem:$0x14080] =	vst v63  }
0x1a2: {  	_ =	swait.ge [sflag:s7], $0x4000  }
0x1a3: {  	[sflag:s7] =	ssyncset.done $0x0  }
0x1a4: {  	s2 =	rddreg [dreg:$0x13];
	[sflag:s7] =	ssyncadd.s32 $0xFFFFC000  }
0x1a5: {  	[tilespmem:s4], [sflag:$0x1] =	stream.linear.gather [hbm4b:s2+s4], $0x80, $0x38;
	[tilespmem:$0x14080] =	vst v63  }
0x1a6: {  	_ =	swait.ge [sflag:s7], $0x80  }
0x1a7: {  	[sflag:s7] =	ssyncset.done $0x0  }
0x1a8: {  	[sflag:s7] =	ssyncadd.s32 $0xFFFFFF80  }
0x1a9: {  	[spmem:s3] =	stream.indirect.scatter.add.f32 [tilespmem:s10], [sflag:$0x1], $0x80, s4, s10, $0xb8;
	[tilespmem:$0x14080] =	vst v63  }
0x1aa: {  	_ =	swait.ge [sflag:s7], $0x4000  }
0x1ab: {  	[sflag:s7] =	ssyncset.done $0x0  }
0x1ac: {  	[sflag:s7] =	ssyncadd.s32 $0xFFFFC000  }
0x1ad: {  	[tilespmem:s4], [sflag:$0x1] =	stream.linear.gather [hbm4b:s11+s4], $0x80, $0x38;
	[tilespmem:$0x14080] =	vst v63  }
0x1ae: {  	_ =	swait.ge [sflag:s7], $0x80  }
0x1af: {  	[sflag:s7] =	ssyncset.done $0x0  }
0x1b0: {  	[sflag:s7] =	ssyncadd.s32 $0xFFFFFF80  }
0x1b1: {  	[spmem:s1] =	stream.indirect.scatter.add.f32 [tilespmem:s10], [sflag:$0x1], $0x80, s4, s10, $0xb8;
	[tilespmem:$0x14080] =	vst v63  }
0x1b2: {  	_ =	swait.ge [sflag:s7], $0x4000  }
0x1b3: {  	[sflag:s7] =	ssyncset.done $0x0  }
0x1b4: {  	[sflag:s7] =	ssyncadd.s32 $0xFFFFC000  }
0x1b5: {  	[tilespmem:s4], [sflag:$0x1] =	stream.linear.gather [hbm4b:s12+s4], $0x80, $0x38;
	[tilespmem:$0x14080] =	vst v63  }
0x1b6: {  	_ =	swait.ge [sflag:s7], $0x80  }
0x1b7: {  	[sflag:s7] =	ssyncset.done $0x0  }
0x1b8: {  	[sflag:s7] =	ssyncadd.s32 $0xFFFFFF80  }
0x1b9: {  	[spmem:s3] =	stream.indirect.scatter.add.f32 [tilespmem:s10], [sflag:$0x1], $0x80, s4, s10, $0xb8;
	[tilespmem:$0x14080] =	vst v63  }
0x1ba: {  	_ =	swait.ge [sflag:s7], $0x4000  }
0x1bb: {  	[sflag:s7] =	ssyncset.done $0x0  }
0x1bc: {  	[sflag:s7] =	ssyncadd.s32 $0xFFFFC000  }
0x1bd: {  	[tilespmem:s4], [sflag:$0x1] =	stream.linear.gather [hbm4b:s13+s4], $0x80, $0x38;
	[tilespmem:$0x14080] =	vst v63  }
0x1be: {  	_ =	swait.ge [sflag:s7], $0x80  }
0x1bf: {  	[sflag:s7] =	ssyncset.done $0x0  }
0x1c0: {  	[sflag:s7] =	ssyncadd.s32 $0xFFFFFF80  }
0x1c1: {  	[spmem:s1] =	stream.indirect.scatter.add.f32 [tilespmem:s10], [sflag:$0x1], $0x80, s4, s10, $0xb8;
	[tilespmem:$0x14080] =	vst v63  }
0x1c2: {  	_ =	swait.ge [sflag:s7], $0x4000  }
0x1c3: {  	[sflag:s7] =	ssyncset.done $0x0  }
0x1c4: {  	[sflag:s7] =	ssyncadd.s32 $0xFFFFC000  }
0x1c5: {  	[tilespmem:s4], [sflag:$0x1] =	stream.linear.gather [hbm4b:s14+s4], $0x80, $0x38;
	[tilespmem:$0x14080] =	vst v63  }
0x1c6: {  	_ =	swait.ge [sflag:s7], $0x80  }
0x1c7: {  	[sflag:s7] =	ssyncset.done $0x0  }
0x1c8: {  	[sflag:s7] =	ssyncadd.s32 $0xFFFFFF80  }
0x1c9: {  	[spmem:s3] =	stream.indirect.scatter.add.f32 [tilespmem:s10], [sflag:$0x1], $0x80, s4, s10, $0xb8;
	[tilespmem:$0x14080] =	vst v63  }
0x1ca: {  	_ =	swait.ge [sflag:s7], $0x4000  }
0x1cb: {  	[sflag:s7] =	ssyncset.done $0x0  }
0x1cc: {  	[sflag:s7] =	ssyncadd.s32 $0xFFFFC000  }
0x1cd: {  	[tilespmem:s4], [sflag:$0x1] =	stream.linear.gather [hbm4b:s15+s4], $0x80, $0x38;
	[tilespmem:$0x14080] =	vst v63  }
0x1ce: {  	_ =	swait.ge [sflag:s7], $0x80  }
0x1cf: {  	[sflag:s7] =	ssyncset.done $0x0  }
0x1d0: {  	[sflag:s7] =	ssyncadd.s32 $0xFFFFFF80  }
0x1d1: {  	[spmem:s1] =	stream.indirect.scatter.add.f32 [tilespmem:s10], [sflag:$0x1], $0x80, s4, s10, $0xb8;
	[tilespmem:$0x14080] =	vst v63  }
0x1d2: {  	_ =	swait.ge [sflag:s7], $0x4000  }
0x1d3: {  	[sflag:s7] =	ssyncset.done $0x0  }
0x1d4: {  	[sflag:s7] =	ssyncadd.s32 $0xFFFFC000  }
0x1d5: {  	[tilespmem:s4], [sflag:$0x1] =	stream.linear.gather [hbm4b:s16+s4], $0x80, $0x38;
	[tilespmem:$0x14080] =	vst v63  }
0x1d6: {  	_ =	swait.ge [sflag:s7], $0x80  }
0x1d7: {  	[sflag:s7] =	ssyncset.done $0x0  }
0x1d8: {  	[sflag:s7] =	ssyncadd.s32 $0xFFFFFF80  }
0x1d9: {  	[spmem:s3] =	stream.indirect.scatter.add.f32 [tilespmem:s10], [sflag:$0x1], $0x80, s4, s10, $0xb8;
	[tilespmem:$0x14080] =	vst v63  }
0x1da: {  	_ =	swait.ge [sflag:s7], $0x4000  }
0x1db: {  	[sflag:s7] =	ssyncset.done $0x0  }
0x1dc: {  	[sflag:s7] =	ssyncadd.s32 $0xFFFFC000  }
0x1dd: {  	[tilespmem:s4], [sflag:$0x1] =	stream.linear.gather [hbm4b:s17+s4], $0x80, $0x38;
	[tilespmem:$0x14080] =	vst v63  }
0x1de: {  	_ =	swait.ge [sflag:s7], $0x80  }
0x1df: {  	[sflag:s7] =	ssyncset.done $0x0  }
0x1e0: {  	[sflag:s7] =	ssyncadd.s32 $0xFFFFFF80  }
0x1e1: {  	[spmem:s1] =	stream.indirect.scatter.add.f32 [tilespmem:s10], [sflag:$0x1], $0x80, s4, s10, $0xb8;
	[tilespmem:$0x14080] =	vst v63  }
0x1e2: {  	_ =	swait.ge [sflag:s7], $0x4000  }
0x1e3: {  	[sflag:s7] =	ssyncset.done $0x0  }
0x1e4: {  	[sflag:s7] =	ssyncadd.s32 $0xFFFFC000  }
0x1e5: {  	[tilespmem:s4], [sflag:$0x1] =	stream.linear.gather [hbm4b:s18+s4], $0x80, $0x38;
	[tilespmem:$0x14080] =	vst v63  }
0x1e6: {  	_ =	swait.ge [sflag:s7], $0x80  }
0x1e7: {  	[sflag:s7] =	ssyncset.done $0x0  }
0x1e8: {  	[sflag:s7] =	ssyncadd.s32 $0xFFFFFF80  }
0x1e9: {  	[spmem:s3] =	stream.indirect.scatter.add.f32 [tilespmem:s10], [sflag:$0x1], $0x80, s4, s10, $0xb8;
	[tilespmem:$0x14080] =	vst v63  }
0x1ea: {  	_ =	swait.ge [sflag:s7], $0x4000  }
0x1eb: {  	[sflag:s7] =	ssyncset.done $0x0  }
0x1ec: {  	[sflag:s7] =	ssyncadd.s32 $0xFFFFC000  }
0x1ed: {  	[tilespmem:s4], [sflag:$0x1] =	stream.linear.gather [hbm4b:s19+s4], $0x80, $0x38;
	[tilespmem:$0x14080] =	vst v63  }
0x1ee: {  	_ =	swait.ge [sflag:s7], $0x80  }
0x1ef: {  	[sflag:s7] =	ssyncset.done $0x0  }
0x1f0: {  	[sflag:s7] =	ssyncadd.s32 $0xFFFFFF80  }
0x1f1: {  	[spmem:s1] =	stream.indirect.scatter.add.f32 [tilespmem:s10], [sflag:$0x1], $0x80, s4, s10, $0xb8;
	[tilespmem:$0x14080] =	vst v63  }
0x1f2: {  	_ =	swait.ge [sflag:s7], $0x4000  }
0x1f3: {  	[sflag:s7] =	ssyncset.done $0x0  }
0x1f4: {  	[sflag:s7] =	ssyncadd.s32 $0xFFFFC000  }
0x1f5: {  	[tilespmem:s4], [sflag:$0x1] =	stream.linear.gather [hbm4b:s20+s4], $0x80, $0x38;
	[tilespmem:$0x14080] =	vst v63  }
0x1f6: {  	_ =	swait.ge [sflag:s7], $0x80  }
0x1f7: {  	[sflag:s7] =	ssyncset.done $0x0  }
0x1f8: {  	[sflag:s7] =	ssyncadd.s32 $0xFFFFFF80  }
0x1f9: {  	[spmem:s3] =	stream.indirect.scatter.add.f32 [tilespmem:s10], [sflag:$0x1], $0x80, s4, s10, $0xb8;
	[tilespmem:$0x14080] =	vst v63  }
0x1fa: {  	_ =	swait.ge [sflag:s7], $0x4000  }
0x1fb: {  	[sflag:s7] =	ssyncset.done $0x0  }
0x1fc: {  	[sflag:s7] =	ssyncadd.s32 $0xFFFFC000  }
0x1fd: {  	[tilespmem:s4], [sflag:$0x1] =	stream.linear.gather [hbm4b:s21+s4], $0x80, $0x38;
	[tilespmem:$0x14080] =	vst v63  }
0x1fe: {  	_ =	swait.ge [sflag:s7], $0x80  }
0x1ff: {  	[sflag:s7] =	ssyncset.done $0x0  }
0x200: {  	[sflag:s7] =	ssyncadd.s32 $0xFFFFFF80  }
0x201: {  	[spmem:s1] =	stream.indirect.scatter.add.f32 [tilespmem:s10], [sflag:$0x1], $0x80, s4, s10, $0xb8;
	[tilespmem:$0x14080] =	vst v63  }
0x202: {  	_ =	swait.ge [sflag:s7], $0x4000  }
0x203: {  	[sflag:s7] =	ssyncset.done $0x0  }
0x204: {  	[sflag:s7] =	ssyncadd.s32 $0xFFFFC000  }
0x205: {  	[tilespmem:s4], [sflag:$0x1] =	stream.linear.gather [hbm4b:s22+s4], $0x80, $0x38;
	[tilespmem:$0x14080] =	vst v63  }
0x206: {  	_ =	swait.ge [sflag:s7], $0x80  }
0x207: {  	[sflag:s7] =	ssyncset.done $0x0  }
0x208: {  	[sflag:s7] =	ssyncadd.s32 $0xFFFFFF80  }
0x209: {  	[spmem:s3] =	stream.indirect.scatter.add.f32 [tilespmem:s10], [sflag:$0x1], $0x80, s4, s10, $0xb8;
	[tilespmem:$0x14080] =	vst v63  }
0x20a: {  	_ =	swait.ge [sflag:s7], $0x4000  }
0x20b: {  	[sflag:s7] =	ssyncset.done $0x0  }
0x20c: {  	[sflag:s7] =	ssyncadd.s32 $0xFFFFC000  }
0x20d: {  	[tilespmem:s4], [sflag:$0x1] =	stream.linear.gather [hbm4b:s23+s4], $0x80, $0x38;
	[tilespmem:$0x14080] =	vst v63  }
0x20e: {  	_ =	swait.ge [sflag:s7], $0x80  }
0x20f: {  	[sflag:s7] =	ssyncset.done $0x0  }
0x210: {  	[sflag:s7] =	ssyncadd.s32 $0xFFFFFF80  }
0x211: {  	[spmem:s1] =	stream.indirect.scatter.add.f32 [tilespmem:s10], [sflag:$0x1], $0x80, s4, s10, $0xb8;
	[tilespmem:$0x14080] =	vst v63  }
0x212: {  	_ =	swait.ge [sflag:s7], $0x4000  }
0x213: {  	[sflag:s7] =	ssyncset.done $0x0  }
0x214: {  	[sflag:s7] =	ssyncadd.s32 $0xFFFFC000  }
0x215: {  	[tilespmem:s4], [sflag:$0x1] =	stream.linear.gather [hbm4b:s24+s4], $0x80, $0x38;
	[tilespmem:$0x14080] =	vst v63  }
0x216: {  	_ =	swait.ge [sflag:s7], $0x80  }
0x217: {  	[sflag:s7] =	ssyncset.done $0x0  }
0x218: {  	[sflag:s7] =	ssyncadd.s32 $0xFFFFFF80  }
0x219: {  	[spmem:s3] =	stream.indirect.scatter.add.f32 [tilespmem:s10], [sflag:$0x1], $0x80, s4, s10, $0xb8;
	[tilespmem:$0x14080] =	vst v63  }
0x21a: {  	_ =	swait.ge [sflag:s7], $0x4000  }
0x21b: {  	[sflag:s7] =	ssyncset.done $0x0  }
0x21c: {  	[sflag:s7] =	ssyncadd.s32 $0xFFFFC000  }
0x21d: {  	[tilespmem:s4], [sflag:$0x1] =	stream.linear.gather [hbm4b:s25+s4], $0x80, $0x38;
	[tilespmem:$0x14080] =	vst v63  }
0x21e: {  	_ =	swait.ge [sflag:s7], $0x80  }
0x21f: {  	[sflag:s7] =	ssyncset.done $0x0  }
0x220: {  	[sflag:s7] =	ssyncadd.s32 $0xFFFFFF80  }
0x221: {  	[spmem:s1] =	stream.indirect.scatter.add.f32 [tilespmem:s10], [sflag:$0x1], $0x80, s4, s10, $0xb8;
	[tilespmem:$0x14080] =	vst v63  }
0x222: {  	_ =	swait.ge [sflag:s7], $0x4000  }
0x223: {  	[sflag:s7] =	ssyncset.done $0x0  }
0x224: {  	[sflag:s7] =	ssyncadd.s32 $0xFFFFC000  }
0x225: {  	[tilespmem:s4], [sflag:$0x1] =	stream.linear.gather [hbm4b:s26+s4], $0x80, $0x38;
	[tilespmem:$0x14080] =	vst v63  }
0x226: {  	_ =	swait.ge [sflag:s7], $0x80  }
0x227: {  	[sflag:s7] =	ssyncset.done $0x0  }
0x228: {  	[sflag:s7] =	ssyncadd.s32 $0xFFFFFF80  }
0x229: {  	[spmem:s3] =	stream.indirect.scatter.add.f32 [tilespmem:s10], [sflag:$0x1], $0x80, s4, s10, $0xb8;
	[tilespmem:$0x14080] =	vst v63  }
0x22a: {  	_ =	swait.ge [sflag:s7], $0x4000  }
0x22b: {  	[sflag:s7] =	ssyncset.done $0x0  }
0x22c: {  	[sflag:s7] =	ssyncadd.s32 $0xFFFFC000  }
0x22d: {  	[tilespmem:s4], [sflag:$0x1] =	stream.linear.gather [hbm4b:s28+s4], $0x80, $0x38;
	[tilespmem:$0x14080] =	vst v63  }
0x22e: {  	_ =	swait.ge [sflag:s7], $0x80  }
0x22f: {  	[sflag:s7] =	ssyncset.done $0x0  }
0x230: {  	[sflag:s7] =	ssyncadd.s32 $0xFFFFFF80  }
0x231: {  	[spmem:s1] =	stream.indirect.scatter.add.f32 [tilespmem:s10], [sflag:$0x1], $0x80, s4, s10, $0xb8;
	[tilespmem:$0x14080] =	vst v63  }
0x232: {  	_ =	swait.ge [sflag:s7], $0x4000  }
0x233: {  	[sflag:s7] =	ssyncset.done $0x0  }
0x234: {  	[sflag:s7] =	ssyncadd.s32 $0xFFFFC000  }
0x235: {  	[tilespmem:s4], [sflag:$0x1] =	stream.linear.gather [hbm4b:s29+s4], $0x80, $0x38;
	[tilespmem:$0x14080] =	vst v63  }
0x236: {  	_ =	swait.ge [sflag:s7], $0x80  }
0x237: {  	[sflag:s7] =	ssyncset.done $0x0  }
0x238: {  	[sflag:s7] =	ssyncadd.s32 $0xFFFFFF80  }
0x239: {  	[spmem:s3] =	stream.indirect.scatter.add.f32 [tilespmem:s10], [sflag:$0x1], $0x80, s4, s10, $0xb8;
	[tilespmem:$0x14080] =	vst v63  }
0x23a: {  	_ =	swait.ge [sflag:s7], $0x4000  }
0x23b: {  	[sflag:s7] =	ssyncset.done $0x0  }
0x23c: {  	[sflag:s7] =	ssyncadd.s32 $0xFFFFC000  }
0x23d: {  	[bflag:$0x0] =	sbarrier.arrive $0xFFFF  }
0x23e: {  	[hbm:s30], [sflag:s6] =	dma.local [spmem:s8], $0x1000  }
0x23f: {  	p0 =	sne.s32 s0, $0x1;
	_ =	swait.ge [sflag:s7], $0x1000  }
.Ltmp1:
0x240: {  	[sflag:s7] =	ssyncset.done $0x0;
	(pc) =	sbr.rel @p0 .LBB2_1-.Ltmp1, $4  }
0x241: {  	[sflag:s7] =	ssyncadd.s32 $0xFFFFF000  }
0x242: {  	[hbm:s31], [sflag:s6] =	dma.local [spmem:s9], $0x1000  }
0x243: {  	_ =	swait.ge [sflag:s7], $0x1000  }
0x244: {  	s0 =	sadd.s32 $0xFFFFFFFF, s0;
	[sflag:s7] =	ssyncset.done $0x0  }
.LBB2_2:
0x245: {  	[sflag:s7] =	ssyncadd.s32 $0xFFFFF000  }
0x246: {  	_ =	sfence.sel $0x180000  }
0x247: {  	[bflag:$0x0] =	sbarrier.arrive $0xFFFF  }
0x248: {  	_ =	strace $0x9000004A  }
0x249: {  	s0 =	stileid.u32;
	[bflag:$0x2] =	sbarrier.arrive $0xFFFF  }
0x24a: {  	p0 =	sne.s32 s0, $0x0;
	s0 =	rddreg [dreg:$0x4]  }
0x24b: {  	s0 =	sadd.s32 @!p0 $0x100000, s0  }
0x24c: {  	[sflag:s0] =	ssyncadd.tile.s32 @!p0 $0x1;
	_ =	shalt  }
.Lfunc_end2:
_tile_overlayer_lowered:
.L_overlay_start_2:
0x24d: {  	(tag) =	ssettag $0x2  }
0x24e: {  	s0 =	rddreg [dreg:$0x0];
	s2 =	stileid.u32  }
0x24f: {  	s1 =	rddreg [dreg:$0x1];
	p0 =	sne.s32 s2, $0x0  }
0x250: {  	s3 =	rddreg [dreg:$0x2];
	[bflag:$0x3] =	sbarrier.arrive $0xFFFF;
	s2 =	simm.s32 @!p0 $0x1C01  }
0x251: {  	[timem:s3], [sflag:s2] =	dma.local @!p0 [hbm:s0], s1  }
0x252: {  	s0 =	simm.s32 @!p0 $0x1  }
0x253: {  	_ =	swait.ge @!p0 [sflag:s0], s1  }
0x254: {  	s1 =	ssub.s32 @!p0 $0x0, s1;
	[sflag:s0] =	ssyncset.done @!p0 $0x0  }
0x255: {  	[sflag:s0] =	ssyncadd.s32 @!p0 s1  }
0x256: {  	[bflag:$0x3] =	sbarrier.arrive $0xFFFF  }
0x257: {  	_ =	shalt  }

</sc_bundles>
